<compile_context>
chip_gen: v7x
topology: tpu7x:2x2x1
jax: 0.10.2.dev20260603
libtpu: 0.0.44.dev20260713+nightly
codegen_flags: <defaults>
</compile_context>

<pallas_src>
import functools
import math

import jax
import jax.numpy as jnp
from jax import lax
from jax.experimental import pallas as pl
from jax.experimental.pallas import tpu as pltpu
from jax.experimental.pallas import tpu_sc as plsc

B, H, L, D_K, ROUNDS, BL = 1, 16, 2048, 64, 2, 64
BH = B * H
CH = 2 * BL
W = 2 * CH
NB2 = L // CH
NBUCK = 2 * NB2
NEG_BIG = -1000000000.0
NEG_SELF = -100000.0
LN2 = math.log(2.0)
PD = 2 * D_K
SD = 2 * D_K
NW = 32
GCH = 128


def _iota(shape, dim):
    return lax.broadcasted_iota(jnp.int32, shape, dim).astype(jnp.float32)


def _dotT(a, b, precision=jax.lax.Precision.DEFAULT):
    return lax.dot_general(a, b, (((0,), (0,)), ((), ())),
                           precision=precision,
                           preferred_element_type=jnp.float32)


def _dot(a, b, precision=jax.lax.Precision.DEFAULT):
    return lax.dot_general(a, b, (((1,), (0,)), ((), ())),
                           precision=precision,
                           preferred_element_type=jnp.float32)


def _argmax_lanes(x):
    vmax = jnp.max(x, axis=1, keepdims=True)
    cols = x.shape[1]
    idx = jnp.where(x == vmax, _iota(x.shape, 1), float(cols))
    return jnp.min(idx, axis=1, keepdims=True)


def _counting_sort(hash_col, tril_ch, tril_nb, triu_bk):
    oh = (hash_col == _iota((L, NBUCK), 1)).astype(jnp.float32)
    ranks, totals = [], []
    for n in range(NB2):
        blk = oh[n * CH:(n + 1) * CH]
        ranks.append(_dot(tril_ch, blk))
        totals.append(jnp.sum(blk, axis=0, keepdims=True))
    bt = jnp.concatenate(totals, axis=0)
    off = _dot(tril_nb, bt)
    counts = jnp.sum(bt, axis=0, keepdims=True)
    base = _dot(counts, triu_bk, precision=jax.lax.Precision.HIGHEST)
    pos = []
    for n in range(NB2):
        blk = oh[n * CH:(n + 1) * CH]
        p = jnp.sum(blk * (base + off[n:n + 1, :] + ranks[n]),
                    axis=1, keepdims=True)
        pos.append(p)
    return jnp.concatenate(pos, axis=0)


def _split2(x):
    hi = x.astype(jnp.bfloat16).astype(jnp.float32)
    return hi, x - hi


def _prep_body(q_ref, v_ref, rm_ref, pay_ref, gcol_ref, scol_ref, sme_ref):
    bh = pl.program_id(0)
    q = q_ref[...]
    v = v_ref[...]
    rm = rm_ref[...]

    qn = q / jnp.sqrt(jnp.sum(q * q, axis=1, keepdims=True))
    rmn = rm / jnp.sqrt(jnp.sum(rm * rm, axis=0, keepdims=True))
    h = _dot(qn, rmn)

    tril_ch = (_iota((CH, CH), 0) > _iota((CH, CH), 1)).astype(jnp.float32)
    tril_nb = (_iota((NB2, NB2), 0) > _iota((NB2, NB2), 1)).astype(jnp.float32)
    triu_bk = (_iota((NBUCK, NBUCK), 0) < _iota((NBUCK, NBUCK), 1)).astype(jnp.float32)
    iota8 = jnp.concatenate(
        [_iota((L, 1), 0), jnp.zeros((L, 7), jnp.float32)], axis=1)

    hashes, poss, chunks = [], [], []
    for r in range(ROUNDS):
        hr = h[:, r * NB2:(r + 1) * NB2]
        hcat = jnp.concatenate([hr, -hr], axis=1)
        hsh = _argmax_lanes(hcat)
        pos = _counting_sort(hsh, tril_ch, tril_nb, triu_bk)
        hashes.append(hsh)
        poss.append(pos)
        chunks.append(jnp.floor(pos * (1.0 / CH)))

    meta = jnp.concatenate(
        [iota8[:, 0:1], hashes[0], hashes[1], chunks[0], chunks[1],
         jnp.zeros((L, 3), jnp.float32)], axis=1)
    pay_ref[...] = jnp.concatenate([qn, v], axis=1)

    bhf = bh.astype(jnp.float32)
    mh, mlo = _split2(meta)
    meta16 = jnp.concatenate([mh, mlo], axis=1)
    for r in range(ROUNDS):
        scol_ref[r * L:(r + 1) * L, :] = jnp.concatenate(
            [poss[r] + (bhf * float(ROUNDS) + float(r)) * float(L),
             jnp.zeros((L, 7), jnp.float32)], axis=1).astype(jnp.int32)
    for r in range(ROUNDS):
        pos = poss[r]
        for n in range(NB2):
            E = (pos == (n * CH + _iota((L, CH), 1))).astype(jnp.float32)
            sm2 = _dotT(E, meta16)
            sm = sm2[:, :8] + sm2[:, 8:]
            rows = slice(r * L + n * CH, r * L + (n + 1) * CH)
            gcol_ref[rows, :] = jnp.concatenate(
                [sm[:, 0:1] + bhf * float(L),
                 jnp.zeros((CH, 7), jnp.float32)], axis=1).astype(jnp.int32)
            sme_ref[rows, :] = jnp.concatenate(
                [sm[:, 1 + r:2 + r], sm[:, 4 - r:5 - r],
                 jnp.zeros((CH, 6), jnp.float32)], axis=1)


def _attn_body(sp_ref, sme_ref, o_ref):
    sp = sp_ref[...]
    qn = sp[:, :D_K]
    v = sp[:, D_K:2 * D_K]
    eye_ch = (_iota((CH, CH), 0) == _iota((CH, CH), 1)).astype(jnp.float32)
    smeta = sme_ref[...]
    SMT = []
    for n in range(NB2):
        SMT.append(_dotT(smeta[n * CH:(n + 1) * CH], eye_ch,
                         precision=jax.lax.Precision.HIGHEST))

    jio = _iota((CH, W), 1)
    iio = _iota((CH, W), 0)
    later1 = (jio >= float(CH)) & ((jio - float(CH)) > iio)
    later0 = (jio < float(CH)) | later1
    selfm = (jio - float(CH)) == iio
    outs = []
    for n in range(NB2):
        p = (n - 1) % NB2
        Q = qn[n * CH:(n + 1) * CH]
        K = jnp.concatenate([qn[p * CH:(p + 1) * CH], Q], axis=0)
        V = jnp.concatenate([v[p * CH:(p + 1) * CH],
                             v[n * CH:(n + 1) * CH]], axis=0)
        S = lax.dot_general(Q, K, (((1,), (1,)), ((), ())),
                            preferred_element_type=jnp.float32)
        S = S * (1.0 / math.sqrt(D_K))
        sh = smeta[n * CH:(n + 1) * CH, 0:1]
        qo = smeta[n * CH:(n + 1) * CH, 1:2]
        wT = jnp.concatenate([SMT[p], SMT[n]], axis=1)
        kh = wT[0:1, :]
        ko = wT[1:2, :]
        S = jnp.where(sh != kh, NEG_BIG, S)
        S = jnp.where(later0 if n == 0 else later1, NEG_BIG, S)
        S = jnp.where(selfm, NEG_SELF, S)
        qom1 = qo - 1.0
        qom1 = jnp.where(qom1 < 0.0, qom1 + float(NB2), qom1)
        dup = (ko == qo) | (ko == qom1)
        S = jnp.where(dup, S - LN2, S)
        m = jnp.max(S, axis=1, keepdims=True)
        wgt = jnp.exp(S - m)
        lsum = jnp.sum(wgt, axis=1, keepdims=True)
        acc = _dot(wgt, V)
        outs.append(jnp.concatenate(
            [acc, m, lsum, jnp.zeros((CH, SD - D_K - 2), jnp.float32)],
            axis=1))
    o_ref[...] = jnp.concatenate(outs, axis=0)


def _combine_body(st_ref, o_ref):
    x = st_ref[...]
    s0, s1 = x[:L], x[L:]
    a0, m0, l0 = s0[:, :D_K], s0[:, D_K:D_K + 1], s0[:, D_K + 1:D_K + 2]
    a1, m1, l1 = s1[:, :D_K], s1[:, D_K:D_K + 1], s1[:, D_K + 1:D_K + 2]
    mm = jnp.maximum(m0, m1)
    e0 = jnp.exp(m0 - mm)
    e1 = jnp.exp(m1 - mm)
    z = l0 * e0 + l1 * e1
    o_ref[...] = (a0 * e0 + a1 * e1) / z


def _sc_row_gather(n_out, d):
    per_w = n_out // NW
    mesh = plsc.VectorSubcoreMesh(core_axis_name="c", subcore_axis_name="s")

    @functools.partial(
        pl.kernel, mesh=mesh,
        out_type=jax.ShapeDtypeStruct((n_out, d), jnp.float32),
        scratch_types=[
            pltpu.VMEM((per_w,), jnp.int32),
            pltpu.VMEM((GCH, d), jnp.float32),
            pltpu.SemaphoreType.DMA,
        ],
    )
    def k(table_hbm, idx_hbm, out_hbm, idx_v, rows_v, sem):
        wid = lax.axis_index("s") * 2 + lax.axis_index("c")
        base = wid * per_w
        pltpu.sync_copy(idx_hbm.at[pl.ds(base, per_w)], idx_v)
        for j in range(per_w // GCH):
            pltpu.async_copy(
                table_hbm.at[idx_v.at[pl.ds(j * GCH, GCH)]], rows_v,
                sem).wait()
            pltpu.sync_copy(rows_v, out_hbm.at[pl.ds(base + j * GCH, GCH)])

    return k


def _tc_prep(q2, v2, rm2, interpret=False):
    return pl.pallas_call(
        _prep_body,
        grid=(BH,),
        in_specs=[
            pl.BlockSpec((L, D_K), lambda i: (i, 0)),
            pl.BlockSpec((L, D_K), lambda i: (i, 0)),
            pl.BlockSpec((D_K, NBUCK), lambda i: (i, 0)),
        ],
        out_specs=[
            pl.BlockSpec((L, PD), lambda i: (i, 0)),
            pl.BlockSpec((ROUNDS * L, 8), lambda i: (i, 0)),
            pl.BlockSpec((ROUNDS * L, 8), lambda i: (i, 0)),
            pl.BlockSpec((ROUNDS * L, 8), lambda i: (i, 0)),
        ],
        out_shape=[
            jax.ShapeDtypeStruct((BH * L, PD), jnp.float32),
            jax.ShapeDtypeStruct((BH * ROUNDS * L, 8), jnp.int32),
            jax.ShapeDtypeStruct((BH * ROUNDS * L, 8), jnp.int32),
            jax.ShapeDtypeStruct((BH * ROUNDS * L, 8), jnp.float32),
        ],
        interpret=interpret,
    )(q2, v2, rm2)


def _tc_attn(spay, smeta, interpret=False):
    return pl.pallas_call(
        _attn_body,
        grid=(BH * ROUNDS,),
        in_specs=[pl.BlockSpec((L, PD), lambda i: (i, 0)),
                  pl.BlockSpec((L, 8), lambda i: (i, 0))],
        out_specs=pl.BlockSpec((L, SD), lambda i: (i, 0)),
        out_shape=jax.ShapeDtypeStruct((BH * ROUNDS * L, SD), jnp.float32),
        interpret=interpret,
    )(spay, smeta)


def _tc_combine(statso, interpret=False):
    return pl.pallas_call(
        _combine_body,
        grid=(BH,),
        in_specs=[pl.BlockSpec((ROUNDS * L, SD), lambda i: (i, 0))],
        out_specs=pl.BlockSpec((L, D_K), lambda i: (i, 0)),
        out_shape=jax.ShapeDtypeStruct((BH * L, D_K), jnp.float32),
        interpret=interpret,
    )(statso)


def kernel(query, value, rand_matrix, seed):
    q2 = query.reshape(BH * L, D_K)
    v2 = value.reshape(BH * L, D_K)
    rm2 = rand_matrix.reshape(BH * D_K, ROUNDS * NB2)
    payload, gcol, scol, smeta = _tc_prep(q2, v2, rm2)
    gidx = gcol[:, 0]
    sidx = scol[:, 0]
    spay = _sc_row_gather(BH * ROUNDS * L, PD)(payload, gidx)
    stats = _tc_attn(spay, smeta)
    statso = _sc_row_gather(BH * ROUNDS * L, SD)(stats, sidx)
    out = _tc_combine(statso)
    return out.reshape(B, H, L, D_K)

# --- scband reference (transcript-rebuilt; emitter-appended) ---
"""Pipeline reference for scband-lshattention-82154134438588 (READ-ONLY COPY).

The authoritative reference and input builder live on the scoring server;
editing this copy changes nothing except your own understanding.
"""

import math
import jax, jax.numpy as jnp
import numpy as np

B, H, L, D_K, ROUNDS, BL = 1, 16, 2048, 64, 2, 64
NB = L // BL
NB2 = NB // 2


def look_back(x):
    shift = jnp.concatenate([x[:, -1:], x[:, :-1]], axis=1)
    return jnp.concatenate([shift, x], axis=2)


def get_dup_keys(flat_key, rounds):
    order = jnp.argsort(flat_key, axis=-1)
    s = jnp.take_along_axis(flat_key, order, axis=-1)
    counts = jnp.ones_like(s, dtype=jnp.int32)
    for i in range(1, rounds):
        eq = (s[..., i:] == s[..., :-i]).astype(jnp.int32)
        counts = counts.at[..., i:].add(eq)
        counts = counts.at[..., :-i].add(eq)
    inv = jnp.argsort(order, axis=-1)
    return jnp.take_along_axis(counts, inv, axis=-1)


def _forward(query, value, rand_matrix):
    BH = B * H
    bl = BL
    # normalize query
    nq = query / jnp.linalg.norm(query, axis=-1, keepdims=True)
    fq = nq.reshape(BH, L, D_K)
    # LSH hashing (rand_matrix plays the role of the per-forward random projection)
    rm = rand_matrix / jnp.linalg.norm(rand_matrix, axis=1, keepdims=True)
    h = jnp.einsum('bij,bjkl->bikl', fq, rm)  # [BH, L, R, NB2]
    hashes = jnp.argmax(jnp.concatenate([h, -h], axis=-1), axis=-1).astype(jnp.int32)  # [BH, L, R]
    hash_indice = jnp.argsort(hashes, axis=1)
    sorted_hashes = jnp.take_along_axis(hashes, hash_indice, axis=1)
    ehi = jnp.broadcast_to(hash_indice[:, :, None, :], (BH, L, D_K, ROUNDS))
    eq_ = jnp.broadcast_to(fq[:, :, :, None], (BH, L, D_K, ROUNDS))
    reordered_query = jnp.take_along_axis(eq_, ehi, axis=1)
    rq = reordered_query.reshape(BH, NB2, 2 * bl, D_K, ROUNDS)
    lk = look_back(rq)  # [BH, NB2, 4bl, D_K, R]
    scores = jnp.einsum('bnijk,bnljk->bnilk', rq, lk) / math.sqrt(D_K)  # [BH,NB2,2bl,4bl,R]
    sh = sorted_hashes.reshape(BH, NB2, 2 * bl, ROUNDS)
    lh = look_back(sh)
    scores = jnp.where(sh[..., None, :] != lh[..., None, :, :], -1000000000.0, scores)
    qi = hash_indice.reshape(BH, NB2, 2 * bl, ROUNDS)
    ki = look_back(qi)
    scores = jnp.where(qi[..., None, :] < ki[..., None, :, :], -1000000000.0, scores)
    scores = jnp.where(qi[..., None, :] == ki[..., None, :, :], -100000.0, scores)
    original_indice = jnp.argsort(hash_indice, axis=1)  # inverse permutation
    score_indice = jnp.broadcast_to(original_indice[:, :, None, :], (BH, L, 4 * bl, ROUNDS))
    eki = jnp.broadcast_to(ki[:, :, None, :, :], (BH, NB2, 2 * bl, 4 * bl, ROUNDS)).reshape(BH, L, 4 * bl, ROUNDS)
    reordered_key_indice = jnp.take_along_axis(eki, score_indice, axis=1)
    flat_rk = reordered_key_indice.reshape(BH, L, 4 * bl * ROUNDS).astype(jnp.int32)
    count_key = get_dup_keys(flat_rk, ROUNDS)
    scores = scores.reshape(BH, L, 4 * bl, ROUNDS)
    scores = jnp.take_along_axis(scores, score_indice, axis=1)
    scores = scores.reshape(BH, L, 4 * bl * ROUNDS) - jax.lax.stop_gradient(jnp.log(count_key.astype(jnp.float32)))
    p_attn = jax.nn.softmax(scores, axis=-1)
    p_attn = p_attn.reshape(BH, L, 4 * bl, ROUNDS)
    fv = jnp.broadcast_to(value.reshape(BH, L, D_K)[:, :, :, None], (BH, L, D_K, ROUNDS))
    reordered_value = jnp.take_along_axis(fv, ehi, axis=1)
    rv = reordered_value.reshape(BH, NB2, 2 * bl, D_K, ROUNDS)
    lv = look_back(rv)  # [BH, NB2, 4bl, D_K, R]
    attn_indice = jnp.broadcast_to(hash_indice[:, :, None, :], (BH, L, 4 * bl, ROUNDS))
    reordered_p_attn = jnp.take_along_axis(p_attn, attn_indice, axis=1)
    np_attn = reordered_p_attn.reshape(BH, NB2, 2 * bl, 4 * bl, ROUNDS)
    attention = jnp.einsum('bnijl,bnjkl->bnikl', np_attn, lv)  # [BH,NB2,2bl,D_K,R]
    attention = attention.reshape(BH, L, D_K, ROUNDS)
    new_indice = jnp.broadcast_to(original_indice[:, :, None, :], (BH, L, D_K, ROUNDS))
    attention = jnp.take_along_axis(attention, new_indice, axis=1).sum(axis=-1)
    return attention.reshape(B, H, L, D_K)


def setup_inputs(seed: int = 0):
    key = jax.random.key(seed)
    k1, k2, k3 = jax.random.split(key, 3)
    query = jax.random.normal(k1, (B, H, L, D_K), dtype=jnp.float32)
    value = jax.random.normal(k2, (B, H, L, D_K), dtype=jnp.float32)
    rand_matrix = jax.random.normal(k3, (B * H, D_K, ROUNDS, NB2), dtype=jnp.float32)
    return {"query": query, "value": value, "rand_matrix": rand_matrix, "seed": 0}


def reference(query, value, rand_matrix, seed):
    return _forward(query, value, rand_matrix)

if __name__ == "__main__":
    import jax
    _d = setup_inputs()
    print(jax.jit(kernel)(*tuple(_d.values())))

</pallas_src>

<mosaic_0001>
#map = affine_map<(d0, d1) -> (0, 0)>
#map1 = affine_map<(d0, d1) -> (0)>
module attributes {stable_mosaic.version = 14 : i64} {
  func.func @k(%arg0: i32, %arg1: i32, %arg2: memref<32768x128xf32, #tpu.memory_space<hbm>>, %arg3: memref<65536xi32, #tpu.memory_space<hbm>>, %arg4: memref<65536x128xf32, #tpu.memory_space<hbm>>, %arg5: memref<2048xi32, #tpu.memory_space<vmem>>, %arg6: memref<128x128xf32, #tpu.memory_space<vmem>>, %arg7: memref<!tpu.dma_semaphore, #tpu.memory_space<semaphore_mem>>) attributes {dimension_semantics = [#tpu.dimension_semantics<core_parallel>, #tpu.dimension_semantics<subcore_parallel>], iteration_bounds = array<i64: 2, 16>, scalar_prefetch = 0 : i64, scratch_operands = 3 : i64, tpu.core_type = #tpu.core_type<sc_vector_subcore>, window_params = [{transform_indices = #map}, {transform_indices = #map1}, {transform_indices = #map}]} {
    %mul3A = arith.constant 2 : i32
    %mul3A_0 = arith.muli %arg1, %mul3A : i32
    %add3A = arith.addi %mul3A_0, %arg0 : i32
    %mul3A_1 = arith.constant 2048 : i32
    %mul3A_2 = arith.muli %add3A, %mul3A_1 : i32
    "tpu.region"() ({
      %run_scoped3A = tpu.sem_alloc : memref<!tpu.dma_semaphore, #tpu.memory_space<semaphore_mem>>
      %dma_start3A_193 = tpu.memref_slice %arg3[%mul3A_2] : memref<65536xi32, #tpu.memory_space<hbm>> -> memref<2048xi32, #tpu.memory_space<hbm>>
      %dma_start3A_194 = tpu.memref_slice %arg3[%mul3A_2] : memref<65536xi32, #tpu.memory_space<hbm>> -> memref<2048xi32, #tpu.memory_space<hbm>>
      tpu.enqueue_dma source(%dma_start3A_194 : memref<2048xi32, #tpu.memory_space<hbm>>) target(%arg5 : memref<2048xi32, #tpu.memory_space<vmem>>) target_semaphore(%run_scoped3A : memref<!tpu.dma_semaphore, #tpu.memory_space<semaphore_mem>>)
      %dma_wait3A_195 = tpu.memref_slice %arg3[%mul3A_2] : memref<65536xi32, #tpu.memory_space<hbm>> -> memref<2048xi32, #tpu.memory_space<hbm>>
      %dma_wait3A_196 = tpu.memref_slice %arg3[%mul3A_2] : memref<65536xi32, #tpu.memory_space<hbm>> -> memref<2048xi32, #tpu.memory_space<hbm>>
      tpu.wait_dma2 semaphore(%run_scoped3A : memref<!tpu.dma_semaphore, #tpu.memory_space<semaphore_mem>>) src(%dma_wait3A_196 : memref<2048xi32, #tpu.memory_space<hbm>>) dst(%arg5 : memref<2048xi32, #tpu.memory_space<vmem>>)
      tpu.yield
    }) : () -> ()
    %dma_start3A = arith.constant 0 : i32
    %dma_start3A_3 = tpu.memref_slice %arg5[%dma_start3A] : memref<2048xi32, #tpu.memory_space<vmem>> -> memref<128xi32, #tpu.memory_space<vmem>>
    %dma_start3A_4 = arith.constant 0 : i32
    %dma_start3A_5 = arith.constant 0 : i32
    %dma_start3A_6 = tpu.memref_slice %arg2[%dma_start3A_4, %dma_start3A_5] : memref<32768x128xf32, #tpu.memory_space<hbm>> -> memref<32768x128xf32, #tpu.memory_space<hbm>>
    tpu.enqueue_indirect_dma source(%dma_start3A_6 : memref<32768x128xf32, #tpu.memory_space<hbm>>) target(%arg6 : memref<128x128xf32, #tpu.memory_space<vmem>>) offsets(%dma_start3A_3 : memref<128xi32, #tpu.memory_space<vmem>>) semaphore(%arg7 : memref<!tpu.dma_semaphore, #tpu.memory_space<semaphore_mem>>)
    %dma_wait3A = arith.constant 0 : i32
    %dma_wait3A_7 = tpu.memref_slice %arg5[%dma_wait3A] : memref<2048xi32, #tpu.memory_space<vmem>> -> memref<128xi32, #tpu.memory_space<vmem>>
    %dma_wait3A_8 = arith.constant 0 : i32
    %dma_wait3A_9 = arith.constant 0 : i32
    %dma_wait3A_10 = tpu.memref_slice %arg2[%dma_wait3A_8, %dma_wait3A_9] : memref<32768x128xf32, #tpu.memory_space<hbm>> -> memref<32768x128xf32, #tpu.memory_space<hbm>>
    tpu.wait_indirect_dma semaphore(%arg7 : memref<!tpu.dma_semaphore, #tpu.memory_space<semaphore_mem>>) src(%dma_wait3A_10 : memref<32768x128xf32, #tpu.memory_space<hbm>>) dst(%arg6 : memref<128x128xf32, #tpu.memory_space<vmem>>)
    %add3A_11 = arith.constant 0 : i32
    %add3A_12 = arith.addi %mul3A_2, %add3A_11 : i32
    "tpu.region"() ({
      %run_scoped3A = tpu.sem_alloc : memref<!tpu.dma_semaphore, #tpu.memory_space<semaphore_mem>>
      %dma_start3A_193 = arith.constant 0 : i32
      %dma_start3A_194 = tpu.memref_slice %arg4[%add3A_12, %dma_start3A_193] : memref<65536x128xf32, #tpu.memory_space<hbm>> -> memref<128x128xf32, #tpu.memory_space<hbm>>
      %dma_start3A_195 = arith.constant 0 : i32
      %dma_start3A_196 = tpu.memref_slice %arg4[%add3A_12, %dma_start3A_195] : memref<65536x128xf32, #tpu.memory_space<hbm>> -> memref<128x128xf32, #tpu.memory_space<hbm>>
      tpu.enqueue_dma source(%arg6 : memref<128x128xf32, #tpu.memory_space<vmem>>) target(%dma_start3A_196 : memref<128x128xf32, #tpu.memory_space<hbm>>) target_semaphore(%run_scoped3A : memref<!tpu.dma_semaphore, #tpu.memory_space<semaphore_mem>>)
      %dma_wait3A_197 = arith.constant 0 : i32
      %dma_wait3A_198 = tpu.memref_slice %arg4[%add3A_12, %dma_wait3A_197] : memref<65536x128xf32, #tpu.memory_space<hbm>> -> memref<128x128xf32, #tpu.memory_space<hbm>>
      %dma_wait3A_199 = arith.constant 0 : i32
      %dma_wait3A_200 = tpu.memref_slice %arg4[%add3A_12, %dma_wait3A_199] : memref<65536x128xf32, #tpu.memory_space<hbm>> -> memref<128x128xf32, #tpu.memory_space<hbm>>
      tpu.wait_dma2 semaphore(%run_scoped3A : memref<!tpu.dma_semaphore, #tpu.memory_space<semaphore_mem>>) src(%arg6 : memref<128x128xf32, #tpu.memory_space<vmem>>) dst(%dma_wait3A_200 : memref<128x128xf32, #tpu.memory_space<hbm>>)
      tpu.yield
    }) : () -> ()
    %dma_start3A_13 = arith.constant 128 : i32
    %dma_start3A_14 = tpu.memref_slice %arg5[%dma_start3A_13] : memref<2048xi32, #tpu.memory_space<vmem>> -> memref<128xi32, #tpu.memory_space<vmem>>
    %dma_start3A_15 = arith.constant 0 : i32
    %dma_start3A_16 = arith.constant 0 : i32
    %dma_start3A_17 = tpu.memref_slice %arg2[%dma_start3A_15, %dma_start3A_16] : memref<32768x128xf32, #tpu.memory_space<hbm>> -> memref<32768x128xf32, #tpu.memory_space<hbm>>
    tpu.enqueue_indirect_dma source(%dma_start3A_17 : memref<32768x128xf32, #tpu.memory_space<hbm>>) target(%arg6 : memref<128x128xf32, #tpu.memory_space<vmem>>) offsets(%dma_start3A_14 : memref<128xi32, #tpu.memory_space<vmem>>) semaphore(%arg7 : memref<!tpu.dma_semaphore, #tpu.memory_space<semaphore_mem>>)
    %dma_wait3A_18 = arith.constant 128 : i32
    %dma_wait3A_19 = tpu.memref_slice %arg5[%dma_wait3A_18] : memref<2048xi32, #tpu.memory_space<vmem>> -> memref<128xi32, #tpu.memory_space<vmem>>
    %dma_wait3A_20 = arith.constant 0 : i32
    %dma_wait3A_21 = arith.constant 0 : i32
    %dma_wait3A_22 = tpu.memref_slice %arg2[%dma_wait3A_20, %dma_wait3A_21] : memref<32768x128xf32, #tpu.memory_space<hbm>> -> memref<32768x128xf32, #tpu.memory_space<hbm>>
    tpu.wait_indirect_dma semaphore(%arg7 : memref<!tpu.dma_semaphore, #tpu.memory_space<semaphore_mem>>) src(%dma_wait3A_22 : memref<32768x128xf32, #tpu.memory_space<hbm>>) dst(%arg6 : memref<128x128xf32, #tpu.memory_space<vmem>>)
    %add3A_23 = arith.constant 128 : i32
    %add3A_24 = arith.addi %mul3A_2, %add3A_23 : i32
    "tpu.region"() ({
      %run_scoped3A = tpu.sem_alloc : memref<!tpu.dma_semaphore, #tpu.memory_space<semaphore_mem>>
      %dma_start3A_193 = arith.constant 0 : i32
      %dma_start3A_194 = tpu.memref_slice %arg4[%add3A_24, %dma_start3A_193] : memref<65536x128xf32, #tpu.memory_space<hbm>> -> memref<128x128xf32, #tpu.memory_space<hbm>>
      %dma_start3A_195 = arith.constant 0 : i32
      %dma_start3A_196 = tpu.memref_slice %arg4[%add3A_24, %dma_start3A_195] : memref<65536x128xf32, #tpu.memory_space<hbm>> -> memref<128x128xf32, #tpu.memory_space<hbm>>
      tpu.enqueue_dma source(%arg6 : memref<128x128xf32, #tpu.memory_space<vmem>>) target(%dma_start3A_196 : memref<128x128xf32, #tpu.memory_space<hbm>>) target_semaphore(%run_scoped3A : memref<!tpu.dma_semaphore, #tpu.memory_space<semaphore_mem>>)
      %dma_wait3A_197 = arith.constant 0 : i32
      %dma_wait3A_198 = tpu.memref_slice %arg4[%add3A_24, %dma_wait3A_197] : memref<65536x128xf32, #tpu.memory_space<hbm>> -> memref<128x128xf32, #tpu.memory_space<hbm>>
      %dma_wait3A_199 = arith.constant 0 : i32
      %dma_wait3A_200 = tpu.memref_slice %arg4[%add3A_24, %dma_wait3A_199] : memref<65536x128xf32, #tpu.memory_space<hbm>> -> memref<128x128xf32, #tpu.memory_space<hbm>>
      tpu.wait_dma2 semaphore(%run_scoped3A : memref<!tpu.dma_semaphore, #tpu.memory_space<semaphore_mem>>) src(%arg6 : memref<128x128xf32, #tpu.memory_space<vmem>>) dst(%dma_wait3A_200 : memref<128x128xf32, #tpu.memory_space<hbm>>)
      tpu.yield
    }) : () -> ()
    %dma_start3A_25 = arith.constant 256 : i32
    %dma_start3A_26 = tpu.memref_slice %arg5[%dma_start3A_25] : memref<2048xi32, #tpu.memory_space<vmem>> -> memref<128xi32, #tpu.memory_space<vmem>>
    %dma_start3A_27 = arith.constant 0 : i32
    %dma_start3A_28 = arith.constant 0 : i32
    %dma_start3A_29 = tpu.memref_slice %arg2[%dma_start3A_27, %dma_start3A_28] : memref<32768x128xf32, #tpu.memory_space<hbm>> -> memref<32768x128xf32, #tpu.memory_space<hbm>>
    tpu.enqueue_indirect_dma source(%dma_start3A_29 : memref<32768x128xf32, #tpu.memory_space<hbm>>) target(%arg6 : memref<128x128xf32, #tpu.memory_space<vmem>>) offsets(%dma_start3A_26 : memref<128xi32, #tpu.memory_space<vmem>>) semaphore(%arg7 : memref<!tpu.dma_semaphore, #tpu.memory_space<semaphore_mem>>)
    %dma_wait3A_30 = arith.constant 256 : i32
    %dma_wait3A_31 = tpu.memref_slice %arg5[%dma_wait3A_30] : memref<2048xi32, #tpu.memory_space<vmem>> -> memref<128xi32, #tpu.memory_space<vmem>>
    %dma_wait3A_32 = arith.constant 0 : i32
    %dma_wait3A_33 = arith.constant 0 : i32
    %dma_wait3A_34 = tpu.memref_slice %arg2[%dma_wait3A_32, %dma_wait3A_33] : memref<32768x128xf32, #tpu.memory_space<hbm>> -> memref<32768x128xf32, #tpu.memory_space<hbm>>
    tpu.wait_indirect_dma semaphore(%arg7 : memref<!tpu.dma_semaphore, #tpu.memory_space<semaphore_mem>>) src(%dma_wait3A_34 : memref<32768x128xf32, #tpu.memory_space<hbm>>) dst(%arg6 : memref<128x128xf32, #tpu.memory_space<vmem>>)
    %add3A_35 = arith.constant 256 : i32
    %add3A_36 = arith.addi %mul3A_2, %add3A_35 : i32
    "tpu.region"() ({
      %run_scoped3A = tpu.sem_alloc : memref<!tpu.dma_semaphore, #tpu.memory_space<semaphore_mem>>
      %dma_start3A_193 = arith.constant 0 : i32
      %dma_start3A_194 = tpu.memref_slice %arg4[%add3A_36, %dma_start3A_193] : memref<65536x128xf32, #tpu.memory_space<hbm>> -> memref<128x128xf32, #tpu.memory_space<hbm>>
      %dma_start3A_195 = arith.constant 0 : i32
      %dma_start3A_196 = tpu.memref_slice %arg4[%add3A_36, %dma_start3A_195] : memref<65536x128xf32, #tpu.memory_space<hbm>> -> memref<128x128xf32, #tpu.memory_space<hbm>>
      tpu.enqueue_dma source(%arg6 : memref<128x128xf32, #tpu.memory_space<vmem>>) target(%dma_start3A_196 : memref<128x128xf32, #tpu.memory_space<hbm>>) target_semaphore(%run_scoped3A : memref<!tpu.dma_semaphore, #tpu.memory_space<semaphore_mem>>)
      %dma_wait3A_197 = arith.constant 0 : i32
      %dma_wait3A_198 = tpu.memref_slice %arg4[%add3A_36, %dma_wait3A_197] : memref<65536x128xf32, #tpu.memory_space<hbm>> -> memref<128x128xf32, #tpu.memory_space<hbm>>
      %dma_wait3A_199 = arith.constant 0 : i32
      %dma_wait3A_200 = tpu.memref_slice %arg4[%add3A_36, %dma_wait3A_199] : memref<65536x128xf32, #tpu.memory_space<hbm>> -> memref<128x128xf32, #tpu.memory_space<hbm>>
      tpu.wait_dma2 semaphore(%run_scoped3A : memref<!tpu.dma_semaphore, #tpu.memory_space<semaphore_mem>>) src(%arg6 : memref<128x128xf32, #tpu.memory_space<vmem>>) dst(%dma_wait3A_200 : memref<128x128xf32, #tpu.memory_space<hbm>>)
      tpu.yield
    }) : () -> ()
    %dma_start3A_37 = arith.constant 384 : i32
    %dma_start3A_38 = tpu.memref_slice %arg5[%dma_start3A_37] : memref<2048xi32, #tpu.memory_space<vmem>> -> memref<128xi32, #tpu.memory_space<vmem>>
    %dma_start3A_39 = arith.constant 0 : i32
    %dma_start3A_40 = arith.constant 0 : i32
    %dma_start3A_41 = tpu.memref_slice %arg2[%dma_start3A_39, %dma_start3A_40] : memref<32768x128xf32, #tpu.memory_space<hbm>> -> memref<32768x128xf32, #tpu.memory_space<hbm>>
    tpu.enqueue_indirect_dma source(%dma_start3A_41 : memref<32768x128xf32, #tpu.memory_space<hbm>>) target(%arg6 : memref<128x128xf32, #tpu.memory_space<vmem>>) offsets(%dma_start3A_38 : memref<128xi32, #tpu.memory_space<vmem>>) semaphore(%arg7 : memref<!tpu.dma_semaphore, #tpu.memory_space<semaphore_mem>>)
    %dma_wait3A_42 = arith.constant 384 : i32
    %dma_wait3A_43 = tpu.memref_slice %arg5[%dma_wait3A_42] : memref<2048xi32, #tpu.memory_space<vmem>> -> memref<128xi32, #tpu.memory_space<vmem>>
    %dma_wait3A_44 = arith.constant 0 : i32
    %dma_wait3A_45 = arith.constant 0 : i32
    %dma_wait3A_46 = tpu.memref_slice %arg2[%dma_wait3A_44, %dma_wait3A_45] : memref<32768x128xf32, #tpu.memory_space<hbm>> -> memref<32768x128xf32, #tpu.memory_space<hbm>>
    tpu.wait_indirect_dma semaphore(%arg7 : memref<!tpu.dma_semaphore, #tpu.memory_space<semaphore_mem>>) src(%dma_wait3A_46 : memref<32768x128xf32, #tpu.memory_space<hbm>>) dst(%arg6 : memref<128x128xf32, #tpu.memory_space<vmem>>)
    %add3A_47 = arith.constant 384 : i32
    %add3A_48 = arith.addi %mul3A_2, %add3A_47 : i32
    "tpu.region"() ({
      %run_scoped3A = tpu.sem_alloc : memref<!tpu.dma_semaphore, #tpu.memory_space<semaphore_mem>>
      %dma_start3A_193 = arith.constant 0 : i32
      %dma_start3A_194 = tpu.memref_slice %arg4[%add3A_48, %dma_start3A_193] : memref<65536x128xf32, #tpu.memory_space<hbm>> -> memref<128x128xf32, #tpu.memory_space<hbm>>
      %dma_start3A_195 = arith.constant 0 : i32
      %dma_start3A_196 = tpu.memref_slice %arg4[%add3A_48, %dma_start3A_195] : memref<65536x128xf32, #tpu.memory_space<hbm>> -> memref<128x128xf32, #tpu.memory_space<hbm>>
      tpu.enqueue_dma source(%arg6 : memref<128x128xf32, #tpu.memory_space<vmem>>) target(%dma_start3A_196 : memref<128x128xf32, #tpu.memory_space<hbm>>) target_semaphore(%run_scoped3A : memref<!tpu.dma_semaphore, #tpu.memory_space<semaphore_mem>>)
      %dma_wait3A_197 = arith.constant 0 : i32
      %dma_wait3A_198 = tpu.memref_slice %arg4[%add3A_48, %dma_wait3A_197] : memref<65536x128xf32, #tpu.memory_space<hbm>> -> memref<128x128xf32, #tpu.memory_space<hbm>>
      %dma_wait3A_199 = arith.constant 0 : i32
      %dma_wait3A_200 = tpu.memref_slice %arg4[%add3A_48, %dma_wait3A_199] : memref<65536x128xf32, #tpu.memory_space<hbm>> -> memref<128x128xf32, #tpu.memory_space<hbm>>
      tpu.wait_dma2 semaphore(%run_scoped3A : memref<!tpu.dma_semaphore, #tpu.memory_space<semaphore_mem>>) src(%arg6 : memref<128x128xf32, #tpu.memory_space<vmem>>) dst(%dma_wait3A_200 : memref<128x128xf32, #tpu.memory_space<hbm>>)
      tpu.yield
    }) : () -> ()
    %dma_start3A_49 = arith.constant 512 : i32
    %dma_start3A_50 = tpu.memref_slice %arg5[%dma_start3A_49] : memref<2048xi32, #tpu.memory_space<vmem>> -> memref<128xi32, #tpu.memory_space<vmem>>
    %dma_start3A_51 = arith.constant 0 : i32
    %dma_start3A_52 = arith.constant 0 : i32
    %dma_start3A_53 = tpu.memref_slice %arg2[%dma_start3A_51, %dma_start3A_52] : memref<32768x128xf32, #tpu.memory_space<hbm>> -> memref<32768x128xf32, #tpu.memory_space<hbm>>
    tpu.enqueue_indirect_dma source(%dma_start3A_53 : memref<32768x128xf32, #tpu.memory_space<hbm>>) target(%arg6 : memref<128x128xf32, #tpu.memory_space<vmem>>) offsets(%dma_start3A_50 : memref<128xi32, #tpu.memory_space<vmem>>) semaphore(%arg7 : memref<!tpu.dma_semaphore, #tpu.memory_space<semaphore_mem>>)
    %dma_wait3A_54 = arith.constant 512 : i32
    %dma_wait3A_55 = tpu.memref_slice %arg5[%dma_wait3A_54] : memref<2048xi32, #tpu.memory_space<vmem>> -> memref<128xi32, #tpu.memory_space<vmem>>
    %dma_wait3A_56 = arith.constant 0 : i32
    %dma_wait3A_57 = arith.constant 0 : i32
    %dma_wait3A_58 = tpu.memref_slice %arg2[%dma_wait3A_56, %dma_wait3A_57] : memref<32768x128xf32, #tpu.memory_space<hbm>> -> memref<32768x128xf32, #tpu.memory_space<hbm>>
    tpu.wait_indirect_dma semaphore(%arg7 : memref<!tpu.dma_semaphore, #tpu.memory_space<semaphore_mem>>) src(%dma_wait3A_58 : memref<32768x128xf32, #tpu.memory_space<hbm>>) dst(%arg6 : memref<128x128xf32, #tpu.memory_space<vmem>>)
    %add3A_59 = arith.constant 512 : i32
    %add3A_60 = arith.addi %mul3A_2, %add3A_59 : i32
    "tpu.region"() ({
      %run_scoped3A = tpu.sem_alloc : memref<!tpu.dma_semaphore, #tpu.memory_space<semaphore_mem>>
      %dma_start3A_193 = arith.constant 0 : i32
      %dma_start3A_194 = tpu.memref_slice %arg4[%add3A_60, %dma_start3A_193] : memref<65536x128xf32, #tpu.memory_space<hbm>> -> memref<128x128xf32, #tpu.memory_space<hbm>>
      %dma_start3A_195 = arith.constant 0 : i32
      %dma_start3A_196 = tpu.memref_slice %arg4[%add3A_60, %dma_start3A_195] : memref<65536x128xf32, #tpu.memory_space<hbm>> -> memref<128x128xf32, #tpu.memory_space<hbm>>
      tpu.enqueue_dma source(%arg6 : memref<128x128xf32, #tpu.memory_space<vmem>>) target(%dma_start3A_196 : memref<128x128xf32, #tpu.memory_space<hbm>>) target_semaphore(%run_scoped3A : memref<!tpu.dma_semaphore, #tpu.memory_space<semaphore_mem>>)
      %dma_wait3A_197 = arith.constant 0 : i32
      %dma_wait3A_198 = tpu.memref_slice %arg4[%add3A_60, %dma_wait3A_197] : memref<65536x128xf32, #tpu.memory_space<hbm>> -> memref<128x128xf32, #tpu.memory_space<hbm>>
      %dma_wait3A_199 = arith.constant 0 : i32
      %dma_wait3A_200 = tpu.memref_slice %arg4[%add3A_60, %dma_wait3A_199] : memref<65536x128xf32, #tpu.memory_space<hbm>> -> memref<128x128xf32, #tpu.memory_space<hbm>>
      tpu.wait_dma2 semaphore(%run_scoped3A : memref<!tpu.dma_semaphore, #tpu.memory_space<semaphore_mem>>) src(%arg6 : memref<128x128xf32, #tpu.memory_space<vmem>>) dst(%dma_wait3A_200 : memref<128x128xf32, #tpu.memory_space<hbm>>)
      tpu.yield
    }) : () -> ()
    %dma_start3A_61 = arith.constant 640 : i32
    %dma_start3A_62 = tpu.memref_slice %arg5[%dma_start3A_61] : memref<2048xi32, #tpu.memory_space<vmem>> -> memref<128xi32, #tpu.memory_space<vmem>>
    %dma_start3A_63 = arith.constant 0 : i32
    %dma_start3A_64 = arith.constant 0 : i32
    %dma_start3A_65 = tpu.memref_slice %arg2[%dma_start3A_63, %dma_start3A_64] : memref<32768x128xf32, #tpu.memory_space<hbm>> -> memref<32768x128xf32, #tpu.memory_space<hbm>>
    tpu.enqueue_indirect_dma source(%dma_start3A_65 : memref<32768x128xf32, #tpu.memory_space<hbm>>) target(%arg6 : memref<128x128xf32, #tpu.memory_space<vmem>>) offsets(%dma_start3A_62 : memref<128xi32, #tpu.memory_space<vmem>>) semaphore(%arg7 : memref<!tpu.dma_semaphore, #tpu.memory_space<semaphore_mem>>)
    %dma_wait3A_66 = arith.constant 640 : i32
    %dma_wait3A_67 = tpu.memref_slice %arg5[%dma_wait3A_66] : memref<2048xi32, #tpu.memory_space<vmem>> -> memref<128xi32, #tpu.memory_space<vmem>>
    %dma_wait3A_68 = arith.constant 0 : i32
    %dma_wait3A_69 = arith.constant 0 : i32
    %dma_wait3A_70 = tpu.memref_slice %arg2[%dma_wait3A_68, %dma_wait3A_69] : memref<32768x128xf32, #tpu.memory_space<hbm>> -> memref<32768x128xf32, #tpu.memory_space<hbm>>
    tpu.wait_indirect_dma semaphore(%arg7 : memref<!tpu.dma_semaphore, #tpu.memory_space<semaphore_mem>>) src(%dma_wait3A_70 : memref<32768x128xf32, #tpu.memory_space<hbm>>) dst(%arg6 : memref<128x128xf32, #tpu.memory_space<vmem>>)
    %add3A_71 = arith.constant 640 : i32
    %add3A_72 = arith.addi %mul3A_2, %add3A_71 : i32
    "tpu.region"() ({
      %run_scoped3A = tpu.sem_alloc : memref<!tpu.dma_semaphore, #tpu.memory_space<semaphore_mem>>
      %dma_start3A_193 = arith.constant 0 : i32
      %dma_start3A_194 = tpu.memref_slice %arg4[%add3A_72, %dma_start3A_193] : memref<65536x128xf32, #tpu.memory_space<hbm>> -> memref<128x128xf32, #tpu.memory_space<hbm>>
      %dma_start3A_195 = arith.constant 0 : i32
      %dma_start3A_196 = tpu.memref_slice %arg4[%add3A_72, %dma_start3A_195] : memref<65536x128xf32, #tpu.memory_space<hbm>> -> memref<128x128xf32, #tpu.memory_space<hbm>>
      tpu.enqueue_dma source(%arg6 : memref<128x128xf32, #tpu.memory_space<vmem>>) target(%dma_start3A_196 : memref<128x128xf32, #tpu.memory_space<hbm>>) target_semaphore(%run_scoped3A : memref<!tpu.dma_semaphore, #tpu.memory_space<semaphore_mem>>)
      %dma_wait3A_197 = arith.constant 0 : i32
      %dma_wait3A_198 = tpu.memref_slice %arg4[%add3A_72, %dma_wait3A_197] : memref<65536x128xf32, #tpu.memory_space<hbm>> -> memref<128x128xf32, #tpu.memory_space<hbm>>
      %dma_wait3A_199 = arith.constant 0 : i32
      %dma_wait3A_200 = tpu.memref_slice %arg4[%add3A_72, %dma_wait3A_199] : memref<65536x128xf32, #tpu.memory_space<hbm>> -> memref<128x128xf32, #tpu.memory_space<hbm>>
      tpu.wait_dma2 semaphore(%run_scoped3A : memref<!tpu.dma_semaphore, #tpu.memory_space<semaphore_mem>>) src(%arg6 : memref<128x128xf32, #tpu.memory_space<vmem>>) dst(%dma_wait3A_200 : memref<128x128xf32, #tpu.memory_space<hbm>>)
      tpu.yield
    }) : () -> ()
    %dma_start3A_73 = arith.constant 768 : i32
    %dma_start3A_74 = tpu.memref_slice %arg5[%dma_start3A_73] : memref<2048xi32, #tpu.memory_space<vmem>> -> memref<128xi32, #tpu.memory_space<vmem>>
    %dma_start3A_75 = arith.constant 0 : i32
    %dma_start3A_76 = arith.constant 0 : i32
    %dma_start3A_77 = tpu.memref_slice %arg2[%dma_start3A_75, %dma_start3A_76] : memref<32768x128xf32, #tpu.memory_space<hbm>> -> memref<32768x128xf32, #tpu.memory_space<hbm>>
    tpu.enqueue_indirect_dma source(%dma_start3A_77 : memref<32768x128xf32, #tpu.memory_space<hbm>>) target(%arg6 : memref<128x128xf32, #tpu.memory_space<vmem>>) offsets(%dma_start3A_74 : memref<128xi32, #tpu.memory_space<vmem>>) semaphore(%arg7 : memref<!tpu.dma_semaphore, #tpu.memory_space<semaphore_mem>>)
    %dma_wait3A_78 = arith.constant 768 : i32
    %dma_wait3A_79 = tpu.memref_slice %arg5[%dma_wait3A_78] : memref<2048xi32, #tpu.memory_space<vmem>> -> memref<128xi32, #tpu.memory_space<vmem>>
    %dma_wait3A_80 = arith.constant 0 : i32
    %dma_wait3A_81 = arith.constant 0 : i32
    %dma_wait3A_82 = tpu.memref_slice %arg2[%dma_wait3A_80, %dma_wait3A_81] : memref<32768x128xf32, #tpu.memory_space<hbm>> -> memref<32768x128xf32, #tpu.memory_space<hbm>>
    tpu.wait_indirect_dma semaphore(%arg7 : memref<!tpu.dma_semaphore, #tpu.memory_space<semaphore_mem>>) src(%dma_wait3A_82 : memref<32768x128xf32, #tpu.memory_space<hbm>>) dst(%arg6 : memref<128x128xf32, #tpu.memory_space<vmem>>)
    %add3A_83 = arith.constant 768 : i32
    %add3A_84 = arith.addi %mul3A_2, %add3A_83 : i32
    "tpu.region"() ({
      %run_scoped3A = tpu.sem_alloc : memref<!tpu.dma_semaphore, #tpu.memory_space<semaphore_mem>>
      %dma_start3A_193 = arith.constant 0 : i32
      %dma_start3A_194 = tpu.memref_slice %arg4[%add3A_84, %dma_start3A_193] : memref<65536x128xf32, #tpu.memory_space<hbm>> -> memref<128x128xf32, #tpu.memory_space<hbm>>
      %dma_start3A_195 = arith.constant 0 : i32
      %dma_start3A_196 = tpu.memref_slice %arg4[%add3A_84, %dma_start3A_195] : memref<65536x128xf32, #tpu.memory_space<hbm>> -> memref<128x128xf32, #tpu.memory_space<hbm>>
      tpu.enqueue_dma source(%arg6 : memref<128x128xf32, #tpu.memory_space<vmem>>) target(%dma_start3A_196 : memref<128x128xf32, #tpu.memory_space<hbm>>) target_semaphore(%run_scoped3A : memref<!tpu.dma_semaphore, #tpu.memory_space<semaphore_mem>>)
      %dma_wait3A_197 = arith.constant 0 : i32
      %dma_wait3A_198 = tpu.memref_slice %arg4[%add3A_84, %dma_wait3A_197] : memref<65536x128xf32, #tpu.memory_space<hbm>> -> memref<128x128xf32, #tpu.memory_space<hbm>>
      %dma_wait3A_199 = arith.constant 0 : i32
      %dma_wait3A_200 = tpu.memref_slice %arg4[%add3A_84, %dma_wait3A_199] : memref<65536x128xf32, #tpu.memory_space<hbm>> -> memref<128x128xf32, #tpu.memory_space<hbm>>
      tpu.wait_dma2 semaphore(%run_scoped3A : memref<!tpu.dma_semaphore, #tpu.memory_space<semaphore_mem>>) src(%arg6 : memref<128x128xf32, #tpu.memory_space<vmem>>) dst(%dma_wait3A_200 : memref<128x128xf32, #tpu.memory_space<hbm>>)
      tpu.yield
    }) : () -> ()
    %dma_start3A_85 = arith.constant 896 : i32
    %dma_start3A_86 = tpu.memref_slice %arg5[%dma_start3A_85] : memref<2048xi32, #tpu.memory_space<vmem>> -> memref<128xi32, #tpu.memory_space<vmem>>
    %dma_start3A_87 = arith.constant 0 : i32
    %dma_start3A_88 = arith.constant 0 : i32
    %dma_start3A_89 = tpu.memref_slice %arg2[%dma_start3A_87, %dma_start3A_88] : memref<32768x128xf32, #tpu.memory_space<hbm>> -> memref<32768x128xf32, #tpu.memory_space<hbm>>
    tpu.enqueue_indirect_dma source(%dma_start3A_89 : memref<32768x128xf32, #tpu.memory_space<hbm>>) target(%arg6 : memref<128x128xf32, #tpu.memory_space<vmem>>) offsets(%dma_start3A_86 : memref<128xi32, #tpu.memory_space<vmem>>) semaphore(%arg7 : memref<!tpu.dma_semaphore, #tpu.memory_space<semaphore_mem>>)
    %dma_wait3A_90 = arith.constant 896 : i32
    %dma_wait3A_91 = tpu.memref_slice %arg5[%dma_wait3A_90] : memref<2048xi32, #tpu.memory_space<vmem>> -> memref<128xi32, #tpu.memory_space<vmem>>
    %dma_wait3A_92 = arith.constant 0 : i32
    %dma_wait3A_93 = arith.constant 0 : i32
    %dma_wait3A_94 = tpu.memref_slice %arg2[%dma_wait3A_92, %dma_wait3A_93] : memref<32768x128xf32, #tpu.memory_space<hbm>> -> memref<32768x128xf32, #tpu.memory_space<hbm>>
    tpu.wait_indirect_dma semaphore(%arg7 : memref<!tpu.dma_semaphore, #tpu.memory_space<semaphore_mem>>) src(%dma_wait3A_94 : memref<32768x128xf32, #tpu.memory_space<hbm>>) dst(%arg6 : memref<128x128xf32, #tpu.memory_space<vmem>>)
    %add3A_95 = arith.constant 896 : i32
    %add3A_96 = arith.addi %mul3A_2, %add3A_95 : i32
    "tpu.region"() ({
      %run_scoped3A = tpu.sem_alloc : memref<!tpu.dma_semaphore, #tpu.memory_space<semaphore_mem>>
      %dma_start3A_193 = arith.constant 0 : i32
      %dma_start3A_194 = tpu.memref_slice %arg4[%add3A_96, %dma_start3A_193] : memref<65536x128xf32, #tpu.memory_space<hbm>> -> memref<128x128xf32, #tpu.memory_space<hbm>>
      %dma_start3A_195 = arith.constant 0 : i32
      %dma_start3A_196 = tpu.memref_slice %arg4[%add3A_96, %dma_start3A_195] : memref<65536x128xf32, #tpu.memory_space<hbm>> -> memref<128x128xf32, #tpu.memory_space<hbm>>
      tpu.enqueue_dma source(%arg6 : memref<128x128xf32, #tpu.memory_space<vmem>>) target(%dma_start3A_196 : memref<128x128xf32, #tpu.memory_space<hbm>>) target_semaphore(%run_scoped3A : memref<!tpu.dma_semaphore, #tpu.memory_space<semaphore_mem>>)
      %dma_wait3A_197 = arith.constant 0 : i32
      %dma_wait3A_198 = tpu.memref_slice %arg4[%add3A_96, %dma_wait3A_197] : memref<65536x128xf32, #tpu.memory_space<hbm>> -> memref<128x128xf32, #tpu.memory_space<hbm>>
      %dma_wait3A_199 = arith.constant 0 : i32
      %dma_wait3A_200 = tpu.memref_slice %arg4[%add3A_96, %dma_wait3A_199] : memref<65536x128xf32, #tpu.memory_space<hbm>> -> memref<128x128xf32, #tpu.memory_space<hbm>>
      tpu.wait_dma2 semaphore(%run_scoped3A : memref<!tpu.dma_semaphore, #tpu.memory_space<semaphore_mem>>) src(%arg6 : memref<128x128xf32, #tpu.memory_space<vmem>>) dst(%dma_wait3A_200 : memref<128x128xf32, #tpu.memory_space<hbm>>)
      tpu.yield
    }) : () -> ()
    %dma_start3A_97 = arith.constant 1024 : i32
    %dma_start3A_98 = tpu.memref_slice %arg5[%dma_start3A_97] : memref<2048xi32, #tpu.memory_space<vmem>> -> memref<128xi32, #tpu.memory_space<vmem>>
    %dma_start3A_99 = arith.constant 0 : i32
    %dma_start3A_100 = arith.constant 0 : i32
    %dma_start3A_101 = tpu.memref_slice %arg2[%dma_start3A_99, %dma_start3A_100] : memref<32768x128xf32, #tpu.memory_space<hbm>> -> memref<32768x128xf32, #tpu.memory_space<hbm>>
    tpu.enqueue_indirect_dma source(%dma_start3A_101 : memref<32768x128xf32, #tpu.memory_space<hbm>>) target(%arg6 : memref<128x128xf32, #tpu.memory_space<vmem>>) offsets(%dma_start3A_98 : memref<128xi32, #tpu.memory_space<vmem>>) semaphore(%arg7 : memref<!tpu.dma_semaphore, #tpu.memory_space<semaphore_mem>>)
    %dma_wait3A_102 = arith.constant 1024 : i32
    %dma_wait3A_103 = tpu.memref_slice %arg5[%dma_wait3A_102] : memref<2048xi32, #tpu.memory_space<vmem>> -> memref<128xi32, #tpu.memory_space<vmem>>
    %dma_wait3A_104 = arith.constant 0 : i32
    %dma_wait3A_105 = arith.constant 0 : i32
    %dma_wait3A_106 = tpu.memref_slice %arg2[%dma_wait3A_104, %dma_wait3A_105] : memref<32768x128xf32, #tpu.memory_space<hbm>> -> memref<32768x128xf32, #tpu.memory_space<hbm>>
    tpu.wait_indirect_dma semaphore(%arg7 : memref<!tpu.dma_semaphore, #tpu.memory_space<semaphore_mem>>) src(%dma_wait3A_106 : memref<32768x128xf32, #tpu.memory_space<hbm>>) dst(%arg6 : memref<128x128xf32, #tpu.memory_space<vmem>>)
    %add3A_107 = arith.constant 1024 : i32
    %add3A_108 = arith.addi %mul3A_2, %add3A_107 : i32
    "tpu.region"() ({
      %run_scoped3A = tpu.sem_alloc : memref<!tpu.dma_semaphore, #tpu.memory_space<semaphore_mem>>
      %dma_start3A_193 = arith.constant 0 : i32
      %dma_start3A_194 = tpu.memref_slice %arg4[%add3A_108, %dma_start3A_193] : memref<65536x128xf32, #tpu.memory_space<hbm>> -> memref<128x128xf32, #tpu.memory_space<hbm>>
      %dma_start3A_195 = arith.constant 0 : i32
      %dma_start3A_196 = tpu.memref_slice %arg4[%add3A_108, %dma_start3A_195] : memref<65536x128xf32, #tpu.memory_space<hbm>> -> memref<128x128xf32, #tpu.memory_space<hbm>>
      tpu.enqueue_dma source(%arg6 : memref<128x128xf32, #tpu.memory_space<vmem>>) target(%dma_start3A_196 : memref<128x128xf32, #tpu.memory_space<hbm>>) target_semaphore(%run_scoped3A : memref<!tpu.dma_semaphore, #tpu.memory_space<semaphore_mem>>)
      %dma_wait3A_197 = arith.constant 0 : i32
      %dma_wait3A_198 = tpu.memref_slice %arg4[%add3A_108, %dma_wait3A_197] : memref<65536x128xf32, #tpu.memory_space<hbm>> -> memref<128x128xf32, #tpu.memory_space<hbm>>
      %dma_wait3A_199 = arith.constant 0 : i32
      %dma_wait3A_200 = tpu.memref_slice %arg4[%add3A_108, %dma_wait3A_199] : memref<65536x128xf32, #tpu.memory_space<hbm>> -> memref<128x128xf32, #tpu.memory_space<hbm>>
      tpu.wait_dma2 semaphore(%run_scoped3A : memref<!tpu.dma_semaphore, #tpu.memory_space<semaphore_mem>>) src(%arg6 : memref<128x128xf32, #tpu.memory_space<vmem>>) dst(%dma_wait3A_200 : memref<128x128xf32, #tpu.memory_space<hbm>>)
      tpu.yield
    }) : () -> ()
    %dma_start3A_109 = arith.constant 1152 : i32
    %dma_start3A_110 = tpu.memref_slice %arg5[%dma_start3A_109] : memref<2048xi32, #tpu.memory_space<vmem>> -> memref<128xi32, #tpu.memory_space<vmem>>
    %dma_start3A_111 = arith.constant 0 : i32
    %dma_start3A_112 = arith.constant 0 : i32
    %dma_start3A_113 = tpu.memref_slice %arg2[%dma_start3A_111, %dma_start3A_112] : memref<32768x128xf32, #tpu.memory_space<hbm>> -> memref<32768x128xf32, #tpu.memory_space<hbm>>
    tpu.enqueue_indirect_dma source(%dma_start3A_113 : memref<32768x128xf32, #tpu.memory_space<hbm>>) target(%arg6 : memref<128x128xf32, #tpu.memory_space<vmem>>) offsets(%dma_start3A_110 : memref<128xi32, #tpu.memory_space<vmem>>) semaphore(%arg7 : memref<!tpu.dma_semaphore, #tpu.memory_space<semaphore_mem>>)
    %dma_wait3A_114 = arith.constant 1152 : i32
    %dma_wait3A_115 = tpu.memref_slice %arg5[%dma_wait3A_114] : memref<2048xi32, #tpu.memory_space<vmem>> -> memref<128xi32, #tpu.memory_space<vmem>>
    %dma_wait3A_116 = arith.constant 0 : i32
    %dma_wait3A_117 = arith.constant 0 : i32
    %dma_wait3A_118 = tpu.memref_slice %arg2[%dma_wait3A_116, %dma_wait3A_117] : memref<32768x128xf32, #tpu.memory_space<hbm>> -> memref<32768x128xf32, #tpu.memory_space<hbm>>
    tpu.wait_indirect_dma semaphore(%arg7 : memref<!tpu.dma_semaphore, #tpu.memory_space<semaphore_mem>>) src(%dma_wait3A_118 : memref<32768x128xf32, #tpu.memory_space<hbm>>) dst(%arg6 : memref<128x128xf32, #tpu.memory_space<vmem>>)
    %add3A_119 = arith.constant 1152 : i32
    %add3A_120 = arith.addi %mul3A_2, %add3A_119 : i32
    "tpu.region"() ({
      %run_scoped3A = tpu.sem_alloc : memref<!tpu.dma_semaphore, #tpu.memory_space<semaphore_mem>>
      %dma_start3A_193 = arith.constant 0 : i32
      %dma_start3A_194 = tpu.memref_slice %arg4[%add3A_120, %dma_start3A_193] : memref<65536x128xf32, #tpu.memory_space<hbm>> -> memref<128x128xf32, #tpu.memory_space<hbm>>
      %dma_start3A_195 = arith.constant 0 : i32
      %dma_start3A_196 = tpu.memref_slice %arg4[%add3A_120, %dma_start3A_195] : memref<65536x128xf32, #tpu.memory_space<hbm>> -> memref<128x128xf32, #tpu.memory_space<hbm>>
      tpu.enqueue_dma source(%arg6 : memref<128x128xf32, #tpu.memory_space<vmem>>) target(%dma_start3A_196 : memref<128x128xf32, #tpu.memory_space<hbm>>) target_semaphore(%run_scoped3A : memref<!tpu.dma_semaphore, #tpu.memory_space<semaphore_mem>>)
      %dma_wait3A_197 = arith.constant 0 : i32
      %dma_wait3A_198 = tpu.memref_slice %arg4[%add3A_120, %dma_wait3A_197] : memref<65536x128xf32, #tpu.memory_space<hbm>> -> memref<128x128xf32, #tpu.memory_space<hbm>>
      %dma_wait3A_199 = arith.constant 0 : i32
      %dma_wait3A_200 = tpu.memref_slice %arg4[%add3A_120, %dma_wait3A_199] : memref<65536x128xf32, #tpu.memory_space<hbm>> -> memref<128x128xf32, #tpu.memory_space<hbm>>
      tpu.wait_dma2 semaphore(%run_scoped3A : memref<!tpu.dma_semaphore, #tpu.memory_space<semaphore_mem>>) src(%arg6 : memref<128x128xf32, #tpu.memory_space<vmem>>) dst(%dma_wait3A_200 : memref<128x128xf32, #tpu.memory_space<hbm>>)
      tpu.yield
    }) : () -> ()
    %dma_start3A_121 = arith.constant 1280 : i32
    %dma_start3A_122 = tpu.memref_slice %arg5[%dma_start3A_121] : memref<2048xi32, #tpu.memory_space<vmem>> -> memref<128xi32, #tpu.memory_space<vmem>>
    %dma_start3A_123 = arith.constant 0 : i32
    %dma_start3A_124 = arith.constant 0 : i32
    %dma_start3A_125 = tpu.memref_slice %arg2[%dma_start3A_123, %dma_start3A_124] : memref<32768x128xf32, #tpu.memory_space<hbm>> -> memref<32768x128xf32, #tpu.memory_space<hbm>>
    tpu.enqueue_indirect_dma source(%dma_start3A_125 : memref<32768x128xf32, #tpu.memory_space<hbm>>) target(%arg6 : memref<128x128xf32, #tpu.memory_space<vmem>>) offsets(%dma_start3A_122 : memref<128xi32, #tpu.memory_space<vmem>>) semaphore(%arg7 : memref<!tpu.dma_semaphore, #tpu.memory_space<semaphore_mem>>)
    %dma_wait3A_126 = arith.constant 1280 : i32
    %dma_wait3A_127 = tpu.memref_slice %arg5[%dma_wait3A_126] : memref<2048xi32, #tpu.memory_space<vmem>> -> memref<128xi32, #tpu.memory_space<vmem>>
    %dma_wait3A_128 = arith.constant 0 : i32
    %dma_wait3A_129 = arith.constant 0 : i32
    %dma_wait3A_130 = tpu.memref_slice %arg2[%dma_wait3A_128, %dma_wait3A_129] : memref<32768x128xf32, #tpu.memory_space<hbm>> -> memref<32768x128xf32, #tpu.memory_space<hbm>>
    tpu.wait_indirect_dma semaphore(%arg7 : memref<!tpu.dma_semaphore, #tpu.memory_space<semaphore_mem>>) src(%dma_wait3A_130 : memref<32768x128xf32, #tpu.memory_space<hbm>>) dst(%arg6 : memref<128x128xf32, #tpu.memory_space<vmem>>)
    %add3A_131 = arith.constant 1280 : i32
    %add3A_132 = arith.addi %mul3A_2, %add3A_131 : i32
    "tpu.region"() ({
      %run_scoped3A = tpu.sem_alloc : memref<!tpu.dma_semaphore, #tpu.memory_space<semaphore_mem>>
      %dma_start3A_193 = arith.constant 0 : i32
      %dma_start3A_194 = tpu.memref_slice %arg4[%add3A_132, %dma_start3A_193] : memref<65536x128xf32, #tpu.memory_space<hbm>> -> memref<128x128xf32, #tpu.memory_space<hbm>>
      %dma_start3A_195 = arith.constant 0 : i32
      %dma_start3A_196 = tpu.memref_slice %arg4[%add3A_132, %dma_start3A_195] : memref<65536x128xf32, #tpu.memory_space<hbm>> -> memref<128x128xf32, #tpu.memory_space<hbm>>
      tpu.enqueue_dma source(%arg6 : memref<128x128xf32, #tpu.memory_space<vmem>>) target(%dma_start3A_196 : memref<128x128xf32, #tpu.memory_space<hbm>>) target_semaphore(%run_scoped3A : memref<!tpu.dma_semaphore, #tpu.memory_space<semaphore_mem>>)
      %dma_wait3A_197 = arith.constant 0 : i32
      %dma_wait3A_198 = tpu.memref_slice %arg4[%add3A_132, %dma_wait3A_197] : memref<65536x128xf32, #tpu.memory_space<hbm>> -> memref<128x128xf32, #tpu.memory_space<hbm>>
      %dma_wait3A_199 = arith.constant 0 : i32
      %dma_wait3A_200 = tpu.memref_slice %arg4[%add3A_132, %dma_wait3A_199] : memref<65536x128xf32, #tpu.memory_space<hbm>> -> memref<128x128xf32, #tpu.memory_space<hbm>>
      tpu.wait_dma2 semaphore(%run_scoped3A : memref<!tpu.dma_semaphore, #tpu.memory_space<semaphore_mem>>) src(%arg6 : memref<128x128xf32, #tpu.memory_space<vmem>>) dst(%dma_wait3A_200 : memref<128x128xf32, #tpu.memory_space<hbm>>)
      tpu.yield
    }) : () -> ()
    %dma_start3A_133 = arith.constant 1408 : i32
    %dma_start3A_134 = tpu.memref_slice %arg5[%dma_start3A_133] : memref<2048xi32, #tpu.memory_space<vmem>> -> memref<128xi32, #tpu.memory_space<vmem>>
    %dma_start3A_135 = arith.constant 0 : i32
    %dma_start3A_136 = arith.constant 0 : i32
    %dma_start3A_137 = tpu.memref_slice %arg2[%dma_start3A_135, %dma_start3A_136] : memref<32768x128xf32, #tpu.memory_space<hbm>> -> memref<32768x128xf32, #tpu.memory_space<hbm>>
    tpu.enqueue_indirect_dma source(%dma_start3A_137 : memref<32768x128xf32, #tpu.memory_space<hbm>>) target(%arg6 : memref<128x128xf32, #tpu.memory_space<vmem>>) offsets(%dma_start3A_134 : memref<128xi32, #tpu.memory_space<vmem>>) semaphore(%arg7 : memref<!tpu.dma_semaphore, #tpu.memory_space<semaphore_mem>>)
    %dma_wait3A_138 = arith.constant 1408 : i32
    %dma_wait3A_139 = tpu.memref_slice %arg5[%dma_wait3A_138] : memref<2048xi32, #tpu.memory_space<vmem>> -> memref<128xi32, #tpu.memory_space<vmem>>
    %dma_wait3A_140 = arith.constant 0 : i32
    %dma_wait3A_141 = arith.constant 0 : i32
    %dma_wait3A_142 = tpu.memref_slice %arg2[%dma_wait3A_140, %dma_wait3A_141] : memref<32768x128xf32, #tpu.memory_space<hbm>> -> memref<32768x128xf32, #tpu.memory_space<hbm>>
    tpu.wait_indirect_dma semaphore(%arg7 : memref<!tpu.dma_semaphore, #tpu.memory_space<semaphore_mem>>) src(%dma_wait3A_142 : memref<32768x128xf32, #tpu.memory_space<hbm>>) dst(%arg6 : memref<128x128xf32, #tpu.memory_space<vmem>>)
    %add3A_143 = arith.constant 1408 : i32
    %add3A_144 = arith.addi %mul3A_2, %add3A_143 : i32
    "tpu.region"() ({
      %run_scoped3A = tpu.sem_alloc : memref<!tpu.dma_semaphore, #tpu.memory_space<semaphore_mem>>
      %dma_start3A_193 = arith.constant 0 : i32
      %dma_start3A_194 = tpu.memref_slice %arg4[%add3A_144, %dma_start3A_193] : memref<65536x128xf32, #tpu.memory_space<hbm>> -> memref<128x128xf32, #tpu.memory_space<hbm>>
      %dma_start3A_195 = arith.constant 0 : i32
      %dma_start3A_196 = tpu.memref_slice %arg4[%add3A_144, %dma_start3A_195] : memref<65536x128xf32, #tpu.memory_space<hbm>> -> memref<128x128xf32, #tpu.memory_space<hbm>>
      tpu.enqueue_dma source(%arg6 : memref<128x128xf32, #tpu.memory_space<vmem>>) target(%dma_start3A_196 : memref<128x128xf32, #tpu.memory_space<hbm>>) target_semaphore(%run_scoped3A : memref<!tpu.dma_semaphore, #tpu.memory_space<semaphore_mem>>)
      %dma_wait3A_197 = arith.constant 0 : i32
      %dma_wait3A_198 = tpu.memref_slice %arg4[%add3A_144, %dma_wait3A_197] : memref<65536x128xf32, #tpu.memory_space<hbm>> -> memref<128x128xf32, #tpu.memory_space<hbm>>
      %dma_wait3A_199 = arith.constant 0 : i32
      %dma_wait3A_200 = tpu.memref_slice %arg4[%add3A_144, %dma_wait3A_199] : memref<65536x128xf32, #tpu.memory_space<hbm>> -> memref<128x128xf32, #tpu.memory_space<hbm>>
      tpu.wait_dma2 semaphore(%run_scoped3A : memref<!tpu.dma_semaphore, #tpu.memory_space<semaphore_mem>>) src(%arg6 : memref<128x128xf32, #tpu.memory_space<vmem>>) dst(%dma_wait3A_200 : memref<128x128xf32, #tpu.memory_space<hbm>>)
      tpu.yield
    }) : () -> ()
    %dma_start3A_145 = arith.constant 1536 : i32
    %dma_start3A_146 = tpu.memref_slice %arg5[%dma_start3A_145] : memref<2048xi32, #tpu.memory_space<vmem>> -> memref<128xi32, #tpu.memory_space<vmem>>
    %dma_start3A_147 = arith.constant 0 : i32
    %dma_start3A_148 = arith.constant 0 : i32
    %dma_start3A_149 = tpu.memref_slice %arg2[%dma_start3A_147, %dma_start3A_148] : memref<32768x128xf32, #tpu.memory_space<hbm>> -> memref<32768x128xf32, #tpu.memory_space<hbm>>
    tpu.enqueue_indirect_dma source(%dma_start3A_149 : memref<32768x128xf32, #tpu.memory_space<hbm>>) target(%arg6 : memref<128x128xf32, #tpu.memory_space<vmem>>) offsets(%dma_start3A_146 : memref<128xi32, #tpu.memory_space<vmem>>) semaphore(%arg7 : memref<!tpu.dma_semaphore, #tpu.memory_space<semaphore_mem>>)
    %dma_wait3A_150 = arith.constant 1536 : i32
    %dma_wait3A_151 = tpu.memref_slice %arg5[%dma_wait3A_150] : memref<2048xi32, #tpu.memory_space<vmem>> -> memref<128xi32, #tpu.memory_space<vmem>>
    %dma_wait3A_152 = arith.constant 0 : i32
    %dma_wait3A_153 = arith.constant 0 : i32
    %dma_wait3A_154 = tpu.memref_slice %arg2[%dma_wait3A_152, %dma_wait3A_153] : memref<32768x128xf32, #tpu.memory_space<hbm>> -> memref<32768x128xf32, #tpu.memory_space<hbm>>
    tpu.wait_indirect_dma semaphore(%arg7 : memref<!tpu.dma_semaphore, #tpu.memory_space<semaphore_mem>>) src(%dma_wait3A_154 : memref<32768x128xf32, #tpu.memory_space<hbm>>) dst(%arg6 : memref<128x128xf32, #tpu.memory_space<vmem>>)
    %add3A_155 = arith.constant 1536 : i32
    %add3A_156 = arith.addi %mul3A_2, %add3A_155 : i32
    "tpu.region"() ({
      %run_scoped3A = tpu.sem_alloc : memref<!tpu.dma_semaphore, #tpu.memory_space<semaphore_mem>>
      %dma_start3A_193 = arith.constant 0 : i32
      %dma_start3A_194 = tpu.memref_slice %arg4[%add3A_156, %dma_start3A_193] : memref<65536x128xf32, #tpu.memory_space<hbm>> -> memref<128x128xf32, #tpu.memory_space<hbm>>
      %dma_start3A_195 = arith.constant 0 : i32
      %dma_start3A_196 = tpu.memref_slice %arg4[%add3A_156, %dma_start3A_195] : memref<65536x128xf32, #tpu.memory_space<hbm>> -> memref<128x128xf32, #tpu.memory_space<hbm>>
      tpu.enqueue_dma source(%arg6 : memref<128x128xf32, #tpu.memory_space<vmem>>) target(%dma_start3A_196 : memref<128x128xf32, #tpu.memory_space<hbm>>) target_semaphore(%run_scoped3A : memref<!tpu.dma_semaphore, #tpu.memory_space<semaphore_mem>>)
      %dma_wait3A_197 = arith.constant 0 : i32
      %dma_wait3A_198 = tpu.memref_slice %arg4[%add3A_156, %dma_wait3A_197] : memref<65536x128xf32, #tpu.memory_space<hbm>> -> memref<128x128xf32, #tpu.memory_space<hbm>>
      %dma_wait3A_199 = arith.constant 0 : i32
      %dma_wait3A_200 = tpu.memref_slice %arg4[%add3A_156, %dma_wait3A_199] : memref<65536x128xf32, #tpu.memory_space<hbm>> -> memref<128x128xf32, #tpu.memory_space<hbm>>
      tpu.wait_dma2 semaphore(%run_scoped3A : memref<!tpu.dma_semaphore, #tpu.memory_space<semaphore_mem>>) src(%arg6 : memref<128x128xf32, #tpu.memory_space<vmem>>) dst(%dma_wait3A_200 : memref<128x128xf32, #tpu.memory_space<hbm>>)
      tpu.yield
    }) : () -> ()
    %dma_start3A_157 = arith.constant 1664 : i32
    %dma_start3A_158 = tpu.memref_slice %arg5[%dma_start3A_157] : memref<2048xi32, #tpu.memory_space<vmem>> -> memref<128xi32, #tpu.memory_space<vmem>>
    %dma_start3A_159 = arith.constant 0 : i32
    %dma_start3A_160 = arith.constant 0 : i32
    %dma_start3A_161 = tpu.memref_slice %arg2[%dma_start3A_159, %dma_start3A_160] : memref<32768x128xf32, #tpu.memory_space<hbm>> -> memref<32768x128xf32, #tpu.memory_space<hbm>>
    tpu.enqueue_indirect_dma source(%dma_start3A_161 : memref<32768x128xf32, #tpu.memory_space<hbm>>) target(%arg6 : memref<128x128xf32, #tpu.memory_space<vmem>>) offsets(%dma_start3A_158 : memref<128xi32, #tpu.memory_space<vmem>>) semaphore(%arg7 : memref<!tpu.dma_semaphore, #tpu.memory_space<semaphore_mem>>)
    %dma_wait3A_162 = arith.constant 1664 : i32
    %dma_wait3A_163 = tpu.memref_slice %arg5[%dma_wait3A_162] : memref<2048xi32, #tpu.memory_space<vmem>> -> memref<128xi32, #tpu.memory_space<vmem>>
    %dma_wait3A_164 = arith.constant 0 : i32
    %dma_wait3A_165 = arith.constant 0 : i32
    %dma_wait3A_166 = tpu.memref_slice %arg2[%dma_wait3A_164, %dma_wait3A_165] : memref<32768x128xf32, #tpu.memory_space<hbm>> -> memref<32768x128xf32, #tpu.memory_space<hbm>>
    tpu.wait_indirect_dma semaphore(%arg7 : memref<!tpu.dma_semaphore, #tpu.memory_space<semaphore_mem>>) src(%dma_wait3A_166 : memref<32768x128xf32, #tpu.memory_space<hbm>>) dst(%arg6 : memref<128x128xf32, #tpu.memory_space<vmem>>)
    %add3A_167 = arith.constant 1664 : i32
    %add3A_168 = arith.addi %mul3A_2, %add3A_167 : i32
    "tpu.region"() ({
      %run_scoped3A = tpu.sem_alloc : memref<!tpu.dma_semaphore, #tpu.memory_space<semaphore_mem>>
      %dma_start3A_193 = arith.constant 0 : i32
      %dma_start3A_194 = tpu.memref_slice %arg4[%add3A_168, %dma_start3A_193] : memref<65536x128xf32, #tpu.memory_space<hbm>> -> memref<128x128xf32, #tpu.memory_space<hbm>>
      %dma_start3A_195 = arith.constant 0 : i32
      %dma_start3A_196 = tpu.memref_slice %arg4[%add3A_168, %dma_start3A_195] : memref<65536x128xf32, #tpu.memory_space<hbm>> -> memref<128x128xf32, #tpu.memory_space<hbm>>
      tpu.enqueue_dma source(%arg6 : memref<128x128xf32, #tpu.memory_space<vmem>>) target(%dma_start3A_196 : memref<128x128xf32, #tpu.memory_space<hbm>>) target_semaphore(%run_scoped3A : memref<!tpu.dma_semaphore, #tpu.memory_space<semaphore_mem>>)
      %dma_wait3A_197 = arith.constant 0 : i32
      %dma_wait3A_198 = tpu.memref_slice %arg4[%add3A_168, %dma_wait3A_197] : memref<65536x128xf32, #tpu.memory_space<hbm>> -> memref<128x128xf32, #tpu.memory_space<hbm>>
      %dma_wait3A_199 = arith.constant 0 : i32
      %dma_wait3A_200 = tpu.memref_slice %arg4[%add3A_168, %dma_wait3A_199] : memref<65536x128xf32, #tpu.memory_space<hbm>> -> memref<128x128xf32, #tpu.memory_space<hbm>>
      tpu.wait_dma2 semaphore(%run_scoped3A : memref<!tpu.dma_semaphore, #tpu.memory_space<semaphore_mem>>) src(%arg6 : memref<128x128xf32, #tpu.memory_space<vmem>>) dst(%dma_wait3A_200 : memref<128x128xf32, #tpu.memory_space<hbm>>)
      tpu.yield
    }) : () -> ()
    %dma_start3A_169 = arith.constant 1792 : i32
    %dma_start3A_170 = tpu.memref_slice %arg5[%dma_start3A_169] : memref<2048xi32, #tpu.memory_space<vmem>> -> memref<128xi32, #tpu.memory_space<vmem>>
    %dma_start3A_171 = arith.constant 0 : i32
    %dma_start3A_172 = arith.constant 0 : i32
    %dma_start3A_173 = tpu.memref_slice %arg2[%dma_start3A_171, %dma_start3A_172] : memref<32768x128xf32, #tpu.memory_space<hbm>> -> memref<32768x128xf32, #tpu.memory_space<hbm>>
    tpu.enqueue_indirect_dma source(%dma_start3A_173 : memref<32768x128xf32, #tpu.memory_space<hbm>>) target(%arg6 : memref<128x128xf32, #tpu.memory_space<vmem>>) offsets(%dma_start3A_170 : memref<128xi32, #tpu.memory_space<vmem>>) semaphore(%arg7 : memref<!tpu.dma_semaphore, #tpu.memory_space<semaphore_mem>>)
    %dma_wait3A_174 = arith.constant 1792 : i32
    %dma_wait3A_175 = tpu.memref_slice %arg5[%dma_wait3A_174] : memref<2048xi32, #tpu.memory_space<vmem>> -> memref<128xi32, #tpu.memory_space<vmem>>
    %dma_wait3A_176 = arith.constant 0 : i32
    %dma_wait3A_177 = arith.constant 0 : i32
    %dma_wait3A_178 = tpu.memref_slice %arg2[%dma_wait3A_176, %dma_wait3A_177] : memref<32768x128xf32, #tpu.memory_space<hbm>> -> memref<32768x128xf32, #tpu.memory_space<hbm>>
    tpu.wait_indirect_dma semaphore(%arg7 : memref<!tpu.dma_semaphore, #tpu.memory_space<semaphore_mem>>) src(%dma_wait3A_178 : memref<32768x128xf32, #tpu.memory_space<hbm>>) dst(%arg6 : memref<128x128xf32, #tpu.memory_space<vmem>>)
    %add3A_179 = arith.constant 1792 : i32
    %add3A_180 = arith.addi %mul3A_2, %add3A_179 : i32
    "tpu.region"() ({
      %run_scoped3A = tpu.sem_alloc : memref<!tpu.dma_semaphore, #tpu.memory_space<semaphore_mem>>
      %dma_start3A_193 = arith.constant 0 : i32
      %dma_start3A_194 = tpu.memref_slice %arg4[%add3A_180, %dma_start3A_193] : memref<65536x128xf32, #tpu.memory_space<hbm>> -> memref<128x128xf32, #tpu.memory_space<hbm>>
      %dma_start3A_195 = arith.constant 0 : i32
      %dma_start3A_196 = tpu.memref_slice %arg4[%add3A_180, %dma_start3A_195] : memref<65536x128xf32, #tpu.memory_space<hbm>> -> memref<128x128xf32, #tpu.memory_space<hbm>>
      tpu.enqueue_dma source(%arg6 : memref<128x128xf32, #tpu.memory_space<vmem>>) target(%dma_start3A_196 : memref<128x128xf32, #tpu.memory_space<hbm>>) target_semaphore(%run_scoped3A : memref<!tpu.dma_semaphore, #tpu.memory_space<semaphore_mem>>)
      %dma_wait3A_197 = arith.constant 0 : i32
      %dma_wait3A_198 = tpu.memref_slice %arg4[%add3A_180, %dma_wait3A_197] : memref<65536x128xf32, #tpu.memory_space<hbm>> -> memref<128x128xf32, #tpu.memory_space<hbm>>
      %dma_wait3A_199 = arith.constant 0 : i32
      %dma_wait3A_200 = tpu.memref_slice %arg4[%add3A_180, %dma_wait3A_199] : memref<65536x128xf32, #tpu.memory_space<hbm>> -> memref<128x128xf32, #tpu.memory_space<hbm>>
      tpu.wait_dma2 semaphore(%run_scoped3A : memref<!tpu.dma_semaphore, #tpu.memory_space<semaphore_mem>>) src(%arg6 : memref<128x128xf32, #tpu.memory_space<vmem>>) dst(%dma_wait3A_200 : memref<128x128xf32, #tpu.memory_space<hbm>>)
      tpu.yield
    }) : () -> ()
    %dma_start3A_181 = arith.constant 1920 : i32
    %dma_start3A_182 = tpu.memref_slice %arg5[%dma_start3A_181] : memref<2048xi32, #tpu.memory_space<vmem>> -> memref<128xi32, #tpu.memory_space<vmem>>
    %dma_start3A_183 = arith.constant 0 : i32
    %dma_start3A_184 = arith.constant 0 : i32
    %dma_start3A_185 = tpu.memref_slice %arg2[%dma_start3A_183, %dma_start3A_184] : memref<32768x128xf32, #tpu.memory_space<hbm>> -> memref<32768x128xf32, #tpu.memory_space<hbm>>
    tpu.enqueue_indirect_dma source(%dma_start3A_185 : memref<32768x128xf32, #tpu.memory_space<hbm>>) target(%arg6 : memref<128x128xf32, #tpu.memory_space<vmem>>) offsets(%dma_start3A_182 : memref<128xi32, #tpu.memory_space<vmem>>) semaphore(%arg7 : memref<!tpu.dma_semaphore, #tpu.memory_space<semaphore_mem>>)
    %dma_wait3A_186 = arith.constant 1920 : i32
    %dma_wait3A_187 = tpu.memref_slice %arg5[%dma_wait3A_186] : memref<2048xi32, #tpu.memory_space<vmem>> -> memref<128xi32, #tpu.memory_space<vmem>>
    %dma_wait3A_188 = arith.constant 0 : i32
    %dma_wait3A_189 = arith.constant 0 : i32
    %dma_wait3A_190 = tpu.memref_slice %arg2[%dma_wait3A_188, %dma_wait3A_189] : memref<32768x128xf32, #tpu.memory_space<hbm>> -> memref<32768x128xf32, #tpu.memory_space<hbm>>
    tpu.wait_indirect_dma semaphore(%arg7 : memref<!tpu.dma_semaphore, #tpu.memory_space<semaphore_mem>>) src(%dma_wait3A_190 : memref<32768x128xf32, #tpu.memory_space<hbm>>) dst(%arg6 : memref<128x128xf32, #tpu.memory_space<vmem>>)
    %add3A_191 = arith.constant 1920 : i32
    %add3A_192 = arith.addi %mul3A_2, %add3A_191 : i32
    "tpu.region"() ({
      %run_scoped3A = tpu.sem_alloc : memref<!tpu.dma_semaphore, #tpu.memory_space<semaphore_mem>>
      %dma_start3A_193 = arith.constant 0 : i32
      %dma_start3A_194 = tpu.memref_slice %arg4[%add3A_192, %dma_start3A_193] : memref<65536x128xf32, #tpu.memory_space<hbm>> -> memref<128x128xf32, #tpu.memory_space<hbm>>
      %dma_start3A_195 = arith.constant 0 : i32
      %dma_start3A_196 = tpu.memref_slice %arg4[%add3A_192, %dma_start3A_195] : memref<65536x128xf32, #tpu.memory_space<hbm>> -> memref<128x128xf32, #tpu.memory_space<hbm>>
      tpu.enqueue_dma source(%arg6 : memref<128x128xf32, #tpu.memory_space<vmem>>) target(%dma_start3A_196 : memref<128x128xf32, #tpu.memory_space<hbm>>) target_semaphore(%run_scoped3A : memref<!tpu.dma_semaphore, #tpu.memory_space<semaphore_mem>>)
      %dma_wait3A_197 = arith.constant 0 : i32
      %dma_wait3A_198 = tpu.memref_slice %arg4[%add3A_192, %dma_wait3A_197] : memref<65536x128xf32, #tpu.memory_space<hbm>> -> memref<128x128xf32, #tpu.memory_space<hbm>>
      %dma_wait3A_199 = arith.constant 0 : i32
      %dma_wait3A_200 = tpu.memref_slice %arg4[%add3A_192, %dma_wait3A_199] : memref<65536x128xf32, #tpu.memory_space<hbm>> -> memref<128x128xf32, #tpu.memory_space<hbm>>
      tpu.wait_dma2 semaphore(%run_scoped3A : memref<!tpu.dma_semaphore, #tpu.memory_space<semaphore_mem>>) src(%arg6 : memref<128x128xf32, #tpu.memory_space<vmem>>) dst(%dma_wait3A_200 : memref<128x128xf32, #tpu.memory_space<hbm>>)
      tpu.yield
    }) : () -> ()
    return
  }
}

#map = affine_map<(d0, d1) -> (0, 0)>
#map1 = affine_map<(d0, d1) -> (0)>
module attributes {stable_mosaic.version = 14 : i64} {
  func.func @k(%arg0: i32, %arg1: i32, %arg2: memref<65536x128xf32, #tpu.memory_space<hbm>>, %arg3: memref<65536xi32, #tpu.memory_space<hbm>>, %arg4: memref<65536x128xf32, #tpu.memory_space<hbm>>, %arg5: memref<2048xi32, #tpu.memory_space<vmem>>, %arg6: memref<128x128xf32, #tpu.memory_space<vmem>>, %arg7: memref<!tpu.dma_semaphore, #tpu.memory_space<semaphore_mem>>) attributes {dimension_semantics = [#tpu.dimension_semantics<core_parallel>, #tpu.dimension_semantics<subcore_parallel>], iteration_bounds = array<i64: 2, 16>, scalar_prefetch = 0 : i64, scratch_operands = 3 : i64, tpu.core_type = #tpu.core_type<sc_vector_subcore>, window_params = [{transform_indices = #map}, {transform_indices = #map1}, {transform_indices = #map}]} {
    %mul3A = arith.constant 2 : i32
    %mul3A_0 = arith.muli %arg1, %mul3A : i32
    %add3A = arith.addi %mul3A_0, %arg0 : i32
    %mul3A_1 = arith.constant 2048 : i32
    %mul3A_2 = arith.muli %add3A, %mul3A_1 : i32
    "tpu.region"() ({
      %run_scoped3A = tpu.sem_alloc : memref<!tpu.dma_semaphore, #tpu.memory_space<semaphore_mem>>
      %dma_start3A_193 = tpu.memref_slice %arg3[%mul3A_2] : memref<65536xi32, #tpu.memory_space<hbm>> -> memref<2048xi32, #tpu.memory_space<hbm>>
      %dma_start3A_194 = tpu.memref_slice %arg3[%mul3A_2] : memref<65536xi32, #tpu.memory_space<hbm>> -> memref<2048xi32, #tpu.memory_space<hbm>>
      tpu.enqueue_dma source(%dma_start3A_194 : memref<2048xi32, #tpu.memory_space<hbm>>) target(%arg5 : memref<2048xi32, #tpu.memory_space<vmem>>) target_semaphore(%run_scoped3A : memref<!tpu.dma_semaphore, #tpu.memory_space<semaphore_mem>>)
      %dma_wait3A_195 = tpu.memref_slice %arg3[%mul3A_2] : memref<65536xi32, #tpu.memory_space<hbm>> -> memref<2048xi32, #tpu.memory_space<hbm>>
      %dma_wait3A_196 = tpu.memref_slice %arg3[%mul3A_2] : memref<65536xi32, #tpu.memory_space<hbm>> -> memref<2048xi32, #tpu.memory_space<hbm>>
      tpu.wait_dma2 semaphore(%run_scoped3A : memref<!tpu.dma_semaphore, #tpu.memory_space<semaphore_mem>>) src(%dma_wait3A_196 : memref<2048xi32, #tpu.memory_space<hbm>>) dst(%arg5 : memref<2048xi32, #tpu.memory_space<vmem>>)
      tpu.yield
    }) : () -> ()
    %dma_start3A = arith.constant 0 : i32
    %dma_start3A_3 = tpu.memref_slice %arg5[%dma_start3A] : memref<2048xi32, #tpu.memory_space<vmem>> -> memref<128xi32, #tpu.memory_space<vmem>>
    %dma_start3A_4 = arith.constant 0 : i32
    %dma_start3A_5 = arith.constant 0 : i32
    %dma_start3A_6 = tpu.memref_slice %arg2[%dma_start3A_4, %dma_start3A_5] : memref<65536x128xf32, #tpu.memory_space<hbm>> -> memref<65536x128xf32, #tpu.memory_space<hbm>>
    tpu.enqueue_indirect_dma source(%dma_start3A_6 : memref<65536x128xf32, #tpu.memory_space<hbm>>) target(%arg6 : memref<128x128xf32, #tpu.memory_space<vmem>>) offsets(%dma_start3A_3 : memref<128xi32, #tpu.memory_space<vmem>>) semaphore(%arg7 : memref<!tpu.dma_semaphore, #tpu.memory_space<semaphore_mem>>)
    %dma_wait3A = arith.constant 0 : i32
    %dma_wait3A_7 = tpu.memref_slice %arg5[%dma_wait3A] : memref<2048xi32, #tpu.memory_space<vmem>> -> memref<128xi32, #tpu.memory_space<vmem>>
    %dma_wait3A_8 = arith.constant 0 : i32
    %dma_wait3A_9 = arith.constant 0 : i32
    %dma_wait3A_10 = tpu.memref_slice %arg2[%dma_wait3A_8, %dma_wait3A_9] : memref<65536x128xf32, #tpu.memory_space<hbm>> -> memref<65536x128xf32, #tpu.memory_space<hbm>>
    tpu.wait_indirect_dma semaphore(%arg7 : memref<!tpu.dma_semaphore, #tpu.memory_space<semaphore_mem>>) src(%dma_wait3A_10 : memref<65536x128xf32, #tpu.memory_space<hbm>>) dst(%arg6 : memref<128x128xf32, #tpu.memory_space<vmem>>)
    %add3A_11 = arith.constant 0 : i32
    %add3A_12 = arith.addi %mul3A_2, %add3A_11 : i32
    "tpu.region"() ({
      %run_scoped3A = tpu.sem_alloc : memref<!tpu.dma_semaphore, #tpu.memory_space<semaphore_mem>>
      %dma_start3A_193 = arith.constant 0 : i32
      %dma_start3A_194 = tpu.memref_slice %arg4[%add3A_12, %dma_start3A_193] : memref<65536x128xf32, #tpu.memory_space<hbm>> -> memref<128x128xf32, #tpu.memory_space<hbm>>
      %dma_start3A_195 = arith.constant 0 : i32
      %dma_start3A_196 = tpu.memref_slice %arg4[%add3A_12, %dma_start3A_195] : memref<65536x128xf32, #tpu.memory_space<hbm>> -> memref<128x128xf32, #tpu.memory_space<hbm>>
      tpu.enqueue_dma source(%arg6 : memref<128x128xf32, #tpu.memory_space<vmem>>) target(%dma_start3A_196 : memref<128x128xf32, #tpu.memory_space<hbm>>) target_semaphore(%run_scoped3A : memref<!tpu.dma_semaphore, #tpu.memory_space<semaphore_mem>>)
      %dma_wait3A_197 = arith.constant 0 : i32
      %dma_wait3A_198 = tpu.memref_slice %arg4[%add3A_12, %dma_wait3A_197] : memref<65536x128xf32, #tpu.memory_space<hbm>> -> memref<128x128xf32, #tpu.memory_space<hbm>>
      %dma_wait3A_199 = arith.constant 0 : i32
      %dma_wait3A_200 = tpu.memref_slice %arg4[%add3A_12, %dma_wait3A_199] : memref<65536x128xf32, #tpu.memory_space<hbm>> -> memref<128x128xf32, #tpu.memory_space<hbm>>
      tpu.wait_dma2 semaphore(%run_scoped3A : memref<!tpu.dma_semaphore, #tpu.memory_space<semaphore_mem>>) src(%arg6 : memref<128x128xf32, #tpu.memory_space<vmem>>) dst(%dma_wait3A_200 : memref<128x128xf32, #tpu.memory_space<hbm>>)
      tpu.yield
    }) : () -> ()
    %dma_start3A_13 = arith.constant 128 : i32
    %dma_start3A_14 = tpu.memref_slice %arg5[%dma_start3A_13] : memref<2048xi32, #tpu.memory_space<vmem>> -> memref<128xi32, #tpu.memory_space<vmem>>
    %dma_start3A_15 = arith.constant 0 : i32
    %dma_start3A_16 = arith.constant 0 : i32
    %dma_start3A_17 = tpu.memref_slice %arg2[%dma_start3A_15, %dma_start3A_16] : memref<65536x128xf32, #tpu.memory_space<hbm>> -> memref<65536x128xf32, #tpu.memory_space<hbm>>
    tpu.enqueue_indirect_dma source(%dma_start3A_17 : memref<65536x128xf32, #tpu.memory_space<hbm>>) target(%arg6 : memref<128x128xf32, #tpu.memory_space<vmem>>) offsets(%dma_start3A_14 : memref<128xi32, #tpu.memory_space<vmem>>) semaphore(%arg7 : memref<!tpu.dma_semaphore, #tpu.memory_space<semaphore_mem>>)
    %dma_wait3A_18 = arith.constant 128 : i32
    %dma_wait3A_19 = tpu.memref_slice %arg5[%dma_wait3A_18] : memref<2048xi32, #tpu.memory_space<vmem>> -> memref<128xi32, #tpu.memory_space<vmem>>
    %dma_wait3A_20 = arith.constant 0 : i32
    %dma_wait3A_21 = arith.constant 0 : i32
    %dma_wait3A_22 = tpu.memref_slice %arg2[%dma_wait3A_20, %dma_wait3A_21] : memref<65536x128xf32, #tpu.memory_space<hbm>> -> memref<65536x128xf32, #tpu.memory_space<hbm>>
    tpu.wait_indirect_dma semaphore(%arg7 : memref<!tpu.dma_semaphore, #tpu.memory_space<semaphore_mem>>) src(%dma_wait3A_22 : memref<65536x128xf32, #tpu.memory_space<hbm>>) dst(%arg6 : memref<128x128xf32, #tpu.memory_space<vmem>>)
    %add3A_23 = arith.constant 128 : i32
    %add3A_24 = arith.addi %mul3A_2, %add3A_23 : i32
    "tpu.region"() ({
      %run_scoped3A = tpu.sem_alloc : memref<!tpu.dma_semaphore, #tpu.memory_space<semaphore_mem>>
      %dma_start3A_193 = arith.constant 0 : i32
      %dma_start3A_194 = tpu.memref_slice %arg4[%add3A_24, %dma_start3A_193] : memref<65536x128xf32, #tpu.memory_space<hbm>> -> memref<128x128xf32, #tpu.memory_space<hbm>>
      %dma_start3A_195 = arith.constant 0 : i32
      %dma_start3A_196 = tpu.memref_slice %arg4[%add3A_24, %dma_start3A_195] : memref<65536x128xf32, #tpu.memory_space<hbm>> -> memref<128x128xf32, #tpu.memory_space<hbm>>
      tpu.enqueue_dma source(%arg6 : memref<128x128xf32, #tpu.memory_space<vmem>>) target(%dma_start3A_196 : memref<128x128xf32, #tpu.memory_space<hbm>>) target_semaphore(%run_scoped3A : memref<!tpu.dma_semaphore, #tpu.memory_space<semaphore_mem>>)
      %dma_wait3A_197 = arith.constant 0 : i32
      %dma_wait3A_198 = tpu.memref_slice %arg4[%add3A_24, %dma_wait3A_197] : memref<65536x128xf32, #tpu.memory_space<hbm>> -> memref<128x128xf32, #tpu.memory_space<hbm>>
      %dma_wait3A_199 = arith.constant 0 : i32
      %dma_wait3A_200 = tpu.memref_slice %arg4[%add3A_24, %dma_wait3A_199] : memref<65536x128xf32, #tpu.memory_space<hbm>> -> memref<128x128xf32, #tpu.memory_space<hbm>>
      tpu.wait_dma2 semaphore(%run_scoped3A : memref<!tpu.dma_semaphore, #tpu.memory_space<semaphore_mem>>) src(%arg6 : memref<128x128xf32, #tpu.memory_space<vmem>>) dst(%dma_wait3A_200 : memref<128x128xf32, #tpu.memory_space<hbm>>)
      tpu.yield
    }) : () -> ()
    %dma_start3A_25 = arith.constant 256 : i32
    %dma_start3A_26 = tpu.memref_slice %arg5[%dma_start3A_25] : memref<2048xi32, #tpu.memory_space<vmem>> -> memref<128xi32, #tpu.memory_space<vmem>>
    %dma_start3A_27 = arith.constant 0 : i32
    %dma_start3A_28 = arith.constant 0 : i32
    %dma_start3A_29 = tpu.memref_slice %arg2[%dma_start3A_27, %dma_start3A_28] : memref<65536x128xf32, #tpu.memory_space<hbm>> -> memref<65536x128xf32, #tpu.memory_space<hbm>>
    tpu.enqueue_indirect_dma source(%dma_start3A_29 : memref<65536x128xf32, #tpu.memory_space<hbm>>) target(%arg6 : memref<128x128xf32, #tpu.memory_space<vmem>>) offsets(%dma_start3A_26 : memref<128xi32, #tpu.memory_space<vmem>>) semaphore(%arg7 : memref<!tpu.dma_semaphore, #tpu.memory_space<semaphore_mem>>)
    %dma_wait3A_30 = arith.constant 256 : i32
    %dma_wait3A_31 = tpu.memref_slice %arg5[%dma_wait3A_30] : memref<2048xi32, #tpu.memory_space<vmem>> -> memref<128xi32, #tpu.memory_space<vmem>>
    %dma_wait3A_32 = arith.constant 0 : i32
    %dma_wait3A_33 = arith.constant 0 : i32
    %dma_wait3A_34 = tpu.memref_slice %arg2[%dma_wait3A_32, %dma_wait3A_33] : memref<65536x128xf32, #tpu.memory_space<hbm>> -> memref<65536x128xf32, #tpu.memory_space<hbm>>
    tpu.wait_indirect_dma semaphore(%arg7 : memref<!tpu.dma_semaphore, #tpu.memory_space<semaphore_mem>>) src(%dma_wait3A_34 : memref<65536x128xf32, #tpu.memory_space<hbm>>) dst(%arg6 : memref<128x128xf32, #tpu.memory_space<vmem>>)
    %add3A_35 = arith.constant 256 : i32
    %add3A_36 = arith.addi %mul3A_2, %add3A_35 : i32
    "tpu.region"() ({
      %run_scoped3A = tpu.sem_alloc : memref<!tpu.dma_semaphore, #tpu.memory_space<semaphore_mem>>
      %dma_start3A_193 = arith.constant 0 : i32
      %dma_start3A_194 = tpu.memref_slice %arg4[%add3A_36, %dma_start3A_193] : memref<65536x128xf32, #tpu.memory_space<hbm>> -> memref<128x128xf32, #tpu.memory_space<hbm>>
      %dma_start3A_195 = arith.constant 0 : i32
      %dma_start3A_196 = tpu.memref_slice %arg4[%add3A_36, %dma_start3A_195] : memref<65536x128xf32, #tpu.memory_space<hbm>> -> memref<128x128xf32, #tpu.memory_space<hbm>>
      tpu.enqueue_dma source(%arg6 : memref<128x128xf32, #tpu.memory_space<vmem>>) target(%dma_start3A_196 : memref<128x128xf32, #tpu.memory_space<hbm>>) target_semaphore(%run_scoped3A : memref<!tpu.dma_semaphore, #tpu.memory_space<semaphore_mem>>)
      %dma_wait3A_197 = arith.constant 0 : i32
      %dma_wait3A_198 = tpu.memref_slice %arg4[%add3A_36, %dma_wait3A_197] : memref<65536x128xf32, #tpu.memory_space<hbm>> -> memref<128x128xf32, #tpu.memory_space<hbm>>
      %dma_wait3A_199 = arith.constant 0 : i32
      %dma_wait3A_200 = tpu.memref_slice %arg4[%add3A_36, %dma_wait3A_199] : memref<65536x128xf32, #tpu.memory_space<hbm>> -> memref<128x128xf32, #tpu.memory_space<hbm>>
      tpu.wait_dma2 semaphore(%run_scoped3A : memref<!tpu.dma_semaphore, #tpu.memory_space<semaphore_mem>>) src(%arg6 : memref<128x128xf32, #tpu.memory_space<vmem>>) dst(%dma_wait3A_200 : memref<128x128xf32, #tpu.memory_space<hbm>>)
      tpu.yield
    }) : () -> ()
    %dma_start3A_37 = arith.constant 384 : i32
    %dma_start3A_38 = tpu.memref_slice %arg5[%dma_start3A_37] : memref<2048xi32, #tpu.memory_space<vmem>> -> memref<128xi32, #tpu.memory_space<vmem>>
    %dma_start3A_39 = arith.constant 0 : i32
    %dma_start3A_40 = arith.constant 0 : i32
    %dma_start3A_41 = tpu.memref_slice %arg2[%dma_start3A_39, %dma_start3A_40] : memref<65536x128xf32, #tpu.memory_space<hbm>> -> memref<65536x128xf32, #tpu.memory_space<hbm>>
    tpu.enqueue_indirect_dma source(%dma_start3A_41 : memref<65536x128xf32, #tpu.memory_space<hbm>>) target(%arg6 : memref<128x128xf32, #tpu.memory_space<vmem>>) offsets(%dma_start3A_38 : memref<128xi32, #tpu.memory_space<vmem>>) semaphore(%arg7 : memref<!tpu.dma_semaphore, #tpu.memory_space<semaphore_mem>>)
    %dma_wait3A_42 = arith.constant 384 : i32
    %dma_wait3A_43 = tpu.memref_slice %arg5[%dma_wait3A_42] : memref<2048xi32, #tpu.memory_space<vmem>> -> memref<128xi32, #tpu.memory_space<vmem>>
    %dma_wait3A_44 = arith.constant 0 : i32
    %dma_wait3A_45 = arith.constant 0 : i32
    %dma_wait3A_46 = tpu.memref_slice %arg2[%dma_wait3A_44, %dma_wait3A_45] : memref<65536x128xf32, #tpu.memory_space<hbm>> -> memref<65536x128xf32, #tpu.memory_space<hbm>>
    tpu.wait_indirect_dma semaphore(%arg7 : memref<!tpu.dma_semaphore, #tpu.memory_space<semaphore_mem>>) src(%dma_wait3A_46 : memref<65536x128xf32, #tpu.memory_space<hbm>>) dst(%arg6 : memref<128x128xf32, #tpu.memory_space<vmem>>)
    %add3A_47 = arith.constant 384 : i32
    %add3A_48 = arith.addi %mul3A_2, %add3A_47 : i32
    "tpu.region"() ({
      %run_scoped3A = tpu.sem_alloc : memref<!tpu.dma_semaphore, #tpu.memory_space<semaphore_mem>>
      %dma_start3A_193 = arith.constant 0 : i32
      %dma_start3A_194 = tpu.memref_slice %arg4[%add3A_48, %dma_start3A_193] : memref<65536x128xf32, #tpu.memory_space<hbm>> -> memref<128x128xf32, #tpu.memory_space<hbm>>
      %dma_start3A_195 = arith.constant 0 : i32
      %dma_start3A_196 = tpu.memref_slice %arg4[%add3A_48, %dma_start3A_195] : memref<65536x128xf32, #tpu.memory_space<hbm>> -> memref<128x128xf32, #tpu.memory_space<hbm>>
      tpu.enqueue_dma source(%arg6 : memref<128x128xf32, #tpu.memory_space<vmem>>) target(%dma_start3A_196 : memref<128x128xf32, #tpu.memory_space<hbm>>) target_semaphore(%run_scoped3A : memref<!tpu.dma_semaphore, #tpu.memory_space<semaphore_mem>>)
      %dma_wait3A_197 = arith.constant 0 : i32
      %dma_wait3A_198 = tpu.memref_slice %arg4[%add3A_48, %dma_wait3A_197] : memref<65536x128xf32, #tpu.memory_space<hbm>> -> memref<128x128xf32, #tpu.memory_space<hbm>>
      %dma_wait3A_199 = arith.constant 0 : i32
      %dma_wait3A_200 = tpu.memref_slice %arg4[%add3A_48, %dma_wait3A_199] : memref<65536x128xf32, #tpu.memory_space<hbm>> -> memref<128x128xf32, #tpu.memory_space<hbm>>
      tpu.wait_dma2 semaphore(%run_scoped3A : memref<!tpu.dma_semaphore, #tpu.memory_space<semaphore_mem>>) src(%arg6 : memref<128x128xf32, #tpu.memory_space<vmem>>) dst(%dma_wait3A_200 : memref<128x128xf32, #tpu.memory_space<hbm>>)
      tpu.yield
    }) : () -> ()
    %dma_start3A_49 = arith.constant 512 : i32
    %dma_start3A_50 = tpu.memref_slice %arg5[%dma_start3A_49] : memref<2048xi32, #tpu.memory_space<vmem>> -> memref<128xi32, #tpu.memory_space<vmem>>
    %dma_start3A_51 = arith.constant 0 : i32
    %dma_start3A_52 = arith.constant 0 : i32
    %dma_start3A_53 = tpu.memref_slice %arg2[%dma_start3A_51, %dma_start3A_52] : memref<65536x128xf32, #tpu.memory_space<hbm>> -> memref<65536x128xf32, #tpu.memory_space<hbm>>
    tpu.enqueue_indirect_dma source(%dma_start3A_53 : memref<65536x128xf32, #tpu.memory_space<hbm>>) target(%arg6 : memref<128x128xf32, #tpu.memory_space<vmem>>) offsets(%dma_start3A_50 : memref<128xi32, #tpu.memory_space<vmem>>) semaphore(%arg7 : memref<!tpu.dma_semaphore, #tpu.memory_space<semaphore_mem>>)
    %dma_wait3A_54 = arith.constant 512 : i32
    %dma_wait3A_55 = tpu.memref_slice %arg5[%dma_wait3A_54] : memref<2048xi32, #tpu.memory_space<vmem>> -> memref<128xi32, #tpu.memory_space<vmem>>
    %dma_wait3A_56 = arith.constant 0 : i32
    %dma_wait3A_57 = arith.constant 0 : i32
    %dma_wait3A_58 = tpu.memref_slice %arg2[%dma_wait3A_56, %dma_wait3A_57] : memref<65536x128xf32, #tpu.memory_space<hbm>> -> memref<65536x128xf32, #tpu.memory_space<hbm>>
    tpu.wait_indirect_dma semaphore(%arg7 : memref<!tpu.dma_semaphore, #tpu.memory_space<semaphore_mem>>) src(%dma_wait3A_58 : memref<65536x128xf32, #tpu.memory_space<hbm>>) dst(%arg6 : memref<128x128xf32, #tpu.memory_space<vmem>>)
    %add3A_59 = arith.constant 512 : i32
    %add3A_60 = arith.addi %mul3A_2, %add3A_59 : i32
    "tpu.region"() ({
      %run_scoped3A = tpu.sem_alloc : memref<!tpu.dma_semaphore, #tpu.memory_space<semaphore_mem>>
      %dma_start3A_193 = arith.constant 0 : i32
      %dma_start3A_194 = tpu.memref_slice %arg4[%add3A_60, %dma_start3A_193] : memref<65536x128xf32, #tpu.memory_space<hbm>> -> memref<128x128xf32, #tpu.memory_space<hbm>>
      %dma_start3A_195 = arith.constant 0 : i32
      %dma_start3A_196 = tpu.memref_slice %arg4[%add3A_60, %dma_start3A_195] : memref<65536x128xf32, #tpu.memory_space<hbm>> -> memref<128x128xf32, #tpu.memory_space<hbm>>
      tpu.enqueue_dma source(%arg6 : memref<128x128xf32, #tpu.memory_space<vmem>>) target(%dma_start3A_196 : memref<128x128xf32, #tpu.memory_space<hbm>>) target_semaphore(%run_scoped3A : memref<!tpu.dma_semaphore, #tpu.memory_space<semaphore_mem>>)
      %dma_wait3A_197 = arith.constant 0 : i32
      %dma_wait3A_198 = tpu.memref_slice %arg4[%add3A_60, %dma_wait3A_197] : memref<65536x128xf32, #tpu.memory_space<hbm>> -> memref<128x128xf32, #tpu.memory_space<hbm>>
      %dma_wait3A_199 = arith.constant 0 : i32
      %dma_wait3A_200 = tpu.memref_slice %arg4[%add3A_60, %dma_wait3A_199] : memref<65536x128xf32, #tpu.memory_space<hbm>> -> memref<128x128xf32, #tpu.memory_space<hbm>>
      tpu.wait_dma2 semaphore(%run_scoped3A : memref<!tpu.dma_semaphore, #tpu.memory_space<semaphore_mem>>) src(%arg6 : memref<128x128xf32, #tpu.memory_space<vmem>>) dst(%dma_wait3A_200 : memref<128x128xf32, #tpu.memory_space<hbm>>)
      tpu.yield
    }) : () -> ()
    %dma_start3A_61 = arith.constant 640 : i32
    %dma_start3A_62 = tpu.memref_slice %arg5[%dma_start3A_61] : memref<2048xi32, #tpu.memory_space<vmem>> -> memref<128xi32, #tpu.memory_space<vmem>>
    %dma_start3A_63 = arith.constant 0 : i32
    %dma_start3A_64 = arith.constant 0 : i32
    %dma_start3A_65 = tpu.memref_slice %arg2[%dma_start3A_63, %dma_start3A_64] : memref<65536x128xf32, #tpu.memory_space<hbm>> -> memref<65536x128xf32, #tpu.memory_space<hbm>>
    tpu.enqueue_indirect_dma source(%dma_start3A_65 : memref<65536x128xf32, #tpu.memory_space<hbm>>) target(%arg6 : memref<128x128xf32, #tpu.memory_space<vmem>>) offsets(%dma_start3A_62 : memref<128xi32, #tpu.memory_space<vmem>>) semaphore(%arg7 : memref<!tpu.dma_semaphore, #tpu.memory_space<semaphore_mem>>)
    %dma_wait3A_66 = arith.constant 640 : i32
    %dma_wait3A_67 = tpu.memref_slice %arg5[%dma_wait3A_66] : memref<2048xi32, #tpu.memory_space<vmem>> -> memref<128xi32, #tpu.memory_space<vmem>>
    %dma_wait3A_68 = arith.constant 0 : i32
    %dma_wait3A_69 = arith.constant 0 : i32
    %dma_wait3A_70 = tpu.memref_slice %arg2[%dma_wait3A_68, %dma_wait3A_69] : memref<65536x128xf32, #tpu.memory_space<hbm>> -> memref<65536x128xf32, #tpu.memory_space<hbm>>
    tpu.wait_indirect_dma semaphore(%arg7 : memref<!tpu.dma_semaphore, #tpu.memory_space<semaphore_mem>>) src(%dma_wait3A_70 : memref<65536x128xf32, #tpu.memory_space<hbm>>) dst(%arg6 : memref<128x128xf32, #tpu.memory_space<vmem>>)
    %add3A_71 = arith.constant 640 : i32
    %add3A_72 = arith.addi %mul3A_2, %add3A_71 : i32
    "tpu.region"() ({
      %run_scoped3A = tpu.sem_alloc : memref<!tpu.dma_semaphore, #tpu.memory_space<semaphore_mem>>
      %dma_start3A_193 = arith.constant 0 : i32
      %dma_start3A_194 = tpu.memref_slice %arg4[%add3A_72, %dma_start3A_193] : memref<65536x128xf32, #tpu.memory_space<hbm>> -> memref<128x128xf32, #tpu.memory_space<hbm>>
      %dma_start3A_195 = arith.constant 0 : i32
      %dma_start3A_196 = tpu.memref_slice %arg4[%add3A_72, %dma_start3A_195] : memref<65536x128xf32, #tpu.memory_space<hbm>> -> memref<128x128xf32, #tpu.memory_space<hbm>>
      tpu.enqueue_dma source(%arg6 : memref<128x128xf32, #tpu.memory_space<vmem>>) target(%dma_start3A_196 : memref<128x128xf32, #tpu.memory_space<hbm>>) target_semaphore(%run_scoped3A : memref<!tpu.dma_semaphore, #tpu.memory_space<semaphore_mem>>)
      %dma_wait3A_197 = arith.constant 0 : i32
      %dma_wait3A_198 = tpu.memref_slice %arg4[%add3A_72, %dma_wait3A_197] : memref<65536x128xf32, #tpu.memory_space<hbm>> -> memref<128x128xf32, #tpu.memory_space<hbm>>
      %dma_wait3A_199 = arith.constant 0 : i32
      %dma_wait3A_200 = tpu.memref_slice %arg4[%add3A_72, %dma_wait3A_199] : memref<65536x128xf32, #tpu.memory_space<hbm>> -> memref<128x128xf32, #tpu.memory_space<hbm>>
      tpu.wait_dma2 semaphore(%run_scoped3A : memref<!tpu.dma_semaphore, #tpu.memory_space<semaphore_mem>>) src(%arg6 : memref<128x128xf32, #tpu.memory_space<vmem>>) dst(%dma_wait3A_200 : memref<128x128xf32, #tpu.memory_space<hbm>>)
      tpu.yield
    }) : () -> ()
    %dma_start3A_73 = arith.constant 768 : i32
    %dma_start3A_74 = tpu.memref_slice %arg5[%dma_start3A_73] : memref<2048xi32, #tpu.memory_space<vmem>> -> memref<128xi32, #tpu.memory_space<vmem>>
    %dma_start3A_75 = arith.constant 0 : i32
    %dma_start3A_76 = arith.constant 0 : i32
    %dma_start3A_77 = tpu.memref_slice %arg2[%dma_start3A_75, %dma_start3A_76] : memref<65536x128xf32, #tpu.memory_space<hbm>> -> memref<65536x128xf32, #tpu.memory_space<hbm>>
    tpu.enqueue_indirect_dma source(%dma_start3A_77 : memref<65536x128xf32, #tpu.memory_space<hbm>>) target(%arg6 : memref<128x128xf32, #tpu.memory_space<vmem>>) offsets(%dma_start3A_74 : memref<128xi32, #tpu.memory_space<vmem>>) semaphore(%arg7 : memref<!tpu.dma_semaphore, #tpu.memory_space<semaphore_mem>>)
    %dma_wait3A_78 = arith.constant 768 : i32
    %dma_wait3A_79 = tpu.memref_slice %arg5[%dma_wait3A_78] : memref<2048xi32, #tpu.memory_space<vmem>> -> memref<128xi32, #tpu.memory_space<vmem>>
    %dma_wait3A_80 = arith.constant 0 : i32
    %dma_wait3A_81 = arith.constant 0 : i32
    %dma_wait3A_82 = tpu.memref_slice %arg2[%dma_wait3A_80, %dma_wait3A_81] : memref<65536x128xf32, #tpu.memory_space<hbm>> -> memref<65536x128xf32, #tpu.memory_space<hbm>>
    tpu.wait_indirect_dma semaphore(%arg7 : memref<!tpu.dma_semaphore, #tpu.memory_space<semaphore_mem>>) src(%dma_wait3A_82 : memref<65536x128xf32, #tpu.memory_space<hbm>>) dst(%arg6 : memref<128x128xf32, #tpu.memory_space<vmem>>)
    %add3A_83 = arith.constant 768 : i32
    %add3A_84 = arith.addi %mul3A_2, %add3A_83 : i32
    "tpu.region"() ({
      %run_scoped3A = tpu.sem_alloc : memref<!tpu.dma_semaphore, #tpu.memory_space<semaphore_mem>>
      %dma_start3A_193 = arith.constant 0 : i32
      %dma_start3A_194 = tpu.memref_slice %arg4[%add3A_84, %dma_start3A_193] : memref<65536x128xf32, #tpu.memory_space<hbm>> -> memref<128x128xf32, #tpu.memory_space<hbm>>
      %dma_start3A_195 = arith.constant 0 : i32
      %dma_start3A_196 = tpu.memref_slice %arg4[%add3A_84, %dma_start3A_195] : memref<65536x128xf32, #tpu.memory_space<hbm>> -> memref<128x128xf32, #tpu.memory_space<hbm>>
      tpu.enqueue_dma source(%arg6 : memref<128x128xf32, #tpu.memory_space<vmem>>) target(%dma_start3A_196 : memref<128x128xf32, #tpu.memory_space<hbm>>) target_semaphore(%run_scoped3A : memref<!tpu.dma_semaphore, #tpu.memory_space<semaphore_mem>>)
      %dma_wait3A_197 = arith.constant 0 : i32
      %dma_wait3A_198 = tpu.memref_slice %arg4[%add3A_84, %dma_wait3A_197] : memref<65536x128xf32, #tpu.memory_space<hbm>> -> memref<128x128xf32, #tpu.memory_space<hbm>>
      %dma_wait3A_199 = arith.constant 0 : i32
      %dma_wait3A_200 = tpu.memref_slice %arg4[%add3A_84, %dma_wait3A_199] : memref<65536x128xf32, #tpu.memory_space<hbm>> -> memref<128x128xf32, #tpu.memory_space<hbm>>
      tpu.wait_dma2 semaphore(%run_scoped3A : memref<!tpu.dma_semaphore, #tpu.memory_space<semaphore_mem>>) src(%arg6 : memref<128x128xf32, #tpu.memory_space<vmem>>) dst(%dma_wait3A_200 : memref<128x128xf32, #tpu.memory_space<hbm>>)
      tpu.yield
    }) : () -> ()
    %dma_start3A_85 = arith.constant 896 : i32
    %dma_start3A_86 = tpu.memref_slice %arg5[%dma_start3A_85] : memref<2048xi32, #tpu.memory_space<vmem>> -> memref<128xi32, #tpu.memory_space<vmem>>
    %dma_start3A_87 = arith.constant 0 : i32
    %dma_start3A_88 = arith.constant 0 : i32
    %dma_start3A_89 = tpu.memref_slice %arg2[%dma_start3A_87, %dma_start3A_88] : memref<65536x128xf32, #tpu.memory_space<hbm>> -> memref<65536x128xf32, #tpu.memory_space<hbm>>
    tpu.enqueue_indirect_dma source(%dma_start3A_89 : memref<65536x128xf32, #tpu.memory_space<hbm>>) target(%arg6 : memref<128x128xf32, #tpu.memory_space<vmem>>) offsets(%dma_start3A_86 : memref<128xi32, #tpu.memory_space<vmem>>) semaphore(%arg7 : memref<!tpu.dma_semaphore, #tpu.memory_space<semaphore_mem>>)
    %dma_wait3A_90 = arith.constant 896 : i32
    %dma_wait3A_91 = tpu.memref_slice %arg5[%dma_wait3A_90] : memref<2048xi32, #tpu.memory_space<vmem>> -> memref<128xi32, #tpu.memory_space<vmem>>
    %dma_wait3A_92 = arith.constant 0 : i32
    %dma_wait3A_93 = arith.constant 0 : i32
    %dma_wait3A_94 = tpu.memref_slice %arg2[%dma_wait3A_92, %dma_wait3A_93] : memref<65536x128xf32, #tpu.memory_space<hbm>> -> memref<65536x128xf32, #tpu.memory_space<hbm>>
    tpu.wait_indirect_dma semaphore(%arg7 : memref<!tpu.dma_semaphore, #tpu.memory_space<semaphore_mem>>) src(%dma_wait3A_94 : memref<65536x128xf32, #tpu.memory_space<hbm>>) dst(%arg6 : memref<128x128xf32, #tpu.memory_space<vmem>>)
    %add3A_95 = arith.constant 896 : i32
    %add3A_96 = arith.addi %mul3A_2, %add3A_95 : i32
    "tpu.region"() ({
      %run_scoped3A = tpu.sem_alloc : memref<!tpu.dma_semaphore, #tpu.memory_space<semaphore_mem>>
      %dma_start3A_193 = arith.constant 0 : i32
      %dma_start3A_194 = tpu.memref_slice %arg4[%add3A_96, %dma_start3A_193] : memref<65536x128xf32, #tpu.memory_space<hbm>> -> memref<128x128xf32, #tpu.memory_space<hbm>>
      %dma_start3A_195 = arith.constant 0 : i32
      %dma_start3A_196 = tpu.memref_slice %arg4[%add3A_96, %dma_start3A_195] : memref<65536x128xf32, #tpu.memory_space<hbm>> -> memref<128x128xf32, #tpu.memory_space<hbm>>
      tpu.enqueue_dma source(%arg6 : memref<128x128xf32, #tpu.memory_space<vmem>>) target(%dma_start3A_196 : memref<128x128xf32, #tpu.memory_space<hbm>>) target_semaphore(%run_scoped3A : memref<!tpu.dma_semaphore, #tpu.memory_space<semaphore_mem>>)
      %dma_wait3A_197 = arith.constant 0 : i32
      %dma_wait3A_198 = tpu.memref_slice %arg4[%add3A_96, %dma_wait3A_197] : memref<65536x128xf32, #tpu.memory_space<hbm>> -> memref<128x128xf32, #tpu.memory_space<hbm>>
      %dma_wait3A_199 = arith.constant 0 : i32
      %dma_wait3A_200 = tpu.memref_slice %arg4[%add3A_96, %dma_wait3A_199] : memref<65536x128xf32, #tpu.memory_space<hbm>> -> memref<128x128xf32, #tpu.memory_space<hbm>>
      tpu.wait_dma2 semaphore(%run_scoped3A : memref<!tpu.dma_semaphore, #tpu.memory_space<semaphore_mem>>) src(%arg6 : memref<128x128xf32, #tpu.memory_space<vmem>>) dst(%dma_wait3A_200 : memref<128x128xf32, #tpu.memory_space<hbm>>)
      tpu.yield
    }) : () -> ()
    %dma_start3A_97 = arith.constant 1024 : i32
    %dma_start3A_98 = tpu.memref_slice %arg5[%dma_start3A_97] : memref<2048xi32, #tpu.memory_space<vmem>> -> memref<128xi32, #tpu.memory_space<vmem>>
    %dma_start3A_99 = arith.constant 0 : i32
    %dma_start3A_100 = arith.constant 0 : i32
    %dma_start3A_101 = tpu.memref_slice %arg2[%dma_start3A_99, %dma_start3A_100] : memref<65536x128xf32, #tpu.memory_space<hbm>> -> memref<65536x128xf32, #tpu.memory_space<hbm>>
    tpu.enqueue_indirect_dma source(%dma_start3A_101 : memref<65536x128xf32, #tpu.memory_space<hbm>>) target(%arg6 : memref<128x128xf32, #tpu.memory_space<vmem>>) offsets(%dma_start3A_98 : memref<128xi32, #tpu.memory_space<vmem>>) semaphore(%arg7 : memref<!tpu.dma_semaphore, #tpu.memory_space<semaphore_mem>>)
    %dma_wait3A_102 = arith.constant 1024 : i32
    %dma_wait3A_103 = tpu.memref_slice %arg5[%dma_wait3A_102] : memref<2048xi32, #tpu.memory_space<vmem>> -> memref<128xi32, #tpu.memory_space<vmem>>
    %dma_wait3A_104 = arith.constant 0 : i32
    %dma_wait3A_105 = arith.constant 0 : i32
    %dma_wait3A_106 = tpu.memref_slice %arg2[%dma_wait3A_104, %dma_wait3A_105] : memref<65536x128xf32, #tpu.memory_space<hbm>> -> memref<65536x128xf32, #tpu.memory_space<hbm>>
    tpu.wait_indirect_dma semaphore(%arg7 : memref<!tpu.dma_semaphore, #tpu.memory_space<semaphore_mem>>) src(%dma_wait3A_106 : memref<65536x128xf32, #tpu.memory_space<hbm>>) dst(%arg6 : memref<128x128xf32, #tpu.memory_space<vmem>>)
    %add3A_107 = arith.constant 1024 : i32
    %add3A_108 = arith.addi %mul3A_2, %add3A_107 : i32
    "tpu.region"() ({
      %run_scoped3A = tpu.sem_alloc : memref<!tpu.dma_semaphore, #tpu.memory_space<semaphore_mem>>
      %dma_start3A_193 = arith.constant 0 : i32
      %dma_start3A_194 = tpu.memref_slice %arg4[%add3A_108, %dma_start3A_193] : memref<65536x128xf32, #tpu.memory_space<hbm>> -> memref<128x128xf32, #tpu.memory_space<hbm>>
      %dma_start3A_195 = arith.constant 0 : i32
      %dma_start3A_196 = tpu.memref_slice %arg4[%add3A_108, %dma_start3A_195] : memref<65536x128xf32, #tpu.memory_space<hbm>> -> memref<128x128xf32, #tpu.memory_space<hbm>>
      tpu.enqueue_dma source(%arg6 : memref<128x128xf32, #tpu.memory_space<vmem>>) target(%dma_start3A_196 : memref<128x128xf32, #tpu.memory_space<hbm>>) target_semaphore(%run_scoped3A : memref<!tpu.dma_semaphore, #tpu.memory_space<semaphore_mem>>)
      %dma_wait3A_197 = arith.constant 0 : i32
      %dma_wait3A_198 = tpu.memref_slice %arg4[%add3A_108, %dma_wait3A_197] : memref<65536x128xf32, #tpu.memory_space<hbm>> -> memref<128x128xf32, #tpu.memory_space<hbm>>
      %dma_wait3A_199 = arith.constant 0 : i32
      %dma_wait3A_200 = tpu.memref_slice %arg4[%add3A_108, %dma_wait3A_199] : memref<65536x128xf32, #tpu.memory_space<hbm>> -> memref<128x128xf32, #tpu.memory_space<hbm>>
      tpu.wait_dma2 semaphore(%run_scoped3A : memref<!tpu.dma_semaphore, #tpu.memory_space<semaphore_mem>>) src(%arg6 : memref<128x128xf32, #tpu.memory_space<vmem>>) dst(%dma_wait3A_200 : memref<128x128xf32, #tpu.memory_space<hbm>>)
      tpu.yield
    }) : () -> ()
    %dma_start3A_109 = arith.constant 1152 : i32
    %dma_start3A_110 = tpu.memref_slice %arg5[%dma_start3A_109] : memref<2048xi32, #tpu.memory_space<vmem>> -> memref<128xi32, #tpu.memory_space<vmem>>
    %dma_start3A_111 = arith.constant 0 : i32
    %dma_start3A_112 = arith.constant 0 : i32
    %dma_start3A_113 = tpu.memref_slice %arg2[%dma_start3A_111, %dma_start3A_112] : memref<65536x128xf32, #tpu.memory_space<hbm>> -> memref<65536x128xf32, #tpu.memory_space<hbm>>
    tpu.enqueue_indirect_dma source(%dma_start3A_113 : memref<65536x128xf32, #tpu.memory_space<hbm>>) target(%arg6 : memref<128x128xf32, #tpu.memory_space<vmem>>) offsets(%dma_start3A_110 : memref<128xi32, #tpu.memory_space<vmem>>) semaphore(%arg7 : memref<!tpu.dma_semaphore, #tpu.memory_space<semaphore_mem>>)
    %dma_wait3A_114 = arith.constant 1152 : i32
    %dma_wait3A_115 = tpu.memref_slice %arg5[%dma_wait3A_114] : memref<2048xi32, #tpu.memory_space<vmem>> -> memref<128xi32, #tpu.memory_space<vmem>>
    %dma_wait3A_116 = arith.constant 0 : i32
    %dma_wait3A_117 = arith.constant 0 : i32
    %dma_wait3A_118 = tpu.memref_slice %arg2[%dma_wait3A_116, %dma_wait3A_117] : memref<65536x128xf32, #tpu.memory_space<hbm>> -> memref<65536x128xf32, #tpu.memory_space<hbm>>
    tpu.wait_indirect_dma semaphore(%arg7 : memref<!tpu.dma_semaphore, #tpu.memory_space<semaphore_mem>>) src(%dma_wait3A_118 : memref<65536x128xf32, #tpu.memory_space<hbm>>) dst(%arg6 : memref<128x128xf32, #tpu.memory_space<vmem>>)
    %add3A_119 = arith.constant 1152 : i32
    %add3A_120 = arith.addi %mul3A_2, %add3A_119 : i32
    "tpu.region"() ({
      %run_scoped3A = tpu.sem_alloc : memref<!tpu.dma_semaphore, #tpu.memory_space<semaphore_mem>>
      %dma_start3A_193 = arith.constant 0 : i32
      %dma_start3A_194 = tpu.memref_slice %arg4[%add3A_120, %dma_start3A_193] : memref<65536x128xf32, #tpu.memory_space<hbm>> -> memref<128x128xf32, #tpu.memory_space<hbm>>
      %dma_start3A_195 = arith.constant 0 : i32
      %dma_start3A_196 = tpu.memref_slice %arg4[%add3A_120, %dma_start3A_195] : memref<65536x128xf32, #tpu.memory_space<hbm>> -> memref<128x128xf32, #tpu.memory_space<hbm>>
      tpu.enqueue_dma source(%arg6 : memref<128x128xf32, #tpu.memory_space<vmem>>) target(%dma_start3A_196 : memref<128x128xf32, #tpu.memory_space<hbm>>) target_semaphore(%run_scoped3A : memref<!tpu.dma_semaphore, #tpu.memory_space<semaphore_mem>>)
      %dma_wait3A_197 = arith.constant 0 : i32
      %dma_wait3A_198 = tpu.memref_slice %arg4[%add3A_120, %dma_wait3A_197] : memref<65536x128xf32, #tpu.memory_space<hbm>> -> memref<128x128xf32, #tpu.memory_space<hbm>>
      %dma_wait3A_199 = arith.constant 0 : i32
      %dma_wait3A_200 = tpu.memref_slice %arg4[%add3A_120, %dma_wait3A_199] : memref<65536x128xf32, #tpu.memory_space<hbm>> -> memref<128x128xf32, #tpu.memory_space<hbm>>
      tpu.wait_dma2 semaphore(%run_scoped3A : memref<!tpu.dma_semaphore, #tpu.memory_space<semaphore_mem>>) src(%arg6 : memref<128x128xf32, #tpu.memory_space<vmem>>) dst(%dma_wait3A_200 : memref<128x128xf32, #tpu.memory_space<hbm>>)
      tpu.yield
    }) : () -> ()
    %dma_start3A_121 = arith.constant 1280 : i32
    %dma_start3A_122 = tpu.memref_slice %arg5[%dma_start3A_121] : memref<2048xi32, #tpu.memory_space<vmem>> -> memref<128xi32, #tpu.memory_space<vmem>>
    %dma_start3A_123 = arith.constant 0 : i32
    %dma_start3A_124 = arith.constant 0 : i32
    %dma_start3A_125 = tpu.memref_slice %arg2[%dma_start3A_123, %dma_start3A_124] : memref<65536x128xf32, #tpu.memory_space<hbm>> -> memref<65536x128xf32, #tpu.memory_space<hbm>>
    tpu.enqueue_indirect_dma source(%dma_start3A_125 : memref<65536x128xf32, #tpu.memory_space<hbm>>) target(%arg6 : memref<128x128xf32, #tpu.memory_space<vmem>>) offsets(%dma_start3A_122 : memref<128xi32, #tpu.memory_space<vmem>>) semaphore(%arg7 : memref<!tpu.dma_semaphore, #tpu.memory_space<semaphore_mem>>)
    %dma_wait3A_126 = arith.constant 1280 : i32
    %dma_wait3A_127 = tpu.memref_slice %arg5[%dma_wait3A_126] : memref<2048xi32, #tpu.memory_space<vmem>> -> memref<128xi32, #tpu.memory_space<vmem>>
    %dma_wait3A_128 = arith.constant 0 : i32
    %dma_wait3A_129 = arith.constant 0 : i32
    %dma_wait3A_130 = tpu.memref_slice %arg2[%dma_wait3A_128, %dma_wait3A_129] : memref<65536x128xf32, #tpu.memory_space<hbm>> -> memref<65536x128xf32, #tpu.memory_space<hbm>>
    tpu.wait_indirect_dma semaphore(%arg7 : memref<!tpu.dma_semaphore, #tpu.memory_space<semaphore_mem>>) src(%dma_wait3A_130 : memref<65536x128xf32, #tpu.memory_space<hbm>>) dst(%arg6 : memref<128x128xf32, #tpu.memory_space<vmem>>)
    %add3A_131 = arith.constant 1280 : i32
    %add3A_132 = arith.addi %mul3A_2, %add3A_131 : i32
    "tpu.region"() ({
      %run_scoped3A = tpu.sem_alloc : memref<!tpu.dma_semaphore, #tpu.memory_space<semaphore_mem>>
      %dma_start3A_193 = arith.constant 0 : i32
      %dma_start3A_194 = tpu.memref_slice %arg4[%add3A_132, %dma_start3A_193] : memref<65536x128xf32, #tpu.memory_space<hbm>> -> memref<128x128xf32, #tpu.memory_space<hbm>>
      %dma_start3A_195 = arith.constant 0 : i32
      %dma_start3A_196 = tpu.memref_slice %arg4[%add3A_132, %dma_start3A_195] : memref<65536x128xf32, #tpu.memory_space<hbm>> -> memref<128x128xf32, #tpu.memory_space<hbm>>
      tpu.enqueue_dma source(%arg6 : memref<128x128xf32, #tpu.memory_space<vmem>>) target(%dma_start3A_196 : memref<128x128xf32, #tpu.memory_space<hbm>>) target_semaphore(%run_scoped3A : memref<!tpu.dma_semaphore, #tpu.memory_space<semaphore_mem>>)
      %dma_wait3A_197 = arith.constant 0 : i32
      %dma_wait3A_198 = tpu.memref_slice %arg4[%add3A_132, %dma_wait3A_197] : memref<65536x128xf32, #tpu.memory_space<hbm>> -> memref<128x128xf32, #tpu.memory_space<hbm>>
      %dma_wait3A_199 = arith.constant 0 : i32
      %dma_wait3A_200 = tpu.memref_slice %arg4[%add3A_132, %dma_wait3A_199] : memref<65536x128xf32, #tpu.memory_space<hbm>> -> memref<128x128xf32, #tpu.memory_space<hbm>>
      tpu.wait_dma2 semaphore(%run_scoped3A : memref<!tpu.dma_semaphore, #tpu.memory_space<semaphore_mem>>) src(%arg6 : memref<128x128xf32, #tpu.memory_space<vmem>>) dst(%dma_wait3A_200 : memref<128x128xf32, #tpu.memory_space<hbm>>)
      tpu.yield
    }) : () -> ()
    %dma_start3A_133 = arith.constant 1408 : i32
    %dma_start3A_134 = tpu.memref_slice %arg5[%dma_start3A_133] : memref<2048xi32, #tpu.memory_space<vmem>> -> memref<128xi32, #tpu.memory_space<vmem>>
    %dma_start3A_135 = arith.constant 0 : i32
    %dma_start3A_136 = arith.constant 0 : i32
    %dma_start3A_137 = tpu.memref_slice %arg2[%dma_start3A_135, %dma_start3A_136] : memref<65536x128xf32, #tpu.memory_space<hbm>> -> memref<65536x128xf32, #tpu.memory_space<hbm>>
    tpu.enqueue_indirect_dma source(%dma_start3A_137 : memref<65536x128xf32, #tpu.memory_space<hbm>>) target(%arg6 : memref<128x128xf32, #tpu.memory_space<vmem>>) offsets(%dma_start3A_134 : memref<128xi32, #tpu.memory_space<vmem>>) semaphore(%arg7 : memref<!tpu.dma_semaphore, #tpu.memory_space<semaphore_mem>>)
    %dma_wait3A_138 = arith.constant 1408 : i32
    %dma_wait3A_139 = tpu.memref_slice %arg5[%dma_wait3A_138] : memref<2048xi32, #tpu.memory_space<vmem>> -> memref<128xi32, #tpu.memory_space<vmem>>
    %dma_wait3A_140 = arith.constant 0 : i32
    %dma_wait3A_141 = arith.constant 0 : i32
    %dma_wait3A_142 = tpu.memref_slice %arg2[%dma_wait3A_140, %dma_wait3A_141] : memref<65536x128xf32, #tpu.memory_space<hbm>> -> memref<65536x128xf32, #tpu.memory_space<hbm>>
    tpu.wait_indirect_dma semaphore(%arg7 : memref<!tpu.dma_semaphore, #tpu.memory_space<semaphore_mem>>) src(%dma_wait3A_142 : memref<65536x128xf32, #tpu.memory_space<hbm>>) dst(%arg6 : memref<128x128xf32, #tpu.memory_space<vmem>>)
    %add3A_143 = arith.constant 1408 : i32
    %add3A_144 = arith.addi %mul3A_2, %add3A_143 : i32
    "tpu.region"() ({
      %run_scoped3A = tpu.sem_alloc : memref<!tpu.dma_semaphore, #tpu.memory_space<semaphore_mem>>
      %dma_start3A_193 = arith.constant 0 : i32
      %dma_start3A_194 = tpu.memref_slice %arg4[%add3A_144, %dma_start3A_193] : memref<65536x128xf32, #tpu.memory_space<hbm>> -> memref<128x128xf32, #tpu.memory_space<hbm>>
      %dma_start3A_195 = arith.constant 0 : i32
      %dma_start3A_196 = tpu.memref_slice %arg4[%add3A_144, %dma_start3A_195] : memref<65536x128xf32, #tpu.memory_space<hbm>> -> memref<128x128xf32, #tpu.memory_space<hbm>>
      tpu.enqueue_dma source(%arg6 : memref<128x128xf32, #tpu.memory_space<vmem>>) target(%dma_start3A_196 : memref<128x128xf32, #tpu.memory_space<hbm>>) target_semaphore(%run_scoped3A : memref<!tpu.dma_semaphore, #tpu.memory_space<semaphore_mem>>)
      %dma_wait3A_197 = arith.constant 0 : i32
      %dma_wait3A_198 = tpu.memref_slice %arg4[%add3A_144, %dma_wait3A_197] : memref<65536x128xf32, #tpu.memory_space<hbm>> -> memref<128x128xf32, #tpu.memory_space<hbm>>
      %dma_wait3A_199 = arith.constant 0 : i32
      %dma_wait3A_200 = tpu.memref_slice %arg4[%add3A_144, %dma_wait3A_199] : memref<65536x128xf32, #tpu.memory_space<hbm>> -> memref<128x128xf32, #tpu.memory_space<hbm>>
      tpu.wait_dma2 semaphore(%run_scoped3A : memref<!tpu.dma_semaphore, #tpu.memory_space<semaphore_mem>>) src(%arg6 : memref<128x128xf32, #tpu.memory_space<vmem>>) dst(%dma_wait3A_200 : memref<128x128xf32, #tpu.memory_space<hbm>>)
      tpu.yield
    }) : () -> ()
    %dma_start3A_145 = arith.constant 1536 : i32
    %dma_start3A_146 = tpu.memref_slice %arg5[%dma_start3A_145] : memref<2048xi32, #tpu.memory_space<vmem>> -> memref<128xi32, #tpu.memory_space<vmem>>
    %dma_start3A_147 = arith.constant 0 : i32
    %dma_start3A_148 = arith.constant 0 : i32
    %dma_start3A_149 = tpu.memref_slice %arg2[%dma_start3A_147, %dma_start3A_148] : memref<65536x128xf32, #tpu.memory_space<hbm>> -> memref<65536x128xf32, #tpu.memory_space<hbm>>
    tpu.enqueue_indirect_dma source(%dma_start3A_149 : memref<65536x128xf32, #tpu.memory_space<hbm>>) target(%arg6 : memref<128x128xf32, #tpu.memory_space<vmem>>) offsets(%dma_start3A_146 : memref<128xi32, #tpu.memory_space<vmem>>) semaphore(%arg7 : memref<!tpu.dma_semaphore, #tpu.memory_space<semaphore_mem>>)
    %dma_wait3A_150 = arith.constant 1536 : i32
    %dma_wait3A_151 = tpu.memref_slice %arg5[%dma_wait3A_150] : memref<2048xi32, #tpu.memory_space<vmem>> -> memref<128xi32, #tpu.memory_space<vmem>>
    %dma_wait3A_152 = arith.constant 0 : i32
    %dma_wait3A_153 = arith.constant 0 : i32
    %dma_wait3A_154 = tpu.memref_slice %arg2[%dma_wait3A_152, %dma_wait3A_153] : memref<65536x128xf32, #tpu.memory_space<hbm>> -> memref<65536x128xf32, #tpu.memory_space<hbm>>
    tpu.wait_indirect_dma semaphore(%arg7 : memref<!tpu.dma_semaphore, #tpu.memory_space<semaphore_mem>>) src(%dma_wait3A_154 : memref<65536x128xf32, #tpu.memory_space<hbm>>) dst(%arg6 : memref<128x128xf32, #tpu.memory_space<vmem>>)
    %add3A_155 = arith.constant 1536 : i32
    %add3A_156 = arith.addi %mul3A_2, %add3A_155 : i32
    "tpu.region"() ({
      %run_scoped3A = tpu.sem_alloc : memref<!tpu.dma_semaphore, #tpu.memory_space<semaphore_mem>>
      %dma_start3A_193 = arith.constant 0 : i32
      %dma_start3A_194 = tpu.memref_slice %arg4[%add3A_156, %dma_start3A_193] : memref<65536x128xf32, #tpu.memory_space<hbm>> -> memref<128x128xf32, #tpu.memory_space<hbm>>
      %dma_start3A_195 = arith.constant 0 : i32
      %dma_start3A_196 = tpu.memref_slice %arg4[%add3A_156, %dma_start3A_195] : memref<65536x128xf32, #tpu.memory_space<hbm>> -> memref<128x128xf32, #tpu.memory_space<hbm>>
      tpu.enqueue_dma source(%arg6 : memref<128x128xf32, #tpu.memory_space<vmem>>) target(%dma_start3A_196 : memref<128x128xf32, #tpu.memory_space<hbm>>) target_semaphore(%run_scoped3A : memref<!tpu.dma_semaphore, #tpu.memory_space<semaphore_mem>>)
      %dma_wait3A_197 = arith.constant 0 : i32
      %dma_wait3A_198 = tpu.memref_slice %arg4[%add3A_156, %dma_wait3A_197] : memref<65536x128xf32, #tpu.memory_space<hbm>> -> memref<128x128xf32, #tpu.memory_space<hbm>>
      %dma_wait3A_199 = arith.constant 0 : i32
      %dma_wait3A_200 = tpu.memref_slice %arg4[%add3A_156, %dma_wait3A_199] : memref<65536x128xf32, #tpu.memory_space<hbm>> -> memref<128x128xf32, #tpu.memory_space<hbm>>
      tpu.wait_dma2 semaphore(%run_scoped3A : memref<!tpu.dma_semaphore, #tpu.memory_space<semaphore_mem>>) src(%arg6 : memref<128x128xf32, #tpu.memory_space<vmem>>) dst(%dma_wait3A_200 : memref<128x128xf32, #tpu.memory_space<hbm>>)
      tpu.yield
    }) : () -> ()
    %dma_start3A_157 = arith.constant 1664 : i32
    %dma_start3A_158 = tpu.memref_slice %arg5[%dma_start3A_157] : memref<2048xi32, #tpu.memory_space<vmem>> -> memref<128xi32, #tpu.memory_space<vmem>>
    %dma_start3A_159 = arith.constant 0 : i32
    %dma_start3A_160 = arith.constant 0 : i32
    %dma_start3A_161 = tpu.memref_slice %arg2[%dma_start3A_159, %dma_start3A_160] : memref<65536x128xf32, #tpu.memory_space<hbm>> -> memref<65536x128xf32, #tpu.memory_space<hbm>>
    tpu.enqueue_indirect_dma source(%dma_start3A_161 : memref<65536x128xf32, #tpu.memory_space<hbm>>) target(%arg6 : memref<128x128xf32, #tpu.memory_space<vmem>>) offsets(%dma_start3A_158 : memref<128xi32, #tpu.memory_space<vmem>>) semaphore(%arg7 : memref<!tpu.dma_semaphore, #tpu.memory_space<semaphore_mem>>)
    %dma_wait3A_162 = arith.constant 1664 : i32
    %dma_wait3A_163 = tpu.memref_slice %arg5[%dma_wait3A_162] : memref<2048xi32, #tpu.memory_space<vmem>> -> memref<128xi32, #tpu.memory_space<vmem>>
    %dma_wait3A_164 = arith.constant 0 : i32
    %dma_wait3A_165 = arith.constant 0 : i32
    %dma_wait3A_166 = tpu.memref_slice %arg2[%dma_wait3A_164, %dma_wait3A_165] : memref<65536x128xf32, #tpu.memory_space<hbm>> -> memref<65536x128xf32, #tpu.memory_space<hbm>>
    tpu.wait_indirect_dma semaphore(%arg7 : memref<!tpu.dma_semaphore, #tpu.memory_space<semaphore_mem>>) src(%dma_wait3A_166 : memref<65536x128xf32, #tpu.memory_space<hbm>>) dst(%arg6 : memref<128x128xf32, #tpu.memory_space<vmem>>)
    %add3A_167 = arith.constant 1664 : i32
    %add3A_168 = arith.addi %mul3A_2, %add3A_167 : i32
    "tpu.region"() ({
      %run_scoped3A = tpu.sem_alloc : memref<!tpu.dma_semaphore, #tpu.memory_space<semaphore_mem>>
      %dma_start3A_193 = arith.constant 0 : i32
      %dma_start3A_194 = tpu.memref_slice %arg4[%add3A_168, %dma_start3A_193] : memref<65536x128xf32, #tpu.memory_space<hbm>> -> memref<128x128xf32, #tpu.memory_space<hbm>>
      %dma_start3A_195 = arith.constant 0 : i32
      %dma_start3A_196 = tpu.memref_slice %arg4[%add3A_168, %dma_start3A_195] : memref<65536x128xf32, #tpu.memory_space<hbm>> -> memref<128x128xf32, #tpu.memory_space<hbm>>
      tpu.enqueue_dma source(%arg6 : memref<128x128xf32, #tpu.memory_space<vmem>>) target(%dma_start3A_196 : memref<128x128xf32, #tpu.memory_space<hbm>>) target_semaphore(%run_scoped3A : memref<!tpu.dma_semaphore, #tpu.memory_space<semaphore_mem>>)
      %dma_wait3A_197 = arith.constant 0 : i32
      %dma_wait3A_198 = tpu.memref_slice %arg4[%add3A_168, %dma_wait3A_197] : memref<65536x128xf32, #tpu.memory_space<hbm>> -> memref<128x128xf32, #tpu.memory_space<hbm>>
      %dma_wait3A_199 = arith.constant 0 : i32
      %dma_wait3A_200 = tpu.memref_slice %arg4[%add3A_168, %dma_wait3A_199] : memref<65536x128xf32, #tpu.memory_space<hbm>> -> memref<128x128xf32, #tpu.memory_space<hbm>>
      tpu.wait_dma2 semaphore(%run_scoped3A : memref<!tpu.dma_semaphore, #tpu.memory_space<semaphore_mem>>) src(%arg6 : memref<128x128xf32, #tpu.memory_space<vmem>>) dst(%dma_wait3A_200 : memref<128x128xf32, #tpu.memory_space<hbm>>)
      tpu.yield
    }) : () -> ()
    %dma_start3A_169 = arith.constant 1792 : i32
    %dma_start3A_170 = tpu.memref_slice %arg5[%dma_start3A_169] : memref<2048xi32, #tpu.memory_space<vmem>> -> memref<128xi32, #tpu.memory_space<vmem>>
    %dma_start3A_171 = arith.constant 0 : i32
    %dma_start3A_172 = arith.constant 0 : i32
    %dma_start3A_173 = tpu.memref_slice %arg2[%dma_start3A_171, %dma_start3A_172] : memref<65536x128xf32, #tpu.memory_space<hbm>> -> memref<65536x128xf32, #tpu.memory_space<hbm>>
    tpu.enqueue_indirect_dma source(%dma_start3A_173 : memref<65536x128xf32, #tpu.memory_space<hbm>>) target(%arg6 : memref<128x128xf32, #tpu.memory_space<vmem>>) offsets(%dma_start3A_170 : memref<128xi32, #tpu.memory_space<vmem>>) semaphore(%arg7 : memref<!tpu.dma_semaphore, #tpu.memory_space<semaphore_mem>>)
    %dma_wait3A_174 = arith.constant 1792 : i32
    %dma_wait3A_175 = tpu.memref_slice %arg5[%dma_wait3A_174] : memref<2048xi32, #tpu.memory_space<vmem>> -> memref<128xi32, #tpu.memory_space<vmem>>
    %dma_wait3A_176 = arith.constant 0 : i32
    %dma_wait3A_177 = arith.constant 0 : i32
    %dma_wait3A_178 = tpu.memref_slice %arg2[%dma_wait3A_176, %dma_wait3A_177] : memref<65536x128xf32, #tpu.memory_space<hbm>> -> memref<65536x128xf32, #tpu.memory_space<hbm>>
    tpu.wait_indirect_dma semaphore(%arg7 : memref<!tpu.dma_semaphore, #tpu.memory_space<semaphore_mem>>) src(%dma_wait3A_178 : memref<65536x128xf32, #tpu.memory_space<hbm>>) dst(%arg6 : memref<128x128xf32, #tpu.memory_space<vmem>>)
    %add3A_179 = arith.constant 1792 : i32
    %add3A_180 = arith.addi %mul3A_2, %add3A_179 : i32
    "tpu.region"() ({
      %run_scoped3A = tpu.sem_alloc : memref<!tpu.dma_semaphore, #tpu.memory_space<semaphore_mem>>
      %dma_start3A_193 = arith.constant 0 : i32
      %dma_start3A_194 = tpu.memref_slice %arg4[%add3A_180, %dma_start3A_193] : memref<65536x128xf32, #tpu.memory_space<hbm>> -> memref<128x128xf32, #tpu.memory_space<hbm>>
      %dma_start3A_195 = arith.constant 0 : i32
      %dma_start3A_196 = tpu.memref_slice %arg4[%add3A_180, %dma_start3A_195] : memref<65536x128xf32, #tpu.memory_space<hbm>> -> memref<128x128xf32, #tpu.memory_space<hbm>>
      tpu.enqueue_dma source(%arg6 : memref<128x128xf32, #tpu.memory_space<vmem>>) target(%dma_start3A_196 : memref<128x128xf32, #tpu.memory_space<hbm>>) target_semaphore(%run_scoped3A : memref<!tpu.dma_semaphore, #tpu.memory_space<semaphore_mem>>)
      %dma_wait3A_197 = arith.constant 0 : i32
      %dma_wait3A_198 = tpu.memref_slice %arg4[%add3A_180, %dma_wait3A_197] : memref<65536x128xf32, #tpu.memory_space<hbm>> -> memref<128x128xf32, #tpu.memory_space<hbm>>
      %dma_wait3A_199 = arith.constant 0 : i32
      %dma_wait3A_200 = tpu.memref_slice %arg4[%add3A_180, %dma_wait3A_199] : memref<65536x128xf32, #tpu.memory_space<hbm>> -> memref<128x128xf32, #tpu.memory_space<hbm>>
      tpu.wait_dma2 semaphore(%run_scoped3A : memref<!tpu.dma_semaphore, #tpu.memory_space<semaphore_mem>>) src(%arg6 : memref<128x128xf32, #tpu.memory_space<vmem>>) dst(%dma_wait3A_200 : memref<128x128xf32, #tpu.memory_space<hbm>>)
      tpu.yield
    }) : () -> ()
    %dma_start3A_181 = arith.constant 1920 : i32
    %dma_start3A_182 = tpu.memref_slice %arg5[%dma_start3A_181] : memref<2048xi32, #tpu.memory_space<vmem>> -> memref<128xi32, #tpu.memory_space<vmem>>
    %dma_start3A_183 = arith.constant 0 : i32
    %dma_start3A_184 = arith.constant 0 : i32
    %dma_start3A_185 = tpu.memref_slice %arg2[%dma_start3A_183, %dma_start3A_184] : memref<65536x128xf32, #tpu.memory_space<hbm>> -> memref<65536x128xf32, #tpu.memory_space<hbm>>
    tpu.enqueue_indirect_dma source(%dma_start3A_185 : memref<65536x128xf32, #tpu.memory_space<hbm>>) target(%arg6 : memref<128x128xf32, #tpu.memory_space<vmem>>) offsets(%dma_start3A_182 : memref<128xi32, #tpu.memory_space<vmem>>) semaphore(%arg7 : memref<!tpu.dma_semaphore, #tpu.memory_space<semaphore_mem>>)
    %dma_wait3A_186 = arith.constant 1920 : i32
    %dma_wait3A_187 = tpu.memref_slice %arg5[%dma_wait3A_186] : memref<2048xi32, #tpu.memory_space<vmem>> -> memref<128xi32, #tpu.memory_space<vmem>>
    %dma_wait3A_188 = arith.constant 0 : i32
    %dma_wait3A_189 = arith.constant 0 : i32
    %dma_wait3A_190 = tpu.memref_slice %arg2[%dma_wait3A_188, %dma_wait3A_189] : memref<65536x128xf32, #tpu.memory_space<hbm>> -> memref<65536x128xf32, #tpu.memory_space<hbm>>
    tpu.wait_indirect_dma semaphore(%arg7 : memref<!tpu.dma_semaphore, #tpu.memory_space<semaphore_mem>>) src(%dma_wait3A_190 : memref<65536x128xf32, #tpu.memory_space<hbm>>) dst(%arg6 : memref<128x128xf32, #tpu.memory_space<vmem>>)
    %add3A_191 = arith.constant 1920 : i32
    %add3A_192 = arith.addi %mul3A_2, %add3A_191 : i32
    "tpu.region"() ({
      %run_scoped3A = tpu.sem_alloc : memref<!tpu.dma_semaphore, #tpu.memory_space<semaphore_mem>>
      %dma_start3A_193 = arith.constant 0 : i32
      %dma_start3A_194 = tpu.memref_slice %arg4[%add3A_192, %dma_start3A_193] : memref<65536x128xf32, #tpu.memory_space<hbm>> -> memref<128x128xf32, #tpu.memory_space<hbm>>
      %dma_start3A_195 = arith.constant 0 : i32
      %dma_start3A_196 = tpu.memref_slice %arg4[%add3A_192, %dma_start3A_195] : memref<65536x128xf32, #tpu.memory_space<hbm>> -> memref<128x128xf32, #tpu.memory_space<hbm>>
      tpu.enqueue_dma source(%arg6 : memref<128x128xf32, #tpu.memory_space<vmem>>) target(%dma_start3A_196 : memref<128x128xf32, #tpu.memory_space<hbm>>) target_semaphore(%run_scoped3A : memref<!tpu.dma_semaphore, #tpu.memory_space<semaphore_mem>>)
      %dma_wait3A_197 = arith.constant 0 : i32
      %dma_wait3A_198 = tpu.memref_slice %arg4[%add3A_192, %dma_wait3A_197] : memref<65536x128xf32, #tpu.memory_space<hbm>> -> memref<128x128xf32, #tpu.memory_space<hbm>>
      %dma_wait3A_199 = arith.constant 0 : i32
      %dma_wait3A_200 = tpu.memref_slice %arg4[%add3A_192, %dma_wait3A_199] : memref<65536x128xf32, #tpu.memory_space<hbm>> -> memref<128x128xf32, #tpu.memory_space<hbm>>
      tpu.wait_dma2 semaphore(%run_scoped3A : memref<!tpu.dma_semaphore, #tpu.memory_space<semaphore_mem>>) src(%arg6 : memref<128x128xf32, #tpu.memory_space<vmem>>) dst(%dma_wait3A_200 : memref<128x128xf32, #tpu.memory_space<hbm>>)
      tpu.yield
    }) : () -> ()
    return
  }
}

module attributes {stable_mosaic.version = 14 : i64} {
  func.func @_prep_body(%arg0: i32, %arg1: memref<2048x64xf32, #tpu.memory_space<vmem>>, %arg2: memref<2048x64xf32, #tpu.memory_space<vmem>>, %arg3: memref<64x32xf32, #tpu.memory_space<vmem>>, %arg4: memref<2048x128xf32, #tpu.memory_space<vmem>>, %arg5: memref<4096x8xi32, #tpu.memory_space<vmem>>, %arg6: memref<4096x8xi32, #tpu.memory_space<vmem>>, %arg7: memref<4096x8xf32, #tpu.memory_space<vmem>>) attributes {dimension_semantics = [#tpu.dimension_semantics<arbitrary>], iteration_bounds = array<i64: 16>, scalar_prefetch = 0 : i64, scratch_operands = 0 : i64, tpu.core_type = #tpu.core_type<tc>, window_params = [{transform_indices = @transform_0, window_bounds = array<i64: 2048, 64>}, {transform_indices = @transform_1, window_bounds = array<i64: 2048, 64>}, {transform_indices = @transform_2, window_bounds = array<i64: 64, 32>}, {transform_indices = @transform_3, window_bounds = array<i64: 2048, 128>}, {transform_indices = @transform_4, window_bounds = array<i64: 4096, 8>}, {transform_indices = @transform_5, window_bounds = array<i64: 4096, 8>}, {transform_indices = @transform_6, window_bounds = array<i64: 4096, 8>}]} {
    %get3A = arith.constant 0 : index
    %get3A_0 = arith.constant 0 : index
    %get3A_1 = vector.load %arg1[%get3A, %get3A_0] : memref<2048x64xf32, #tpu.memory_space<vmem>>, vector<2048x64xf32>
    %get3A_2 = arith.constant 0 : index
    %get3A_3 = arith.constant 0 : index
    %get3A_4 = vector.load %arg2[%get3A_2, %get3A_3] : memref<2048x64xf32, #tpu.memory_space<vmem>>, vector<2048x64xf32>
    %get3A_5 = arith.constant 0 : index
    %get3A_6 = arith.constant 0 : index
    %get3A_7 = vector.load %arg3[%get3A_5, %get3A_6] : memref<64x32xf32, #tpu.memory_space<vmem>>, vector<64x32xf32>
    %mul3A = arith.mulf %get3A_1, %get3A_1 : vector<2048x64xf32>
    %reduce_sum3A = arith.constant dense<0.000000e+00> : vector<2048xf32>
    %reduce_sum3A_8 = vector.multi_reduction <add>, %mul3A, %reduce_sum3A [1] : vector<2048x64xf32> to vector<2048xf32>
    %broadcast_in_dim3A = vector.shape_cast %reduce_sum3A_8 : vector<2048xf32> to vector<2048x1xf32>
    %sqrt3A = math.sqrt %broadcast_in_dim3A : vector<2048x1xf32>
    %div3A = vector.broadcast %sqrt3A : vector<2048x1xf32> to vector<2048x64xf32>
    %div3A_9 = arith.divf %get3A_1, %div3A : vector<2048x64xf32>
    %mul3A_10 = arith.mulf %get3A_7, %get3A_7 : vector<64x32xf32>
    %reduce_sum3A_11 = arith.constant dense<0.000000e+00> : vector<32xf32>
    %reduce_sum3A_12 = vector.multi_reduction <add>, %mul3A_10, %reduce_sum3A_11 [0] : vector<64x32xf32> to vector<32xf32>
    %broadcast_in_dim3A_13 = vector.shape_cast %reduce_sum3A_12 : vector<32xf32> to vector<1x32xf32>
    %sqrt3A_14 = math.sqrt %broadcast_in_dim3A_13 : vector<1x32xf32>
    %div3A_15 = vector.broadcast %sqrt3A_14 : vector<1x32xf32> to vector<64x32xf32>
    %div3A_16 = arith.divf %get3A_7, %div3A_15 : vector<64x32xf32>
    %dot_general3A = arith.constant dense<0.000000e+00> : vector<2048x32xf32>
    %dot_general3A_17 = tpu.matmul %div3A_9, %div3A_16, %dot_general3A {dimension_numbers = #tpu.dot_dimension_numbers<[1], [0], [0], [1], [0, 0, 1, 1], [], []>, transpose_lhs_hint = false} : vector<2048x64xf32>, vector<64x32xf32>, vector<2048x32xf32> -> vector<2048x32xf32>
    %iota3A = tpu.iota {dimensions = array<i32: 0>} : vector<128x128xi32>
    %convert_element_type3A = arith.sitofp %iota3A : vector<128x128xi32> to vector<128x128xf32>
    %iota3A_18 = tpu.iota {dimensions = array<i32: 1>} : vector<128x128xi32>
    %convert_element_type3A_19 = arith.sitofp %iota3A_18 : vector<128x128xi32> to vector<128x128xf32>
    %gt3A = arith.cmpf ogt, %convert_element_type3A, %convert_element_type3A_19 : vector<128x128xf32>
    %convert_element_type3A_20 = arith.extui %gt3A : vector<128x128xi1> to vector<128x128xi32>
    %convert_element_type3A_21 = arith.sitofp %convert_element_type3A_20 : vector<128x128xi32> to vector<128x128xf32>
    %iota3A_22 = tpu.iota {dimensions = array<i32: 0>} : vector<16x16xi32>
    %convert_element_type3A_23 = arith.sitofp %iota3A_22 : vector<16x16xi32> to vector<16x16xf32>
    %iota3A_24 = tpu.iota {dimensions = array<i32: 1>} : vector<16x16xi32>
    %convert_element_type3A_25 = arith.sitofp %iota3A_24 : vector<16x16xi32> to vector<16x16xf32>
    %gt3A_26 = arith.cmpf ogt, %convert_element_type3A_23, %convert_element_type3A_25 : vector<16x16xf32>
    %convert_element_type3A_27 = arith.extui %gt3A_26 : vector<16x16xi1> to vector<16x16xi32>
    %convert_element_type3A_28 = arith.sitofp %convert_element_type3A_27 : vector<16x16xi32> to vector<16x16xf32>
    %iota3A_29 = tpu.iota {dimensions = array<i32: 0>} : vector<32x32xi32>
    %convert_element_type3A_30 = arith.sitofp %iota3A_29 : vector<32x32xi32> to vector<32x32xf32>
    %iota3A_31 = tpu.iota {dimensions = array<i32: 1>} : vector<32x32xi32>
    %convert_element_type3A_32 = arith.sitofp %iota3A_31 : vector<32x32xi32> to vector<32x32xf32>
    %lt3A = arith.cmpf olt, %convert_element_type3A_30, %convert_element_type3A_32 : vector<32x32xf32>
    %convert_element_type3A_33 = arith.extui %lt3A : vector<32x32xi1> to vector<32x32xi32>
    %convert_element_type3A_34 = arith.sitofp %convert_element_type3A_33 : vector<32x32xi32> to vector<32x32xf32>
    %iota3A_35 = tpu.iota {dimensions = array<i32: 0>} : vector<2048x1xi32>
    %convert_element_type3A_36 = arith.sitofp %iota3A_35 : vector<2048x1xi32> to vector<2048x1xf32>
    %broadcast_in_dim3A_37 = arith.constant 0.000000e+00 : f32
    %broadcast_in_dim3A_38 = vector.broadcast %broadcast_in_dim3A_37 : f32 to vector<2048x7xf32>
    %concatenate3A = tpu.concatenate %convert_element_type3A_36, %broadcast_in_dim3A_38 in 1 : vector<2048x1xf32>, vector<2048x7xf32> -> vector<2048x8xf32>
    %slice3A = vector.extract_strided_slice %dot_general3A_17 {offsets = [0, 0], sizes = [2048, 16], strides = [1, 1]} : vector<2048x32xf32> to vector<2048x16xf32>
    %neg3A = arith.constant 0.000000e+00 : f32
    %neg3A_39 = vector.broadcast %neg3A : f32 to vector<2048x16xf32>
    %neg3A_40 = arith.subf %neg3A_39, %slice3A : vector<2048x16xf32>
    %concatenate3A_41 = tpu.concatenate %slice3A, %neg3A_40 in 1 : vector<2048x16xf32>, vector<2048x16xf32> -> vector<2048x32xf32>
    %reduce_max3A = arith.constant dense<0xFF800000> : vector<2048xf32>
    %reduce_max3A_42 = vector.multi_reduction <maximumf>, %concatenate3A_41, %reduce_max3A [1] : vector<2048x32xf32> to vector<2048xf32>
    %broadcast_in_dim3A_43 = vector.shape_cast %reduce_max3A_42 : vector<2048xf32> to vector<2048x1xf32>
    %eq3A = vector.broadcast %broadcast_in_dim3A_43 : vector<2048x1xf32> to vector<2048x32xf32>
    %eq3A_44 = arith.cmpf oeq, %concatenate3A_41, %eq3A : vector<2048x32xf32>
    %iota3A_45 = tpu.iota {dimensions = array<i32: 1>} : vector<2048x32xi32>
    %convert_element_type3A_46 = arith.sitofp %iota3A_45 : vector<2048x32xi32> to vector<2048x32xf32>
    %jit3A = arith.constant 3.200000e+01 : f32
    %broadcast_in_dim3A_47 = vector.broadcast %jit3A : f32 to vector<2048x32xf32>
    %select_n3A = arith.select %eq3A_44, %convert_element_type3A_46, %broadcast_in_dim3A_47 : vector<2048x32xi1>, vector<2048x32xf32>
    %reduce_min3A = arith.constant dense<0x7F800000> : vector<2048xf32>
    %reduce_min3A_48 = vector.multi_reduction <minimumf>, %select_n3A, %reduce_min3A [1] : vector<2048x32xf32> to vector<2048xf32>
    %broadcast_in_dim3A_49 = vector.shape_cast %reduce_min3A_48 : vector<2048xf32> to vector<2048x1xf32>
    %iota3A_50 = tpu.iota {dimensions = array<i32: 1>} : vector<2048x32xi32>
    %convert_element_type3A_51 = arith.sitofp %iota3A_50 : vector<2048x32xi32> to vector<2048x32xf32>
    %eq3A_52 = vector.broadcast %broadcast_in_dim3A_49 : vector<2048x1xf32> to vector<2048x32xf32>
    %eq3A_53 = arith.cmpf oeq, %eq3A_52, %convert_element_type3A_51 : vector<2048x32xf32>
    %convert_element_type3A_54 = arith.extui %eq3A_53 : vector<2048x32xi1> to vector<2048x32xi32>
    %convert_element_type3A_55 = arith.sitofp %convert_element_type3A_54 : vector<2048x32xi32> to vector<2048x32xf32>
    %slice3A_56 = vector.extract_strided_slice %convert_element_type3A_55 {offsets = [0, 0], sizes = [128, 32], strides = [1, 1]} : vector<2048x32xf32> to vector<128x32xf32>
    %dot_general3A_57 = arith.constant dense<0.000000e+00> : vector<128x32xf32>
    %dot_general3A_58 = tpu.matmul %convert_element_type3A_21, %slice3A_56, %dot_general3A_57 {dimension_numbers = #tpu.dot_dimension_numbers<[1], [0], [0], [1], [0, 0, 1, 1], [], []>, transpose_lhs_hint = false} : vector<128x128xf32>, vector<128x32xf32>, vector<128x32xf32> -> vector<128x32xf32>
    %reduce_sum3A_59 = arith.constant dense<0.000000e+00> : vector<32xf32>
    %reduce_sum3A_60 = vector.multi_reduction <add>, %slice3A_56, %reduce_sum3A_59 [0] : vector<128x32xf32> to vector<32xf32>
    %broadcast_in_dim3A_61 = vector.shape_cast %reduce_sum3A_60 : vector<32xf32> to vector<1x32xf32>
    %slice3A_62 = vector.extract_strided_slice %convert_element_type3A_55 {offsets = [128, 0], sizes = [128, 32], strides = [1, 1]} : vector<2048x32xf32> to vector<128x32xf32>
    %dot_general3A_63 = arith.constant dense<0.000000e+00> : vector<128x32xf32>
    %dot_general3A_64 = tpu.matmul %convert_element_type3A_21, %slice3A_62, %dot_general3A_63 {dimension_numbers = #tpu.dot_dimension_numbers<[1], [0], [0], [1], [0, 0, 1, 1], [], []>, transpose_lhs_hint = false} : vector<128x128xf32>, vector<128x32xf32>, vector<128x32xf32> -> vector<128x32xf32>
    %reduce_sum3A_65 = arith.constant dense<0.000000e+00> : vector<32xf32>
    %reduce_sum3A_66 = vector.multi_reduction <add>, %slice3A_62, %reduce_sum3A_65 [0] : vector<128x32xf32> to vector<32xf32>
    %broadcast_in_dim3A_67 = vector.shape_cast %reduce_sum3A_66 : vector<32xf32> to vector<1x32xf32>
    %slice3A_68 = vector.extract_strided_slice %convert_element_type3A_55 {offsets = [256, 0], sizes = [128, 32], strides = [1, 1]} : vector<2048x32xf32> to vector<128x32xf32>
    %dot_general3A_69 = arith.constant dense<0.000000e+00> : vector<128x32xf32>
    %dot_general3A_70 = tpu.matmul %convert_element_type3A_21, %slice3A_68, %dot_general3A_69 {dimension_numbers = #tpu.dot_dimension_numbers<[1], [0], [0], [1], [0, 0, 1, 1], [], []>, transpose_lhs_hint = false} : vector<128x128xf32>, vector<128x32xf32>, vector<128x32xf32> -> vector<128x32xf32>
    %reduce_sum3A_71 = arith.constant dense<0.000000e+00> : vector<32xf32>
    %reduce_sum3A_72 = vector.multi_reduction <add>, %slice3A_68, %reduce_sum3A_71 [0] : vector<128x32xf32> to vector<32xf32>
    %broadcast_in_dim3A_73 = vector.shape_cast %reduce_sum3A_72 : vector<32xf32> to vector<1x32xf32>
    %slice3A_74 = vector.extract_strided_slice %convert_element_type3A_55 {offsets = [384, 0], sizes = [128, 32], strides = [1, 1]} : vector<2048x32xf32> to vector<128x32xf32>
    %dot_general3A_75 = arith.constant dense<0.000000e+00> : vector<128x32xf32>
    %dot_general3A_76 = tpu.matmul %convert_element_type3A_21, %slice3A_74, %dot_general3A_75 {dimension_numbers = #tpu.dot_dimension_numbers<[1], [0], [0], [1], [0, 0, 1, 1], [], []>, transpose_lhs_hint = false} : vector<128x128xf32>, vector<128x32xf32>, vector<128x32xf32> -> vector<128x32xf32>
    %reduce_sum3A_77 = arith.constant dense<0.000000e+00> : vector<32xf32>
    %reduce_sum3A_78 = vector.multi_reduction <add>, %slice3A_74, %reduce_sum3A_77 [0] : vector<128x32xf32> to vector<32xf32>
    %broadcast_in_dim3A_79 = vector.shape_cast %reduce_sum3A_78 : vector<32xf32> to vector<1x32xf32>
    %slice3A_80 = vector.extract_strided_slice %convert_element_type3A_55 {offsets = [512, 0], sizes = [128, 32], strides = [1, 1]} : vector<2048x32xf32> to vector<128x32xf32>
    %dot_general3A_81 = arith.constant dense<0.000000e+00> : vector<128x32xf32>
    %dot_general3A_82 = tpu.matmul %convert_element_type3A_21, %slice3A_80, %dot_general3A_81 {dimension_numbers = #tpu.dot_dimension_numbers<[1], [0], [0], [1], [0, 0, 1, 1], [], []>, transpose_lhs_hint = false} : vector<128x128xf32>, vector<128x32xf32>, vector<128x32xf32> -> vector<128x32xf32>
    %reduce_sum3A_83 = arith.constant dense<0.000000e+00> : vector<32xf32>
    %reduce_sum3A_84 = vector.multi_reduction <add>, %slice3A_80, %reduce_sum3A_83 [0] : vector<128x32xf32> to vector<32xf32>
    %broadcast_in_dim3A_85 = vector.shape_cast %reduce_sum3A_84 : vector<32xf32> to vector<1x32xf32>
    %slice3A_86 = vector.extract_strided_slice %convert_element_type3A_55 {offsets = [640, 0], sizes = [128, 32], strides = [1, 1]} : vector<2048x32xf32> to vector<128x32xf32>
    %dot_general3A_87 = arith.constant dense<0.000000e+00> : vector<128x32xf32>
    %dot_general3A_88 = tpu.matmul %convert_element_type3A_21, %slice3A_86, %dot_general3A_87 {dimension_numbers = #tpu.dot_dimension_numbers<[1], [0], [0], [1], [0, 0, 1, 1], [], []>, transpose_lhs_hint = false} : vector<128x128xf32>, vector<128x32xf32>, vector<128x32xf32> -> vector<128x32xf32>
    %reduce_sum3A_89 = arith.constant dense<0.000000e+00> : vector<32xf32>
    %reduce_sum3A_90 = vector.multi_reduction <add>, %slice3A_86, %reduce_sum3A_89 [0] : vector<128x32xf32> to vector<32xf32>
    %broadcast_in_dim3A_91 = vector.shape_cast %reduce_sum3A_90 : vector<32xf32> to vector<1x32xf32>
    %slice3A_92 = vector.extract_strided_slice %convert_element_type3A_55 {offsets = [768, 0], sizes = [128, 32], strides = [1, 1]} : vector<2048x32xf32> to vector<128x32xf32>
    %dot_general3A_93 = arith.constant dense<0.000000e+00> : vector<128x32xf32>
    %dot_general3A_94 = tpu.matmul %convert_element_type3A_21, %slice3A_92, %dot_general3A_93 {dimension_numbers = #tpu.dot_dimension_numbers<[1], [0], [0], [1], [0, 0, 1, 1], [], []>, transpose_lhs_hint = false} : vector<128x128xf32>, vector<128x32xf32>, vector<128x32xf32> -> vector<128x32xf32>
    %reduce_sum3A_95 = arith.constant dense<0.000000e+00> : vector<32xf32>
    %reduce_sum3A_96 = vector.multi_reduction <add>, %slice3A_92, %reduce_sum3A_95 [0] : vector<128x32xf32> to vector<32xf32>
    %broadcast_in_dim3A_97 = vector.shape_cast %reduce_sum3A_96 : vector<32xf32> to vector<1x32xf32>
    %slice3A_98 = vector.extract_strided_slice %convert_element_type3A_55 {offsets = [896, 0], sizes = [128, 32], strides = [1, 1]} : vector<2048x32xf32> to vector<128x32xf32>
    %dot_general3A_99 = arith.constant dense<0.000000e+00> : vector<128x32xf32>
    %dot_general3A_100 = tpu.matmul %convert_element_type3A_21, %slice3A_98, %dot_general3A_99 {dimension_numbers = #tpu.dot_dimension_numbers<[1], [0], [0], [1], [0, 0, 1, 1], [], []>, transpose_lhs_hint = false} : vector<128x128xf32>, vector<128x32xf32>, vector<128x32xf32> -> vector<128x32xf32>
    %reduce_sum3A_101 = arith.constant dense<0.000000e+00> : vector<32xf32>
    %reduce_sum3A_102 = vector.multi_reduction <add>, %slice3A_98, %reduce_sum3A_101 [0] : vector<128x32xf32> to vector<32xf32>
    %broadcast_in_dim3A_103 = vector.shape_cast %reduce_sum3A_102 : vector<32xf32> to vector<1x32xf32>
    %slice3A_104 = vector.extract_strided_slice %convert_element_type3A_55 {offsets = [1024, 0], sizes = [128, 32], strides = [1, 1]} : vector<2048x32xf32> to vector<128x32xf32>
    %dot_general3A_105 = arith.constant dense<0.000000e+00> : vector<128x32xf32>
    %dot_general3A_106 = tpu.matmul %convert_element_type3A_21, %slice3A_104, %dot_general3A_105 {dimension_numbers = #tpu.dot_dimension_numbers<[1], [0], [0], [1], [0, 0, 1, 1], [], []>, transpose_lhs_hint = false} : vector<128x128xf32>, vector<128x32xf32>, vector<128x32xf32> -> vector<128x32xf32>
    %reduce_sum3A_107 = arith.constant dense<0.000000e+00> : vector<32xf32>
    %reduce_sum3A_108 = vector.multi_reduction <add>, %slice3A_104, %reduce_sum3A_107 [0] : vector<128x32xf32> to vector<32xf32>
    %broadcast_in_dim3A_109 = vector.shape_cast %reduce_sum3A_108 : vector<32xf32> to vector<1x32xf32>
    %slice3A_110 = vector.extract_strided_slice %convert_element_type3A_55 {offsets = [1152, 0], sizes = [128, 32], strides = [1, 1]} : vector<2048x32xf32> to vector<128x32xf32>
    %dot_general3A_111 = arith.constant dense<0.000000e+00> : vector<128x32xf32>
    %dot_general3A_112 = tpu.matmul %convert_element_type3A_21, %slice3A_110, %dot_general3A_111 {dimension_numbers = #tpu.dot_dimension_numbers<[1], [0], [0], [1], [0, 0, 1, 1], [], []>, transpose_lhs_hint = false} : vector<128x128xf32>, vector<128x32xf32>, vector<128x32xf32> -> vector<128x32xf32>
    %reduce_sum3A_113 = arith.constant dense<0.000000e+00> : vector<32xf32>
    %reduce_sum3A_114 = vector.multi_reduction <add>, %slice3A_110, %reduce_sum3A_113 [0] : vector<128x32xf32> to vector<32xf32>
    %broadcast_in_dim3A_115 = vector.shape_cast %reduce_sum3A_114 : vector<32xf32> to vector<1x32xf32>
    %slice3A_116 = vector.extract_strided_slice %convert_element_type3A_55 {offsets = [1280, 0], sizes = [128, 32], strides = [1, 1]} : vector<2048x32xf32> to vector<128x32xf32>
    %dot_general3A_117 = arith.constant dense<0.000000e+00> : vector<128x32xf32>
    %dot_general3A_118 = tpu.matmul %convert_element_type3A_21, %slice3A_116, %dot_general3A_117 {dimension_numbers = #tpu.dot_dimension_numbers<[1], [0], [0], [1], [0, 0, 1, 1], [], []>, transpose_lhs_hint = false} : vector<128x128xf32>, vector<128x32xf32>, vector<128x32xf32> -> vector<128x32xf32>
    %reduce_sum3A_119 = arith.constant dense<0.000000e+00> : vector<32xf32>
    %reduce_sum3A_120 = vector.multi_reduction <add>, %slice3A_116, %reduce_sum3A_119 [0] : vector<128x32xf32> to vector<32xf32>
    %broadcast_in_dim3A_121 = vector.shape_cast %reduce_sum3A_120 : vector<32xf32> to vector<1x32xf32>
    %slice3A_122 = vector.extract_strided_slice %convert_element_type3A_55 {offsets = [1408, 0], sizes = [128, 32], strides = [1, 1]} : vector<2048x32xf32> to vector<128x32xf32>
    %dot_general3A_123 = arith.constant dense<0.000000e+00> : vector<128x32xf32>
    %dot_general3A_124 = tpu.matmul %convert_element_type3A_21, %slice3A_122, %dot_general3A_123 {dimension_numbers = #tpu.dot_dimension_numbers<[1], [0], [0], [1], [0, 0, 1, 1], [], []>, transpose_lhs_hint = false} : vector<128x128xf32>, vector<128x32xf32>, vector<128x32xf32> -> vector<128x32xf32>
    %reduce_sum3A_125 = arith.constant dense<0.000000e+00> : vector<32xf32>
    %reduce_sum3A_126 = vector.multi_reduction <add>, %slice3A_122, %reduce_sum3A_125 [0] : vector<128x32xf32> to vector<32xf32>
    %broadcast_in_dim3A_127 = vector.shape_cast %reduce_sum3A_126 : vector<32xf32> to vector<1x32xf32>
    %slice3A_128 = vector.extract_strided_slice %convert_element_type3A_55 {offsets = [1536, 0], sizes = [128, 32], strides = [1, 1]} : vector<2048x32xf32> to vector<128x32xf32>
    %dot_general3A_129 = arith.constant dense<0.000000e+00> : vector<128x32xf32>
    %dot_general3A_130 = tpu.matmul %convert_element_type3A_21, %slice3A_128, %dot_general3A_129 {dimension_numbers = #tpu.dot_dimension_numbers<[1], [0], [0], [1], [0, 0, 1, 1], [], []>, transpose_lhs_hint = false} : vector<128x128xf32>, vector<128x32xf32>, vector<128x32xf32> -> vector<128x32xf32>
    %reduce_sum3A_131 = arith.constant dense<0.000000e+00> : vector<32xf32>
    %reduce_sum3A_132 = vector.multi_reduction <add>, %slice3A_128, %reduce_sum3A_131 [0] : vector<128x32xf32> to vector<32xf32>
    %broadcast_in_dim3A_133 = vector.shape_cast %reduce_sum3A_132 : vector<32xf32> to vector<1x32xf32>
    %slice3A_134 = vector.extract_strided_slice %convert_element_type3A_55 {offsets = [1664, 0], sizes = [128, 32], strides = [1, 1]} : vector<2048x32xf32> to vector<128x32xf32>
    %dot_general3A_135 = arith.constant dense<0.000000e+00> : vector<128x32xf32>
    %dot_general3A_136 = tpu.matmul %convert_element_type3A_21, %slice3A_134, %dot_general3A_135 {dimension_numbers = #tpu.dot_dimension_numbers<[1], [0], [0], [1], [0, 0, 1, 1], [], []>, transpose_lhs_hint = false} : vector<128x128xf32>, vector<128x32xf32>, vector<128x32xf32> -> vector<128x32xf32>
    %reduce_sum3A_137 = arith.constant dense<0.000000e+00> : vector<32xf32>
    %reduce_sum3A_138 = vector.multi_reduction <add>, %slice3A_134, %reduce_sum3A_137 [0] : vector<128x32xf32> to vector<32xf32>
    %broadcast_in_dim3A_139 = vector.shape_cast %reduce_sum3A_138 : vector<32xf32> to vector<1x32xf32>
    %slice3A_140 = vector.extract_strided_slice %convert_element_type3A_55 {offsets = [1792, 0], sizes = [128, 32], strides = [1, 1]} : vector<2048x32xf32> to vector<128x32xf32>
    %dot_general3A_141 = arith.constant dense<0.000000e+00> : vector<128x32xf32>
    %dot_general3A_142 = tpu.matmul %convert_element_type3A_21, %slice3A_140, %dot_general3A_141 {dimension_numbers = #tpu.dot_dimension_numbers<[1], [0], [0], [1], [0, 0, 1, 1], [], []>, transpose_lhs_hint = false} : vector<128x128xf32>, vector<128x32xf32>, vector<128x32xf32> -> vector<128x32xf32>
    %reduce_sum3A_143 = arith.constant dense<0.000000e+00> : vector<32xf32>
    %reduce_sum3A_144 = vector.multi_reduction <add>, %slice3A_140, %reduce_sum3A_143 [0] : vector<128x32xf32> to vector<32xf32>
    %broadcast_in_dim3A_145 = vector.shape_cast %reduce_sum3A_144 : vector<32xf32> to vector<1x32xf32>
    %slice3A_146 = vector.extract_strided_slice %convert_element_type3A_55 {offsets = [1920, 0], sizes = [128, 32], strides = [1, 1]} : vector<2048x32xf32> to vector<128x32xf32>
    %dot_general3A_147 = arith.constant dense<0.000000e+00> : vector<128x32xf32>
    %dot_general3A_148 = tpu.matmul %convert_element_type3A_21, %slice3A_146, %dot_general3A_147 {dimension_numbers = #tpu.dot_dimension_numbers<[1], [0], [0], [1], [0, 0, 1, 1], [], []>, transpose_lhs_hint = false} : vector<128x128xf32>, vector<128x32xf32>, vector<128x32xf32> -> vector<128x32xf32>
    %reduce_sum3A_149 = arith.constant dense<0.000000e+00> : vector<32xf32>
    %reduce_sum3A_150 = vector.multi_reduction <add>, %slice3A_146, %reduce_sum3A_149 [0] : vector<128x32xf32> to vector<32xf32>
    %broadcast_in_dim3A_151 = vector.shape_cast %reduce_sum3A_150 : vector<32xf32> to vector<1x32xf32>
    %concatenate3A_152 = tpu.concatenate %broadcast_in_dim3A_61, %broadcast_in_dim3A_67, %broadcast_in_dim3A_73, %broadcast_in_dim3A_79, %broadcast_in_dim3A_85, %broadcast_in_dim3A_91, %broadcast_in_dim3A_97, %broadcast_in_dim3A_103, %broadcast_in_dim3A_109, %broadcast_in_dim3A_115, %broadcast_in_dim3A_121, %broadcast_in_dim3A_127, %broadcast_in_dim3A_133, %broadcast_in_dim3A_139, %broadcast_in_dim3A_145, %broadcast_in_dim3A_151 in 0 : vector<1x32xf32>, vector<1x32xf32>, vector<1x32xf32>, vector<1x32xf32>, vector<1x32xf32>, vector<1x32xf32>, vector<1x32xf32>, vector<1x32xf32>, vector<1x32xf32>, vector<1x32xf32>, vector<1x32xf32>, vector<1x32xf32>, vector<1x32xf32>, vector<1x32xf32>, vector<1x32xf32>, vector<1x32xf32> -> vector<16x32xf32>
    %dot_general3A_153 = arith.constant dense<0.000000e+00> : vector<16x32xf32>
    %dot_general3A_154 = tpu.matmul %convert_element_type3A_28, %concatenate3A_152, %dot_general3A_153 {dimension_numbers = #tpu.dot_dimension_numbers<[1], [0], [0], [1], [0, 0, 1, 1], [], []>, transpose_lhs_hint = false} : vector<16x16xf32>, vector<16x32xf32>, vector<16x32xf32> -> vector<16x32xf32>
    %reduce_sum3A_155 = arith.constant dense<0.000000e+00> : vector<32xf32>
    %reduce_sum3A_156 = vector.multi_reduction <add>, %concatenate3A_152, %reduce_sum3A_155 [0] : vector<16x32xf32> to vector<32xf32>
    %broadcast_in_dim3A_157 = vector.shape_cast %reduce_sum3A_156 : vector<32xf32> to vector<1x32xf32>
    %dot_general3A_158 = arith.constant dense<0.000000e+00> : vector<1x32xf32>
    %dot_general3A_159 = tpu.matmul %broadcast_in_dim3A_157, %convert_element_type3A_34, %dot_general3A_158 {dimension_numbers = #tpu.dot_dimension_numbers<[1], [0], [0], [1], [0, 0, 1, 1], [], []>, precision = #tpu.contract_precision<fp32>, transpose_lhs_hint = false} : vector<1x32xf32>, vector<32x32xf32>, vector<1x32xf32> -> vector<1x32xf32>
    %slice3A_160 = vector.extract_strided_slice %convert_element_type3A_55 {offsets = [0, 0], sizes = [128, 32], strides = [1, 1]} : vector<2048x32xf32> to vector<128x32xf32>
    %slice3A_161 = vector.extract_strided_slice %dot_general3A_154 {offsets = [0, 0], sizes = [1, 32], strides = [1, 1]} : vector<16x32xf32> to vector<1x32xf32>
    %add3A = arith.addf %dot_general3A_159, %slice3A_161 : vector<1x32xf32>
    %add3A_162 = vector.broadcast %add3A : vector<1x32xf32> to vector<128x32xf32>
    %add3A_163 = arith.addf %add3A_162, %dot_general3A_58 : vector<128x32xf32>
    %mul3A_164 = arith.mulf %slice3A_160, %add3A_163 : vector<128x32xf32>
    %reduce_sum3A_165 = arith.constant dense<0.000000e+00> : vector<128xf32>
    %reduce_sum3A_166 = vector.multi_reduction <add>, %mul3A_164, %reduce_sum3A_165 [1] : vector<128x32xf32> to vector<128xf32>
    %broadcast_in_dim3A_167 = vector.shape_cast %reduce_sum3A_166 : vector<128xf32> to vector<128x1xf32>
    %slice3A_168 = vector.extract_strided_slice %convert_element_type3A_55 {offsets = [128, 0], sizes = [128, 32], strides = [1, 1]} : vector<2048x32xf32> to vector<128x32xf32>
    %slice3A_169 = vector.extract_strided_slice %dot_general3A_154 {offsets = [1, 0], sizes = [1, 32], strides = [1, 1]} : vector<16x32xf32> to vector<1x32xf32>
    %add3A_170 = arith.addf %dot_general3A_159, %slice3A_169 : vector<1x32xf32>
    %add3A_171 = vector.broadcast %add3A_170 : vector<1x32xf32> to vector<128x32xf32>
    %add3A_172 = arith.addf %add3A_171, %dot_general3A_64 : vector<128x32xf32>
    %mul3A_173 = arith.mulf %slice3A_168, %add3A_172 : vector<128x32xf32>
    %reduce_sum3A_174 = arith.constant dense<0.000000e+00> : vector<128xf32>
    %reduce_sum3A_175 = vector.multi_reduction <add>, %mul3A_173, %reduce_sum3A_174 [1] : vector<128x32xf32> to vector<128xf32>
    %broadcast_in_dim3A_176 = vector.shape_cast %reduce_sum3A_175 : vector<128xf32> to vector<128x1xf32>
    %slice3A_177 = vector.extract_strided_slice %convert_element_type3A_55 {offsets = [256, 0], sizes = [128, 32], strides = [1, 1]} : vector<2048x32xf32> to vector<128x32xf32>
    %slice3A_178 = vector.extract_strided_slice %dot_general3A_154 {offsets = [2, 0], sizes = [1, 32], strides = [1, 1]} : vector<16x32xf32> to vector<1x32xf32>
    %add3A_179 = arith.addf %dot_general3A_159, %slice3A_178 : vector<1x32xf32>
    %add3A_180 = vector.broadcast %add3A_179 : vector<1x32xf32> to vector<128x32xf32>
    %add3A_181 = arith.addf %add3A_180, %dot_general3A_70 : vector<128x32xf32>
    %mul3A_182 = arith.mulf %slice3A_177, %add3A_181 : vector<128x32xf32>
    %reduce_sum3A_183 = arith.constant dense<0.000000e+00> : vector<128xf32>
    %reduce_sum3A_184 = vector.multi_reduction <add>, %mul3A_182, %reduce_sum3A_183 [1] : vector<128x32xf32> to vector<128xf32>
    %broadcast_in_dim3A_185 = vector.shape_cast %reduce_sum3A_184 : vector<128xf32> to vector<128x1xf32>
    %slice3A_186 = vector.extract_strided_slice %convert_element_type3A_55 {offsets = [384, 0], sizes = [128, 32], strides = [1, 1]} : vector<2048x32xf32> to vector<128x32xf32>
    %slice3A_187 = vector.extract_strided_slice %dot_general3A_154 {offsets = [3, 0], sizes = [1, 32], strides = [1, 1]} : vector<16x32xf32> to vector<1x32xf32>
    %add3A_188 = arith.addf %dot_general3A_159, %slice3A_187 : vector<1x32xf32>
    %add3A_189 = vector.broadcast %add3A_188 : vector<1x32xf32> to vector<128x32xf32>
    %add3A_190 = arith.addf %add3A_189, %dot_general3A_76 : vector<128x32xf32>
    %mul3A_191 = arith.mulf %slice3A_186, %add3A_190 : vector<128x32xf32>
    %reduce_sum3A_192 = arith.constant dense<0.000000e+00> : vector<128xf32>
    %reduce_sum3A_193 = vector.multi_reduction <add>, %mul3A_191, %reduce_sum3A_192 [1] : vector<128x32xf32> to vector<128xf32>
    %broadcast_in_dim3A_194 = vector.shape_cast %reduce_sum3A_193 : vector<128xf32> to vector<128x1xf32>
    %slice3A_195 = vector.extract_strided_slice %convert_element_type3A_55 {offsets = [512, 0], sizes = [128, 32], strides = [1, 1]} : vector<2048x32xf32> to vector<128x32xf32>
    %slice3A_196 = vector.extract_strided_slice %dot_general3A_154 {offsets = [4, 0], sizes = [1, 32], strides = [1, 1]} : vector<16x32xf32> to vector<1x32xf32>
    %add3A_197 = arith.addf %dot_general3A_159, %slice3A_196 : vector<1x32xf32>
    %add3A_198 = vector.broadcast %add3A_197 : vector<1x32xf32> to vector<128x32xf32>
    %add3A_199 = arith.addf %add3A_198, %dot_general3A_82 : vector<128x32xf32>
    %mul3A_200 = arith.mulf %slice3A_195, %add3A_199 : vector<128x32xf32>
    %reduce_sum3A_201 = arith.constant dense<0.000000e+00> : vector<128xf32>
    %reduce_sum3A_202 = vector.multi_reduction <add>, %mul3A_200, %reduce_sum3A_201 [1] : vector<128x32xf32> to vector<128xf32>
    %broadcast_in_dim3A_203 = vector.shape_cast %reduce_sum3A_202 : vector<128xf32> to vector<128x1xf32>
    %slice3A_204 = vector.extract_strided_slice %convert_element_type3A_55 {offsets = [640, 0], sizes = [128, 32], strides = [1, 1]} : vector<2048x32xf32> to vector<128x32xf32>
    %slice3A_205 = vector.extract_strided_slice %dot_general3A_154 {offsets = [5, 0], sizes = [1, 32], strides = [1, 1]} : vector<16x32xf32> to vector<1x32xf32>
    %add3A_206 = arith.addf %dot_general3A_159, %slice3A_205 : vector<1x32xf32>
    %add3A_207 = vector.broadcast %add3A_206 : vector<1x32xf32> to vector<128x32xf32>
    %add3A_208 = arith.addf %add3A_207, %dot_general3A_88 : vector<128x32xf32>
    %mul3A_209 = arith.mulf %slice3A_204, %add3A_208 : vector<128x32xf32>
    %reduce_sum3A_210 = arith.constant dense<0.000000e+00> : vector<128xf32>
    %reduce_sum3A_211 = vector.multi_reduction <add>, %mul3A_209, %reduce_sum3A_210 [1] : vector<128x32xf32> to vector<128xf32>
    %broadcast_in_dim3A_212 = vector.shape_cast %reduce_sum3A_211 : vector<128xf32> to vector<128x1xf32>
    %slice3A_213 = vector.extract_strided_slice %convert_element_type3A_55 {offsets = [768, 0], sizes = [128, 32], strides = [1, 1]} : vector<2048x32xf32> to vector<128x32xf32>
    %slice3A_214 = vector.extract_strided_slice %dot_general3A_154 {offsets = [6, 0], sizes = [1, 32], strides = [1, 1]} : vector<16x32xf32> to vector<1x32xf32>
    %add3A_215 = arith.addf %dot_general3A_159, %slice3A_214 : vector<1x32xf32>
    %add3A_216 = vector.broadcast %add3A_215 : vector<1x32xf32> to vector<128x32xf32>
    %add3A_217 = arith.addf %add3A_216, %dot_general3A_94 : vector<128x32xf32>
    %mul3A_218 = arith.mulf %slice3A_213, %add3A_217 : vector<128x32xf32>
    %reduce_sum3A_219 = arith.constant dense<0.000000e+00> : vector<128xf32>
    %reduce_sum3A_220 = vector.multi_reduction <add>, %mul3A_218, %reduce_sum3A_219 [1] : vector<128x32xf32> to vector<128xf32>
    %broadcast_in_dim3A_221 = vector.shape_cast %reduce_sum3A_220 : vector<128xf32> to vector<128x1xf32>
    %slice3A_222 = vector.extract_strided_slice %convert_element_type3A_55 {offsets = [896, 0], sizes = [128, 32], strides = [1, 1]} : vector<2048x32xf32> to vector<128x32xf32>
    %slice3A_223 = vector.extract_strided_slice %dot_general3A_154 {offsets = [7, 0], sizes = [1, 32], strides = [1, 1]} : vector<16x32xf32> to vector<1x32xf32>
    %add3A_224 = arith.addf %dot_general3A_159, %slice3A_223 : vector<1x32xf32>
    %add3A_225 = vector.broadcast %add3A_224 : vector<1x32xf32> to vector<128x32xf32>
    %add3A_226 = arith.addf %add3A_225, %dot_general3A_100 : vector<128x32xf32>
    %mul3A_227 = arith.mulf %slice3A_222, %add3A_226 : vector<128x32xf32>
    %reduce_sum3A_228 = arith.constant dense<0.000000e+00> : vector<128xf32>
    %reduce_sum3A_229 = vector.multi_reduction <add>, %mul3A_227, %reduce_sum3A_228 [1] : vector<128x32xf32> to vector<128xf32>
    %broadcast_in_dim3A_230 = vector.shape_cast %reduce_sum3A_229 : vector<128xf32> to vector<128x1xf32>
    %slice3A_231 = vector.extract_strided_slice %convert_element_type3A_55 {offsets = [1024, 0], sizes = [128, 32], strides = [1, 1]} : vector<2048x32xf32> to vector<128x32xf32>
    %slice3A_232 = vector.extract_strided_slice %dot_general3A_154 {offsets = [8, 0], sizes = [1, 32], strides = [1, 1]} : vector<16x32xf32> to vector<1x32xf32>
    %add3A_233 = arith.addf %dot_general3A_159, %slice3A_232 : vector<1x32xf32>
    %add3A_234 = vector.broadcast %add3A_233 : vector<1x32xf32> to vector<128x32xf32>
    %add3A_235 = arith.addf %add3A_234, %dot_general3A_106 : vector<128x32xf32>
    %mul3A_236 = arith.mulf %slice3A_231, %add3A_235 : vector<128x32xf32>
    %reduce_sum3A_237 = arith.constant dense<0.000000e+00> : vector<128xf32>
    %reduce_sum3A_238 = vector.multi_reduction <add>, %mul3A_236, %reduce_sum3A_237 [1] : vector<128x32xf32> to vector<128xf32>
    %broadcast_in_dim3A_239 = vector.shape_cast %reduce_sum3A_238 : vector<128xf32> to vector<128x1xf32>
    %slice3A_240 = vector.extract_strided_slice %convert_element_type3A_55 {offsets = [1152, 0], sizes = [128, 32], strides = [1, 1]} : vector<2048x32xf32> to vector<128x32xf32>
    %slice3A_241 = vector.extract_strided_slice %dot_general3A_154 {offsets = [9, 0], sizes = [1, 32], strides = [1, 1]} : vector<16x32xf32> to vector<1x32xf32>
    %add3A_242 = arith.addf %dot_general3A_159, %slice3A_241 : vector<1x32xf32>
    %add3A_243 = vector.broadcast %add3A_242 : vector<1x32xf32> to vector<128x32xf32>
    %add3A_244 = arith.addf %add3A_243, %dot_general3A_112 : vector<128x32xf32>
    %mul3A_245 = arith.mulf %slice3A_240, %add3A_244 : vector<128x32xf32>
    %reduce_sum3A_246 = arith.constant dense<0.000000e+00> : vector<128xf32>
    %reduce_sum3A_247 = vector.multi_reduction <add>, %mul3A_245, %reduce_sum3A_246 [1] : vector<128x32xf32> to vector<128xf32>
    %broadcast_in_dim3A_248 = vector.shape_cast %reduce_sum3A_247 : vector<128xf32> to vector<128x1xf32>
    %slice3A_249 = vector.extract_strided_slice %convert_element_type3A_55 {offsets = [1280, 0], sizes = [128, 32], strides = [1, 1]} : vector<2048x32xf32> to vector<128x32xf32>
    %slice3A_250 = vector.extract_strided_slice %dot_general3A_154 {offsets = [10, 0], sizes = [1, 32], strides = [1, 1]} : vector<16x32xf32> to vector<1x32xf32>
    %add3A_251 = arith.addf %dot_general3A_159, %slice3A_250 : vector<1x32xf32>
    %add3A_252 = vector.broadcast %add3A_251 : vector<1x32xf32> to vector<128x32xf32>
    %add3A_253 = arith.addf %add3A_252, %dot_general3A_118 : vector<128x32xf32>
    %mul3A_254 = arith.mulf %slice3A_249, %add3A_253 : vector<128x32xf32>
    %reduce_sum3A_255 = arith.constant dense<0.000000e+00> : vector<128xf32>
    %reduce_sum3A_256 = vector.multi_reduction <add>, %mul3A_254, %reduce_sum3A_255 [1] : vector<128x32xf32> to vector<128xf32>
    %broadcast_in_dim3A_257 = vector.shape_cast %reduce_sum3A_256 : vector<128xf32> to vector<128x1xf32>
    %slice3A_258 = vector.extract_strided_slice %convert_element_type3A_55 {offsets = [1408, 0], sizes = [128, 32], strides = [1, 1]} : vector<2048x32xf32> to vector<128x32xf32>
    %slice3A_259 = vector.extract_strided_slice %dot_general3A_154 {offsets = [11, 0], sizes = [1, 32], strides = [1, 1]} : vector<16x32xf32> to vector<1x32xf32>
    %add3A_260 = arith.addf %dot_general3A_159, %slice3A_259 : vector<1x32xf32>
    %add3A_261 = vector.broadcast %add3A_260 : vector<1x32xf32> to vector<128x32xf32>
    %add3A_262 = arith.addf %add3A_261, %dot_general3A_124 : vector<128x32xf32>
    %mul3A_263 = arith.mulf %slice3A_258, %add3A_262 : vector<128x32xf32>
    %reduce_sum3A_264 = arith.constant dense<0.000000e+00> : vector<128xf32>
    %reduce_sum3A_265 = vector.multi_reduction <add>, %mul3A_263, %reduce_sum3A_264 [1] : vector<128x32xf32> to vector<128xf32>
    %broadcast_in_dim3A_266 = vector.shape_cast %reduce_sum3A_265 : vector<128xf32> to vector<128x1xf32>
    %slice3A_267 = vector.extract_strided_slice %convert_element_type3A_55 {offsets = [1536, 0], sizes = [128, 32], strides = [1, 1]} : vector<2048x32xf32> to vector<128x32xf32>
    %slice3A_268 = vector.extract_strided_slice %dot_general3A_154 {offsets = [12, 0], sizes = [1, 32], strides = [1, 1]} : vector<16x32xf32> to vector<1x32xf32>
    %add3A_269 = arith.addf %dot_general3A_159, %slice3A_268 : vector<1x32xf32>
    %add3A_270 = vector.broadcast %add3A_269 : vector<1x32xf32> to vector<128x32xf32>
    %add3A_271 = arith.addf %add3A_270, %dot_general3A_130 : vector<128x32xf32>
    %mul3A_272 = arith.mulf %slice3A_267, %add3A_271 : vector<128x32xf32>
    %reduce_sum3A_273 = arith.constant dense<0.000000e+00> : vector<128xf32>
    %reduce_sum3A_274 = vector.multi_reduction <add>, %mul3A_272, %reduce_sum3A_273 [1] : vector<128x32xf32> to vector<128xf32>
    %broadcast_in_dim3A_275 = vector.shape_cast %reduce_sum3A_274 : vector<128xf32> to vector<128x1xf32>
    %slice3A_276 = vector.extract_strided_slice %convert_element_type3A_55 {offsets = [1664, 0], sizes = [128, 32], strides = [1, 1]} : vector<2048x32xf32> to vector<128x32xf32>
    %slice3A_277 = vector.extract_strided_slice %dot_general3A_154 {offsets = [13, 0], sizes = [1, 32], strides = [1, 1]} : vector<16x32xf32> to vector<1x32xf32>
    %add3A_278 = arith.addf %dot_general3A_159, %slice3A_277 : vector<1x32xf32>
    %add3A_279 = vector.broadcast %add3A_278 : vector<1x32xf32> to vector<128x32xf32>
    %add3A_280 = arith.addf %add3A_279, %dot_general3A_136 : vector<128x32xf32>
    %mul3A_281 = arith.mulf %slice3A_276, %add3A_280 : vector<128x32xf32>
    %reduce_sum3A_282 = arith.constant dense<0.000000e+00> : vector<128xf32>
    %reduce_sum3A_283 = vector.multi_reduction <add>, %mul3A_281, %reduce_sum3A_282 [1] : vector<128x32xf32> to vector<128xf32>
    %broadcast_in_dim3A_284 = vector.shape_cast %reduce_sum3A_283 : vector<128xf32> to vector<128x1xf32>
    %slice3A_285 = vector.extract_strided_slice %convert_element_type3A_55 {offsets = [1792, 0], sizes = [128, 32], strides = [1, 1]} : vector<2048x32xf32> to vector<128x32xf32>
    %slice3A_286 = vector.extract_strided_slice %dot_general3A_154 {offsets = [14, 0], sizes = [1, 32], strides = [1, 1]} : vector<16x32xf32> to vector<1x32xf32>
    %add3A_287 = arith.addf %dot_general3A_159, %slice3A_286 : vector<1x32xf32>
    %add3A_288 = vector.broadcast %add3A_287 : vector<1x32xf32> to vector<128x32xf32>
    %add3A_289 = arith.addf %add3A_288, %dot_general3A_142 : vector<128x32xf32>
    %mul3A_290 = arith.mulf %slice3A_285, %add3A_289 : vector<128x32xf32>
    %reduce_sum3A_291 = arith.constant dense<0.000000e+00> : vector<128xf32>
    %reduce_sum3A_292 = vector.multi_reduction <add>, %mul3A_290, %reduce_sum3A_291 [1] : vector<128x32xf32> to vector<128xf32>
    %broadcast_in_dim3A_293 = vector.shape_cast %reduce_sum3A_292 : vector<128xf32> to vector<128x1xf32>
    %slice3A_294 = vector.extract_strided_slice %convert_element_type3A_55 {offsets = [1920, 0], sizes = [128, 32], strides = [1, 1]} : vector<2048x32xf32> to vector<128x32xf32>
    %slice3A_295 = vector.extract_strided_slice %dot_general3A_154 {offsets = [15, 0], sizes = [1, 32], strides = [1, 1]} : vector<16x32xf32> to vector<1x32xf32>
    %add3A_296 = arith.addf %dot_general3A_159, %slice3A_295 : vector<1x32xf32>
    %add3A_297 = vector.broadcast %add3A_296 : vector<1x32xf32> to vector<128x32xf32>
    %add3A_298 = arith.addf %add3A_297, %dot_general3A_148 : vector<128x32xf32>
    %mul3A_299 = arith.mulf %slice3A_294, %add3A_298 : vector<128x32xf32>
    %reduce_sum3A_300 = arith.constant dense<0.000000e+00> : vector<128xf32>
    %reduce_sum3A_301 = vector.multi_reduction <add>, %mul3A_299, %reduce_sum3A_300 [1] : vector<128x32xf32> to vector<128xf32>
    %broadcast_in_dim3A_302 = vector.shape_cast %reduce_sum3A_301 : vector<128xf32> to vector<128x1xf32>
    %concatenate3A_303 = tpu.concatenate %broadcast_in_dim3A_167, %broadcast_in_dim3A_176, %broadcast_in_dim3A_185, %broadcast_in_dim3A_194, %broadcast_in_dim3A_203, %broadcast_in_dim3A_212, %broadcast_in_dim3A_221, %broadcast_in_dim3A_230, %broadcast_in_dim3A_239, %broadcast_in_dim3A_248, %broadcast_in_dim3A_257, %broadcast_in_dim3A_266, %broadcast_in_dim3A_275, %broadcast_in_dim3A_284, %broadcast_in_dim3A_293, %broadcast_in_dim3A_302 in 0 : vector<128x1xf32>, vector<128x1xf32>, vector<128x1xf32>, vector<128x1xf32>, vector<128x1xf32>, vector<128x1xf32>, vector<128x1xf32>, vector<128x1xf32>, vector<128x1xf32>, vector<128x1xf32>, vector<128x1xf32>, vector<128x1xf32>, vector<128x1xf32>, vector<128x1xf32>, vector<128x1xf32>, vector<128x1xf32> -> vector<2048x1xf32>
    %mul3A_304 = arith.constant 7.812500e-03 : f32
    %mul3A_305 = vector.broadcast %mul3A_304 : f32 to vector<2048x1xf32>
    %mul3A_306 = arith.mulf %concatenate3A_303, %mul3A_305 : vector<2048x1xf32>
    %floor3A = math.floor %mul3A_306 : vector<2048x1xf32>
    %slice3A_307 = vector.extract_strided_slice %dot_general3A_17 {offsets = [0, 16], sizes = [2048, 16], strides = [1, 1]} : vector<2048x32xf32> to vector<2048x16xf32>
    %neg3A_308 = arith.constant 0.000000e+00 : f32
    %neg3A_309 = vector.broadcast %neg3A_308 : f32 to vector<2048x16xf32>
    %neg3A_310 = arith.subf %neg3A_309, %slice3A_307 : vector<2048x16xf32>
    %concatenate3A_311 = tpu.concatenate %slice3A_307, %neg3A_310 in 1 : vector<2048x16xf32>, vector<2048x16xf32> -> vector<2048x32xf32>
    %reduce_max3A_312 = arith.constant dense<0xFF800000> : vector<2048xf32>
    %reduce_max3A_313 = vector.multi_reduction <maximumf>, %concatenate3A_311, %reduce_max3A_312 [1] : vector<2048x32xf32> to vector<2048xf32>
    %broadcast_in_dim3A_314 = vector.shape_cast %reduce_max3A_313 : vector<2048xf32> to vector<2048x1xf32>
    %eq3A_315 = vector.broadcast %broadcast_in_dim3A_314 : vector<2048x1xf32> to vector<2048x32xf32>
    %eq3A_316 = arith.cmpf oeq, %concatenate3A_311, %eq3A_315 : vector<2048x32xf32>
    %iota3A_317 = tpu.iota {dimensions = array<i32: 1>} : vector<2048x32xi32>
    %convert_element_type3A_318 = arith.sitofp %iota3A_317 : vector<2048x32xi32> to vector<2048x32xf32>
    %jit3A_319 = arith.constant 3.200000e+01 : f32
    %broadcast_in_dim3A_320 = vector.broadcast %jit3A_319 : f32 to vector<2048x32xf32>
    %select_n3A_321 = arith.select %eq3A_316, %convert_element_type3A_318, %broadcast_in_dim3A_320 : vector<2048x32xi1>, vector<2048x32xf32>
    %reduce_min3A_322 = arith.constant dense<0x7F800000> : vector<2048xf32>
    %reduce_min3A_323 = vector.multi_reduction <minimumf>, %select_n3A_321, %reduce_min3A_322 [1] : vector<2048x32xf32> to vector<2048xf32>
    %broadcast_in_dim3A_324 = vector.shape_cast %reduce_min3A_323 : vector<2048xf32> to vector<2048x1xf32>
    %iota3A_325 = tpu.iota {dimensions = array<i32: 1>} : vector<2048x32xi32>
    %convert_element_type3A_326 = arith.sitofp %iota3A_325 : vector<2048x32xi32> to vector<2048x32xf32>
    %eq3A_327 = vector.broadcast %broadcast_in_dim3A_324 : vector<2048x1xf32> to vector<2048x32xf32>
    %eq3A_328 = arith.cmpf oeq, %eq3A_327, %convert_element_type3A_326 : vector<2048x32xf32>
    %convert_element_type3A_329 = arith.extui %eq3A_328 : vector<2048x32xi1> to vector<2048x32xi32>
    %convert_element_type3A_330 = arith.sitofp %convert_element_type3A_329 : vector<2048x32xi32> to vector<2048x32xf32>
    %slice3A_331 = vector.extract_strided_slice %convert_element_type3A_330 {offsets = [0, 0], sizes = [128, 32], strides = [1, 1]} : vector<2048x32xf32> to vector<128x32xf32>
    %dot_general3A_332 = arith.constant dense<0.000000e+00> : vector<128x32xf32>
    %dot_general3A_333 = tpu.matmul %convert_element_type3A_21, %slice3A_331, %dot_general3A_332 {dimension_numbers = #tpu.dot_dimension_numbers<[1], [0], [0], [1], [0, 0, 1, 1], [], []>, transpose_lhs_hint = false} : vector<128x128xf32>, vector<128x32xf32>, vector<128x32xf32> -> vector<128x32xf32>
    %reduce_sum3A_334 = arith.constant dense<0.000000e+00> : vector<32xf32>
    %reduce_sum3A_335 = vector.multi_reduction <add>, %slice3A_331, %reduce_sum3A_334 [0] : vector<128x32xf32> to vector<32xf32>
    %broadcast_in_dim3A_336 = vector.shape_cast %reduce_sum3A_335 : vector<32xf32> to vector<1x32xf32>
    %slice3A_337 = vector.extract_strided_slice %convert_element_type3A_330 {offsets = [128, 0], sizes = [128, 32], strides = [1, 1]} : vector<2048x32xf32> to vector<128x32xf32>
    %dot_general3A_338 = arith.constant dense<0.000000e+00> : vector<128x32xf32>
    %dot_general3A_339 = tpu.matmul %convert_element_type3A_21, %slice3A_337, %dot_general3A_338 {dimension_numbers = #tpu.dot_dimension_numbers<[1], [0], [0], [1], [0, 0, 1, 1], [], []>, transpose_lhs_hint = false} : vector<128x128xf32>, vector<128x32xf32>, vector<128x32xf32> -> vector<128x32xf32>
    %reduce_sum3A_340 = arith.constant dense<0.000000e+00> : vector<32xf32>
    %reduce_sum3A_341 = vector.multi_reduction <add>, %slice3A_337, %reduce_sum3A_340 [0] : vector<128x32xf32> to vector<32xf32>
    %broadcast_in_dim3A_342 = vector.shape_cast %reduce_sum3A_341 : vector<32xf32> to vector<1x32xf32>
    %slice3A_343 = vector.extract_strided_slice %convert_element_type3A_330 {offsets = [256, 0], sizes = [128, 32], strides = [1, 1]} : vector<2048x32xf32> to vector<128x32xf32>
    %dot_general3A_344 = arith.constant dense<0.000000e+00> : vector<128x32xf32>
    %dot_general3A_345 = tpu.matmul %convert_element_type3A_21, %slice3A_343, %dot_general3A_344 {dimension_numbers = #tpu.dot_dimension_numbers<[1], [0], [0], [1], [0, 0, 1, 1], [], []>, transpose_lhs_hint = false} : vector<128x128xf32>, vector<128x32xf32>, vector<128x32xf32> -> vector<128x32xf32>
    %reduce_sum3A_346 = arith.constant dense<0.000000e+00> : vector<32xf32>
    %reduce_sum3A_347 = vector.multi_reduction <add>, %slice3A_343, %reduce_sum3A_346 [0] : vector<128x32xf32> to vector<32xf32>
    %broadcast_in_dim3A_348 = vector.shape_cast %reduce_sum3A_347 : vector<32xf32> to vector<1x32xf32>
    %slice3A_349 = vector.extract_strided_slice %convert_element_type3A_330 {offsets = [384, 0], sizes = [128, 32], strides = [1, 1]} : vector<2048x32xf32> to vector<128x32xf32>
    %dot_general3A_350 = arith.constant dense<0.000000e+00> : vector<128x32xf32>
    %dot_general3A_351 = tpu.matmul %convert_element_type3A_21, %slice3A_349, %dot_general3A_350 {dimension_numbers = #tpu.dot_dimension_numbers<[1], [0], [0], [1], [0, 0, 1, 1], [], []>, transpose_lhs_hint = false} : vector<128x128xf32>, vector<128x32xf32>, vector<128x32xf32> -> vector<128x32xf32>
    %reduce_sum3A_352 = arith.constant dense<0.000000e+00> : vector<32xf32>
    %reduce_sum3A_353 = vector.multi_reduction <add>, %slice3A_349, %reduce_sum3A_352 [0] : vector<128x32xf32> to vector<32xf32>
    %broadcast_in_dim3A_354 = vector.shape_cast %reduce_sum3A_353 : vector<32xf32> to vector<1x32xf32>
    %slice3A_355 = vector.extract_strided_slice %convert_element_type3A_330 {offsets = [512, 0], sizes = [128, 32], strides = [1, 1]} : vector<2048x32xf32> to vector<128x32xf32>
    %dot_general3A_356 = arith.constant dense<0.000000e+00> : vector<128x32xf32>
    %dot_general3A_357 = tpu.matmul %convert_element_type3A_21, %slice3A_355, %dot_general3A_356 {dimension_numbers = #tpu.dot_dimension_numbers<[1], [0], [0], [1], [0, 0, 1, 1], [], []>, transpose_lhs_hint = false} : vector<128x128xf32>, vector<128x32xf32>, vector<128x32xf32> -> vector<128x32xf32>
    %reduce_sum3A_358 = arith.constant dense<0.000000e+00> : vector<32xf32>
    %reduce_sum3A_359 = vector.multi_reduction <add>, %slice3A_355, %reduce_sum3A_358 [0] : vector<128x32xf32> to vector<32xf32>
    %broadcast_in_dim3A_360 = vector.shape_cast %reduce_sum3A_359 : vector<32xf32> to vector<1x32xf32>
    %slice3A_361 = vector.extract_strided_slice %convert_element_type3A_330 {offsets = [640, 0], sizes = [128, 32], strides = [1, 1]} : vector<2048x32xf32> to vector<128x32xf32>
    %dot_general3A_362 = arith.constant dense<0.000000e+00> : vector<128x32xf32>
    %dot_general3A_363 = tpu.matmul %convert_element_type3A_21, %slice3A_361, %dot_general3A_362 {dimension_numbers = #tpu.dot_dimension_numbers<[1], [0], [0], [1], [0, 0, 1, 1], [], []>, transpose_lhs_hint = false} : vector<128x128xf32>, vector<128x32xf32>, vector<128x32xf32> -> vector<128x32xf32>
    %reduce_sum3A_364 = arith.constant dense<0.000000e+00> : vector<32xf32>
    %reduce_sum3A_365 = vector.multi_reduction <add>, %slice3A_361, %reduce_sum3A_364 [0] : vector<128x32xf32> to vector<32xf32>
    %broadcast_in_dim3A_366 = vector.shape_cast %reduce_sum3A_365 : vector<32xf32> to vector<1x32xf32>
    %slice3A_367 = vector.extract_strided_slice %convert_element_type3A_330 {offsets = [768, 0], sizes = [128, 32], strides = [1, 1]} : vector<2048x32xf32> to vector<128x32xf32>
    %dot_general3A_368 = arith.constant dense<0.000000e+00> : vector<128x32xf32>
    %dot_general3A_369 = tpu.matmul %convert_element_type3A_21, %slice3A_367, %dot_general3A_368 {dimension_numbers = #tpu.dot_dimension_numbers<[1], [0], [0], [1], [0, 0, 1, 1], [], []>, transpose_lhs_hint = false} : vector<128x128xf32>, vector<128x32xf32>, vector<128x32xf32> -> vector<128x32xf32>
    %reduce_sum3A_370 = arith.constant dense<0.000000e+00> : vector<32xf32>
    %reduce_sum3A_371 = vector.multi_reduction <add>, %slice3A_367, %reduce_sum3A_370 [0] : vector<128x32xf32> to vector<32xf32>
    %broadcast_in_dim3A_372 = vector.shape_cast %reduce_sum3A_371 : vector<32xf32> to vector<1x32xf32>
    %slice3A_373 = vector.extract_strided_slice %convert_element_type3A_330 {offsets = [896, 0], sizes = [128, 32], strides = [1, 1]} : vector<2048x32xf32> to vector<128x32xf32>
    %dot_general3A_374 = arith.constant dense<0.000000e+00> : vector<128x32xf32>
    %dot_general3A_375 = tpu.matmul %convert_element_type3A_21, %slice3A_373, %dot_general3A_374 {dimension_numbers = #tpu.dot_dimension_numbers<[1], [0], [0], [1], [0, 0, 1, 1], [], []>, transpose_lhs_hint = false} : vector<128x128xf32>, vector<128x32xf32>, vector<128x32xf32> -> vector<128x32xf32>
    %reduce_sum3A_376 = arith.constant dense<0.000000e+00> : vector<32xf32>
    %reduce_sum3A_377 = vector.multi_reduction <add>, %slice3A_373, %reduce_sum3A_376 [0] : vector<128x32xf32> to vector<32xf32>
    %broadcast_in_dim3A_378 = vector.shape_cast %reduce_sum3A_377 : vector<32xf32> to vector<1x32xf32>
    %slice3A_379 = vector.extract_strided_slice %convert_element_type3A_330 {offsets = [1024, 0], sizes = [128, 32], strides = [1, 1]} : vector<2048x32xf32> to vector<128x32xf32>
    %dot_general3A_380 = arith.constant dense<0.000000e+00> : vector<128x32xf32>
    %dot_general3A_381 = tpu.matmul %convert_element_type3A_21, %slice3A_379, %dot_general3A_380 {dimension_numbers = #tpu.dot_dimension_numbers<[1], [0], [0], [1], [0, 0, 1, 1], [], []>, transpose_lhs_hint = false} : vector<128x128xf32>, vector<128x32xf32>, vector<128x32xf32> -> vector<128x32xf32>
    %reduce_sum3A_382 = arith.constant dense<0.000000e+00> : vector<32xf32>
    %reduce_sum3A_383 = vector.multi_reduction <add>, %slice3A_379, %reduce_sum3A_382 [0] : vector<128x32xf32> to vector<32xf32>
    %broadcast_in_dim3A_384 = vector.shape_cast %reduce_sum3A_383 : vector<32xf32> to vector<1x32xf32>
    %slice3A_385 = vector.extract_strided_slice %convert_element_type3A_330 {offsets = [1152, 0], sizes = [128, 32], strides = [1, 1]} : vector<2048x32xf32> to vector<128x32xf32>
    %dot_general3A_386 = arith.constant dense<0.000000e+00> : vector<128x32xf32>
    %dot_general3A_387 = tpu.matmul %convert_element_type3A_21, %slice3A_385, %dot_general3A_386 {dimension_numbers = #tpu.dot_dimension_numbers<[1], [0], [0], [1], [0, 0, 1, 1], [], []>, transpose_lhs_hint = false} : vector<128x128xf32>, vector<128x32xf32>, vector<128x32xf32> -> vector<128x32xf32>
    %reduce_sum3A_388 = arith.constant dense<0.000000e+00> : vector<32xf32>
    %reduce_sum3A_389 = vector.multi_reduction <add>, %slice3A_385, %reduce_sum3A_388 [0] : vector<128x32xf32> to vector<32xf32>
    %broadcast_in_dim3A_390 = vector.shape_cast %reduce_sum3A_389 : vector<32xf32> to vector<1x32xf32>
    %slice3A_391 = vector.extract_strided_slice %convert_element_type3A_330 {offsets = [1280, 0], sizes = [128, 32], strides = [1, 1]} : vector<2048x32xf32> to vector<128x32xf32>
    %dot_general3A_392 = arith.constant dense<0.000000e+00> : vector<128x32xf32>
    %dot_general3A_393 = tpu.matmul %convert_element_type3A_21, %slice3A_391, %dot_general3A_392 {dimension_numbers = #tpu.dot_dimension_numbers<[1], [0], [0], [1], [0, 0, 1, 1], [], []>, transpose_lhs_hint = false} : vector<128x128xf32>, vector<128x32xf32>, vector<128x32xf32> -> vector<128x32xf32>
    %reduce_sum3A_394 = arith.constant dense<0.000000e+00> : vector<32xf32>
    %reduce_sum3A_395 = vector.multi_reduction <add>, %slice3A_391, %reduce_sum3A_394 [0] : vector<128x32xf32> to vector<32xf32>
    %broadcast_in_dim3A_396 = vector.shape_cast %reduce_sum3A_395 : vector<32xf32> to vector<1x32xf32>
    %slice3A_397 = vector.extract_strided_slice %convert_element_type3A_330 {offsets = [1408, 0], sizes = [128, 32], strides = [1, 1]} : vector<2048x32xf32> to vector<128x32xf32>
    %dot_general3A_398 = arith.constant dense<0.000000e+00> : vector<128x32xf32>
    %dot_general3A_399 = tpu.matmul %convert_element_type3A_21, %slice3A_397, %dot_general3A_398 {dimension_numbers = #tpu.dot_dimension_numbers<[1], [0], [0], [1], [0, 0, 1, 1], [], []>, transpose_lhs_hint = false} : vector<128x128xf32>, vector<128x32xf32>, vector<128x32xf32> -> vector<128x32xf32>
    %reduce_sum3A_400 = arith.constant dense<0.000000e+00> : vector<32xf32>
    %reduce_sum3A_401 = vector.multi_reduction <add>, %slice3A_397, %reduce_sum3A_400 [0] : vector<128x32xf32> to vector<32xf32>
    %broadcast_in_dim3A_402 = vector.shape_cast %reduce_sum3A_401 : vector<32xf32> to vector<1x32xf32>
    %slice3A_403 = vector.extract_strided_slice %convert_element_type3A_330 {offsets = [1536, 0], sizes = [128, 32], strides = [1, 1]} : vector<2048x32xf32> to vector<128x32xf32>
    %dot_general3A_404 = arith.constant dense<0.000000e+00> : vector<128x32xf32>
    %dot_general3A_405 = tpu.matmul %convert_element_type3A_21, %slice3A_403, %dot_general3A_404 {dimension_numbers = #tpu.dot_dimension_numbers<[1], [0], [0], [1], [0, 0, 1, 1], [], []>, transpose_lhs_hint = false} : vector<128x128xf32>, vector<128x32xf32>, vector<128x32xf32> -> vector<128x32xf32>
    %reduce_sum3A_406 = arith.constant dense<0.000000e+00> : vector<32xf32>
    %reduce_sum3A_407 = vector.multi_reduction <add>, %slice3A_403, %reduce_sum3A_406 [0] : vector<128x32xf32> to vector<32xf32>
    %broadcast_in_dim3A_408 = vector.shape_cast %reduce_sum3A_407 : vector<32xf32> to vector<1x32xf32>
    %slice3A_409 = vector.extract_strided_slice %convert_element_type3A_330 {offsets = [1664, 0], sizes = [128, 32], strides = [1, 1]} : vector<2048x32xf32> to vector<128x32xf32>
    %dot_general3A_410 = arith.constant dense<0.000000e+00> : vector<128x32xf32>
    %dot_general3A_411 = tpu.matmul %convert_element_type3A_21, %slice3A_409, %dot_general3A_410 {dimension_numbers = #tpu.dot_dimension_numbers<[1], [0], [0], [1], [0, 0, 1, 1], [], []>, transpose_lhs_hint = false} : vector<128x128xf32>, vector<128x32xf32>, vector<128x32xf32> -> vector<128x32xf32>
    %reduce_sum3A_412 = arith.constant dense<0.000000e+00> : vector<32xf32>
    %reduce_sum3A_413 = vector.multi_reduction <add>, %slice3A_409, %reduce_sum3A_412 [0] : vector<128x32xf32> to vector<32xf32>
    %broadcast_in_dim3A_414 = vector.shape_cast %reduce_sum3A_413 : vector<32xf32> to vector<1x32xf32>
    %slice3A_415 = vector.extract_strided_slice %convert_element_type3A_330 {offsets = [1792, 0], sizes = [128, 32], strides = [1, 1]} : vector<2048x32xf32> to vector<128x32xf32>
    %dot_general3A_416 = arith.constant dense<0.000000e+00> : vector<128x32xf32>
    %dot_general3A_417 = tpu.matmul %convert_element_type3A_21, %slice3A_415, %dot_general3A_416 {dimension_numbers = #tpu.dot_dimension_numbers<[1], [0], [0], [1], [0, 0, 1, 1], [], []>, transpose_lhs_hint = false} : vector<128x128xf32>, vector<128x32xf32>, vector<128x32xf32> -> vector<128x32xf32>
    %reduce_sum3A_418 = arith.constant dense<0.000000e+00> : vector<32xf32>
    %reduce_sum3A_419 = vector.multi_reduction <add>, %slice3A_415, %reduce_sum3A_418 [0] : vector<128x32xf32> to vector<32xf32>
    %broadcast_in_dim3A_420 = vector.shape_cast %reduce_sum3A_419 : vector<32xf32> to vector<1x32xf32>
    %slice3A_421 = vector.extract_strided_slice %convert_element_type3A_330 {offsets = [1920, 0], sizes = [128, 32], strides = [1, 1]} : vector<2048x32xf32> to vector<128x32xf32>
    %dot_general3A_422 = arith.constant dense<0.000000e+00> : vector<128x32xf32>
    %dot_general3A_423 = tpu.matmul %convert_element_type3A_21, %slice3A_421, %dot_general3A_422 {dimension_numbers = #tpu.dot_dimension_numbers<[1], [0], [0], [1], [0, 0, 1, 1], [], []>, transpose_lhs_hint = false} : vector<128x128xf32>, vector<128x32xf32>, vector<128x32xf32> -> vector<128x32xf32>
    %reduce_sum3A_424 = arith.constant dense<0.000000e+00> : vector<32xf32>
    %reduce_sum3A_425 = vector.multi_reduction <add>, %slice3A_421, %reduce_sum3A_424 [0] : vector<128x32xf32> to vector<32xf32>
    %broadcast_in_dim3A_426 = vector.shape_cast %reduce_sum3A_425 : vector<32xf32> to vector<1x32xf32>
    %concatenate3A_427 = tpu.concatenate %broadcast_in_dim3A_336, %broadcast_in_dim3A_342, %broadcast_in_dim3A_348, %broadcast_in_dim3A_354, %broadcast_in_dim3A_360, %broadcast_in_dim3A_366, %broadcast_in_dim3A_372, %broadcast_in_dim3A_378, %broadcast_in_dim3A_384, %broadcast_in_dim3A_390, %broadcast_in_dim3A_396, %broadcast_in_dim3A_402, %broadcast_in_dim3A_408, %broadcast_in_dim3A_414, %broadcast_in_dim3A_420, %broadcast_in_dim3A_426 in 0 : vector<1x32xf32>, vector<1x32xf32>, vector<1x32xf32>, vector<1x32xf32>, vector<1x32xf32>, vector<1x32xf32>, vector<1x32xf32>, vector<1x32xf32>, vector<1x32xf32>, vector<1x32xf32>, vector<1x32xf32>, vector<1x32xf32>, vector<1x32xf32>, vector<1x32xf32>, vector<1x32xf32>, vector<1x32xf32> -> vector<16x32xf32>
    %dot_general3A_428 = arith.constant dense<0.000000e+00> : vector<16x32xf32>
    %dot_general3A_429 = tpu.matmul %convert_element_type3A_28, %concatenate3A_427, %dot_general3A_428 {dimension_numbers = #tpu.dot_dimension_numbers<[1], [0], [0], [1], [0, 0, 1, 1], [], []>, transpose_lhs_hint = false} : vector<16x16xf32>, vector<16x32xf32>, vector<16x32xf32> -> vector<16x32xf32>
    %reduce_sum3A_430 = arith.constant dense<0.000000e+00> : vector<32xf32>
    %reduce_sum3A_431 = vector.multi_reduction <add>, %concatenate3A_427, %reduce_sum3A_430 [0] : vector<16x32xf32> to vector<32xf32>
    %broadcast_in_dim3A_432 = vector.shape_cast %reduce_sum3A_431 : vector<32xf32> to vector<1x32xf32>
    %dot_general3A_433 = arith.constant dense<0.000000e+00> : vector<1x32xf32>
    %dot_general3A_434 = tpu.matmul %broadcast_in_dim3A_432, %convert_element_type3A_34, %dot_general3A_433 {dimension_numbers = #tpu.dot_dimension_numbers<[1], [0], [0], [1], [0, 0, 1, 1], [], []>, precision = #tpu.contract_precision<fp32>, transpose_lhs_hint = false} : vector<1x32xf32>, vector<32x32xf32>, vector<1x32xf32> -> vector<1x32xf32>
    %slice3A_435 = vector.extract_strided_slice %convert_element_type3A_330 {offsets = [0, 0], sizes = [128, 32], strides = [1, 1]} : vector<2048x32xf32> to vector<128x32xf32>
    %slice3A_436 = vector.extract_strided_slice %dot_general3A_429 {offsets = [0, 0], sizes = [1, 32], strides = [1, 1]} : vector<16x32xf32> to vector<1x32xf32>
    %add3A_437 = arith.addf %dot_general3A_434, %slice3A_436 : vector<1x32xf32>
    %add3A_438 = vector.broadcast %add3A_437 : vector<1x32xf32> to vector<128x32xf32>
    %add3A_439 = arith.addf %add3A_438, %dot_general3A_333 : vector<128x32xf32>
    %mul3A_440 = arith.mulf %slice3A_435, %add3A_439 : vector<128x32xf32>
    %reduce_sum3A_441 = arith.constant dense<0.000000e+00> : vector<128xf32>
    %reduce_sum3A_442 = vector.multi_reduction <add>, %mul3A_440, %reduce_sum3A_441 [1] : vector<128x32xf32> to vector<128xf32>
    %broadcast_in_dim3A_443 = vector.shape_cast %reduce_sum3A_442 : vector<128xf32> to vector<128x1xf32>
    %slice3A_444 = vector.extract_strided_slice %convert_element_type3A_330 {offsets = [128, 0], sizes = [128, 32], strides = [1, 1]} : vector<2048x32xf32> to vector<128x32xf32>
    %slice3A_445 = vector.extract_strided_slice %dot_general3A_429 {offsets = [1, 0], sizes = [1, 32], strides = [1, 1]} : vector<16x32xf32> to vector<1x32xf32>
    %add3A_446 = arith.addf %dot_general3A_434, %slice3A_445 : vector<1x32xf32>
    %add3A_447 = vector.broadcast %add3A_446 : vector<1x32xf32> to vector<128x32xf32>
    %add3A_448 = arith.addf %add3A_447, %dot_general3A_339 : vector<128x32xf32>
    %mul3A_449 = arith.mulf %slice3A_444, %add3A_448 : vector<128x32xf32>
    %reduce_sum3A_450 = arith.constant dense<0.000000e+00> : vector<128xf32>
    %reduce_sum3A_451 = vector.multi_reduction <add>, %mul3A_449, %reduce_sum3A_450 [1] : vector<128x32xf32> to vector<128xf32>
    %broadcast_in_dim3A_452 = vector.shape_cast %reduce_sum3A_451 : vector<128xf32> to vector<128x1xf32>
    %slice3A_453 = vector.extract_strided_slice %convert_element_type3A_330 {offsets = [256, 0], sizes = [128, 32], strides = [1, 1]} : vector<2048x32xf32> to vector<128x32xf32>
    %slice3A_454 = vector.extract_strided_slice %dot_general3A_429 {offsets = [2, 0], sizes = [1, 32], strides = [1, 1]} : vector<16x32xf32> to vector<1x32xf32>
    %add3A_455 = arith.addf %dot_general3A_434, %slice3A_454 : vector<1x32xf32>
    %add3A_456 = vector.broadcast %add3A_455 : vector<1x32xf32> to vector<128x32xf32>
    %add3A_457 = arith.addf %add3A_456, %dot_general3A_345 : vector<128x32xf32>
    %mul3A_458 = arith.mulf %slice3A_453, %add3A_457 : vector<128x32xf32>
    %reduce_sum3A_459 = arith.constant dense<0.000000e+00> : vector<128xf32>
    %reduce_sum3A_460 = vector.multi_reduction <add>, %mul3A_458, %reduce_sum3A_459 [1] : vector<128x32xf32> to vector<128xf32>
    %broadcast_in_dim3A_461 = vector.shape_cast %reduce_sum3A_460 : vector<128xf32> to vector<128x1xf32>
    %slice3A_462 = vector.extract_strided_slice %convert_element_type3A_330 {offsets = [384, 0], sizes = [128, 32], strides = [1, 1]} : vector<2048x32xf32> to vector<128x32xf32>
    %slice3A_463 = vector.extract_strided_slice %dot_general3A_429 {offsets = [3, 0], sizes = [1, 32], strides = [1, 1]} : vector<16x32xf32> to vector<1x32xf32>
    %add3A_464 = arith.addf %dot_general3A_434, %slice3A_463 : vector<1x32xf32>
    %add3A_465 = vector.broadcast %add3A_464 : vector<1x32xf32> to vector<128x32xf32>
    %add3A_466 = arith.addf %add3A_465, %dot_general3A_351 : vector<128x32xf32>
    %mul3A_467 = arith.mulf %slice3A_462, %add3A_466 : vector<128x32xf32>
    %reduce_sum3A_468 = arith.constant dense<0.000000e+00> : vector<128xf32>
    %reduce_sum3A_469 = vector.multi_reduction <add>, %mul3A_467, %reduce_sum3A_468 [1] : vector<128x32xf32> to vector<128xf32>
    %broadcast_in_dim3A_470 = vector.shape_cast %reduce_sum3A_469 : vector<128xf32> to vector<128x1xf32>
    %slice3A_471 = vector.extract_strided_slice %convert_element_type3A_330 {offsets = [512, 0], sizes = [128, 32], strides = [1, 1]} : vector<2048x32xf32> to vector<128x32xf32>
    %slice3A_472 = vector.extract_strided_slice %dot_general3A_429 {offsets = [4, 0], sizes = [1, 32], strides = [1, 1]} : vector<16x32xf32> to vector<1x32xf32>
    %add3A_473 = arith.addf %dot_general3A_434, %slice3A_472 : vector<1x32xf32>
    %add3A_474 = vector.broadcast %add3A_473 : vector<1x32xf32> to vector<128x32xf32>
    %add3A_475 = arith.addf %add3A_474, %dot_general3A_357 : vector<128x32xf32>
    %mul3A_476 = arith.mulf %slice3A_471, %add3A_475 : vector<128x32xf32>
    %reduce_sum3A_477 = arith.constant dense<0.000000e+00> : vector<128xf32>
    %reduce_sum3A_478 = vector.multi_reduction <add>, %mul3A_476, %reduce_sum3A_477 [1] : vector<128x32xf32> to vector<128xf32>
    %broadcast_in_dim3A_479 = vector.shape_cast %reduce_sum3A_478 : vector<128xf32> to vector<128x1xf32>
    %slice3A_480 = vector.extract_strided_slice %convert_element_type3A_330 {offsets = [640, 0], sizes = [128, 32], strides = [1, 1]} : vector<2048x32xf32> to vector<128x32xf32>
    %slice3A_481 = vector.extract_strided_slice %dot_general3A_429 {offsets = [5, 0], sizes = [1, 32], strides = [1, 1]} : vector<16x32xf32> to vector<1x32xf32>
    %add3A_482 = arith.addf %dot_general3A_434, %slice3A_481 : vector<1x32xf32>
    %add3A_483 = vector.broadcast %add3A_482 : vector<1x32xf32> to vector<128x32xf32>
    %add3A_484 = arith.addf %add3A_483, %dot_general3A_363 : vector<128x32xf32>
    %mul3A_485 = arith.mulf %slice3A_480, %add3A_484 : vector<128x32xf32>
    %reduce_sum3A_486 = arith.constant dense<0.000000e+00> : vector<128xf32>
    %reduce_sum3A_487 = vector.multi_reduction <add>, %mul3A_485, %reduce_sum3A_486 [1] : vector<128x32xf32> to vector<128xf32>
    %broadcast_in_dim3A_488 = vector.shape_cast %reduce_sum3A_487 : vector<128xf32> to vector<128x1xf32>
    %slice3A_489 = vector.extract_strided_slice %convert_element_type3A_330 {offsets = [768, 0], sizes = [128, 32], strides = [1, 1]} : vector<2048x32xf32> to vector<128x32xf32>
    %slice3A_490 = vector.extract_strided_slice %dot_general3A_429 {offsets = [6, 0], sizes = [1, 32], strides = [1, 1]} : vector<16x32xf32> to vector<1x32xf32>
    %add3A_491 = arith.addf %dot_general3A_434, %slice3A_490 : vector<1x32xf32>
    %add3A_492 = vector.broadcast %add3A_491 : vector<1x32xf32> to vector<128x32xf32>
    %add3A_493 = arith.addf %add3A_492, %dot_general3A_369 : vector<128x32xf32>
    %mul3A_494 = arith.mulf %slice3A_489, %add3A_493 : vector<128x32xf32>
    %reduce_sum3A_495 = arith.constant dense<0.000000e+00> : vector<128xf32>
    %reduce_sum3A_496 = vector.multi_reduction <add>, %mul3A_494, %reduce_sum3A_495 [1] : vector<128x32xf32> to vector<128xf32>
    %broadcast_in_dim3A_497 = vector.shape_cast %reduce_sum3A_496 : vector<128xf32> to vector<128x1xf32>
    %slice3A_498 = vector.extract_strided_slice %convert_element_type3A_330 {offsets = [896, 0], sizes = [128, 32], strides = [1, 1]} : vector<2048x32xf32> to vector<128x32xf32>
    %slice3A_499 = vector.extract_strided_slice %dot_general3A_429 {offsets = [7, 0], sizes = [1, 32], strides = [1, 1]} : vector<16x32xf32> to vector<1x32xf32>
    %add3A_500 = arith.addf %dot_general3A_434, %slice3A_499 : vector<1x32xf32>
    %add3A_501 = vector.broadcast %add3A_500 : vector<1x32xf32> to vector<128x32xf32>
    %add3A_502 = arith.addf %add3A_501, %dot_general3A_375 : vector<128x32xf32>
    %mul3A_503 = arith.mulf %slice3A_498, %add3A_502 : vector<128x32xf32>
    %reduce_sum3A_504 = arith.constant dense<0.000000e+00> : vector<128xf32>
    %reduce_sum3A_505 = vector.multi_reduction <add>, %mul3A_503, %reduce_sum3A_504 [1] : vector<128x32xf32> to vector<128xf32>
    %broadcast_in_dim3A_506 = vector.shape_cast %reduce_sum3A_505 : vector<128xf32> to vector<128x1xf32>
    %slice3A_507 = vector.extract_strided_slice %convert_element_type3A_330 {offsets = [1024, 0], sizes = [128, 32], strides = [1, 1]} : vector<2048x32xf32> to vector<128x32xf32>
    %slice3A_508 = vector.extract_strided_slice %dot_general3A_429 {offsets = [8, 0], sizes = [1, 32], strides = [1, 1]} : vector<16x32xf32> to vector<1x32xf32>
    %add3A_509 = arith.addf %dot_general3A_434, %slice3A_508 : vector<1x32xf32>
    %add3A_510 = vector.broadcast %add3A_509 : vector<1x32xf32> to vector<128x32xf32>
    %add3A_511 = arith.addf %add3A_510, %dot_general3A_381 : vector<128x32xf32>
    %mul3A_512 = arith.mulf %slice3A_507, %add3A_511 : vector<128x32xf32>
    %reduce_sum3A_513 = arith.constant dense<0.000000e+00> : vector<128xf32>
    %reduce_sum3A_514 = vector.multi_reduction <add>, %mul3A_512, %reduce_sum3A_513 [1] : vector<128x32xf32> to vector<128xf32>
    %broadcast_in_dim3A_515 = vector.shape_cast %reduce_sum3A_514 : vector<128xf32> to vector<128x1xf32>
    %slice3A_516 = vector.extract_strided_slice %convert_element_type3A_330 {offsets = [1152, 0], sizes = [128, 32], strides = [1, 1]} : vector<2048x32xf32> to vector<128x32xf32>
    %slice3A_517 = vector.extract_strided_slice %dot_general3A_429 {offsets = [9, 0], sizes = [1, 32], strides = [1, 1]} : vector<16x32xf32> to vector<1x32xf32>
    %add3A_518 = arith.addf %dot_general3A_434, %slice3A_517 : vector<1x32xf32>
    %add3A_519 = vector.broadcast %add3A_518 : vector<1x32xf32> to vector<128x32xf32>
    %add3A_520 = arith.addf %add3A_519, %dot_general3A_387 : vector<128x32xf32>
    %mul3A_521 = arith.mulf %slice3A_516, %add3A_520 : vector<128x32xf32>
    %reduce_sum3A_522 = arith.constant dense<0.000000e+00> : vector<128xf32>
    %reduce_sum3A_523 = vector.multi_reduction <add>, %mul3A_521, %reduce_sum3A_522 [1] : vector<128x32xf32> to vector<128xf32>
    %broadcast_in_dim3A_524 = vector.shape_cast %reduce_sum3A_523 : vector<128xf32> to vector<128x1xf32>
    %slice3A_525 = vector.extract_strided_slice %convert_element_type3A_330 {offsets = [1280, 0], sizes = [128, 32], strides = [1, 1]} : vector<2048x32xf32> to vector<128x32xf32>
    %slice3A_526 = vector.extract_strided_slice %dot_general3A_429 {offsets = [10, 0], sizes = [1, 32], strides = [1, 1]} : vector<16x32xf32> to vector<1x32xf32>
    %add3A_527 = arith.addf %dot_general3A_434, %slice3A_526 : vector<1x32xf32>
    %add3A_528 = vector.broadcast %add3A_527 : vector<1x32xf32> to vector<128x32xf32>
    %add3A_529 = arith.addf %add3A_528, %dot_general3A_393 : vector<128x32xf32>
    %mul3A_530 = arith.mulf %slice3A_525, %add3A_529 : vector<128x32xf32>
    %reduce_sum3A_531 = arith.constant dense<0.000000e+00> : vector<128xf32>
    %reduce_sum3A_532 = vector.multi_reduction <add>, %mul3A_530, %reduce_sum3A_531 [1] : vector<128x32xf32> to vector<128xf32>
    %broadcast_in_dim3A_533 = vector.shape_cast %reduce_sum3A_532 : vector<128xf32> to vector<128x1xf32>
    %slice3A_534 = vector.extract_strided_slice %convert_element_type3A_330 {offsets = [1408, 0], sizes = [128, 32], strides = [1, 1]} : vector<2048x32xf32> to vector<128x32xf32>
    %slice3A_535 = vector.extract_strided_slice %dot_general3A_429 {offsets = [11, 0], sizes = [1, 32], strides = [1, 1]} : vector<16x32xf32> to vector<1x32xf32>
    %add3A_536 = arith.addf %dot_general3A_434, %slice3A_535 : vector<1x32xf32>
    %add3A_537 = vector.broadcast %add3A_536 : vector<1x32xf32> to vector<128x32xf32>
    %add3A_538 = arith.addf %add3A_537, %dot_general3A_399 : vector<128x32xf32>
    %mul3A_539 = arith.mulf %slice3A_534, %add3A_538 : vector<128x32xf32>
    %reduce_sum3A_540 = arith.constant dense<0.000000e+00> : vector<128xf32>
    %reduce_sum3A_541 = vector.multi_reduction <add>, %mul3A_539, %reduce_sum3A_540 [1] : vector<128x32xf32> to vector<128xf32>
    %broadcast_in_dim3A_542 = vector.shape_cast %reduce_sum3A_541 : vector<128xf32> to vector<128x1xf32>
    %slice3A_543 = vector.extract_strided_slice %convert_element_type3A_330 {offsets = [1536, 0], sizes = [128, 32], strides = [1, 1]} : vector<2048x32xf32> to vector<128x32xf32>
    %slice3A_544 = vector.extract_strided_slice %dot_general3A_429 {offsets = [12, 0], sizes = [1, 32], strides = [1, 1]} : vector<16x32xf32> to vector<1x32xf32>
    %add3A_545 = arith.addf %dot_general3A_434, %slice3A_544 : vector<1x32xf32>
    %add3A_546 = vector.broadcast %add3A_545 : vector<1x32xf32> to vector<128x32xf32>
    %add3A_547 = arith.addf %add3A_546, %dot_general3A_405 : vector<128x32xf32>
    %mul3A_548 = arith.mulf %slice3A_543, %add3A_547 : vector<128x32xf32>
    %reduce_sum3A_549 = arith.constant dense<0.000000e+00> : vector<128xf32>
    %reduce_sum3A_550 = vector.multi_reduction <add>, %mul3A_548, %reduce_sum3A_549 [1] : vector<128x32xf32> to vector<128xf32>
    %broadcast_in_dim3A_551 = vector.shape_cast %reduce_sum3A_550 : vector<128xf32> to vector<128x1xf32>
    %slice3A_552 = vector.extract_strided_slice %convert_element_type3A_330 {offsets = [1664, 0], sizes = [128, 32], strides = [1, 1]} : vector<2048x32xf32> to vector<128x32xf32>
    %slice3A_553 = vector.extract_strided_slice %dot_general3A_429 {offsets = [13, 0], sizes = [1, 32], strides = [1, 1]} : vector<16x32xf32> to vector<1x32xf32>
    %add3A_554 = arith.addf %dot_general3A_434, %slice3A_553 : vector<1x32xf32>
    %add3A_555 = vector.broadcast %add3A_554 : vector<1x32xf32> to vector<128x32xf32>
    %add3A_556 = arith.addf %add3A_555, %dot_general3A_411 : vector<128x32xf32>
    %mul3A_557 = arith.mulf %slice3A_552, %add3A_556 : vector<128x32xf32>
    %reduce_sum3A_558 = arith.constant dense<0.000000e+00> : vector<128xf32>
    %reduce_sum3A_559 = vector.multi_reduction <add>, %mul3A_557, %reduce_sum3A_558 [1] : vector<128x32xf32> to vector<128xf32>
    %broadcast_in_dim3A_560 = vector.shape_cast %reduce_sum3A_559 : vector<128xf32> to vector<128x1xf32>
    %slice3A_561 = vector.extract_strided_slice %convert_element_type3A_330 {offsets = [1792, 0], sizes = [128, 32], strides = [1, 1]} : vector<2048x32xf32> to vector<128x32xf32>
    %slice3A_562 = vector.extract_strided_slice %dot_general3A_429 {offsets = [14, 0], sizes = [1, 32], strides = [1, 1]} : vector<16x32xf32> to vector<1x32xf32>
    %add3A_563 = arith.addf %dot_general3A_434, %slice3A_562 : vector<1x32xf32>
    %add3A_564 = vector.broadcast %add3A_563 : vector<1x32xf32> to vector<128x32xf32>
    %add3A_565 = arith.addf %add3A_564, %dot_general3A_417 : vector<128x32xf32>
    %mul3A_566 = arith.mulf %slice3A_561, %add3A_565 : vector<128x32xf32>
    %reduce_sum3A_567 = arith.constant dense<0.000000e+00> : vector<128xf32>
    %reduce_sum3A_568 = vector.multi_reduction <add>, %mul3A_566, %reduce_sum3A_567 [1] : vector<128x32xf32> to vector<128xf32>
    %broadcast_in_dim3A_569 = vector.shape_cast %reduce_sum3A_568 : vector<128xf32> to vector<128x1xf32>
    %slice3A_570 = vector.extract_strided_slice %convert_element_type3A_330 {offsets = [1920, 0], sizes = [128, 32], strides = [1, 1]} : vector<2048x32xf32> to vector<128x32xf32>
    %slice3A_571 = vector.extract_strided_slice %dot_general3A_429 {offsets = [15, 0], sizes = [1, 32], strides = [1, 1]} : vector<16x32xf32> to vector<1x32xf32>
    %add3A_572 = arith.addf %dot_general3A_434, %slice3A_571 : vector<1x32xf32>
    %add3A_573 = vector.broadcast %add3A_572 : vector<1x32xf32> to vector<128x32xf32>
    %add3A_574 = arith.addf %add3A_573, %dot_general3A_423 : vector<128x32xf32>
    %mul3A_575 = arith.mulf %slice3A_570, %add3A_574 : vector<128x32xf32>
    %reduce_sum3A_576 = arith.constant dense<0.000000e+00> : vector<128xf32>
    %reduce_sum3A_577 = vector.multi_reduction <add>, %mul3A_575, %reduce_sum3A_576 [1] : vector<128x32xf32> to vector<128xf32>
    %broadcast_in_dim3A_578 = vector.shape_cast %reduce_sum3A_577 : vector<128xf32> to vector<128x1xf32>
    %concatenate3A_579 = tpu.concatenate %broadcast_in_dim3A_443, %broadcast_in_dim3A_452, %broadcast_in_dim3A_461, %broadcast_in_dim3A_470, %broadcast_in_dim3A_479, %broadcast_in_dim3A_488, %broadcast_in_dim3A_497, %broadcast_in_dim3A_506, %broadcast_in_dim3A_515, %broadcast_in_dim3A_524, %broadcast_in_dim3A_533, %broadcast_in_dim3A_542, %broadcast_in_dim3A_551, %broadcast_in_dim3A_560, %broadcast_in_dim3A_569, %broadcast_in_dim3A_578 in 0 : vector<128x1xf32>, vector<128x1xf32>, vector<128x1xf32>, vector<128x1xf32>, vector<128x1xf32>, vector<128x1xf32>, vector<128x1xf32>, vector<128x1xf32>, vector<128x1xf32>, vector<128x1xf32>, vector<128x1xf32>, vector<128x1xf32>, vector<128x1xf32>, vector<128x1xf32>, vector<128x1xf32>, vector<128x1xf32> -> vector<2048x1xf32>
    %mul3A_580 = arith.constant 7.812500e-03 : f32
    %mul3A_581 = vector.broadcast %mul3A_580 : f32 to vector<2048x1xf32>
    %mul3A_582 = arith.mulf %concatenate3A_579, %mul3A_581 : vector<2048x1xf32>
    %floor3A_583 = math.floor %mul3A_582 : vector<2048x1xf32>
    %slice3A_584 = vector.extract_strided_slice %concatenate3A {offsets = [0, 0], sizes = [2048, 1], strides = [1, 1]} : vector<2048x8xf32> to vector<2048x1xf32>
    %broadcast_in_dim3A_585 = arith.constant 0.000000e+00 : f32
    %broadcast_in_dim3A_586 = vector.broadcast %broadcast_in_dim3A_585 : f32 to vector<2048x3xf32>
    %concatenate3A_587 = tpu.concatenate %slice3A_584, %broadcast_in_dim3A_49, %broadcast_in_dim3A_324, %floor3A, %floor3A_583, %broadcast_in_dim3A_586 in 1 : vector<2048x1xf32>, vector<2048x1xf32>, vector<2048x1xf32>, vector<2048x1xf32>, vector<2048x1xf32>, vector<2048x3xf32> -> vector<2048x8xf32>
    %concatenate3A_588 = tpu.concatenate %div3A_9, %get3A_4 in 1 : vector<2048x64xf32>, vector<2048x64xf32> -> vector<2048x128xf32>
    %swap3A = arith.constant 0 : index
    %swap3A_589 = arith.constant 0 : index
    %swap3A_590 = vector.load %arg4[%swap3A, %swap3A_589] : memref<2048x128xf32, #tpu.memory_space<vmem>>, vector<2048x128xf32>
    tpu.vector_store %arg4[%swap3A, %swap3A_589], %concatenate3A_588 {strides = array<i32>} : memref<2048x128xf32, #tpu.memory_space<vmem>>, vector<2048x128xf32>,
    %convert_element_type3A_591 = arith.sitofp %arg0 : i32 to f32
    %convert_element_type3A_592 = arith.truncf %concatenate3A_587 : vector<2048x8xf32> to vector<2048x8xbf16>
    %convert_element_type3A_593 = arith.extf %convert_element_type3A_592 : vector<2048x8xbf16> to vector<2048x8xf32>
    %sub3A = arith.subf %concatenate3A_587, %convert_element_type3A_593 : vector<2048x8xf32>
    %concatenate3A_594 = tpu.concatenate %convert_element_type3A_593, %sub3A in 1 : vector<2048x8xf32>, vector<2048x8xf32> -> vector<2048x16xf32>
    %mul3A_595 = arith.constant 2.000000e+00 : f32
    %mul3A_596 = arith.mulf %convert_element_type3A_591, %mul3A_595 : f32
    %add3A_597 = arith.constant 0.000000e+00 : f32
    %add3A_598 = arith.addf %mul3A_596, %add3A_597 : f32
    %mul3A_599 = arith.constant 2.048000e+03 : f32
    %mul3A_600 = arith.mulf %add3A_598, %mul3A_599 : f32
    %add3A_601 = vector.broadcast %mul3A_600 : f32 to vector<2048x1xf32>
    %add3A_602 = arith.addf %concatenate3A_303, %add3A_601 : vector<2048x1xf32>
    %broadcast_in_dim3A_603 = arith.constant 0.000000e+00 : f32
    %broadcast_in_dim3A_604 = vector.broadcast %broadcast_in_dim3A_603 : f32 to vector<2048x7xf32>
    %concatenate3A_605 = tpu.concatenate %add3A_602, %broadcast_in_dim3A_604 in 1 : vector<2048x1xf32>, vector<2048x7xf32> -> vector<2048x8xf32>
    %convert_element_type3A_606 = arith.fptosi %concatenate3A_605 : vector<2048x8xf32> to vector<2048x8xi32>
    %swap3A_607 = arith.constant 0 : index
    %swap3A_608 = arith.constant 0 : index
    %swap3A_609 = vector.load %arg6[%swap3A_607, %swap3A_608] : memref<4096x8xi32, #tpu.memory_space<vmem>>, vector<2048x8xi32>
    tpu.vector_store %arg6[%swap3A_607, %swap3A_608], %convert_element_type3A_606 {strides = array<i32>} : memref<4096x8xi32, #tpu.memory_space<vmem>>, vector<2048x8xi32>,
    %mul3A_610 = arith.constant 2.000000e+00 : f32
    %mul3A_611 = arith.mulf %convert_element_type3A_591, %mul3A_610 : f32
    %add3A_612 = arith.constant 1.000000e+00 : f32
    %add3A_613 = arith.addf %mul3A_611, %add3A_612 : f32
    %mul3A_614 = arith.constant 2.048000e+03 : f32
    %mul3A_615 = arith.mulf %add3A_613, %mul3A_614 : f32
    %add3A_616 = vector.broadcast %mul3A_615 : f32 to vector<2048x1xf32>
    %add3A_617 = arith.addf %concatenate3A_579, %add3A_616 : vector<2048x1xf32>
    %broadcast_in_dim3A_618 = arith.constant 0.000000e+00 : f32
    %broadcast_in_dim3A_619 = vector.broadcast %broadcast_in_dim3A_618 : f32 to vector<2048x7xf32>
    %concatenate3A_620 = tpu.concatenate %add3A_617, %broadcast_in_dim3A_619 in 1 : vector<2048x1xf32>, vector<2048x7xf32> -> vector<2048x8xf32>
    %convert_element_type3A_621 = arith.fptosi %concatenate3A_620 : vector<2048x8xf32> to vector<2048x8xi32>
    %swap3A_622 = arith.constant 2048 : index
    %swap3A_623 = arith.constant 0 : index
    %swap3A_624 = vector.load %arg6[%swap3A_622, %swap3A_623] : memref<4096x8xi32, #tpu.memory_space<vmem>>, vector<2048x8xi32>
    tpu.vector_store %arg6[%swap3A_622, %swap3A_623], %convert_element_type3A_621 {strides = array<i32>} : memref<4096x8xi32, #tpu.memory_space<vmem>>, vector<2048x8xi32>,
    %iota3A_625 = tpu.iota {dimensions = array<i32: 1>} : vector<2048x128xi32>
    %convert_element_type3A_626 = arith.sitofp %iota3A_625 : vector<2048x128xi32> to vector<2048x128xf32>
    %add3A_627 = arith.constant 0.000000e+00 : f32
    %add3A_628 = vector.broadcast %add3A_627 : f32 to vector<2048x128xf32>
    %add3A_629 = arith.addf %add3A_628, %convert_element_type3A_626 : vector<2048x128xf32>
    %eq3A_630 = vector.broadcast %concatenate3A_303 : vector<2048x1xf32> to vector<2048x128xf32>
    %eq3A_631 = arith.cmpf oeq, %eq3A_630, %add3A_629 : vector<2048x128xf32>
    %convert_element_type3A_632 = arith.extui %eq3A_631 : vector<2048x128xi1> to vector<2048x128xi32>
    %convert_element_type3A_633 = arith.sitofp %convert_element_type3A_632 : vector<2048x128xi32> to vector<2048x128xf32>
    %dot_general3A_634 = arith.constant dense<0.000000e+00> : vector<128x16xf32>
    %dot_general3A_635 = tpu.matmul %convert_element_type3A_633, %concatenate3A_594, %dot_general3A_634 {dimension_numbers = #tpu.dot_dimension_numbers<[0], [0], [1], [1], [0, 1, 1, 1], [], []>, transpose_lhs_hint = false} : vector<2048x128xf32>, vector<2048x16xf32>, vector<128x16xf32> -> vector<128x16xf32>
    %slice3A_636 = vector.extract_strided_slice %dot_general3A_635 {offsets = [0, 0], sizes = [128, 8], strides = [1, 1]} : vector<128x16xf32> to vector<128x8xf32>
    %slice3A_637 = vector.extract_strided_slice %dot_general3A_635 {offsets = [0, 8], sizes = [128, 8], strides = [1, 1]} : vector<128x16xf32> to vector<128x8xf32>
    %add3A_638 = arith.addf %slice3A_636, %slice3A_637 : vector<128x8xf32>
    %slice3A_639 = vector.extract_strided_slice %add3A_638 {offsets = [0, 0], sizes = [128, 1], strides = [1, 1]} : vector<128x8xf32> to vector<128x1xf32>
    %mul3A_640 = arith.constant 2.048000e+03 : f32
    %mul3A_641 = arith.mulf %convert_element_type3A_591, %mul3A_640 : f32
    %add3A_642 = vector.broadcast %mul3A_641 : f32 to vector<128x1xf32>
    %add3A_643 = arith.addf %slice3A_639, %add3A_642 : vector<128x1xf32>
    %broadcast_in_dim3A_644 = arith.constant 0.000000e+00 : f32
    %broadcast_in_dim3A_645 = vector.broadcast %broadcast_in_dim3A_644 : f32 to vector<128x7xf32>
    %concatenate3A_646 = tpu.concatenate %add3A_643, %broadcast_in_dim3A_645 in 1 : vector<128x1xf32>, vector<128x7xf32> -> vector<128x8xf32>
    %convert_element_type3A_647 = arith.fptosi %concatenate3A_646 : vector<128x8xf32> to vector<128x8xi32>
    %swap3A_648 = arith.constant 0 : index
    %swap3A_649 = arith.constant 0 : index
    %swap3A_650 = vector.load %arg5[%swap3A_648, %swap3A_649] : memref<4096x8xi32, #tpu.memory_space<vmem>>, vector<128x8xi32>
    tpu.vector_store %arg5[%swap3A_648, %swap3A_649], %convert_element_type3A_647 {strides = array<i32>} : memref<4096x8xi32, #tpu.memory_space<vmem>>, vector<128x8xi32>,
    %slice3A_651 = vector.extract_strided_slice %add3A_638 {offsets = [0, 1], sizes = [128, 1], strides = [1, 1]} : vector<128x8xf32> to vector<128x1xf32>
    %slice3A_652 = vector.extract_strided_slice %add3A_638 {offsets = [0, 4], sizes = [128, 1], strides = [1, 1]} : vector<128x8xf32> to vector<128x1xf32>
    %broadcast_in_dim3A_653 = arith.constant 0.000000e+00 : f32
    %broadcast_in_dim3A_654 = vector.broadcast %broadcast_in_dim3A_653 : f32 to vector<128x6xf32>
    %concatenate3A_655 = tpu.concatenate %slice3A_651, %slice3A_652, %broadcast_in_dim3A_654 in 1 : vector<128x1xf32>, vector<128x1xf32>, vector<128x6xf32> -> vector<128x8xf32>
    %swap3A_656 = arith.constant 0 : index
    %swap3A_657 = arith.constant 0 : index
    %swap3A_658 = vector.load %arg7[%swap3A_656, %swap3A_657] : memref<4096x8xf32, #tpu.memory_space<vmem>>, vector<128x8xf32>
    tpu.vector_store %arg7[%swap3A_656, %swap3A_657], %concatenate3A_655 {strides = array<i32>} : memref<4096x8xf32, #tpu.memory_space<vmem>>, vector<128x8xf32>,
    %iota3A_659 = tpu.iota {dimensions = array<i32: 1>} : vector<2048x128xi32>
    %convert_element_type3A_660 = arith.sitofp %iota3A_659 : vector<2048x128xi32> to vector<2048x128xf32>
    %add3A_661 = arith.constant 1.280000e+02 : f32
    %add3A_662 = vector.broadcast %add3A_661 : f32 to vector<2048x128xf32>
    %add3A_663 = arith.addf %add3A_662, %convert_element_type3A_660 : vector<2048x128xf32>
    %eq3A_664 = vector.broadcast %concatenate3A_303 : vector<2048x1xf32> to vector<2048x128xf32>
    %eq3A_665 = arith.cmpf oeq, %eq3A_664, %add3A_663 : vector<2048x128xf32>
    %convert_element_type3A_666 = arith.extui %eq3A_665 : vector<2048x128xi1> to vector<2048x128xi32>
    %convert_element_type3A_667 = arith.sitofp %convert_element_type3A_666 : vector<2048x128xi32> to vector<2048x128xf32>
    %dot_general3A_668 = arith.constant dense<0.000000e+00> : vector<128x16xf32>
    %dot_general3A_669 = tpu.matmul %convert_element_type3A_667, %concatenate3A_594, %dot_general3A_668 {dimension_numbers = #tpu.dot_dimension_numbers<[0], [0], [1], [1], [0, 1, 1, 1], [], []>, transpose_lhs_hint = false} : vector<2048x128xf32>, vector<2048x16xf32>, vector<128x16xf32> -> vector<128x16xf32>
    %slice3A_670 = vector.extract_strided_slice %dot_general3A_669 {offsets = [0, 0], sizes = [128, 8], strides = [1, 1]} : vector<128x16xf32> to vector<128x8xf32>
    %slice3A_671 = vector.extract_strided_slice %dot_general3A_669 {offsets = [0, 8], sizes = [128, 8], strides = [1, 1]} : vector<128x16xf32> to vector<128x8xf32>
    %add3A_672 = arith.addf %slice3A_670, %slice3A_671 : vector<128x8xf32>
    %slice3A_673 = vector.extract_strided_slice %add3A_672 {offsets = [0, 0], sizes = [128, 1], strides = [1, 1]} : vector<128x8xf32> to vector<128x1xf32>
    %mul3A_674 = arith.constant 2.048000e+03 : f32
    %mul3A_675 = arith.mulf %convert_element_type3A_591, %mul3A_674 : f32
    %add3A_676 = vector.broadcast %mul3A_675 : f32 to vector<128x1xf32>
    %add3A_677 = arith.addf %slice3A_673, %add3A_676 : vector<128x1xf32>
    %broadcast_in_dim3A_678 = arith.constant 0.000000e+00 : f32
    %broadcast_in_dim3A_679 = vector.broadcast %broadcast_in_dim3A_678 : f32 to vector<128x7xf32>
    %concatenate3A_680 = tpu.concatenate %add3A_677, %broadcast_in_dim3A_679 in 1 : vector<128x1xf32>, vector<128x7xf32> -> vector<128x8xf32>
    %convert_element_type3A_681 = arith.fptosi %concatenate3A_680 : vector<128x8xf32> to vector<128x8xi32>
    %swap3A_682 = arith.constant 128 : index
    %swap3A_683 = arith.constant 0 : index
    %swap3A_684 = vector.load %arg5[%swap3A_682, %swap3A_683] : memref<4096x8xi32, #tpu.memory_space<vmem>>, vector<128x8xi32>
    tpu.vector_store %arg5[%swap3A_682, %swap3A_683], %convert_element_type3A_681 {strides = array<i32>} : memref<4096x8xi32, #tpu.memory_space<vmem>>, vector<128x8xi32>,
    %slice3A_685 = vector.extract_strided_slice %add3A_672 {offsets = [0, 1], sizes = [128, 1], strides = [1, 1]} : vector<128x8xf32> to vector<128x1xf32>
    %slice3A_686 = vector.extract_strided_slice %add3A_672 {offsets = [0, 4], sizes = [128, 1], strides = [1, 1]} : vector<128x8xf32> to vector<128x1xf32>
    %broadcast_in_dim3A_687 = arith.constant 0.000000e+00 : f32
    %broadcast_in_dim3A_688 = vector.broadcast %broadcast_in_dim3A_687 : f32 to vector<128x6xf32>
    %concatenate3A_689 = tpu.concatenate %slice3A_685, %slice3A_686, %broadcast_in_dim3A_688 in 1 : vector<128x1xf32>, vector<128x1xf32>, vector<128x6xf32> -> vector<128x8xf32>
    %swap3A_690 = arith.constant 128 : index
    %swap3A_691 = arith.constant 0 : index
    %swap3A_692 = vector.load %arg7[%swap3A_690, %swap3A_691] : memref<4096x8xf32, #tpu.memory_space<vmem>>, vector<128x8xf32>
    tpu.vector_store %arg7[%swap3A_690, %swap3A_691], %concatenate3A_689 {strides = array<i32>} : memref<4096x8xf32, #tpu.memory_space<vmem>>, vector<128x8xf32>,
    %iota3A_693 = tpu.iota {dimensions = array<i32: 1>} : vector<2048x128xi32>
    %convert_element_type3A_694 = arith.sitofp %iota3A_693 : vector<2048x128xi32> to vector<2048x128xf32>
    %add3A_695 = arith.constant 2.560000e+02 : f32
    %add3A_696 = vector.broadcast %add3A_695 : f32 to vector<2048x128xf32>
    %add3A_697 = arith.addf %add3A_696, %convert_element_type3A_694 : vector<2048x128xf32>
    %eq3A_698 = vector.broadcast %concatenate3A_303 : vector<2048x1xf32> to vector<2048x128xf32>
    %eq3A_699 = arith.cmpf oeq, %eq3A_698, %add3A_697 : vector<2048x128xf32>
    %convert_element_type3A_700 = arith.extui %eq3A_699 : vector<2048x128xi1> to vector<2048x128xi32>
    %convert_element_type3A_701 = arith.sitofp %convert_element_type3A_700 : vector<2048x128xi32> to vector<2048x128xf32>
    %dot_general3A_702 = arith.constant dense<0.000000e+00> : vector<128x16xf32>
    %dot_general3A_703 = tpu.matmul %convert_element_type3A_701, %concatenate3A_594, %dot_general3A_702 {dimension_numbers = #tpu.dot_dimension_numbers<[0], [0], [1], [1], [0, 1, 1, 1], [], []>, transpose_lhs_hint = false} : vector<2048x128xf32>, vector<2048x16xf32>, vector<128x16xf32> -> vector<128x16xf32>
    %slice3A_704 = vector.extract_strided_slice %dot_general3A_703 {offsets = [0, 0], sizes = [128, 8], strides = [1, 1]} : vector<128x16xf32> to vector<128x8xf32>
    %slice3A_705 = vector.extract_strided_slice %dot_general3A_703 {offsets = [0, 8], sizes = [128, 8], strides = [1, 1]} : vector<128x16xf32> to vector<128x8xf32>
    %add3A_706 = arith.addf %slice3A_704, %slice3A_705 : vector<128x8xf32>
    %slice3A_707 = vector.extract_strided_slice %add3A_706 {offsets = [0, 0], sizes = [128, 1], strides = [1, 1]} : vector<128x8xf32> to vector<128x1xf32>
    %mul3A_708 = arith.constant 2.048000e+03 : f32
    %mul3A_709 = arith.mulf %convert_element_type3A_591, %mul3A_708 : f32
    %add3A_710 = vector.broadcast %mul3A_709 : f32 to vector<128x1xf32>
    %add3A_711 = arith.addf %slice3A_707, %add3A_710 : vector<128x1xf32>
    %broadcast_in_dim3A_712 = arith.constant 0.000000e+00 : f32
    %broadcast_in_dim3A_713 = vector.broadcast %broadcast_in_dim3A_712 : f32 to vector<128x7xf32>
    %concatenate3A_714 = tpu.concatenate %add3A_711, %broadcast_in_dim3A_713 in 1 : vector<128x1xf32>, vector<128x7xf32> -> vector<128x8xf32>
    %convert_element_type3A_715 = arith.fptosi %concatenate3A_714 : vector<128x8xf32> to vector<128x8xi32>
    %swap3A_716 = arith.constant 256 : index
    %swap3A_717 = arith.constant 0 : index
    %swap3A_718 = vector.load %arg5[%swap3A_716, %swap3A_717] : memref<4096x8xi32, #tpu.memory_space<vmem>>, vector<128x8xi32>
    tpu.vector_store %arg5[%swap3A_716, %swap3A_717], %convert_element_type3A_715 {strides = array<i32>} : memref<4096x8xi32, #tpu.memory_space<vmem>>, vector<128x8xi32>,
    %slice3A_719 = vector.extract_strided_slice %add3A_706 {offsets = [0, 1], sizes = [128, 1], strides = [1, 1]} : vector<128x8xf32> to vector<128x1xf32>
    %slice3A_720 = vector.extract_strided_slice %add3A_706 {offsets = [0, 4], sizes = [128, 1], strides = [1, 1]} : vector<128x8xf32> to vector<128x1xf32>
    %broadcast_in_dim3A_721 = arith.constant 0.000000e+00 : f32
    %broadcast_in_dim3A_722 = vector.broadcast %broadcast_in_dim3A_721 : f32 to vector<128x6xf32>
    %concatenate3A_723 = tpu.concatenate %slice3A_719, %slice3A_720, %broadcast_in_dim3A_722 in 1 : vector<128x1xf32>, vector<128x1xf32>, vector<128x6xf32> -> vector<128x8xf32>
    %swap3A_724 = arith.constant 256 : index
    %swap3A_725 = arith.constant 0 : index
    %swap3A_726 = vector.load %arg7[%swap3A_724, %swap3A_725] : memref<4096x8xf32, #tpu.memory_space<vmem>>, vector<128x8xf32>
    tpu.vector_store %arg7[%swap3A_724, %swap3A_725], %concatenate3A_723 {strides = array<i32>} : memref<4096x8xf32, #tpu.memory_space<vmem>>, vector<128x8xf32>,
    %iota3A_727 = tpu.iota {dimensions = array<i32: 1>} : vector<2048x128xi32>
    %convert_element_type3A_728 = arith.sitofp %iota3A_727 : vector<2048x128xi32> to vector<2048x128xf32>
    %add3A_729 = arith.constant 3.840000e+02 : f32
    %add3A_730 = vector.broadcast %add3A_729 : f32 to vector<2048x128xf32>
    %add3A_731 = arith.addf %add3A_730, %convert_element_type3A_728 : vector<2048x128xf32>
    %eq3A_732 = vector.broadcast %concatenate3A_303 : vector<2048x1xf32> to vector<2048x128xf32>
    %eq3A_733 = arith.cmpf oeq, %eq3A_732, %add3A_731 : vector<2048x128xf32>
    %convert_element_type3A_734 = arith.extui %eq3A_733 : vector<2048x128xi1> to vector<2048x128xi32>
    %convert_element_type3A_735 = arith.sitofp %convert_element_type3A_734 : vector<2048x128xi32> to vector<2048x128xf32>
    %dot_general3A_736 = arith.constant dense<0.000000e+00> : vector<128x16xf32>
    %dot_general3A_737 = tpu.matmul %convert_element_type3A_735, %concatenate3A_594, %dot_general3A_736 {dimension_numbers = #tpu.dot_dimension_numbers<[0], [0], [1], [1], [0, 1, 1, 1], [], []>, transpose_lhs_hint = false} : vector<2048x128xf32>, vector<2048x16xf32>, vector<128x16xf32> -> vector<128x16xf32>
    %slice3A_738 = vector.extract_strided_slice %dot_general3A_737 {offsets = [0, 0], sizes = [128, 8], strides = [1, 1]} : vector<128x16xf32> to vector<128x8xf32>
    %slice3A_739 = vector.extract_strided_slice %dot_general3A_737 {offsets = [0, 8], sizes = [128, 8], strides = [1, 1]} : vector<128x16xf32> to vector<128x8xf32>
    %add3A_740 = arith.addf %slice3A_738, %slice3A_739 : vector<128x8xf32>
    %slice3A_741 = vector.extract_strided_slice %add3A_740 {offsets = [0, 0], sizes = [128, 1], strides = [1, 1]} : vector<128x8xf32> to vector<128x1xf32>
    %mul3A_742 = arith.constant 2.048000e+03 : f32
    %mul3A_743 = arith.mulf %convert_element_type3A_591, %mul3A_742 : f32
    %add3A_744 = vector.broadcast %mul3A_743 : f32 to vector<128x1xf32>
    %add3A_745 = arith.addf %slice3A_741, %add3A_744 : vector<128x1xf32>
    %broadcast_in_dim3A_746 = arith.constant 0.000000e+00 : f32
    %broadcast_in_dim3A_747 = vector.broadcast %broadcast_in_dim3A_746 : f32 to vector<128x7xf32>
    %concatenate3A_748 = tpu.concatenate %add3A_745, %broadcast_in_dim3A_747 in 1 : vector<128x1xf32>, vector<128x7xf32> -> vector<128x8xf32>
    %convert_element_type3A_749 = arith.fptosi %concatenate3A_748 : vector<128x8xf32> to vector<128x8xi32>
    %swap3A_750 = arith.constant 384 : index
    %swap3A_751 = arith.constant 0 : index
    %swap3A_752 = vector.load %arg5[%swap3A_750, %swap3A_751] : memref<4096x8xi32, #tpu.memory_space<vmem>>, vector<128x8xi32>
    tpu.vector_store %arg5[%swap3A_750, %swap3A_751], %convert_element_type3A_749 {strides = array<i32>} : memref<4096x8xi32, #tpu.memory_space<vmem>>, vector<128x8xi32>,
    %slice3A_753 = vector.extract_strided_slice %add3A_740 {offsets = [0, 1], sizes = [128, 1], strides = [1, 1]} : vector<128x8xf32> to vector<128x1xf32>
    %slice3A_754 = vector.extract_strided_slice %add3A_740 {offsets = [0, 4], sizes = [128, 1], strides = [1, 1]} : vector<128x8xf32> to vector<128x1xf32>
    %broadcast_in_dim3A_755 = arith.constant 0.000000e+00 : f32
    %broadcast_in_dim3A_756 = vector.broadcast %broadcast_in_dim3A_755 : f32 to vector<128x6xf32>
    %concatenate3A_757 = tpu.concatenate %slice3A_753, %slice3A_754, %broadcast_in_dim3A_756 in 1 : vector<128x1xf32>, vector<128x1xf32>, vector<128x6xf32> -> vector<128x8xf32>
    %swap3A_758 = arith.constant 384 : index
    %swap3A_759 = arith.constant 0 : index
    %swap3A_760 = vector.load %arg7[%swap3A_758, %swap3A_759] : memref<4096x8xf32, #tpu.memory_space<vmem>>, vector<128x8xf32>
    tpu.vector_store %arg7[%swap3A_758, %swap3A_759], %concatenate3A_757 {strides = array<i32>} : memref<4096x8xf32, #tpu.memory_space<vmem>>, vector<128x8xf32>,
    %iota3A_761 = tpu.iota {dimensions = array<i32: 1>} : vector<2048x128xi32>
    %convert_element_type3A_762 = arith.sitofp %iota3A_761 : vector<2048x128xi32> to vector<2048x128xf32>
    %add3A_763 = arith.constant 5.120000e+02 : f32
    %add3A_764 = vector.broadcast %add3A_763 : f32 to vector<2048x128xf32>
    %add3A_765 = arith.addf %add3A_764, %convert_element_type3A_762 : vector<2048x128xf32>
    %eq3A_766 = vector.broadcast %concatenate3A_303 : vector<2048x1xf32> to vector<2048x128xf32>
    %eq3A_767 = arith.cmpf oeq, %eq3A_766, %add3A_765 : vector<2048x128xf32>
    %convert_element_type3A_768 = arith.extui %eq3A_767 : vector<2048x128xi1> to vector<2048x128xi32>
    %convert_element_type3A_769 = arith.sitofp %convert_element_type3A_768 : vector<2048x128xi32> to vector<2048x128xf32>
    %dot_general3A_770 = arith.constant dense<0.000000e+00> : vector<128x16xf32>
    %dot_general3A_771 = tpu.matmul %convert_element_type3A_769, %concatenate3A_594, %dot_general3A_770 {dimension_numbers = #tpu.dot_dimension_numbers<[0], [0], [1], [1], [0, 1, 1, 1], [], []>, transpose_lhs_hint = false} : vector<2048x128xf32>, vector<2048x16xf32>, vector<128x16xf32> -> vector<128x16xf32>
    %slice3A_772 = vector.extract_strided_slice %dot_general3A_771 {offsets = [0, 0], sizes = [128, 8], strides = [1, 1]} : vector<128x16xf32> to vector<128x8xf32>
    %slice3A_773 = vector.extract_strided_slice %dot_general3A_771 {offsets = [0, 8], sizes = [128, 8], strides = [1, 1]} : vector<128x16xf32> to vector<128x8xf32>
    %add3A_774 = arith.addf %slice3A_772, %slice3A_773 : vector<128x8xf32>
    %slice3A_775 = vector.extract_strided_slice %add3A_774 {offsets = [0, 0], sizes = [128, 1], strides = [1, 1]} : vector<128x8xf32> to vector<128x1xf32>
    %mul3A_776 = arith.constant 2.048000e+03 : f32
    %mul3A_777 = arith.mulf %convert_element_type3A_591, %mul3A_776 : f32
    %add3A_778 = vector.broadcast %mul3A_777 : f32 to vector<128x1xf32>
    %add3A_779 = arith.addf %slice3A_775, %add3A_778 : vector<128x1xf32>
    %broadcast_in_dim3A_780 = arith.constant 0.000000e+00 : f32
    %broadcast_in_dim3A_781 = vector.broadcast %broadcast_in_dim3A_780 : f32 to vector<128x7xf32>
    %concatenate3A_782 = tpu.concatenate %add3A_779, %broadcast_in_dim3A_781 in 1 : vector<128x1xf32>, vector<128x7xf32> -> vector<128x8xf32>
    %convert_element_type3A_783 = arith.fptosi %concatenate3A_782 : vector<128x8xf32> to vector<128x8xi32>
    %swap3A_784 = arith.constant 512 : index
    %swap3A_785 = arith.constant 0 : index
    %swap3A_786 = vector.load %arg5[%swap3A_784, %swap3A_785] : memref<4096x8xi32, #tpu.memory_space<vmem>>, vector<128x8xi32>
    tpu.vector_store %arg5[%swap3A_784, %swap3A_785], %convert_element_type3A_783 {strides = array<i32>} : memref<4096x8xi32, #tpu.memory_space<vmem>>, vector<128x8xi32>,
    %slice3A_787 = vector.extract_strided_slice %add3A_774 {offsets = [0, 1], sizes = [128, 1], strides = [1, 1]} : vector<128x8xf32> to vector<128x1xf32>
    %slice3A_788 = vector.extract_strided_slice %add3A_774 {offsets = [0, 4], sizes = [128, 1], strides = [1, 1]} : vector<128x8xf32> to vector<128x1xf32>
    %broadcast_in_dim3A_789 = arith.constant 0.000000e+00 : f32
    %broadcast_in_dim3A_790 = vector.broadcast %broadcast_in_dim3A_789 : f32 to vector<128x6xf32>
    %concatenate3A_791 = tpu.concatenate %slice3A_787, %slice3A_788, %broadcast_in_dim3A_790 in 1 : vector<128x1xf32>, vector<128x1xf32>, vector<128x6xf32> -> vector<128x8xf32>
    %swap3A_792 = arith.constant 512 : index
    %swap3A_793 = arith.constant 0 : index
    %swap3A_794 = vector.load %arg7[%swap3A_792, %swap3A_793] : memref<4096x8xf32, #tpu.memory_space<vmem>>, vector<128x8xf32>
    tpu.vector_store %arg7[%swap3A_792, %swap3A_793], %concatenate3A_791 {strides = array<i32>} : memref<4096x8xf32, #tpu.memory_space<vmem>>, vector<128x8xf32>,
    %iota3A_795 = tpu.iota {dimensions = array<i32: 1>} : vector<2048x128xi32>
    %convert_element_type3A_796 = arith.sitofp %iota3A_795 : vector<2048x128xi32> to vector<2048x128xf32>
    %add3A_797 = arith.constant 6.400000e+02 : f32
    %add3A_798 = vector.broadcast %add3A_797 : f32 to vector<2048x128xf32>
    %add3A_799 = arith.addf %add3A_798, %convert_element_type3A_796 : vector<2048x128xf32>
    %eq3A_800 = vector.broadcast %concatenate3A_303 : vector<2048x1xf32> to vector<2048x128xf32>
    %eq3A_801 = arith.cmpf oeq, %eq3A_800, %add3A_799 : vector<2048x128xf32>
    %convert_element_type3A_802 = arith.extui %eq3A_801 : vector<2048x128xi1> to vector<2048x128xi32>
    %convert_element_type3A_803 = arith.sitofp %convert_element_type3A_802 : vector<2048x128xi32> to vector<2048x128xf32>
    %dot_general3A_804 = arith.constant dense<0.000000e+00> : vector<128x16xf32>
    %dot_general3A_805 = tpu.matmul %convert_element_type3A_803, %concatenate3A_594, %dot_general3A_804 {dimension_numbers = #tpu.dot_dimension_numbers<[0], [0], [1], [1], [0, 1, 1, 1], [], []>, transpose_lhs_hint = false} : vector<2048x128xf32>, vector<2048x16xf32>, vector<128x16xf32> -> vector<128x16xf32>
    %slice3A_806 = vector.extract_strided_slice %dot_general3A_805 {offsets = [0, 0], sizes = [128, 8], strides = [1, 1]} : vector<128x16xf32> to vector<128x8xf32>
    %slice3A_807 = vector.extract_strided_slice %dot_general3A_805 {offsets = [0, 8], sizes = [128, 8], strides = [1, 1]} : vector<128x16xf32> to vector<128x8xf32>
    %add3A_808 = arith.addf %slice3A_806, %slice3A_807 : vector<128x8xf32>
    %slice3A_809 = vector.extract_strided_slice %add3A_808 {offsets = [0, 0], sizes = [128, 1], strides = [1, 1]} : vector<128x8xf32> to vector<128x1xf32>
    %mul3A_810 = arith.constant 2.048000e+03 : f32
    %mul3A_811 = arith.mulf %convert_element_type3A_591, %mul3A_810 : f32
    %add3A_812 = vector.broadcast %mul3A_811 : f32 to vector<128x1xf32>
    %add3A_813 = arith.addf %slice3A_809, %add3A_812 : vector<128x1xf32>
    %broadcast_in_dim3A_814 = arith.constant 0.000000e+00 : f32
    %broadcast_in_dim3A_815 = vector.broadcast %broadcast_in_dim3A_814 : f32 to vector<128x7xf32>
    %concatenate3A_816 = tpu.concatenate %add3A_813, %broadcast_in_dim3A_815 in 1 : vector<128x1xf32>, vector<128x7xf32> -> vector<128x8xf32>
    %convert_element_type3A_817 = arith.fptosi %concatenate3A_816 : vector<128x8xf32> to vector<128x8xi32>
    %swap3A_818 = arith.constant 640 : index
    %swap3A_819 = arith.constant 0 : index
    %swap3A_820 = vector.load %arg5[%swap3A_818, %swap3A_819] : memref<4096x8xi32, #tpu.memory_space<vmem>>, vector<128x8xi32>
    tpu.vector_store %arg5[%swap3A_818, %swap3A_819], %convert_element_type3A_817 {strides = array<i32>} : memref<4096x8xi32, #tpu.memory_space<vmem>>, vector<128x8xi32>,
    %slice3A_821 = vector.extract_strided_slice %add3A_808 {offsets = [0, 1], sizes = [128, 1], strides = [1, 1]} : vector<128x8xf32> to vector<128x1xf32>
    %slice3A_822 = vector.extract_strided_slice %add3A_808 {offsets = [0, 4], sizes = [128, 1], strides = [1, 1]} : vector<128x8xf32> to vector<128x1xf32>
    %broadcast_in_dim3A_823 = arith.constant 0.000000e+00 : f32
    %broadcast_in_dim3A_824 = vector.broadcast %broadcast_in_dim3A_823 : f32 to vector<128x6xf32>
    %concatenate3A_825 = tpu.concatenate %slice3A_821, %slice3A_822, %broadcast_in_dim3A_824 in 1 : vector<128x1xf32>, vector<128x1xf32>, vector<128x6xf32> -> vector<128x8xf32>
    %swap3A_826 = arith.constant 640 : index
    %swap3A_827 = arith.constant 0 : index
    %swap3A_828 = vector.load %arg7[%swap3A_826, %swap3A_827] : memref<4096x8xf32, #tpu.memory_space<vmem>>, vector<128x8xf32>
    tpu.vector_store %arg7[%swap3A_826, %swap3A_827], %concatenate3A_825 {strides = array<i32>} : memref<4096x8xf32, #tpu.memory_space<vmem>>, vector<128x8xf32>,
    %iota3A_829 = tpu.iota {dimensions = array<i32: 1>} : vector<2048x128xi32>
    %convert_element_type3A_830 = arith.sitofp %iota3A_829 : vector<2048x128xi32> to vector<2048x128xf32>
    %add3A_831 = arith.constant 7.680000e+02 : f32
    %add3A_832 = vector.broadcast %add3A_831 : f32 to vector<2048x128xf32>
    %add3A_833 = arith.addf %add3A_832, %convert_element_type3A_830 : vector<2048x128xf32>
    %eq3A_834 = vector.broadcast %concatenate3A_303 : vector<2048x1xf32> to vector<2048x128xf32>
    %eq3A_835 = arith.cmpf oeq, %eq3A_834, %add3A_833 : vector<2048x128xf32>
    %convert_element_type3A_836 = arith.extui %eq3A_835 : vector<2048x128xi1> to vector<2048x128xi32>
    %convert_element_type3A_837 = arith.sitofp %convert_element_type3A_836 : vector<2048x128xi32> to vector<2048x128xf32>
    %dot_general3A_838 = arith.constant dense<0.000000e+00> : vector<128x16xf32>
    %dot_general3A_839 = tpu.matmul %convert_element_type3A_837, %concatenate3A_594, %dot_general3A_838 {dimension_numbers = #tpu.dot_dimension_numbers<[0], [0], [1], [1], [0, 1, 1, 1], [], []>, transpose_lhs_hint = false} : vector<2048x128xf32>, vector<2048x16xf32>, vector<128x16xf32> -> vector<128x16xf32>
    %slice3A_840 = vector.extract_strided_slice %dot_general3A_839 {offsets = [0, 0], sizes = [128, 8], strides = [1, 1]} : vector<128x16xf32> to vector<128x8xf32>
    %slice3A_841 = vector.extract_strided_slice %dot_general3A_839 {offsets = [0, 8], sizes = [128, 8], strides = [1, 1]} : vector<128x16xf32> to vector<128x8xf32>
    %add3A_842 = arith.addf %slice3A_840, %slice3A_841 : vector<128x8xf32>
    %slice3A_843 = vector.extract_strided_slice %add3A_842 {offsets = [0, 0], sizes = [128, 1], strides = [1, 1]} : vector<128x8xf32> to vector<128x1xf32>
    %mul3A_844 = arith.constant 2.048000e+03 : f32
    %mul3A_845 = arith.mulf %convert_element_type3A_591, %mul3A_844 : f32
    %add3A_846 = vector.broadcast %mul3A_845 : f32 to vector<128x1xf32>
    %add3A_847 = arith.addf %slice3A_843, %add3A_846 : vector<128x1xf32>
    %broadcast_in_dim3A_848 = arith.constant 0.000000e+00 : f32
    %broadcast_in_dim3A_849 = vector.broadcast %broadcast_in_dim3A_848 : f32 to vector<128x7xf32>
    %concatenate3A_850 = tpu.concatenate %add3A_847, %broadcast_in_dim3A_849 in 1 : vector<128x1xf32>, vector<128x7xf32> -> vector<128x8xf32>
    %convert_element_type3A_851 = arith.fptosi %concatenate3A_850 : vector<128x8xf32> to vector<128x8xi32>
    %swap3A_852 = arith.constant 768 : index
    %swap3A_853 = arith.constant 0 : index
    %swap3A_854 = vector.load %arg5[%swap3A_852, %swap3A_853] : memref<4096x8xi32, #tpu.memory_space<vmem>>, vector<128x8xi32>
    tpu.vector_store %arg5[%swap3A_852, %swap3A_853], %convert_element_type3A_851 {strides = array<i32>} : memref<4096x8xi32, #tpu.memory_space<vmem>>, vector<128x8xi32>,
    %slice3A_855 = vector.extract_strided_slice %add3A_842 {offsets = [0, 1], sizes = [128, 1], strides = [1, 1]} : vector<128x8xf32> to vector<128x1xf32>
    %slice3A_856 = vector.extract_strided_slice %add3A_842 {offsets = [0, 4], sizes = [128, 1], strides = [1, 1]} : vector<128x8xf32> to vector<128x1xf32>
    %broadcast_in_dim3A_857 = arith.constant 0.000000e+00 : f32
    %broadcast_in_dim3A_858 = vector.broadcast %broadcast_in_dim3A_857 : f32 to vector<128x6xf32>
    %concatenate3A_859 = tpu.concatenate %slice3A_855, %slice3A_856, %broadcast_in_dim3A_858 in 1 : vector<128x1xf32>, vector<128x1xf32>, vector<128x6xf32> -> vector<128x8xf32>
    %swap3A_860 = arith.constant 768 : index
    %swap3A_861 = arith.constant 0 : index
    %swap3A_862 = vector.load %arg7[%swap3A_860, %swap3A_861] : memref<4096x8xf32, #tpu.memory_space<vmem>>, vector<128x8xf32>
    tpu.vector_store %arg7[%swap3A_860, %swap3A_861], %concatenate3A_859 {strides = array<i32>} : memref<4096x8xf32, #tpu.memory_space<vmem>>, vector<128x8xf32>,
    %iota3A_863 = tpu.iota {dimensions = array<i32: 1>} : vector<2048x128xi32>
    %convert_element_type3A_864 = arith.sitofp %iota3A_863 : vector<2048x128xi32> to vector<2048x128xf32>
    %add3A_865 = arith.constant 8.960000e+02 : f32
    %add3A_866 = vector.broadcast %add3A_865 : f32 to vector<2048x128xf32>
    %add3A_867 = arith.addf %add3A_866, %convert_element_type3A_864 : vector<2048x128xf32>
    %eq3A_868 = vector.broadcast %concatenate3A_303 : vector<2048x1xf32> to vector<2048x128xf32>
    %eq3A_869 = arith.cmpf oeq, %eq3A_868, %add3A_867 : vector<2048x128xf32>
    %convert_element_type3A_870 = arith.extui %eq3A_869 : vector<2048x128xi1> to vector<2048x128xi32>
    %convert_element_type3A_871 = arith.sitofp %convert_element_type3A_870 : vector<2048x128xi32> to vector<2048x128xf32>
    %dot_general3A_872 = arith.constant dense<0.000000e+00> : vector<128x16xf32>
    %dot_general3A_873 = tpu.matmul %convert_element_type3A_871, %concatenate3A_594, %dot_general3A_872 {dimension_numbers = #tpu.dot_dimension_numbers<[0], [0], [1], [1], [0, 1, 1, 1], [], []>, transpose_lhs_hint = false} : vector<2048x128xf32>, vector<2048x16xf32>, vector<128x16xf32> -> vector<128x16xf32>
    %slice3A_874 = vector.extract_strided_slice %dot_general3A_873 {offsets = [0, 0], sizes = [128, 8], strides = [1, 1]} : vector<128x16xf32> to vector<128x8xf32>
    %slice3A_875 = vector.extract_strided_slice %dot_general3A_873 {offsets = [0, 8], sizes = [128, 8], strides = [1, 1]} : vector<128x16xf32> to vector<128x8xf32>
    %add3A_876 = arith.addf %slice3A_874, %slice3A_875 : vector<128x8xf32>
    %slice3A_877 = vector.extract_strided_slice %add3A_876 {offsets = [0, 0], sizes = [128, 1], strides = [1, 1]} : vector<128x8xf32> to vector<128x1xf32>
    %mul3A_878 = arith.constant 2.048000e+03 : f32
    %mul3A_879 = arith.mulf %convert_element_type3A_591, %mul3A_878 : f32
    %add3A_880 = vector.broadcast %mul3A_879 : f32 to vector<128x1xf32>
    %add3A_881 = arith.addf %slice3A_877, %add3A_880 : vector<128x1xf32>
    %broadcast_in_dim3A_882 = arith.constant 0.000000e+00 : f32
    %broadcast_in_dim3A_883 = vector.broadcast %broadcast_in_dim3A_882 : f32 to vector<128x7xf32>
    %concatenate3A_884 = tpu.concatenate %add3A_881, %broadcast_in_dim3A_883 in 1 : vector<128x1xf32>, vector<128x7xf32> -> vector<128x8xf32>
    %convert_element_type3A_885 = arith.fptosi %concatenate3A_884 : vector<128x8xf32> to vector<128x8xi32>
    %swap3A_886 = arith.constant 896 : index
    %swap3A_887 = arith.constant 0 : index
    %swap3A_888 = vector.load %arg5[%swap3A_886, %swap3A_887] : memref<4096x8xi32, #tpu.memory_space<vmem>>, vector<128x8xi32>
    tpu.vector_store %arg5[%swap3A_886, %swap3A_887], %convert_element_type3A_885 {strides = array<i32>} : memref<4096x8xi32, #tpu.memory_space<vmem>>, vector<128x8xi32>,
    %slice3A_889 = vector.extract_strided_slice %add3A_876 {offsets = [0, 1], sizes = [128, 1], strides = [1, 1]} : vector<128x8xf32> to vector<128x1xf32>
    %slice3A_890 = vector.extract_strided_slice %add3A_876 {offsets = [0, 4], sizes = [128, 1], strides = [1, 1]} : vector<128x8xf32> to vector<128x1xf32>
    %broadcast_in_dim3A_891 = arith.constant 0.000000e+00 : f32
    %broadcast_in_dim3A_892 = vector.broadcast %broadcast_in_dim3A_891 : f32 to vector<128x6xf32>
    %concatenate3A_893 = tpu.concatenate %slice3A_889, %slice3A_890, %broadcast_in_dim3A_892 in 1 : vector<128x1xf32>, vector<128x1xf32>, vector<128x6xf32> -> vector<128x8xf32>
    %swap3A_894 = arith.constant 896 : index
    %swap3A_895 = arith.constant 0 : index
    %swap3A_896 = vector.load %arg7[%swap3A_894, %swap3A_895] : memref<4096x8xf32, #tpu.memory_space<vmem>>, vector<128x8xf32>
    tpu.vector_store %arg7[%swap3A_894, %swap3A_895], %concatenate3A_893 {strides = array<i32>} : memref<4096x8xf32, #tpu.memory_space<vmem>>, vector<128x8xf32>,
    %iota3A_897 = tpu.iota {dimensions = array<i32: 1>} : vector<2048x128xi32>
    %convert_element_type3A_898 = arith.sitofp %iota3A_897 : vector<2048x128xi32> to vector<2048x128xf32>
    %add3A_899 = arith.constant 1.024000e+03 : f32
    %add3A_900 = vector.broadcast %add3A_899 : f32 to vector<2048x128xf32>
    %add3A_901 = arith.addf %add3A_900, %convert_element_type3A_898 : vector<2048x128xf32>
    %eq3A_902 = vector.broadcast %concatenate3A_303 : vector<2048x1xf32> to vector<2048x128xf32>
    %eq3A_903 = arith.cmpf oeq, %eq3A_902, %add3A_901 : vector<2048x128xf32>
    %convert_element_type3A_904 = arith.extui %eq3A_903 : vector<2048x128xi1> to vector<2048x128xi32>
    %convert_element_type3A_905 = arith.sitofp %convert_element_type3A_904 : vector<2048x128xi32> to vector<2048x128xf32>
    %dot_general3A_906 = arith.constant dense<0.000000e+00> : vector<128x16xf32>
    %dot_general3A_907 = tpu.matmul %convert_element_type3A_905, %concatenate3A_594, %dot_general3A_906 {dimension_numbers = #tpu.dot_dimension_numbers<[0], [0], [1], [1], [0, 1, 1, 1], [], []>, transpose_lhs_hint = false} : vector<2048x128xf32>, vector<2048x16xf32>, vector<128x16xf32> -> vector<128x16xf32>
    %slice3A_908 = vector.extract_strided_slice %dot_general3A_907 {offsets = [0, 0], sizes = [128, 8], strides = [1, 1]} : vector<128x16xf32> to vector<128x8xf32>
    %slice3A_909 = vector.extract_strided_slice %dot_general3A_907 {offsets = [0, 8], sizes = [128, 8], strides = [1, 1]} : vector<128x16xf32> to vector<128x8xf32>
    %add3A_910 = arith.addf %slice3A_908, %slice3A_909 : vector<128x8xf32>
    %slice3A_911 = vector.extract_strided_slice %add3A_910 {offsets = [0, 0], sizes = [128, 1], strides = [1, 1]} : vector<128x8xf32> to vector<128x1xf32>
    %mul3A_912 = arith.constant 2.048000e+03 : f32
    %mul3A_913 = arith.mulf %convert_element_type3A_591, %mul3A_912 : f32
    %add3A_914 = vector.broadcast %mul3A_913 : f32 to vector<128x1xf32>
    %add3A_915 = arith.addf %slice3A_911, %add3A_914 : vector<128x1xf32>
    %broadcast_in_dim3A_916 = arith.constant 0.000000e+00 : f32
    %broadcast_in_dim3A_917 = vector.broadcast %broadcast_in_dim3A_916 : f32 to vector<128x7xf32>
    %concatenate3A_918 = tpu.concatenate %add3A_915, %broadcast_in_dim3A_917 in 1 : vector<128x1xf32>, vector<128x7xf32> -> vector<128x8xf32>
    %convert_element_type3A_919 = arith.fptosi %concatenate3A_918 : vector<128x8xf32> to vector<128x8xi32>
    %swap3A_920 = arith.constant 1024 : index
    %swap3A_921 = arith.constant 0 : index
    %swap3A_922 = vector.load %arg5[%swap3A_920, %swap3A_921] : memref<4096x8xi32, #tpu.memory_space<vmem>>, vector<128x8xi32>
    tpu.vector_store %arg5[%swap3A_920, %swap3A_921], %convert_element_type3A_919 {strides = array<i32>} : memref<4096x8xi32, #tpu.memory_space<vmem>>, vector<128x8xi32>,
    %slice3A_923 = vector.extract_strided_slice %add3A_910 {offsets = [0, 1], sizes = [128, 1], strides = [1, 1]} : vector<128x8xf32> to vector<128x1xf32>
    %slice3A_924 = vector.extract_strided_slice %add3A_910 {offsets = [0, 4], sizes = [128, 1], strides = [1, 1]} : vector<128x8xf32> to vector<128x1xf32>
    %broadcast_in_dim3A_925 = arith.constant 0.000000e+00 : f32
    %broadcast_in_dim3A_926 = vector.broadcast %broadcast_in_dim3A_925 : f32 to vector<128x6xf32>
    %concatenate3A_927 = tpu.concatenate %slice3A_923, %slice3A_924, %broadcast_in_dim3A_926 in 1 : vector<128x1xf32>, vector<128x1xf32>, vector<128x6xf32> -> vector<128x8xf32>
    %swap3A_928 = arith.constant 1024 : index
    %swap3A_929 = arith.constant 0 : index
    %swap3A_930 = vector.load %arg7[%swap3A_928, %swap3A_929] : memref<4096x8xf32, #tpu.memory_space<vmem>>, vector<128x8xf32>
    tpu.vector_store %arg7[%swap3A_928, %swap3A_929], %concatenate3A_927 {strides = array<i32>} : memref<4096x8xf32, #tpu.memory_space<vmem>>, vector<128x8xf32>,
    %iota3A_931 = tpu.iota {dimensions = array<i32: 1>} : vector<2048x128xi32>
    %convert_element_type3A_932 = arith.sitofp %iota3A_931 : vector<2048x128xi32> to vector<2048x128xf32>
    %add3A_933 = arith.constant 1.152000e+03 : f32
    %add3A_934 = vector.broadcast %add3A_933 : f32 to vector<2048x128xf32>
    %add3A_935 = arith.addf %add3A_934, %convert_element_type3A_932 : vector<2048x128xf32>
    %eq3A_936 = vector.broadcast %concatenate3A_303 : vector<2048x1xf32> to vector<2048x128xf32>
    %eq3A_937 = arith.cmpf oeq, %eq3A_936, %add3A_935 : vector<2048x128xf32>
    %convert_element_type3A_938 = arith.extui %eq3A_937 : vector<2048x128xi1> to vector<2048x128xi32>
    %convert_element_type3A_939 = arith.sitofp %convert_element_type3A_938 : vector<2048x128xi32> to vector<2048x128xf32>
    %dot_general3A_940 = arith.constant dense<0.000000e+00> : vector<128x16xf32>
    %dot_general3A_941 = tpu.matmul %convert_element_type3A_939, %concatenate3A_594, %dot_general3A_940 {dimension_numbers = #tpu.dot_dimension_numbers<[0], [0], [1], [1], [0, 1, 1, 1], [], []>, transpose_lhs_hint = false} : vector<2048x128xf32>, vector<2048x16xf32>, vector<128x16xf32> -> vector<128x16xf32>
    %slice3A_942 = vector.extract_strided_slice %dot_general3A_941 {offsets = [0, 0], sizes = [128, 8], strides = [1, 1]} : vector<128x16xf32> to vector<128x8xf32>
    %slice3A_943 = vector.extract_strided_slice %dot_general3A_941 {offsets = [0, 8], sizes = [128, 8], strides = [1, 1]} : vector<128x16xf32> to vector<128x8xf32>
    %add3A_944 = arith.addf %slice3A_942, %slice3A_943 : vector<128x8xf32>
    %slice3A_945 = vector.extract_strided_slice %add3A_944 {offsets = [0, 0], sizes = [128, 1], strides = [1, 1]} : vector<128x8xf32> to vector<128x1xf32>
    %mul3A_946 = arith.constant 2.048000e+03 : f32
    %mul3A_947 = arith.mulf %convert_element_type3A_591, %mul3A_946 : f32
    %add3A_948 = vector.broadcast %mul3A_947 : f32 to vector<128x1xf32>
    %add3A_949 = arith.addf %slice3A_945, %add3A_948 : vector<128x1xf32>
    %broadcast_in_dim3A_950 = arith.constant 0.000000e+00 : f32
    %broadcast_in_dim3A_951 = vector.broadcast %broadcast_in_dim3A_950 : f32 to vector<128x7xf32>
    %concatenate3A_952 = tpu.concatenate %add3A_949, %broadcast_in_dim3A_951 in 1 : vector<128x1xf32>, vector<128x7xf32> -> vector<128x8xf32>
    %convert_element_type3A_953 = arith.fptosi %concatenate3A_952 : vector<128x8xf32> to vector<128x8xi32>
    %swap3A_954 = arith.constant 1152 : index
    %swap3A_955 = arith.constant 0 : index
    %swap3A_956 = vector.load %arg5[%swap3A_954, %swap3A_955] : memref<4096x8xi32, #tpu.memory_space<vmem>>, vector<128x8xi32>
    tpu.vector_store %arg5[%swap3A_954, %swap3A_955], %convert_element_type3A_953 {strides = array<i32>} : memref<4096x8xi32, #tpu.memory_space<vmem>>, vector<128x8xi32>,
    %slice3A_957 = vector.extract_strided_slice %add3A_944 {offsets = [0, 1], sizes = [128, 1], strides = [1, 1]} : vector<128x8xf32> to vector<128x1xf32>
    %slice3A_958 = vector.extract_strided_slice %add3A_944 {offsets = [0, 4], sizes = [128, 1], strides = [1, 1]} : vector<128x8xf32> to vector<128x1xf32>
    %broadcast_in_dim3A_959 = arith.constant 0.000000e+00 : f32
    %broadcast_in_dim3A_960 = vector.broadcast %broadcast_in_dim3A_959 : f32 to vector<128x6xf32>
    %concatenate3A_961 = tpu.concatenate %slice3A_957, %slice3A_958, %broadcast_in_dim3A_960 in 1 : vector<128x1xf32>, vector<128x1xf32>, vector<128x6xf32> -> vector<128x8xf32>
    %swap3A_962 = arith.constant 1152 : index
    %swap3A_963 = arith.constant 0 : index
    %swap3A_964 = vector.load %arg7[%swap3A_962, %swap3A_963] : memref<4096x8xf32, #tpu.memory_space<vmem>>, vector<128x8xf32>
    tpu.vector_store %arg7[%swap3A_962, %swap3A_963], %concatenate3A_961 {strides = array<i32>} : memref<4096x8xf32, #tpu.memory_space<vmem>>, vector<128x8xf32>,
    %iota3A_965 = tpu.iota {dimensions = array<i32: 1>} : vector<2048x128xi32>
    %convert_element_type3A_966 = arith.sitofp %iota3A_965 : vector<2048x128xi32> to vector<2048x128xf32>
    %add3A_967 = arith.constant 1.280000e+03 : f32
    %add3A_968 = vector.broadcast %add3A_967 : f32 to vector<2048x128xf32>
    %add3A_969 = arith.addf %add3A_968, %convert_element_type3A_966 : vector<2048x128xf32>
    %eq3A_970 = vector.broadcast %concatenate3A_303 : vector<2048x1xf32> to vector<2048x128xf32>
    %eq3A_971 = arith.cmpf oeq, %eq3A_970, %add3A_969 : vector<2048x128xf32>
    %convert_element_type3A_972 = arith.extui %eq3A_971 : vector<2048x128xi1> to vector<2048x128xi32>
    %convert_element_type3A_973 = arith.sitofp %convert_element_type3A_972 : vector<2048x128xi32> to vector<2048x128xf32>
    %dot_general3A_974 = arith.constant dense<0.000000e+00> : vector<128x16xf32>
    %dot_general3A_975 = tpu.matmul %convert_element_type3A_973, %concatenate3A_594, %dot_general3A_974 {dimension_numbers = #tpu.dot_dimension_numbers<[0], [0], [1], [1], [0, 1, 1, 1], [], []>, transpose_lhs_hint = false} : vector<2048x128xf32>, vector<2048x16xf32>, vector<128x16xf32> -> vector<128x16xf32>
    %slice3A_976 = vector.extract_strided_slice %dot_general3A_975 {offsets = [0, 0], sizes = [128, 8], strides = [1, 1]} : vector<128x16xf32> to vector<128x8xf32>
    %slice3A_977 = vector.extract_strided_slice %dot_general3A_975 {offsets = [0, 8], sizes = [128, 8], strides = [1, 1]} : vector<128x16xf32> to vector<128x8xf32>
    %add3A_978 = arith.addf %slice3A_976, %slice3A_977 : vector<128x8xf32>
    %slice3A_979 = vector.extract_strided_slice %add3A_978 {offsets = [0, 0], sizes = [128, 1], strides = [1, 1]} : vector<128x8xf32> to vector<128x1xf32>
    %mul3A_980 = arith.constant 2.048000e+03 : f32
    %mul3A_981 = arith.mulf %convert_element_type3A_591, %mul3A_980 : f32
    %add3A_982 = vector.broadcast %mul3A_981 : f32 to vector<128x1xf32>
    %add3A_983 = arith.addf %slice3A_979, %add3A_982 : vector<128x1xf32>
    %broadcast_in_dim3A_984 = arith.constant 0.000000e+00 : f32
    %broadcast_in_dim3A_985 = vector.broadcast %broadcast_in_dim3A_984 : f32 to vector<128x7xf32>
    %concatenate3A_986 = tpu.concatenate %add3A_983, %broadcast_in_dim3A_985 in 1 : vector<128x1xf32>, vector<128x7xf32> -> vector<128x8xf32>
    %convert_element_type3A_987 = arith.fptosi %concatenate3A_986 : vector<128x8xf32> to vector<128x8xi32>
    %swap3A_988 = arith.constant 1280 : index
    %swap3A_989 = arith.constant 0 : index
    %swap3A_990 = vector.load %arg5[%swap3A_988, %swap3A_989] : memref<4096x8xi32, #tpu.memory_space<vmem>>, vector<128x8xi32>
    tpu.vector_store %arg5[%swap3A_988, %swap3A_989], %convert_element_type3A_987 {strides = array<i32>} : memref<4096x8xi32, #tpu.memory_space<vmem>>, vector<128x8xi32>,
    %slice3A_991 = vector.extract_strided_slice %add3A_978 {offsets = [0, 1], sizes = [128, 1], strides = [1, 1]} : vector<128x8xf32> to vector<128x1xf32>
    %slice3A_992 = vector.extract_strided_slice %add3A_978 {offsets = [0, 4], sizes = [128, 1], strides = [1, 1]} : vector<128x8xf32> to vector<128x1xf32>
    %broadcast_in_dim3A_993 = arith.constant 0.000000e+00 : f32
    %broadcast_in_dim3A_994 = vector.broadcast %broadcast_in_dim3A_993 : f32 to vector<128x6xf32>
    %concatenate3A_995 = tpu.concatenate %slice3A_991, %slice3A_992, %broadcast_in_dim3A_994 in 1 : vector<128x1xf32>, vector<128x1xf32>, vector<128x6xf32> -> vector<128x8xf32>
    %swap3A_996 = arith.constant 1280 : index
    %swap3A_997 = arith.constant 0 : index
    %swap3A_998 = vector.load %arg7[%swap3A_996, %swap3A_997] : memref<4096x8xf32, #tpu.memory_space<vmem>>, vector<128x8xf32>
    tpu.vector_store %arg7[%swap3A_996, %swap3A_997], %concatenate3A_995 {strides = array<i32>} : memref<4096x8xf32, #tpu.memory_space<vmem>>, vector<128x8xf32>,
    %iota3A_999 = tpu.iota {dimensions = array<i32: 1>} : vector<2048x128xi32>
    %convert_element_type3A_1000 = arith.sitofp %iota3A_999 : vector<2048x128xi32> to vector<2048x128xf32>
    %add3A_1001 = arith.constant 1.408000e+03 : f32
    %add3A_1002 = vector.broadcast %add3A_1001 : f32 to vector<2048x128xf32>
    %add3A_1003 = arith.addf %add3A_1002, %convert_element_type3A_1000 : vector<2048x128xf32>
    %eq3A_1004 = vector.broadcast %concatenate3A_303 : vector<2048x1xf32> to vector<2048x128xf32>
    %eq3A_1005 = arith.cmpf oeq, %eq3A_1004, %add3A_1003 : vector<2048x128xf32>
    %convert_element_type3A_1006 = arith.extui %eq3A_1005 : vector<2048x128xi1> to vector<2048x128xi32>
    %convert_element_type3A_1007 = arith.sitofp %convert_element_type3A_1006 : vector<2048x128xi32> to vector<2048x128xf32>
    %dot_general3A_1008 = arith.constant dense<0.000000e+00> : vector<128x16xf32>
    %dot_general3A_1009 = tpu.matmul %convert_element_type3A_1007, %concatenate3A_594, %dot_general3A_1008 {dimension_numbers = #tpu.dot_dimension_numbers<[0], [0], [1], [1], [0, 1, 1, 1], [], []>, transpose_lhs_hint = false} : vector<2048x128xf32>, vector<2048x16xf32>, vector<128x16xf32> -> vector<128x16xf32>
    %slice3A_1010 = vector.extract_strided_slice %dot_general3A_1009 {offsets = [0, 0], sizes = [128, 8], strides = [1, 1]} : vector<128x16xf32> to vector<128x8xf32>
    %slice3A_1011 = vector.extract_strided_slice %dot_general3A_1009 {offsets = [0, 8], sizes = [128, 8], strides = [1, 1]} : vector<128x16xf32> to vector<128x8xf32>
    %add3A_1012 = arith.addf %slice3A_1010, %slice3A_1011 : vector<128x8xf32>
    %slice3A_1013 = vector.extract_strided_slice %add3A_1012 {offsets = [0, 0], sizes = [128, 1], strides = [1, 1]} : vector<128x8xf32> to vector<128x1xf32>
    %mul3A_1014 = arith.constant 2.048000e+03 : f32
    %mul3A_1015 = arith.mulf %convert_element_type3A_591, %mul3A_1014 : f32
    %add3A_1016 = vector.broadcast %mul3A_1015 : f32 to vector<128x1xf32>
    %add3A_1017 = arith.addf %slice3A_1013, %add3A_1016 : vector<128x1xf32>
    %broadcast_in_dim3A_1018 = arith.constant 0.000000e+00 : f32
    %broadcast_in_dim3A_1019 = vector.broadcast %broadcast_in_dim3A_1018 : f32 to vector<128x7xf32>
    %concatenate3A_1020 = tpu.concatenate %add3A_1017, %broadcast_in_dim3A_1019 in 1 : vector<128x1xf32>, vector<128x7xf32> -> vector<128x8xf32>
    %convert_element_type3A_1021 = arith.fptosi %concatenate3A_1020 : vector<128x8xf32> to vector<128x8xi32>
    %swap3A_1022 = arith.constant 1408 : index
    %swap3A_1023 = arith.constant 0 : index
    %swap3A_1024 = vector.load %arg5[%swap3A_1022, %swap3A_1023] : memref<4096x8xi32, #tpu.memory_space<vmem>>, vector<128x8xi32>
    tpu.vector_store %arg5[%swap3A_1022, %swap3A_1023], %convert_element_type3A_1021 {strides = array<i32>} : memref<4096x8xi32, #tpu.memory_space<vmem>>, vector<128x8xi32>,
    %slice3A_1025 = vector.extract_strided_slice %add3A_1012 {offsets = [0, 1], sizes = [128, 1], strides = [1, 1]} : vector<128x8xf32> to vector<128x1xf32>
    %slice3A_1026 = vector.extract_strided_slice %add3A_1012 {offsets = [0, 4], sizes = [128, 1], strides = [1, 1]} : vector<128x8xf32> to vector<128x1xf32>
    %broadcast_in_dim3A_1027 = arith.constant 0.000000e+00 : f32
    %broadcast_in_dim3A_1028 = vector.broadcast %broadcast_in_dim3A_1027 : f32 to vector<128x6xf32>
    %concatenate3A_1029 = tpu.concatenate %slice3A_1025, %slice3A_1026, %broadcast_in_dim3A_1028 in 1 : vector<128x1xf32>, vector<128x1xf32>, vector<128x6xf32> -> vector<128x8xf32>
    %swap3A_1030 = arith.constant 1408 : index
    %swap3A_1031 = arith.constant 0 : index
    %swap3A_1032 = vector.load %arg7[%swap3A_1030, %swap3A_1031] : memref<4096x8xf32, #tpu.memory_space<vmem>>, vector<128x8xf32>
    tpu.vector_store %arg7[%swap3A_1030, %swap3A_1031], %concatenate3A_1029 {strides = array<i32>} : memref<4096x8xf32, #tpu.memory_space<vmem>>, vector<128x8xf32>,
    %iota3A_1033 = tpu.iota {dimensions = array<i32: 1>} : vector<2048x128xi32>
    %convert_element_type3A_1034 = arith.sitofp %iota3A_1033 : vector<2048x128xi32> to vector<2048x128xf32>
    %add3A_1035 = arith.constant 1.536000e+03 : f32
    %add3A_1036 = vector.broadcast %add3A_1035 : f32 to vector<2048x128xf32>
    %add3A_1037 = arith.addf %add3A_1036, %convert_element_type3A_1034 : vector<2048x128xf32>
    %eq3A_1038 = vector.broadcast %concatenate3A_303 : vector<2048x1xf32> to vector<2048x128xf32>
    %eq3A_1039 = arith.cmpf oeq, %eq3A_1038, %add3A_1037 : vector<2048x128xf32>
    %convert_element_type3A_1040 = arith.extui %eq3A_1039 : vector<2048x128xi1> to vector<2048x128xi32>
    %convert_element_type3A_1041 = arith.sitofp %convert_element_type3A_1040 : vector<2048x128xi32> to vector<2048x128xf32>
    %dot_general3A_1042 = arith.constant dense<0.000000e+00> : vector<128x16xf32>
    %dot_general3A_1043 = tpu.matmul %convert_element_type3A_1041, %concatenate3A_594, %dot_general3A_1042 {dimension_numbers = #tpu.dot_dimension_numbers<[0], [0], [1], [1], [0, 1, 1, 1], [], []>, transpose_lhs_hint = false} : vector<2048x128xf32>, vector<2048x16xf32>, vector<128x16xf32> -> vector<128x16xf32>
    %slice3A_1044 = vector.extract_strided_slice %dot_general3A_1043 {offsets = [0, 0], sizes = [128, 8], strides = [1, 1]} : vector<128x16xf32> to vector<128x8xf32>
    %slice3A_1045 = vector.extract_strided_slice %dot_general3A_1043 {offsets = [0, 8], sizes = [128, 8], strides = [1, 1]} : vector<128x16xf32> to vector<128x8xf32>
    %add3A_1046 = arith.addf %slice3A_1044, %slice3A_1045 : vector<128x8xf32>
    %slice3A_1047 = vector.extract_strided_slice %add3A_1046 {offsets = [0, 0], sizes = [128, 1], strides = [1, 1]} : vector<128x8xf32> to vector<128x1xf32>
    %mul3A_1048 = arith.constant 2.048000e+03 : f32
    %mul3A_1049 = arith.mulf %convert_element_type3A_591, %mul3A_1048 : f32
    %add3A_1050 = vector.broadcast %mul3A_1049 : f32 to vector<128x1xf32>
    %add3A_1051 = arith.addf %slice3A_1047, %add3A_1050 : vector<128x1xf32>
    %broadcast_in_dim3A_1052 = arith.constant 0.000000e+00 : f32
    %broadcast_in_dim3A_1053 = vector.broadcast %broadcast_in_dim3A_1052 : f32 to vector<128x7xf32>
    %concatenate3A_1054 = tpu.concatenate %add3A_1051, %broadcast_in_dim3A_1053 in 1 : vector<128x1xf32>, vector<128x7xf32> -> vector<128x8xf32>
    %convert_element_type3A_1055 = arith.fptosi %concatenate3A_1054 : vector<128x8xf32> to vector<128x8xi32>
    %swap3A_1056 = arith.constant 1536 : index
    %swap3A_1057 = arith.constant 0 : index
    %swap3A_1058 = vector.load %arg5[%swap3A_1056, %swap3A_1057] : memref<4096x8xi32, #tpu.memory_space<vmem>>, vector<128x8xi32>
    tpu.vector_store %arg5[%swap3A_1056, %swap3A_1057], %convert_element_type3A_1055 {strides = array<i32>} : memref<4096x8xi32, #tpu.memory_space<vmem>>, vector<128x8xi32>,
    %slice3A_1059 = vector.extract_strided_slice %add3A_1046 {offsets = [0, 1], sizes = [128, 1], strides = [1, 1]} : vector<128x8xf32> to vector<128x1xf32>
    %slice3A_1060 = vector.extract_strided_slice %add3A_1046 {offsets = [0, 4], sizes = [128, 1], strides = [1, 1]} : vector<128x8xf32> to vector<128x1xf32>
    %broadcast_in_dim3A_1061 = arith.constant 0.000000e+00 : f32
    %broadcast_in_dim3A_1062 = vector.broadcast %broadcast_in_dim3A_1061 : f32 to vector<128x6xf32>
    %concatenate3A_1063 = tpu.concatenate %slice3A_1059, %slice3A_1060, %broadcast_in_dim3A_1062 in 1 : vector<128x1xf32>, vector<128x1xf32>, vector<128x6xf32> -> vector<128x8xf32>
    %swap3A_1064 = arith.constant 1536 : index
    %swap3A_1065 = arith.constant 0 : index
    %swap3A_1066 = vector.load %arg7[%swap3A_1064, %swap3A_1065] : memref<4096x8xf32, #tpu.memory_space<vmem>>, vector<128x8xf32>
    tpu.vector_store %arg7[%swap3A_1064, %swap3A_1065], %concatenate3A_1063 {strides = array<i32>} : memref<4096x8xf32, #tpu.memory_space<vmem>>, vector<128x8xf32>,
    %iota3A_1067 = tpu.iota {dimensions = array<i32: 1>} : vector<2048x128xi32>
    %convert_element_type3A_1068 = arith.sitofp %iota3A_1067 : vector<2048x128xi32> to vector<2048x128xf32>
    %add3A_1069 = arith.constant 1.664000e+03 : f32
    %add3A_1070 = vector.broadcast %add3A_1069 : f32 to vector<2048x128xf32>
    %add3A_1071 = arith.addf %add3A_1070, %convert_element_type3A_1068 : vector<2048x128xf32>
    %eq3A_1072 = vector.broadcast %concatenate3A_303 : vector<2048x1xf32> to vector<2048x128xf32>
    %eq3A_1073 = arith.cmpf oeq, %eq3A_1072, %add3A_1071 : vector<2048x128xf32>
    %convert_element_type3A_1074 = arith.extui %eq3A_1073 : vector<2048x128xi1> to vector<2048x128xi32>
    %convert_element_type3A_1075 = arith.sitofp %convert_element_type3A_1074 : vector<2048x128xi32> to vector<2048x128xf32>
    %dot_general3A_1076 = arith.constant dense<0.000000e+00> : vector<128x16xf32>
    %dot_general3A_1077 = tpu.matmul %convert_element_type3A_1075, %concatenate3A_594, %dot_general3A_1076 {dimension_numbers = #tpu.dot_dimension_numbers<[0], [0], [1], [1], [0, 1, 1, 1], [], []>, transpose_lhs_hint = false} : vector<2048x128xf32>, vector<2048x16xf32>, vector<128x16xf32> -> vector<128x16xf32>
    %slice3A_1078 = vector.extract_strided_slice %dot_general3A_1077 {offsets = [0, 0], sizes = [128, 8], strides = [1, 1]} : vector<128x16xf32> to vector<128x8xf32>
    %slice3A_1079 = vector.extract_strided_slice %dot_general3A_1077 {offsets = [0, 8], sizes = [128, 8], strides = [1, 1]} : vector<128x16xf32> to vector<128x8xf32>
    %add3A_1080 = arith.addf %slice3A_1078, %slice3A_1079 : vector<128x8xf32>
    %slice3A_1081 = vector.extract_strided_slice %add3A_1080 {offsets = [0, 0], sizes = [128, 1], strides = [1, 1]} : vector<128x8xf32> to vector<128x1xf32>
    %mul3A_1082 = arith.constant 2.048000e+03 : f32
    %mul3A_1083 = arith.mulf %convert_element_type3A_591, %mul3A_1082 : f32
    %add3A_1084 = vector.broadcast %mul3A_1083 : f32 to vector<128x1xf32>
    %add3A_1085 = arith.addf %slice3A_1081, %add3A_1084 : vector<128x1xf32>
    %broadcast_in_dim3A_1086 = arith.constant 0.000000e+00 : f32
    %broadcast_in_dim3A_1087 = vector.broadcast %broadcast_in_dim3A_1086 : f32 to vector<128x7xf32>
    %concatenate3A_1088 = tpu.concatenate %add3A_1085, %broadcast_in_dim3A_1087 in 1 : vector<128x1xf32>, vector<128x7xf32> -> vector<128x8xf32>
    %convert_element_type3A_1089 = arith.fptosi %concatenate3A_1088 : vector<128x8xf32> to vector<128x8xi32>
    %swap3A_1090 = arith.constant 1664 : index
    %swap3A_1091 = arith.constant 0 : index
    %swap3A_1092 = vector.load %arg5[%swap3A_1090, %swap3A_1091] : memref<4096x8xi32, #tpu.memory_space<vmem>>, vector<128x8xi32>
    tpu.vector_store %arg5[%swap3A_1090, %swap3A_1091], %convert_element_type3A_1089 {strides = array<i32>} : memref<4096x8xi32, #tpu.memory_space<vmem>>, vector<128x8xi32>,
    %slice3A_1093 = vector.extract_strided_slice %add3A_1080 {offsets = [0, 1], sizes = [128, 1], strides = [1, 1]} : vector<128x8xf32> to vector<128x1xf32>
    %slice3A_1094 = vector.extract_strided_slice %add3A_1080 {offsets = [0, 4], sizes = [128, 1], strides = [1, 1]} : vector<128x8xf32> to vector<128x1xf32>
    %broadcast_in_dim3A_1095 = arith.constant 0.000000e+00 : f32
    %broadcast_in_dim3A_1096 = vector.broadcast %broadcast_in_dim3A_1095 : f32 to vector<128x6xf32>
    %concatenate3A_1097 = tpu.concatenate %slice3A_1093, %slice3A_1094, %broadcast_in_dim3A_1096 in 1 : vector<128x1xf32>, vector<128x1xf32>, vector<128x6xf32> -> vector<128x8xf32>
    %swap3A_1098 = arith.constant 1664 : index
    %swap3A_1099 = arith.constant 0 : index
    %swap3A_1100 = vector.load %arg7[%swap3A_1098, %swap3A_1099] : memref<4096x8xf32, #tpu.memory_space<vmem>>, vector<128x8xf32>
    tpu.vector_store %arg7[%swap3A_1098, %swap3A_1099], %concatenate3A_1097 {strides = array<i32>} : memref<4096x8xf32, #tpu.memory_space<vmem>>, vector<128x8xf32>,
    %iota3A_1101 = tpu.iota {dimensions = array<i32: 1>} : vector<2048x128xi32>
    %convert_element_type3A_1102 = arith.sitofp %iota3A_1101 : vector<2048x128xi32> to vector<2048x128xf32>
    %add3A_1103 = arith.constant 1.792000e+03 : f32
    %add3A_1104 = vector.broadcast %add3A_1103 : f32 to vector<2048x128xf32>
    %add3A_1105 = arith.addf %add3A_1104, %convert_element_type3A_1102 : vector<2048x128xf32>
    %eq3A_1106 = vector.broadcast %concatenate3A_303 : vector<2048x1xf32> to vector<2048x128xf32>
    %eq3A_1107 = arith.cmpf oeq, %eq3A_1106, %add3A_1105 : vector<2048x128xf32>
    %convert_element_type3A_1108 = arith.extui %eq3A_1107 : vector<2048x128xi1> to vector<2048x128xi32>
    %convert_element_type3A_1109 = arith.sitofp %convert_element_type3A_1108 : vector<2048x128xi32> to vector<2048x128xf32>
    %dot_general3A_1110 = arith.constant dense<0.000000e+00> : vector<128x16xf32>
    %dot_general3A_1111 = tpu.matmul %convert_element_type3A_1109, %concatenate3A_594, %dot_general3A_1110 {dimension_numbers = #tpu.dot_dimension_numbers<[0], [0], [1], [1], [0, 1, 1, 1], [], []>, transpose_lhs_hint = false} : vector<2048x128xf32>, vector<2048x16xf32>, vector<128x16xf32> -> vector<128x16xf32>
    %slice3A_1112 = vector.extract_strided_slice %dot_general3A_1111 {offsets = [0, 0], sizes = [128, 8], strides = [1, 1]} : vector<128x16xf32> to vector<128x8xf32>
    %slice3A_1113 = vector.extract_strided_slice %dot_general3A_1111 {offsets = [0, 8], sizes = [128, 8], strides = [1, 1]} : vector<128x16xf32> to vector<128x8xf32>
    %add3A_1114 = arith.addf %slice3A_1112, %slice3A_1113 : vector<128x8xf32>
    %slice3A_1115 = vector.extract_strided_slice %add3A_1114 {offsets = [0, 0], sizes = [128, 1], strides = [1, 1]} : vector<128x8xf32> to vector<128x1xf32>
    %mul3A_1116 = arith.constant 2.048000e+03 : f32
    %mul3A_1117 = arith.mulf %convert_element_type3A_591, %mul3A_1116 : f32
    %add3A_1118 = vector.broadcast %mul3A_1117 : f32 to vector<128x1xf32>
    %add3A_1119 = arith.addf %slice3A_1115, %add3A_1118 : vector<128x1xf32>
    %broadcast_in_dim3A_1120 = arith.constant 0.000000e+00 : f32
    %broadcast_in_dim3A_1121 = vector.broadcast %broadcast_in_dim3A_1120 : f32 to vector<128x7xf32>
    %concatenate3A_1122 = tpu.concatenate %add3A_1119, %broadcast_in_dim3A_1121 in 1 : vector<128x1xf32>, vector<128x7xf32> -> vector<128x8xf32>
    %convert_element_type3A_1123 = arith.fptosi %concatenate3A_1122 : vector<128x8xf32> to vector<128x8xi32>
    %swap3A_1124 = arith.constant 1792 : index
    %swap3A_1125 = arith.constant 0 : index
    %swap3A_1126 = vector.load %arg5[%swap3A_1124, %swap3A_1125] : memref<4096x8xi32, #tpu.memory_space<vmem>>, vector<128x8xi32>
    tpu.vector_store %arg5[%swap3A_1124, %swap3A_1125], %convert_element_type3A_1123 {strides = array<i32>} : memref<4096x8xi32, #tpu.memory_space<vmem>>, vector<128x8xi32>,
    %slice3A_1127 = vector.extract_strided_slice %add3A_1114 {offsets = [0, 1], sizes = [128, 1], strides = [1, 1]} : vector<128x8xf32> to vector<128x1xf32>
    %slice3A_1128 = vector.extract_strided_slice %add3A_1114 {offsets = [0, 4], sizes = [128, 1], strides = [1, 1]} : vector<128x8xf32> to vector<128x1xf32>
    %broadcast_in_dim3A_1129 = arith.constant 0.000000e+00 : f32
    %broadcast_in_dim3A_1130 = vector.broadcast %broadcast_in_dim3A_1129 : f32 to vector<128x6xf32>
    %concatenate3A_1131 = tpu.concatenate %slice3A_1127, %slice3A_1128, %broadcast_in_dim3A_1130 in 1 : vector<128x1xf32>, vector<128x1xf32>, vector<128x6xf32> -> vector<128x8xf32>
    %swap3A_1132 = arith.constant 1792 : index
    %swap3A_1133 = arith.constant 0 : index
    %swap3A_1134 = vector.load %arg7[%swap3A_1132, %swap3A_1133] : memref<4096x8xf32, #tpu.memory_space<vmem>>, vector<128x8xf32>
    tpu.vector_store %arg7[%swap3A_1132, %swap3A_1133], %concatenate3A_1131 {strides = array<i32>} : memref<4096x8xf32, #tpu.memory_space<vmem>>, vector<128x8xf32>,
    %iota3A_1135 = tpu.iota {dimensions = array<i32: 1>} : vector<2048x128xi32>
    %convert_element_type3A_1136 = arith.sitofp %iota3A_1135 : vector<2048x128xi32> to vector<2048x128xf32>
    %add3A_1137 = arith.constant 1.920000e+03 : f32
    %add3A_1138 = vector.broadcast %add3A_1137 : f32 to vector<2048x128xf32>
    %add3A_1139 = arith.addf %add3A_1138, %convert_element_type3A_1136 : vector<2048x128xf32>
    %eq3A_1140 = vector.broadcast %concatenate3A_303 : vector<2048x1xf32> to vector<2048x128xf32>
    %eq3A_1141 = arith.cmpf oeq, %eq3A_1140, %add3A_1139 : vector<2048x128xf32>
    %convert_element_type3A_1142 = arith.extui %eq3A_1141 : vector<2048x128xi1> to vector<2048x128xi32>
    %convert_element_type3A_1143 = arith.sitofp %convert_element_type3A_1142 : vector<2048x128xi32> to vector<2048x128xf32>
    %dot_general3A_1144 = arith.constant dense<0.000000e+00> : vector<128x16xf32>
    %dot_general3A_1145 = tpu.matmul %convert_element_type3A_1143, %concatenate3A_594, %dot_general3A_1144 {dimension_numbers = #tpu.dot_dimension_numbers<[0], [0], [1], [1], [0, 1, 1, 1], [], []>, transpose_lhs_hint = false} : vector<2048x128xf32>, vector<2048x16xf32>, vector<128x16xf32> -> vector<128x16xf32>
    %slice3A_1146 = vector.extract_strided_slice %dot_general3A_1145 {offsets = [0, 0], sizes = [128, 8], strides = [1, 1]} : vector<128x16xf32> to vector<128x8xf32>
    %slice3A_1147 = vector.extract_strided_slice %dot_general3A_1145 {offsets = [0, 8], sizes = [128, 8], strides = [1, 1]} : vector<128x16xf32> to vector<128x8xf32>
    %add3A_1148 = arith.addf %slice3A_1146, %slice3A_1147 : vector<128x8xf32>
    %slice3A_1149 = vector.extract_strided_slice %add3A_1148 {offsets = [0, 0], sizes = [128, 1], strides = [1, 1]} : vector<128x8xf32> to vector<128x1xf32>
    %mul3A_1150 = arith.constant 2.048000e+03 : f32
    %mul3A_1151 = arith.mulf %convert_element_type3A_591, %mul3A_1150 : f32
    %add3A_1152 = vector.broadcast %mul3A_1151 : f32 to vector<128x1xf32>
    %add3A_1153 = arith.addf %slice3A_1149, %add3A_1152 : vector<128x1xf32>
    %broadcast_in_dim3A_1154 = arith.constant 0.000000e+00 : f32
    %broadcast_in_dim3A_1155 = vector.broadcast %broadcast_in_dim3A_1154 : f32 to vector<128x7xf32>
    %concatenate3A_1156 = tpu.concatenate %add3A_1153, %broadcast_in_dim3A_1155 in 1 : vector<128x1xf32>, vector<128x7xf32> -> vector<128x8xf32>
    %convert_element_type3A_1157 = arith.fptosi %concatenate3A_1156 : vector<128x8xf32> to vector<128x8xi32>
    %swap3A_1158 = arith.constant 1920 : index
    %swap3A_1159 = arith.constant 0 : index
    %swap3A_1160 = vector.load %arg5[%swap3A_1158, %swap3A_1159] : memref<4096x8xi32, #tpu.memory_space<vmem>>, vector<128x8xi32>
    tpu.vector_store %arg5[%swap3A_1158, %swap3A_1159], %convert_element_type3A_1157 {strides = array<i32>} : memref<4096x8xi32, #tpu.memory_space<vmem>>, vector<128x8xi32>,
    %slice3A_1161 = vector.extract_strided_slice %add3A_1148 {offsets = [0, 1], sizes = [128, 1], strides = [1, 1]} : vector<128x8xf32> to vector<128x1xf32>
    %slice3A_1162 = vector.extract_strided_slice %add3A_1148 {offsets = [0, 4], sizes = [128, 1], strides = [1, 1]} : vector<128x8xf32> to vector<128x1xf32>
    %broadcast_in_dim3A_1163 = arith.constant 0.000000e+00 : f32
    %broadcast_in_dim3A_1164 = vector.broadcast %broadcast_in_dim3A_1163 : f32 to vector<128x6xf32>
    %concatenate3A_1165 = tpu.concatenate %slice3A_1161, %slice3A_1162, %broadcast_in_dim3A_1164 in 1 : vector<128x1xf32>, vector<128x1xf32>, vector<128x6xf32> -> vector<128x8xf32>
    %swap3A_1166 = arith.constant 1920 : index
    %swap3A_1167 = arith.constant 0 : index
    %swap3A_1168 = vector.load %arg7[%swap3A_1166, %swap3A_1167] : memref<4096x8xf32, #tpu.memory_space<vmem>>, vector<128x8xf32>
    tpu.vector_store %arg7[%swap3A_1166, %swap3A_1167], %concatenate3A_1165 {strides = array<i32>} : memref<4096x8xf32, #tpu.memory_space<vmem>>, vector<128x8xf32>,
    %iota3A_1169 = tpu.iota {dimensions = array<i32: 1>} : vector<2048x128xi32>
    %convert_element_type3A_1170 = arith.sitofp %iota3A_1169 : vector<2048x128xi32> to vector<2048x128xf32>
    %add3A_1171 = arith.constant 0.000000e+00 : f32
    %add3A_1172 = vector.broadcast %add3A_1171 : f32 to vector<2048x128xf32>
    %add3A_1173 = arith.addf %add3A_1172, %convert_element_type3A_1170 : vector<2048x128xf32>
    %eq3A_1174 = vector.broadcast %concatenate3A_579 : vector<2048x1xf32> to vector<2048x128xf32>
    %eq3A_1175 = arith.cmpf oeq, %eq3A_1174, %add3A_1173 : vector<2048x128xf32>
    %convert_element_type3A_1176 = arith.extui %eq3A_1175 : vector<2048x128xi1> to vector<2048x128xi32>
    %convert_element_type3A_1177 = arith.sitofp %convert_element_type3A_1176 : vector<2048x128xi32> to vector<2048x128xf32>
    %dot_general3A_1178 = arith.constant dense<0.000000e+00> : vector<128x16xf32>
    %dot_general3A_1179 = tpu.matmul %convert_element_type3A_1177, %concatenate3A_594, %dot_general3A_1178 {dimension_numbers = #tpu.dot_dimension_numbers<[0], [0], [1], [1], [0, 1, 1, 1], [], []>, transpose_lhs_hint = false} : vector<2048x128xf32>, vector<2048x16xf32>, vector<128x16xf32> -> vector<128x16xf32>
    %slice3A_1180 = vector.extract_strided_slice %dot_general3A_1179 {offsets = [0, 0], sizes = [128, 8], strides = [1, 1]} : vector<128x16xf32> to vector<128x8xf32>
    %slice3A_1181 = vector.extract_strided_slice %dot_general3A_1179 {offsets = [0, 8], sizes = [128, 8], strides = [1, 1]} : vector<128x16xf32> to vector<128x8xf32>
    %add3A_1182 = arith.addf %slice3A_1180, %slice3A_1181 : vector<128x8xf32>
    %slice3A_1183 = vector.extract_strided_slice %add3A_1182 {offsets = [0, 0], sizes = [128, 1], strides = [1, 1]} : vector<128x8xf32> to vector<128x1xf32>
    %mul3A_1184 = arith.constant 2.048000e+03 : f32
    %mul3A_1185 = arith.mulf %convert_element_type3A_591, %mul3A_1184 : f32
    %add3A_1186 = vector.broadcast %mul3A_1185 : f32 to vector<128x1xf32>
    %add3A_1187 = arith.addf %slice3A_1183, %add3A_1186 : vector<128x1xf32>
    %broadcast_in_dim3A_1188 = arith.constant 0.000000e+00 : f32
    %broadcast_in_dim3A_1189 = vector.broadcast %broadcast_in_dim3A_1188 : f32 to vector<128x7xf32>
    %concatenate3A_1190 = tpu.concatenate %add3A_1187, %broadcast_in_dim3A_1189 in 1 : vector<128x1xf32>, vector<128x7xf32> -> vector<128x8xf32>
    %convert_element_type3A_1191 = arith.fptosi %concatenate3A_1190 : vector<128x8xf32> to vector<128x8xi32>
    %swap3A_1192 = arith.constant 2048 : index
    %swap3A_1193 = arith.constant 0 : index
    %swap3A_1194 = vector.load %arg5[%swap3A_1192, %swap3A_1193] : memref<4096x8xi32, #tpu.memory_space<vmem>>, vector<128x8xi32>
    tpu.vector_store %arg5[%swap3A_1192, %swap3A_1193], %convert_element_type3A_1191 {strides = array<i32>} : memref<4096x8xi32, #tpu.memory_space<vmem>>, vector<128x8xi32>,
    %slice3A_1195 = vector.extract_strided_slice %add3A_1182 {offsets = [0, 2], sizes = [128, 1], strides = [1, 1]} : vector<128x8xf32> to vector<128x1xf32>
    %slice3A_1196 = vector.extract_strided_slice %add3A_1182 {offsets = [0, 3], sizes = [128, 1], strides = [1, 1]} : vector<128x8xf32> to vector<128x1xf32>
    %broadcast_in_dim3A_1197 = arith.constant 0.000000e+00 : f32
    %broadcast_in_dim3A_1198 = vector.broadcast %broadcast_in_dim3A_1197 : f32 to vector<128x6xf32>
    %concatenate3A_1199 = tpu.concatenate %slice3A_1195, %slice3A_1196, %broadcast_in_dim3A_1198 in 1 : vector<128x1xf32>, vector<128x1xf32>, vector<128x6xf32> -> vector<128x8xf32>
    %swap3A_1200 = arith.constant 2048 : index
    %swap3A_1201 = arith.constant 0 : index
    %swap3A_1202 = vector.load %arg7[%swap3A_1200, %swap3A_1201] : memref<4096x8xf32, #tpu.memory_space<vmem>>, vector<128x8xf32>
    tpu.vector_store %arg7[%swap3A_1200, %swap3A_1201], %concatenate3A_1199 {strides = array<i32>} : memref<4096x8xf32, #tpu.memory_space<vmem>>, vector<128x8xf32>,
    %iota3A_1203 = tpu.iota {dimensions = array<i32: 1>} : vector<2048x128xi32>
    %convert_element_type3A_1204 = arith.sitofp %iota3A_1203 : vector<2048x128xi32> to vector<2048x128xf32>
    %add3A_1205 = arith.constant 1.280000e+02 : f32
    %add3A_1206 = vector.broadcast %add3A_1205 : f32 to vector<2048x128xf32>
    %add3A_1207 = arith.addf %add3A_1206, %convert_element_type3A_1204 : vector<2048x128xf32>
    %eq3A_1208 = vector.broadcast %concatenate3A_579 : vector<2048x1xf32> to vector<2048x128xf32>
    %eq3A_1209 = arith.cmpf oeq, %eq3A_1208, %add3A_1207 : vector<2048x128xf32>
    %convert_element_type3A_1210 = arith.extui %eq3A_1209 : vector<2048x128xi1> to vector<2048x128xi32>
    %convert_element_type3A_1211 = arith.sitofp %convert_element_type3A_1210 : vector<2048x128xi32> to vector<2048x128xf32>
    %dot_general3A_1212 = arith.constant dense<0.000000e+00> : vector<128x16xf32>
    %dot_general3A_1213 = tpu.matmul %convert_element_type3A_1211, %concatenate3A_594, %dot_general3A_1212 {dimension_numbers = #tpu.dot_dimension_numbers<[0], [0], [1], [1], [0, 1, 1, 1], [], []>, transpose_lhs_hint = false} : vector<2048x128xf32>, vector<2048x16xf32>, vector<128x16xf32> -> vector<128x16xf32>
    %slice3A_1214 = vector.extract_strided_slice %dot_general3A_1213 {offsets = [0, 0], sizes = [128, 8], strides = [1, 1]} : vector<128x16xf32> to vector<128x8xf32>
    %slice3A_1215 = vector.extract_strided_slice %dot_general3A_1213 {offsets = [0, 8], sizes = [128, 8], strides = [1, 1]} : vector<128x16xf32> to vector<128x8xf32>
    %add3A_1216 = arith.addf %slice3A_1214, %slice3A_1215 : vector<128x8xf32>
    %slice3A_1217 = vector.extract_strided_slice %add3A_1216 {offsets = [0, 0], sizes = [128, 1], strides = [1, 1]} : vector<128x8xf32> to vector<128x1xf32>
    %mul3A_1218 = arith.constant 2.048000e+03 : f32
    %mul3A_1219 = arith.mulf %convert_element_type3A_591, %mul3A_1218 : f32
    %add3A_1220 = vector.broadcast %mul3A_1219 : f32 to vector<128x1xf32>
    %add3A_1221 = arith.addf %slice3A_1217, %add3A_1220 : vector<128x1xf32>
    %broadcast_in_dim3A_1222 = arith.constant 0.000000e+00 : f32
    %broadcast_in_dim3A_1223 = vector.broadcast %broadcast_in_dim3A_1222 : f32 to vector<128x7xf32>
    %concatenate3A_1224 = tpu.concatenate %add3A_1221, %broadcast_in_dim3A_1223 in 1 : vector<128x1xf32>, vector<128x7xf32> -> vector<128x8xf32>
    %convert_element_type3A_1225 = arith.fptosi %concatenate3A_1224 : vector<128x8xf32> to vector<128x8xi32>
    %swap3A_1226 = arith.constant 2176 : index
    %swap3A_1227 = arith.constant 0 : index
    %swap3A_1228 = vector.load %arg5[%swap3A_1226, %swap3A_1227] : memref<4096x8xi32, #tpu.memory_space<vmem>>, vector<128x8xi32>
    tpu.vector_store %arg5[%swap3A_1226, %swap3A_1227], %convert_element_type3A_1225 {strides = array<i32>} : memref<4096x8xi32, #tpu.memory_space<vmem>>, vector<128x8xi32>,
    %slice3A_1229 = vector.extract_strided_slice %add3A_1216 {offsets = [0, 2], sizes = [128, 1], strides = [1, 1]} : vector<128x8xf32> to vector<128x1xf32>
    %slice3A_1230 = vector.extract_strided_slice %add3A_1216 {offsets = [0, 3], sizes = [128, 1], strides = [1, 1]} : vector<128x8xf32> to vector<128x1xf32>
    %broadcast_in_dim3A_1231 = arith.constant 0.000000e+00 : f32
    %broadcast_in_dim3A_1232 = vector.broadcast %broadcast_in_dim3A_1231 : f32 to vector<128x6xf32>
    %concatenate3A_1233 = tpu.concatenate %slice3A_1229, %slice3A_1230, %broadcast_in_dim3A_1232 in 1 : vector<128x1xf32>, vector<128x1xf32>, vector<128x6xf32> -> vector<128x8xf32>
    %swap3A_1234 = arith.constant 2176 : index
    %swap3A_1235 = arith.constant 0 : index
    %swap3A_1236 = vector.load %arg7[%swap3A_1234, %swap3A_1235] : memref<4096x8xf32, #tpu.memory_space<vmem>>, vector<128x8xf32>
    tpu.vector_store %arg7[%swap3A_1234, %swap3A_1235], %concatenate3A_1233 {strides = array<i32>} : memref<4096x8xf32, #tpu.memory_space<vmem>>, vector<128x8xf32>,
    %iota3A_1237 = tpu.iota {dimensions = array<i32: 1>} : vector<2048x128xi32>
    %convert_element_type3A_1238 = arith.sitofp %iota3A_1237 : vector<2048x128xi32> to vector<2048x128xf32>
    %add3A_1239 = arith.constant 2.560000e+02 : f32
    %add3A_1240 = vector.broadcast %add3A_1239 : f32 to vector<2048x128xf32>
    %add3A_1241 = arith.addf %add3A_1240, %convert_element_type3A_1238 : vector<2048x128xf32>
    %eq3A_1242 = vector.broadcast %concatenate3A_579 : vector<2048x1xf32> to vector<2048x128xf32>
    %eq3A_1243 = arith.cmpf oeq, %eq3A_1242, %add3A_1241 : vector<2048x128xf32>
    %convert_element_type3A_1244 = arith.extui %eq3A_1243 : vector<2048x128xi1> to vector<2048x128xi32>
    %convert_element_type3A_1245 = arith.sitofp %convert_element_type3A_1244 : vector<2048x128xi32> to vector<2048x128xf32>
    %dot_general3A_1246 = arith.constant dense<0.000000e+00> : vector<128x16xf32>
    %dot_general3A_1247 = tpu.matmul %convert_element_type3A_1245, %concatenate3A_594, %dot_general3A_1246 {dimension_numbers = #tpu.dot_dimension_numbers<[0], [0], [1], [1], [0, 1, 1, 1], [], []>, transpose_lhs_hint = false} : vector<2048x128xf32>, vector<2048x16xf32>, vector<128x16xf32> -> vector<128x16xf32>
    %slice3A_1248 = vector.extract_strided_slice %dot_general3A_1247 {offsets = [0, 0], sizes = [128, 8], strides = [1, 1]} : vector<128x16xf32> to vector<128x8xf32>
    %slice3A_1249 = vector.extract_strided_slice %dot_general3A_1247 {offsets = [0, 8], sizes = [128, 8], strides = [1, 1]} : vector<128x16xf32> to vector<128x8xf32>
    %add3A_1250 = arith.addf %slice3A_1248, %slice3A_1249 : vector<128x8xf32>
    %slice3A_1251 = vector.extract_strided_slice %add3A_1250 {offsets = [0, 0], sizes = [128, 1], strides = [1, 1]} : vector<128x8xf32> to vector<128x1xf32>
    %mul3A_1252 = arith.constant 2.048000e+03 : f32
    %mul3A_1253 = arith.mulf %convert_element_type3A_591, %mul3A_1252 : f32
    %add3A_1254 = vector.broadcast %mul3A_1253 : f32 to vector<128x1xf32>
    %add3A_1255 = arith.addf %slice3A_1251, %add3A_1254 : vector<128x1xf32>
    %broadcast_in_dim3A_1256 = arith.constant 0.000000e+00 : f32
    %broadcast_in_dim3A_1257 = vector.broadcast %broadcast_in_dim3A_1256 : f32 to vector<128x7xf32>
    %concatenate3A_1258 = tpu.concatenate %add3A_1255, %broadcast_in_dim3A_1257 in 1 : vector<128x1xf32>, vector<128x7xf32> -> vector<128x8xf32>
    %convert_element_type3A_1259 = arith.fptosi %concatenate3A_1258 : vector<128x8xf32> to vector<128x8xi32>
    %swap3A_1260 = arith.constant 2304 : index
    %swap3A_1261 = arith.constant 0 : index
    %swap3A_1262 = vector.load %arg5[%swap3A_1260, %swap3A_1261] : memref<4096x8xi32, #tpu.memory_space<vmem>>, vector<128x8xi32>
    tpu.vector_store %arg5[%swap3A_1260, %swap3A_1261], %convert_element_type3A_1259 {strides = array<i32>} : memref<4096x8xi32, #tpu.memory_space<vmem>>, vector<128x8xi32>,
    %slice3A_1263 = vector.extract_strided_slice %add3A_1250 {offsets = [0, 2], sizes = [128, 1], strides = [1, 1]} : vector<128x8xf32> to vector<128x1xf32>
    %slice3A_1264 = vector.extract_strided_slice %add3A_1250 {offsets = [0, 3], sizes = [128, 1], strides = [1, 1]} : vector<128x8xf32> to vector<128x1xf32>
    %broadcast_in_dim3A_1265 = arith.constant 0.000000e+00 : f32
    %broadcast_in_dim3A_1266 = vector.broadcast %broadcast_in_dim3A_1265 : f32 to vector<128x6xf32>
    %concatenate3A_1267 = tpu.concatenate %slice3A_1263, %slice3A_1264, %broadcast_in_dim3A_1266 in 1 : vector<128x1xf32>, vector<128x1xf32>, vector<128x6xf32> -> vector<128x8xf32>
    %swap3A_1268 = arith.constant 2304 : index
    %swap3A_1269 = arith.constant 0 : index
    %swap3A_1270 = vector.load %arg7[%swap3A_1268, %swap3A_1269] : memref<4096x8xf32, #tpu.memory_space<vmem>>, vector<128x8xf32>
    tpu.vector_store %arg7[%swap3A_1268, %swap3A_1269], %concatenate3A_1267 {strides = array<i32>} : memref<4096x8xf32, #tpu.memory_space<vmem>>, vector<128x8xf32>,
    %iota3A_1271 = tpu.iota {dimensions = array<i32: 1>} : vector<2048x128xi32>
    %convert_element_type3A_1272 = arith.sitofp %iota3A_1271 : vector<2048x128xi32> to vector<2048x128xf32>
    %add3A_1273 = arith.constant 3.840000e+02 : f32
    %add3A_1274 = vector.broadcast %add3A_1273 : f32 to vector<2048x128xf32>
    %add3A_1275 = arith.addf %add3A_1274, %convert_element_type3A_1272 : vector<2048x128xf32>
    %eq3A_1276 = vector.broadcast %concatenate3A_579 : vector<2048x1xf32> to vector<2048x128xf32>
    %eq3A_1277 = arith.cmpf oeq, %eq3A_1276, %add3A_1275 : vector<2048x128xf32>
    %convert_element_type3A_1278 = arith.extui %eq3A_1277 : vector<2048x128xi1> to vector<2048x128xi32>
    %convert_element_type3A_1279 = arith.sitofp %convert_element_type3A_1278 : vector<2048x128xi32> to vector<2048x128xf32>
    %dot_general3A_1280 = arith.constant dense<0.000000e+00> : vector<128x16xf32>
    %dot_general3A_1281 = tpu.matmul %convert_element_type3A_1279, %concatenate3A_594, %dot_general3A_1280 {dimension_numbers = #tpu.dot_dimension_numbers<[0], [0], [1], [1], [0, 1, 1, 1], [], []>, transpose_lhs_hint = false} : vector<2048x128xf32>, vector<2048x16xf32>, vector<128x16xf32> -> vector<128x16xf32>
    %slice3A_1282 = vector.extract_strided_slice %dot_general3A_1281 {offsets = [0, 0], sizes = [128, 8], strides = [1, 1]} : vector<128x16xf32> to vector<128x8xf32>
    %slice3A_1283 = vector.extract_strided_slice %dot_general3A_1281 {offsets = [0, 8], sizes = [128, 8], strides = [1, 1]} : vector<128x16xf32> to vector<128x8xf32>
    %add3A_1284 = arith.addf %slice3A_1282, %slice3A_1283 : vector<128x8xf32>
    %slice3A_1285 = vector.extract_strided_slice %add3A_1284 {offsets = [0, 0], sizes = [128, 1], strides = [1, 1]} : vector<128x8xf32> to vector<128x1xf32>
    %mul3A_1286 = arith.constant 2.048000e+03 : f32
    %mul3A_1287 = arith.mulf %convert_element_type3A_591, %mul3A_1286 : f32
    %add3A_1288 = vector.broadcast %mul3A_1287 : f32 to vector<128x1xf32>
    %add3A_1289 = arith.addf %slice3A_1285, %add3A_1288 : vector<128x1xf32>
    %broadcast_in_dim3A_1290 = arith.constant 0.000000e+00 : f32
    %broadcast_in_dim3A_1291 = vector.broadcast %broadcast_in_dim3A_1290 : f32 to vector<128x7xf32>
    %concatenate3A_1292 = tpu.concatenate %add3A_1289, %broadcast_in_dim3A_1291 in 1 : vector<128x1xf32>, vector<128x7xf32> -> vector<128x8xf32>
    %convert_element_type3A_1293 = arith.fptosi %concatenate3A_1292 : vector<128x8xf32> to vector<128x8xi32>
    %swap3A_1294 = arith.constant 2432 : index
    %swap3A_1295 = arith.constant 0 : index
    %swap3A_1296 = vector.load %arg5[%swap3A_1294, %swap3A_1295] : memref<4096x8xi32, #tpu.memory_space<vmem>>, vector<128x8xi32>
    tpu.vector_store %arg5[%swap3A_1294, %swap3A_1295], %convert_element_type3A_1293 {strides = array<i32>} : memref<4096x8xi32, #tpu.memory_space<vmem>>, vector<128x8xi32>,
    %slice3A_1297 = vector.extract_strided_slice %add3A_1284 {offsets = [0, 2], sizes = [128, 1], strides = [1, 1]} : vector<128x8xf32> to vector<128x1xf32>
    %slice3A_1298 = vector.extract_strided_slice %add3A_1284 {offsets = [0, 3], sizes = [128, 1], strides = [1, 1]} : vector<128x8xf32> to vector<128x1xf32>
    %broadcast_in_dim3A_1299 = arith.constant 0.000000e+00 : f32
    %broadcast_in_dim3A_1300 = vector.broadcast %broadcast_in_dim3A_1299 : f32 to vector<128x6xf32>
    %concatenate3A_1301 = tpu.concatenate %slice3A_1297, %slice3A_1298, %broadcast_in_dim3A_1300 in 1 : vector<128x1xf32>, vector<128x1xf32>, vector<128x6xf32> -> vector<128x8xf32>
    %swap3A_1302 = arith.constant 2432 : index
    %swap3A_1303 = arith.constant 0 : index
    %swap3A_1304 = vector.load %arg7[%swap3A_1302, %swap3A_1303] : memref<4096x8xf32, #tpu.memory_space<vmem>>, vector<128x8xf32>
    tpu.vector_store %arg7[%swap3A_1302, %swap3A_1303], %concatenate3A_1301 {strides = array<i32>} : memref<4096x8xf32, #tpu.memory_space<vmem>>, vector<128x8xf32>,
    %iota3A_1305 = tpu.iota {dimensions = array<i32: 1>} : vector<2048x128xi32>
    %convert_element_type3A_1306 = arith.sitofp %iota3A_1305 : vector<2048x128xi32> to vector<2048x128xf32>
    %add3A_1307 = arith.constant 5.120000e+02 : f32
    %add3A_1308 = vector.broadcast %add3A_1307 : f32 to vector<2048x128xf32>
    %add3A_1309 = arith.addf %add3A_1308, %convert_element_type3A_1306 : vector<2048x128xf32>
    %eq3A_1310 = vector.broadcast %concatenate3A_579 : vector<2048x1xf32> to vector<2048x128xf32>
    %eq3A_1311 = arith.cmpf oeq, %eq3A_1310, %add3A_1309 : vector<2048x128xf32>
    %convert_element_type3A_1312 = arith.extui %eq3A_1311 : vector<2048x128xi1> to vector<2048x128xi32>
    %convert_element_type3A_1313 = arith.sitofp %convert_element_type3A_1312 : vector<2048x128xi32> to vector<2048x128xf32>
    %dot_general3A_1314 = arith.constant dense<0.000000e+00> : vector<128x16xf32>
    %dot_general3A_1315 = tpu.matmul %convert_element_type3A_1313, %concatenate3A_594, %dot_general3A_1314 {dimension_numbers = #tpu.dot_dimension_numbers<[0], [0], [1], [1], [0, 1, 1, 1], [], []>, transpose_lhs_hint = false} : vector<2048x128xf32>, vector<2048x16xf32>, vector<128x16xf32> -> vector<128x16xf32>
    %slice3A_1316 = vector.extract_strided_slice %dot_general3A_1315 {offsets = [0, 0], sizes = [128, 8], strides = [1, 1]} : vector<128x16xf32> to vector<128x8xf32>
    %slice3A_1317 = vector.extract_strided_slice %dot_general3A_1315 {offsets = [0, 8], sizes = [128, 8], strides = [1, 1]} : vector<128x16xf32> to vector<128x8xf32>
    %add3A_1318 = arith.addf %slice3A_1316, %slice3A_1317 : vector<128x8xf32>
    %slice3A_1319 = vector.extract_strided_slice %add3A_1318 {offsets = [0, 0], sizes = [128, 1], strides = [1, 1]} : vector<128x8xf32> to vector<128x1xf32>
    %mul3A_1320 = arith.constant 2.048000e+03 : f32
    %mul3A_1321 = arith.mulf %convert_element_type3A_591, %mul3A_1320 : f32
    %add3A_1322 = vector.broadcast %mul3A_1321 : f32 to vector<128x1xf32>
    %add3A_1323 = arith.addf %slice3A_1319, %add3A_1322 : vector<128x1xf32>
    %broadcast_in_dim3A_1324 = arith.constant 0.000000e+00 : f32
    %broadcast_in_dim3A_1325 = vector.broadcast %broadcast_in_dim3A_1324 : f32 to vector<128x7xf32>
    %concatenate3A_1326 = tpu.concatenate %add3A_1323, %broadcast_in_dim3A_1325 in 1 : vector<128x1xf32>, vector<128x7xf32> -> vector<128x8xf32>
    %convert_element_type3A_1327 = arith.fptosi %concatenate3A_1326 : vector<128x8xf32> to vector<128x8xi32>
    %swap3A_1328 = arith.constant 2560 : index
    %swap3A_1329 = arith.constant 0 : index
    %swap3A_1330 = vector.load %arg5[%swap3A_1328, %swap3A_1329] : memref<4096x8xi32, #tpu.memory_space<vmem>>, vector<128x8xi32>
    tpu.vector_store %arg5[%swap3A_1328, %swap3A_1329], %convert_element_type3A_1327 {strides = array<i32>} : memref<4096x8xi32, #tpu.memory_space<vmem>>, vector<128x8xi32>,
    %slice3A_1331 = vector.extract_strided_slice %add3A_1318 {offsets = [0, 2], sizes = [128, 1], strides = [1, 1]} : vector<128x8xf32> to vector<128x1xf32>
    %slice3A_1332 = vector.extract_strided_slice %add3A_1318 {offsets = [0, 3], sizes = [128, 1], strides = [1, 1]} : vector<128x8xf32> to vector<128x1xf32>
    %broadcast_in_dim3A_1333 = arith.constant 0.000000e+00 : f32
    %broadcast_in_dim3A_1334 = vector.broadcast %broadcast_in_dim3A_1333 : f32 to vector<128x6xf32>
    %concatenate3A_1335 = tpu.concatenate %slice3A_1331, %slice3A_1332, %broadcast_in_dim3A_1334 in 1 : vector<128x1xf32>, vector<128x1xf32>, vector<128x6xf32> -> vector<128x8xf32>
    %swap3A_1336 = arith.constant 2560 : index
    %swap3A_1337 = arith.constant 0 : index
    %swap3A_1338 = vector.load %arg7[%swap3A_1336, %swap3A_1337] : memref<4096x8xf32, #tpu.memory_space<vmem>>, vector<128x8xf32>
    tpu.vector_store %arg7[%swap3A_1336, %swap3A_1337], %concatenate3A_1335 {strides = array<i32>} : memref<4096x8xf32, #tpu.memory_space<vmem>>, vector<128x8xf32>,
    %iota3A_1339 = tpu.iota {dimensions = array<i32: 1>} : vector<2048x128xi32>
    %convert_element_type3A_1340 = arith.sitofp %iota3A_1339 : vector<2048x128xi32> to vector<2048x128xf32>
    %add3A_1341 = arith.constant 6.400000e+02 : f32
    %add3A_1342 = vector.broadcast %add3A_1341 : f32 to vector<2048x128xf32>
    %add3A_1343 = arith.addf %add3A_1342, %convert_element_type3A_1340 : vector<2048x128xf32>
    %eq3A_1344 = vector.broadcast %concatenate3A_579 : vector<2048x1xf32> to vector<2048x128xf32>
    %eq3A_1345 = arith.cmpf oeq, %eq3A_1344, %add3A_1343 : vector<2048x128xf32>
    %convert_element_type3A_1346 = arith.extui %eq3A_1345 : vector<2048x128xi1> to vector<2048x128xi32>
    %convert_element_type3A_1347 = arith.sitofp %convert_element_type3A_1346 : vector<2048x128xi32> to vector<2048x128xf32>
    %dot_general3A_1348 = arith.constant dense<0.000000e+00> : vector<128x16xf32>
    %dot_general3A_1349 = tpu.matmul %convert_element_type3A_1347, %concatenate3A_594, %dot_general3A_1348 {dimension_numbers = #tpu.dot_dimension_numbers<[0], [0], [1], [1], [0, 1, 1, 1], [], []>, transpose_lhs_hint = false} : vector<2048x128xf32>, vector<2048x16xf32>, vector<128x16xf32> -> vector<128x16xf32>
    %slice3A_1350 = vector.extract_strided_slice %dot_general3A_1349 {offsets = [0, 0], sizes = [128, 8], strides = [1, 1]} : vector<128x16xf32> to vector<128x8xf32>
    %slice3A_1351 = vector.extract_strided_slice %dot_general3A_1349 {offsets = [0, 8], sizes = [128, 8], strides = [1, 1]} : vector<128x16xf32> to vector<128x8xf32>
    %add3A_1352 = arith.addf %slice3A_1350, %slice3A_1351 : vector<128x8xf32>
    %slice3A_1353 = vector.extract_strided_slice %add3A_1352 {offsets = [0, 0], sizes = [128, 1], strides = [1, 1]} : vector<128x8xf32> to vector<128x1xf32>
    %mul3A_1354 = arith.constant 2.048000e+03 : f32
    %mul3A_1355 = arith.mulf %convert_element_type3A_591, %mul3A_1354 : f32
    %add3A_1356 = vector.broadcast %mul3A_1355 : f32 to vector<128x1xf32>
    %add3A_1357 = arith.addf %slice3A_1353, %add3A_1356 : vector<128x1xf32>
    %broadcast_in_dim3A_1358 = arith.constant 0.000000e+00 : f32
    %broadcast_in_dim3A_1359 = vector.broadcast %broadcast_in_dim3A_1358 : f32 to vector<128x7xf32>
    %concatenate3A_1360 = tpu.concatenate %add3A_1357, %broadcast_in_dim3A_1359 in 1 : vector<128x1xf32>, vector<128x7xf32> -> vector<128x8xf32>
    %convert_element_type3A_1361 = arith.fptosi %concatenate3A_1360 : vector<128x8xf32> to vector<128x8xi32>
    %swap3A_1362 = arith.constant 2688 : index
    %swap3A_1363 = arith.constant 0 : index
    %swap3A_1364 = vector.load %arg5[%swap3A_1362, %swap3A_1363] : memref<4096x8xi32, #tpu.memory_space<vmem>>, vector<128x8xi32>
    tpu.vector_store %arg5[%swap3A_1362, %swap3A_1363], %convert_element_type3A_1361 {strides = array<i32>} : memref<4096x8xi32, #tpu.memory_space<vmem>>, vector<128x8xi32>,
    %slice3A_1365 = vector.extract_strided_slice %add3A_1352 {offsets = [0, 2], sizes = [128, 1], strides = [1, 1]} : vector<128x8xf32> to vector<128x1xf32>
    %slice3A_1366 = vector.extract_strided_slice %add3A_1352 {offsets = [0, 3], sizes = [128, 1], strides = [1, 1]} : vector<128x8xf32> to vector<128x1xf32>
    %broadcast_in_dim3A_1367 = arith.constant 0.000000e+00 : f32
    %broadcast_in_dim3A_1368 = vector.broadcast %broadcast_in_dim3A_1367 : f32 to vector<128x6xf32>
    %concatenate3A_1369 = tpu.concatenate %slice3A_1365, %slice3A_1366, %broadcast_in_dim3A_1368 in 1 : vector<128x1xf32>, vector<128x1xf32>, vector<128x6xf32> -> vector<128x8xf32>
    %swap3A_1370 = arith.constant 2688 : index
    %swap3A_1371 = arith.constant 0 : index
    %swap3A_1372 = vector.load %arg7[%swap3A_1370, %swap3A_1371] : memref<4096x8xf32, #tpu.memory_space<vmem>>, vector<128x8xf32>
    tpu.vector_store %arg7[%swap3A_1370, %swap3A_1371], %concatenate3A_1369 {strides = array<i32>} : memref<4096x8xf32, #tpu.memory_space<vmem>>, vector<128x8xf32>,
    %iota3A_1373 = tpu.iota {dimensions = array<i32: 1>} : vector<2048x128xi32>
    %convert_element_type3A_1374 = arith.sitofp %iota3A_1373 : vector<2048x128xi32> to vector<2048x128xf32>
    %add3A_1375 = arith.constant 7.680000e+02 : f32
    %add3A_1376 = vector.broadcast %add3A_1375 : f32 to vector<2048x128xf32>
    %add3A_1377 = arith.addf %add3A_1376, %convert_element_type3A_1374 : vector<2048x128xf32>
    %eq3A_1378 = vector.broadcast %concatenate3A_579 : vector<2048x1xf32> to vector<2048x128xf32>
    %eq3A_1379 = arith.cmpf oeq, %eq3A_1378, %add3A_1377 : vector<2048x128xf32>
    %convert_element_type3A_1380 = arith.extui %eq3A_1379 : vector<2048x128xi1> to vector<2048x128xi32>
    %convert_element_type3A_1381 = arith.sitofp %convert_element_type3A_1380 : vector<2048x128xi32> to vector<2048x128xf32>
    %dot_general3A_1382 = arith.constant dense<0.000000e+00> : vector<128x16xf32>
    %dot_general3A_1383 = tpu.matmul %convert_element_type3A_1381, %concatenate3A_594, %dot_general3A_1382 {dimension_numbers = #tpu.dot_dimension_numbers<[0], [0], [1], [1], [0, 1, 1, 1], [], []>, transpose_lhs_hint = false} : vector<2048x128xf32>, vector<2048x16xf32>, vector<128x16xf32> -> vector<128x16xf32>
    %slice3A_1384 = vector.extract_strided_slice %dot_general3A_1383 {offsets = [0, 0], sizes = [128, 8], strides = [1, 1]} : vector<128x16xf32> to vector<128x8xf32>
    %slice3A_1385 = vector.extract_strided_slice %dot_general3A_1383 {offsets = [0, 8], sizes = [128, 8], strides = [1, 1]} : vector<128x16xf32> to vector<128x8xf32>
    %add3A_1386 = arith.addf %slice3A_1384, %slice3A_1385 : vector<128x8xf32>
    %slice3A_1387 = vector.extract_strided_slice %add3A_1386 {offsets = [0, 0], sizes = [128, 1], strides = [1, 1]} : vector<128x8xf32> to vector<128x1xf32>
    %mul3A_1388 = arith.constant 2.048000e+03 : f32
    %mul3A_1389 = arith.mulf %convert_element_type3A_591, %mul3A_1388 : f32
    %add3A_1390 = vector.broadcast %mul3A_1389 : f32 to vector<128x1xf32>
    %add3A_1391 = arith.addf %slice3A_1387, %add3A_1390 : vector<128x1xf32>
    %broadcast_in_dim3A_1392 = arith.constant 0.000000e+00 : f32
    %broadcast_in_dim3A_1393 = vector.broadcast %broadcast_in_dim3A_1392 : f32 to vector<128x7xf32>
    %concatenate3A_1394 = tpu.concatenate %add3A_1391, %broadcast_in_dim3A_1393 in 1 : vector<128x1xf32>, vector<128x7xf32> -> vector<128x8xf32>
    %convert_element_type3A_1395 = arith.fptosi %concatenate3A_1394 : vector<128x8xf32> to vector<128x8xi32>
    %swap3A_1396 = arith.constant 2816 : index
    %swap3A_1397 = arith.constant 0 : index
    %swap3A_1398 = vector.load %arg5[%swap3A_1396, %swap3A_1397] : memref<4096x8xi32, #tpu.memory_space<vmem>>, vector<128x8xi32>
    tpu.vector_store %arg5[%swap3A_1396, %swap3A_1397], %convert_element_type3A_1395 {strides = array<i32>} : memref<4096x8xi32, #tpu.memory_space<vmem>>, vector<128x8xi32>,
    %slice3A_1399 = vector.extract_strided_slice %add3A_1386 {offsets = [0, 2], sizes = [128, 1], strides = [1, 1]} : vector<128x8xf32> to vector<128x1xf32>
    %slice3A_1400 = vector.extract_strided_slice %add3A_1386 {offsets = [0, 3], sizes = [128, 1], strides = [1, 1]} : vector<128x8xf32> to vector<128x1xf32>
    %broadcast_in_dim3A_1401 = arith.constant 0.000000e+00 : f32
    %broadcast_in_dim3A_1402 = vector.broadcast %broadcast_in_dim3A_1401 : f32 to vector<128x6xf32>
    %concatenate3A_1403 = tpu.concatenate %slice3A_1399, %slice3A_1400, %broadcast_in_dim3A_1402 in 1 : vector<128x1xf32>, vector<128x1xf32>, vector<128x6xf32> -> vector<128x8xf32>
    %swap3A_1404 = arith.constant 2816 : index
    %swap3A_1405 = arith.constant 0 : index
    %swap3A_1406 = vector.load %arg7[%swap3A_1404, %swap3A_1405] : memref<4096x8xf32, #tpu.memory_space<vmem>>, vector<128x8xf32>
    tpu.vector_store %arg7[%swap3A_1404, %swap3A_1405], %concatenate3A_1403 {strides = array<i32>} : memref<4096x8xf32, #tpu.memory_space<vmem>>, vector<128x8xf32>,
    %iota3A_1407 = tpu.iota {dimensions = array<i32: 1>} : vector<2048x128xi32>
    %convert_element_type3A_1408 = arith.sitofp %iota3A_1407 : vector<2048x128xi32> to vector<2048x128xf32>
    %add3A_1409 = arith.constant 8.960000e+02 : f32
    %add3A_1410 = vector.broadcast %add3A_1409 : f32 to vector<2048x128xf32>
    %add3A_1411 = arith.addf %add3A_1410, %convert_element_type3A_1408 : vector<2048x128xf32>
    %eq3A_1412 = vector.broadcast %concatenate3A_579 : vector<2048x1xf32> to vector<2048x128xf32>
    %eq3A_1413 = arith.cmpf oeq, %eq3A_1412, %add3A_1411 : vector<2048x128xf32>
    %convert_element_type3A_1414 = arith.extui %eq3A_1413 : vector<2048x128xi1> to vector<2048x128xi32>
    %convert_element_type3A_1415 = arith.sitofp %convert_element_type3A_1414 : vector<2048x128xi32> to vector<2048x128xf32>
    %dot_general3A_1416 = arith.constant dense<0.000000e+00> : vector<128x16xf32>
    %dot_general3A_1417 = tpu.matmul %convert_element_type3A_1415, %concatenate3A_594, %dot_general3A_1416 {dimension_numbers = #tpu.dot_dimension_numbers<[0], [0], [1], [1], [0, 1, 1, 1], [], []>, transpose_lhs_hint = false} : vector<2048x128xf32>, vector<2048x16xf32>, vector<128x16xf32> -> vector<128x16xf32>
    %slice3A_1418 = vector.extract_strided_slice %dot_general3A_1417 {offsets = [0, 0], sizes = [128, 8], strides = [1, 1]} : vector<128x16xf32> to vector<128x8xf32>
    %slice3A_1419 = vector.extract_strided_slice %dot_general3A_1417 {offsets = [0, 8], sizes = [128, 8], strides = [1, 1]} : vector<128x16xf32> to vector<128x8xf32>
    %add3A_1420 = arith.addf %slice3A_1418, %slice3A_1419 : vector<128x8xf32>
    %slice3A_1421 = vector.extract_strided_slice %add3A_1420 {offsets = [0, 0], sizes = [128, 1], strides = [1, 1]} : vector<128x8xf32> to vector<128x1xf32>
    %mul3A_1422 = arith.constant 2.048000e+03 : f32
    %mul3A_1423 = arith.mulf %convert_element_type3A_591, %mul3A_1422 : f32
    %add3A_1424 = vector.broadcast %mul3A_1423 : f32 to vector<128x1xf32>
    %add3A_1425 = arith.addf %slice3A_1421, %add3A_1424 : vector<128x1xf32>
    %broadcast_in_dim3A_1426 = arith.constant 0.000000e+00 : f32
    %broadcast_in_dim3A_1427 = vector.broadcast %broadcast_in_dim3A_1426 : f32 to vector<128x7xf32>
    %concatenate3A_1428 = tpu.concatenate %add3A_1425, %broadcast_in_dim3A_1427 in 1 : vector<128x1xf32>, vector<128x7xf32> -> vector<128x8xf32>
    %convert_element_type3A_1429 = arith.fptosi %concatenate3A_1428 : vector<128x8xf32> to vector<128x8xi32>
    %swap3A_1430 = arith.constant 2944 : index
    %swap3A_1431 = arith.constant 0 : index
    %swap3A_1432 = vector.load %arg5[%swap3A_1430, %swap3A_1431] : memref<4096x8xi32, #tpu.memory_space<vmem>>, vector<128x8xi32>
    tpu.vector_store %arg5[%swap3A_1430, %swap3A_1431], %convert_element_type3A_1429 {strides = array<i32>} : memref<4096x8xi32, #tpu.memory_space<vmem>>, vector<128x8xi32>,
    %slice3A_1433 = vector.extract_strided_slice %add3A_1420 {offsets = [0, 2], sizes = [128, 1], strides = [1, 1]} : vector<128x8xf32> to vector<128x1xf32>
    %slice3A_1434 = vector.extract_strided_slice %add3A_1420 {offsets = [0, 3], sizes = [128, 1], strides = [1, 1]} : vector<128x8xf32> to vector<128x1xf32>
    %broadcast_in_dim3A_1435 = arith.constant 0.000000e+00 : f32
    %broadcast_in_dim3A_1436 = vector.broadcast %broadcast_in_dim3A_1435 : f32 to vector<128x6xf32>
    %concatenate3A_1437 = tpu.concatenate %slice3A_1433, %slice3A_1434, %broadcast_in_dim3A_1436 in 1 : vector<128x1xf32>, vector<128x1xf32>, vector<128x6xf32> -> vector<128x8xf32>
    %swap3A_1438 = arith.constant 2944 : index
    %swap3A_1439 = arith.constant 0 : index
    %swap3A_1440 = vector.load %arg7[%swap3A_1438, %swap3A_1439] : memref<4096x8xf32, #tpu.memory_space<vmem>>, vector<128x8xf32>
    tpu.vector_store %arg7[%swap3A_1438, %swap3A_1439], %concatenate3A_1437 {strides = array<i32>} : memref<4096x8xf32, #tpu.memory_space<vmem>>, vector<128x8xf32>,
    %iota3A_1441 = tpu.iota {dimensions = array<i32: 1>} : vector<2048x128xi32>
    %convert_element_type3A_1442 = arith.sitofp %iota3A_1441 : vector<2048x128xi32> to vector<2048x128xf32>
    %add3A_1443 = arith.constant 1.024000e+03 : f32
    %add3A_1444 = vector.broadcast %add3A_1443 : f32 to vector<2048x128xf32>
    %add3A_1445 = arith.addf %add3A_1444, %convert_element_type3A_1442 : vector<2048x128xf32>
    %eq3A_1446 = vector.broadcast %concatenate3A_579 : vector<2048x1xf32> to vector<2048x128xf32>
    %eq3A_1447 = arith.cmpf oeq, %eq3A_1446, %add3A_1445 : vector<2048x128xf32>
    %convert_element_type3A_1448 = arith.extui %eq3A_1447 : vector<2048x128xi1> to vector<2048x128xi32>
    %convert_element_type3A_1449 = arith.sitofp %convert_element_type3A_1448 : vector<2048x128xi32> to vector<2048x128xf32>
    %dot_general3A_1450 = arith.constant dense<0.000000e+00> : vector<128x16xf32>
    %dot_general3A_1451 = tpu.matmul %convert_element_type3A_1449, %concatenate3A_594, %dot_general3A_1450 {dimension_numbers = #tpu.dot_dimension_numbers<[0], [0], [1], [1], [0, 1, 1, 1], [], []>, transpose_lhs_hint = false} : vector<2048x128xf32>, vector<2048x16xf32>, vector<128x16xf32> -> vector<128x16xf32>
    %slice3A_1452 = vector.extract_strided_slice %dot_general3A_1451 {offsets = [0, 0], sizes = [128, 8], strides = [1, 1]} : vector<128x16xf32> to vector<128x8xf32>
    %slice3A_1453 = vector.extract_strided_slice %dot_general3A_1451 {offsets = [0, 8], sizes = [128, 8], strides = [1, 1]} : vector<128x16xf32> to vector<128x8xf32>
    %add3A_1454 = arith.addf %slice3A_1452, %slice3A_1453 : vector<128x8xf32>
    %slice3A_1455 = vector.extract_strided_slice %add3A_1454 {offsets = [0, 0], sizes = [128, 1], strides = [1, 1]} : vector<128x8xf32> to vector<128x1xf32>
    %mul3A_1456 = arith.constant 2.048000e+03 : f32
    %mul3A_1457 = arith.mulf %convert_element_type3A_591, %mul3A_1456 : f32
    %add3A_1458 = vector.broadcast %mul3A_1457 : f32 to vector<128x1xf32>
    %add3A_1459 = arith.addf %slice3A_1455, %add3A_1458 : vector<128x1xf32>
    %broadcast_in_dim3A_1460 = arith.constant 0.000000e+00 : f32
    %broadcast_in_dim3A_1461 = vector.broadcast %broadcast_in_dim3A_1460 : f32 to vector<128x7xf32>
    %concatenate3A_1462 = tpu.concatenate %add3A_1459, %broadcast_in_dim3A_1461 in 1 : vector<128x1xf32>, vector<128x7xf32> -> vector<128x8xf32>
    %convert_element_type3A_1463 = arith.fptosi %concatenate3A_1462 : vector<128x8xf32> to vector<128x8xi32>
    %swap3A_1464 = arith.constant 3072 : index
    %swap3A_1465 = arith.constant 0 : index
    %swap3A_1466 = vector.load %arg5[%swap3A_1464, %swap3A_1465] : memref<4096x8xi32, #tpu.memory_space<vmem>>, vector<128x8xi32>
    tpu.vector_store %arg5[%swap3A_1464, %swap3A_1465], %convert_element_type3A_1463 {strides = array<i32>} : memref<4096x8xi32, #tpu.memory_space<vmem>>, vector<128x8xi32>,
    %slice3A_1467 = vector.extract_strided_slice %add3A_1454 {offsets = [0, 2], sizes = [128, 1], strides = [1, 1]} : vector<128x8xf32> to vector<128x1xf32>
    %slice3A_1468 = vector.extract_strided_slice %add3A_1454 {offsets = [0, 3], sizes = [128, 1], strides = [1, 1]} : vector<128x8xf32> to vector<128x1xf32>
    %broadcast_in_dim3A_1469 = arith.constant 0.000000e+00 : f32
    %broadcast_in_dim3A_1470 = vector.broadcast %broadcast_in_dim3A_1469 : f32 to vector<128x6xf32>
    %concatenate3A_1471 = tpu.concatenate %slice3A_1467, %slice3A_1468, %broadcast_in_dim3A_1470 in 1 : vector<128x1xf32>, vector<128x1xf32>, vector<128x6xf32> -> vector<128x8xf32>
    %swap3A_1472 = arith.constant 3072 : index
    %swap3A_1473 = arith.constant 0 : index
    %swap3A_1474 = vector.load %arg7[%swap3A_1472, %swap3A_1473] : memref<4096x8xf32, #tpu.memory_space<vmem>>, vector<128x8xf32>
    tpu.vector_store %arg7[%swap3A_1472, %swap3A_1473], %concatenate3A_1471 {strides = array<i32>} : memref<4096x8xf32, #tpu.memory_space<vmem>>, vector<128x8xf32>,
    %iota3A_1475 = tpu.iota {dimensions = array<i32: 1>} : vector<2048x128xi32>
    %convert_element_type3A_1476 = arith.sitofp %iota3A_1475 : vector<2048x128xi32> to vector<2048x128xf32>
    %add3A_1477 = arith.constant 1.152000e+03 : f32
    %add3A_1478 = vector.broadcast %add3A_1477 : f32 to vector<2048x128xf32>
    %add3A_1479 = arith.addf %add3A_1478, %convert_element_type3A_1476 : vector<2048x128xf32>
    %eq3A_1480 = vector.broadcast %concatenate3A_579 : vector<2048x1xf32> to vector<2048x128xf32>
    %eq3A_1481 = arith.cmpf oeq, %eq3A_1480, %add3A_1479 : vector<2048x128xf32>
    %convert_element_type3A_1482 = arith.extui %eq3A_1481 : vector<2048x128xi1> to vector<2048x128xi32>
    %convert_element_type3A_1483 = arith.sitofp %convert_element_type3A_1482 : vector<2048x128xi32> to vector<2048x128xf32>
    %dot_general3A_1484 = arith.constant dense<0.000000e+00> : vector<128x16xf32>
    %dot_general3A_1485 = tpu.matmul %convert_element_type3A_1483, %concatenate3A_594, %dot_general3A_1484 {dimension_numbers = #tpu.dot_dimension_numbers<[0], [0], [1], [1], [0, 1, 1, 1], [], []>, transpose_lhs_hint = false} : vector<2048x128xf32>, vector<2048x16xf32>, vector<128x16xf32> -> vector<128x16xf32>
    %slice3A_1486 = vector.extract_strided_slice %dot_general3A_1485 {offsets = [0, 0], sizes = [128, 8], strides = [1, 1]} : vector<128x16xf32> to vector<128x8xf32>
    %slice3A_1487 = vector.extract_strided_slice %dot_general3A_1485 {offsets = [0, 8], sizes = [128, 8], strides = [1, 1]} : vector<128x16xf32> to vector<128x8xf32>
    %add3A_1488 = arith.addf %slice3A_1486, %slice3A_1487 : vector<128x8xf32>
    %slice3A_1489 = vector.extract_strided_slice %add3A_1488 {offsets = [0, 0], sizes = [128, 1], strides = [1, 1]} : vector<128x8xf32> to vector<128x1xf32>
    %mul3A_1490 = arith.constant 2.048000e+03 : f32
    %mul3A_1491 = arith.mulf %convert_element_type3A_591, %mul3A_1490 : f32
    %add3A_1492 = vector.broadcast %mul3A_1491 : f32 to vector<128x1xf32>
    %add3A_1493 = arith.addf %slice3A_1489, %add3A_1492 : vector<128x1xf32>
    %broadcast_in_dim3A_1494 = arith.constant 0.000000e+00 : f32
    %broadcast_in_dim3A_1495 = vector.broadcast %broadcast_in_dim3A_1494 : f32 to vector<128x7xf32>
    %concatenate3A_1496 = tpu.concatenate %add3A_1493, %broadcast_in_dim3A_1495 in 1 : vector<128x1xf32>, vector<128x7xf32> -> vector<128x8xf32>
    %convert_element_type3A_1497 = arith.fptosi %concatenate3A_1496 : vector<128x8xf32> to vector<128x8xi32>
    %swap3A_1498 = arith.constant 3200 : index
    %swap3A_1499 = arith.constant 0 : index
    %swap3A_1500 = vector.load %arg5[%swap3A_1498, %swap3A_1499] : memref<4096x8xi32, #tpu.memory_space<vmem>>, vector<128x8xi32>
    tpu.vector_store %arg5[%swap3A_1498, %swap3A_1499], %convert_element_type3A_1497 {strides = array<i32>} : memref<4096x8xi32, #tpu.memory_space<vmem>>, vector<128x8xi32>,
    %slice3A_1501 = vector.extract_strided_slice %add3A_1488 {offsets = [0, 2], sizes = [128, 1], strides = [1, 1]} : vector<128x8xf32> to vector<128x1xf32>
    %slice3A_1502 = vector.extract_strided_slice %add3A_1488 {offsets = [0, 3], sizes = [128, 1], strides = [1, 1]} : vector<128x8xf32> to vector<128x1xf32>
    %broadcast_in_dim3A_1503 = arith.constant 0.000000e+00 : f32
    %broadcast_in_dim3A_1504 = vector.broadcast %broadcast_in_dim3A_1503 : f32 to vector<128x6xf32>
    %concatenate3A_1505 = tpu.concatenate %slice3A_1501, %slice3A_1502, %broadcast_in_dim3A_1504 in 1 : vector<128x1xf32>, vector<128x1xf32>, vector<128x6xf32> -> vector<128x8xf32>
    %swap3A_1506 = arith.constant 3200 : index
    %swap3A_1507 = arith.constant 0 : index
    %swap3A_1508 = vector.load %arg7[%swap3A_1506, %swap3A_1507] : memref<4096x8xf32, #tpu.memory_space<vmem>>, vector<128x8xf32>
    tpu.vector_store %arg7[%swap3A_1506, %swap3A_1507], %concatenate3A_1505 {strides = array<i32>} : memref<4096x8xf32, #tpu.memory_space<vmem>>, vector<128x8xf32>,
    %iota3A_1509 = tpu.iota {dimensions = array<i32: 1>} : vector<2048x128xi32>
    %convert_element_type3A_1510 = arith.sitofp %iota3A_1509 : vector<2048x128xi32> to vector<2048x128xf32>
    %add3A_1511 = arith.constant 1.280000e+03 : f32
    %add3A_1512 = vector.broadcast %add3A_1511 : f32 to vector<2048x128xf32>
    %add3A_1513 = arith.addf %add3A_1512, %convert_element_type3A_1510 : vector<2048x128xf32>
    %eq3A_1514 = vector.broadcast %concatenate3A_579 : vector<2048x1xf32> to vector<2048x128xf32>
    %eq3A_1515 = arith.cmpf oeq, %eq3A_1514, %add3A_1513 : vector<2048x128xf32>
    %convert_element_type3A_1516 = arith.extui %eq3A_1515 : vector<2048x128xi1> to vector<2048x128xi32>
    %convert_element_type3A_1517 = arith.sitofp %convert_element_type3A_1516 : vector<2048x128xi32> to vector<2048x128xf32>
    %dot_general3A_1518 = arith.constant dense<0.000000e+00> : vector<128x16xf32>
    %dot_general3A_1519 = tpu.matmul %convert_element_type3A_1517, %concatenate3A_594, %dot_general3A_1518 {dimension_numbers = #tpu.dot_dimension_numbers<[0], [0], [1], [1], [0, 1, 1, 1], [], []>, transpose_lhs_hint = false} : vector<2048x128xf32>, vector<2048x16xf32>, vector<128x16xf32> -> vector<128x16xf32>
    %slice3A_1520 = vector.extract_strided_slice %dot_general3A_1519 {offsets = [0, 0], sizes = [128, 8], strides = [1, 1]} : vector<128x16xf32> to vector<128x8xf32>
    %slice3A_1521 = vector.extract_strided_slice %dot_general3A_1519 {offsets = [0, 8], sizes = [128, 8], strides = [1, 1]} : vector<128x16xf32> to vector<128x8xf32>
    %add3A_1522 = arith.addf %slice3A_1520, %slice3A_1521 : vector<128x8xf32>
    %slice3A_1523 = vector.extract_strided_slice %add3A_1522 {offsets = [0, 0], sizes = [128, 1], strides = [1, 1]} : vector<128x8xf32> to vector<128x1xf32>
    %mul3A_1524 = arith.constant 2.048000e+03 : f32
    %mul3A_1525 = arith.mulf %convert_element_type3A_591, %mul3A_1524 : f32
    %add3A_1526 = vector.broadcast %mul3A_1525 : f32 to vector<128x1xf32>
    %add3A_1527 = arith.addf %slice3A_1523, %add3A_1526 : vector<128x1xf32>
    %broadcast_in_dim3A_1528 = arith.constant 0.000000e+00 : f32
    %broadcast_in_dim3A_1529 = vector.broadcast %broadcast_in_dim3A_1528 : f32 to vector<128x7xf32>
    %concatenate3A_1530 = tpu.concatenate %add3A_1527, %broadcast_in_dim3A_1529 in 1 : vector<128x1xf32>, vector<128x7xf32> -> vector<128x8xf32>
    %convert_element_type3A_1531 = arith.fptosi %concatenate3A_1530 : vector<128x8xf32> to vector<128x8xi32>
    %swap3A_1532 = arith.constant 3328 : index
    %swap3A_1533 = arith.constant 0 : index
    %swap3A_1534 = vector.load %arg5[%swap3A_1532, %swap3A_1533] : memref<4096x8xi32, #tpu.memory_space<vmem>>, vector<128x8xi32>
    tpu.vector_store %arg5[%swap3A_1532, %swap3A_1533], %convert_element_type3A_1531 {strides = array<i32>} : memref<4096x8xi32, #tpu.memory_space<vmem>>, vector<128x8xi32>,
    %slice3A_1535 = vector.extract_strided_slice %add3A_1522 {offsets = [0, 2], sizes = [128, 1], strides = [1, 1]} : vector<128x8xf32> to vector<128x1xf32>
    %slice3A_1536 = vector.extract_strided_slice %add3A_1522 {offsets = [0, 3], sizes = [128, 1], strides = [1, 1]} : vector<128x8xf32> to vector<128x1xf32>
    %broadcast_in_dim3A_1537 = arith.constant 0.000000e+00 : f32
    %broadcast_in_dim3A_1538 = vector.broadcast %broadcast_in_dim3A_1537 : f32 to vector<128x6xf32>
    %concatenate3A_1539 = tpu.concatenate %slice3A_1535, %slice3A_1536, %broadcast_in_dim3A_1538 in 1 : vector<128x1xf32>, vector<128x1xf32>, vector<128x6xf32> -> vector<128x8xf32>
    %swap3A_1540 = arith.constant 3328 : index
    %swap3A_1541 = arith.constant 0 : index
    %swap3A_1542 = vector.load %arg7[%swap3A_1540, %swap3A_1541] : memref<4096x8xf32, #tpu.memory_space<vmem>>, vector<128x8xf32>
    tpu.vector_store %arg7[%swap3A_1540, %swap3A_1541], %concatenate3A_1539 {strides = array<i32>} : memref<4096x8xf32, #tpu.memory_space<vmem>>, vector<128x8xf32>,
    %iota3A_1543 = tpu.iota {dimensions = array<i32: 1>} : vector<2048x128xi32>
    %convert_element_type3A_1544 = arith.sitofp %iota3A_1543 : vector<2048x128xi32> to vector<2048x128xf32>
    %add3A_1545 = arith.constant 1.408000e+03 : f32
    %add3A_1546 = vector.broadcast %add3A_1545 : f32 to vector<2048x128xf32>
    %add3A_1547 = arith.addf %add3A_1546, %convert_element_type3A_1544 : vector<2048x128xf32>
    %eq3A_1548 = vector.broadcast %concatenate3A_579 : vector<2048x1xf32> to vector<2048x128xf32>
    %eq3A_1549 = arith.cmpf oeq, %eq3A_1548, %add3A_1547 : vector<2048x128xf32>
    %convert_element_type3A_1550 = arith.extui %eq3A_1549 : vector<2048x128xi1> to vector<2048x128xi32>
    %convert_element_type3A_1551 = arith.sitofp %convert_element_type3A_1550 : vector<2048x128xi32> to vector<2048x128xf32>
    %dot_general3A_1552 = arith.constant dense<0.000000e+00> : vector<128x16xf32>
    %dot_general3A_1553 = tpu.matmul %convert_element_type3A_1551, %concatenate3A_594, %dot_general3A_1552 {dimension_numbers = #tpu.dot_dimension_numbers<[0], [0], [1], [1], [0, 1, 1, 1], [], []>, transpose_lhs_hint = false} : vector<2048x128xf32>, vector<2048x16xf32>, vector<128x16xf32> -> vector<128x16xf32>
    %slice3A_1554 = vector.extract_strided_slice %dot_general3A_1553 {offsets = [0, 0], sizes = [128, 8], strides = [1, 1]} : vector<128x16xf32> to vector<128x8xf32>
    %slice3A_1555 = vector.extract_strided_slice %dot_general3A_1553 {offsets = [0, 8], sizes = [128, 8], strides = [1, 1]} : vector<128x16xf32> to vector<128x8xf32>
    %add3A_1556 = arith.addf %slice3A_1554, %slice3A_1555 : vector<128x8xf32>
    %slice3A_1557 = vector.extract_strided_slice %add3A_1556 {offsets = [0, 0], sizes = [128, 1], strides = [1, 1]} : vector<128x8xf32> to vector<128x1xf32>
    %mul3A_1558 = arith.constant 2.048000e+03 : f32
    %mul3A_1559 = arith.mulf %convert_element_type3A_591, %mul3A_1558 : f32
    %add3A_1560 = vector.broadcast %mul3A_1559 : f32 to vector<128x1xf32>
    %add3A_1561 = arith.addf %slice3A_1557, %add3A_1560 : vector<128x1xf32>
    %broadcast_in_dim3A_1562 = arith.constant 0.000000e+00 : f32
    %broadcast_in_dim3A_1563 = vector.broadcast %broadcast_in_dim3A_1562 : f32 to vector<128x7xf32>
    %concatenate3A_1564 = tpu.concatenate %add3A_1561, %broadcast_in_dim3A_1563 in 1 : vector<128x1xf32>, vector<128x7xf32> -> vector<128x8xf32>
    %convert_element_type3A_1565 = arith.fptosi %concatenate3A_1564 : vector<128x8xf32> to vector<128x8xi32>
    %swap3A_1566 = arith.constant 3456 : index
    %swap3A_1567 = arith.constant 0 : index
    %swap3A_1568 = vector.load %arg5[%swap3A_1566, %swap3A_1567] : memref<4096x8xi32, #tpu.memory_space<vmem>>, vector<128x8xi32>
    tpu.vector_store %arg5[%swap3A_1566, %swap3A_1567], %convert_element_type3A_1565 {strides = array<i32>} : memref<4096x8xi32, #tpu.memory_space<vmem>>, vector<128x8xi32>,
    %slice3A_1569 = vector.extract_strided_slice %add3A_1556 {offsets = [0, 2], sizes = [128, 1], strides = [1, 1]} : vector<128x8xf32> to vector<128x1xf32>
    %slice3A_1570 = vector.extract_strided_slice %add3A_1556 {offsets = [0, 3], sizes = [128, 1], strides = [1, 1]} : vector<128x8xf32> to vector<128x1xf32>
    %broadcast_in_dim3A_1571 = arith.constant 0.000000e+00 : f32
    %broadcast_in_dim3A_1572 = vector.broadcast %broadcast_in_dim3A_1571 : f32 to vector<128x6xf32>
    %concatenate3A_1573 = tpu.concatenate %slice3A_1569, %slice3A_1570, %broadcast_in_dim3A_1572 in 1 : vector<128x1xf32>, vector<128x1xf32>, vector<128x6xf32> -> vector<128x8xf32>
    %swap3A_1574 = arith.constant 3456 : index
    %swap3A_1575 = arith.constant 0 : index
    %swap3A_1576 = vector.load %arg7[%swap3A_1574, %swap3A_1575] : memref<4096x8xf32, #tpu.memory_space<vmem>>, vector<128x8xf32>
    tpu.vector_store %arg7[%swap3A_1574, %swap3A_1575], %concatenate3A_1573 {strides = array<i32>} : memref<4096x8xf32, #tpu.memory_space<vmem>>, vector<128x8xf32>,
    %iota3A_1577 = tpu.iota {dimensions = array<i32: 1>} : vector<2048x128xi32>
    %convert_element_type3A_1578 = arith.sitofp %iota3A_1577 : vector<2048x128xi32> to vector<2048x128xf32>
    %add3A_1579 = arith.constant 1.536000e+03 : f32
    %add3A_1580 = vector.broadcast %add3A_1579 : f32 to vector<2048x128xf32>
    %add3A_1581 = arith.addf %add3A_1580, %convert_element_type3A_1578 : vector<2048x128xf32>
    %eq3A_1582 = vector.broadcast %concatenate3A_579 : vector<2048x1xf32> to vector<2048x128xf32>
    %eq3A_1583 = arith.cmpf oeq, %eq3A_1582, %add3A_1581 : vector<2048x128xf32>
    %convert_element_type3A_1584 = arith.extui %eq3A_1583 : vector<2048x128xi1> to vector<2048x128xi32>
    %convert_element_type3A_1585 = arith.sitofp %convert_element_type3A_1584 : vector<2048x128xi32> to vector<2048x128xf32>
    %dot_general3A_1586 = arith.constant dense<0.000000e+00> : vector<128x16xf32>
    %dot_general3A_1587 = tpu.matmul %convert_element_type3A_1585, %concatenate3A_594, %dot_general3A_1586 {dimension_numbers = #tpu.dot_dimension_numbers<[0], [0], [1], [1], [0, 1, 1, 1], [], []>, transpose_lhs_hint = false} : vector<2048x128xf32>, vector<2048x16xf32>, vector<128x16xf32> -> vector<128x16xf32>
    %slice3A_1588 = vector.extract_strided_slice %dot_general3A_1587 {offsets = [0, 0], sizes = [128, 8], strides = [1, 1]} : vector<128x16xf32> to vector<128x8xf32>
    %slice3A_1589 = vector.extract_strided_slice %dot_general3A_1587 {offsets = [0, 8], sizes = [128, 8], strides = [1, 1]} : vector<128x16xf32> to vector<128x8xf32>
    %add3A_1590 = arith.addf %slice3A_1588, %slice3A_1589 : vector<128x8xf32>
    %slice3A_1591 = vector.extract_strided_slice %add3A_1590 {offsets = [0, 0], sizes = [128, 1], strides = [1, 1]} : vector<128x8xf32> to vector<128x1xf32>
    %mul3A_1592 = arith.constant 2.048000e+03 : f32
    %mul3A_1593 = arith.mulf %convert_element_type3A_591, %mul3A_1592 : f32
    %add3A_1594 = vector.broadcast %mul3A_1593 : f32 to vector<128x1xf32>
    %add3A_1595 = arith.addf %slice3A_1591, %add3A_1594 : vector<128x1xf32>
    %broadcast_in_dim3A_1596 = arith.constant 0.000000e+00 : f32
    %broadcast_in_dim3A_1597 = vector.broadcast %broadcast_in_dim3A_1596 : f32 to vector<128x7xf32>
    %concatenate3A_1598 = tpu.concatenate %add3A_1595, %broadcast_in_dim3A_1597 in 1 : vector<128x1xf32>, vector<128x7xf32> -> vector<128x8xf32>
    %convert_element_type3A_1599 = arith.fptosi %concatenate3A_1598 : vector<128x8xf32> to vector<128x8xi32>
    %swap3A_1600 = arith.constant 3584 : index
    %swap3A_1601 = arith.constant 0 : index
    %swap3A_1602 = vector.load %arg5[%swap3A_1600, %swap3A_1601] : memref<4096x8xi32, #tpu.memory_space<vmem>>, vector<128x8xi32>
    tpu.vector_store %arg5[%swap3A_1600, %swap3A_1601], %convert_element_type3A_1599 {strides = array<i32>} : memref<4096x8xi32, #tpu.memory_space<vmem>>, vector<128x8xi32>,
    %slice3A_1603 = vector.extract_strided_slice %add3A_1590 {offsets = [0, 2], sizes = [128, 1], strides = [1, 1]} : vector<128x8xf32> to vector<128x1xf32>
    %slice3A_1604 = vector.extract_strided_slice %add3A_1590 {offsets = [0, 3], sizes = [128, 1], strides = [1, 1]} : vector<128x8xf32> to vector<128x1xf32>
    %broadcast_in_dim3A_1605 = arith.constant 0.000000e+00 : f32
    %broadcast_in_dim3A_1606 = vector.broadcast %broadcast_in_dim3A_1605 : f32 to vector<128x6xf32>
    %concatenate3A_1607 = tpu.concatenate %slice3A_1603, %slice3A_1604, %broadcast_in_dim3A_1606 in 1 : vector<128x1xf32>, vector<128x1xf32>, vector<128x6xf32> -> vector<128x8xf32>
    %swap3A_1608 = arith.constant 3584 : index
    %swap3A_1609 = arith.constant 0 : index
    %swap3A_1610 = vector.load %arg7[%swap3A_1608, %swap3A_1609] : memref<4096x8xf32, #tpu.memory_space<vmem>>, vector<128x8xf32>
    tpu.vector_store %arg7[%swap3A_1608, %swap3A_1609], %concatenate3A_1607 {strides = array<i32>} : memref<4096x8xf32, #tpu.memory_space<vmem>>, vector<128x8xf32>,
    %iota3A_1611 = tpu.iota {dimensions = array<i32: 1>} : vector<2048x128xi32>
    %convert_element_type3A_1612 = arith.sitofp %iota3A_1611 : vector<2048x128xi32> to vector<2048x128xf32>
    %add3A_1613 = arith.constant 1.664000e+03 : f32
    %add3A_1614 = vector.broadcast %add3A_1613 : f32 to vector<2048x128xf32>
    %add3A_1615 = arith.addf %add3A_1614, %convert_element_type3A_1612 : vector<2048x128xf32>
    %eq3A_1616 = vector.broadcast %concatenate3A_579 : vector<2048x1xf32> to vector<2048x128xf32>
    %eq3A_1617 = arith.cmpf oeq, %eq3A_1616, %add3A_1615 : vector<2048x128xf32>
    %convert_element_type3A_1618 = arith.extui %eq3A_1617 : vector<2048x128xi1> to vector<2048x128xi32>
    %convert_element_type3A_1619 = arith.sitofp %convert_element_type3A_1618 : vector<2048x128xi32> to vector<2048x128xf32>
    %dot_general3A_1620 = arith.constant dense<0.000000e+00> : vector<128x16xf32>
    %dot_general3A_1621 = tpu.matmul %convert_element_type3A_1619, %concatenate3A_594, %dot_general3A_1620 {dimension_numbers = #tpu.dot_dimension_numbers<[0], [0], [1], [1], [0, 1, 1, 1], [], []>, transpose_lhs_hint = false} : vector<2048x128xf32>, vector<2048x16xf32>, vector<128x16xf32> -> vector<128x16xf32>
    %slice3A_1622 = vector.extract_strided_slice %dot_general3A_1621 {offsets = [0, 0], sizes = [128, 8], strides = [1, 1]} : vector<128x16xf32> to vector<128x8xf32>
    %slice3A_1623 = vector.extract_strided_slice %dot_general3A_1621 {offsets = [0, 8], sizes = [128, 8], strides = [1, 1]} : vector<128x16xf32> to vector<128x8xf32>
    %add3A_1624 = arith.addf %slice3A_1622, %slice3A_1623 : vector<128x8xf32>
    %slice3A_1625 = vector.extract_strided_slice %add3A_1624 {offsets = [0, 0], sizes = [128, 1], strides = [1, 1]} : vector<128x8xf32> to vector<128x1xf32>
    %mul3A_1626 = arith.constant 2.048000e+03 : f32
    %mul3A_1627 = arith.mulf %convert_element_type3A_591, %mul3A_1626 : f32
    %add3A_1628 = vector.broadcast %mul3A_1627 : f32 to vector<128x1xf32>
    %add3A_1629 = arith.addf %slice3A_1625, %add3A_1628 : vector<128x1xf32>
    %broadcast_in_dim3A_1630 = arith.constant 0.000000e+00 : f32
    %broadcast_in_dim3A_1631 = vector.broadcast %broadcast_in_dim3A_1630 : f32 to vector<128x7xf32>
    %concatenate3A_1632 = tpu.concatenate %add3A_1629, %broadcast_in_dim3A_1631 in 1 : vector<128x1xf32>, vector<128x7xf32> -> vector<128x8xf32>
    %convert_element_type3A_1633 = arith.fptosi %concatenate3A_1632 : vector<128x8xf32> to vector<128x8xi32>
    %swap3A_1634 = arith.constant 3712 : index
    %swap3A_1635 = arith.constant 0 : index
    %swap3A_1636 = vector.load %arg5[%swap3A_1634, %swap3A_1635] : memref<4096x8xi32, #tpu.memory_space<vmem>>, vector<128x8xi32>
    tpu.vector_store %arg5[%swap3A_1634, %swap3A_1635], %convert_element_type3A_1633 {strides = array<i32>} : memref<4096x8xi32, #tpu.memory_space<vmem>>, vector<128x8xi32>,
    %slice3A_1637 = vector.extract_strided_slice %add3A_1624 {offsets = [0, 2], sizes = [128, 1], strides = [1, 1]} : vector<128x8xf32> to vector<128x1xf32>
    %slice3A_1638 = vector.extract_strided_slice %add3A_1624 {offsets = [0, 3], sizes = [128, 1], strides = [1, 1]} : vector<128x8xf32> to vector<128x1xf32>
    %broadcast_in_dim3A_1639 = arith.constant 0.000000e+00 : f32
    %broadcast_in_dim3A_1640 = vector.broadcast %broadcast_in_dim3A_1639 : f32 to vector<128x6xf32>
    %concatenate3A_1641 = tpu.concatenate %slice3A_1637, %slice3A_1638, %broadcast_in_dim3A_1640 in 1 : vector<128x1xf32>, vector<128x1xf32>, vector<128x6xf32> -> vector<128x8xf32>
    %swap3A_1642 = arith.constant 3712 : index
    %swap3A_1643 = arith.constant 0 : index
    %swap3A_1644 = vector.load %arg7[%swap3A_1642, %swap3A_1643] : memref<4096x8xf32, #tpu.memory_space<vmem>>, vector<128x8xf32>
    tpu.vector_store %arg7[%swap3A_1642, %swap3A_1643], %concatenate3A_1641 {strides = array<i32>} : memref<4096x8xf32, #tpu.memory_space<vmem>>, vector<128x8xf32>,
    %iota3A_1645 = tpu.iota {dimensions = array<i32: 1>} : vector<2048x128xi32>
    %convert_element_type3A_1646 = arith.sitofp %iota3A_1645 : vector<2048x128xi32> to vector<2048x128xf32>
    %add3A_1647 = arith.constant 1.792000e+03 : f32
    %add3A_1648 = vector.broadcast %add3A_1647 : f32 to vector<2048x128xf32>
    %add3A_1649 = arith.addf %add3A_1648, %convert_element_type3A_1646 : vector<2048x128xf32>
    %eq3A_1650 = vector.broadcast %concatenate3A_579 : vector<2048x1xf32> to vector<2048x128xf32>
    %eq3A_1651 = arith.cmpf oeq, %eq3A_1650, %add3A_1649 : vector<2048x128xf32>
    %convert_element_type3A_1652 = arith.extui %eq3A_1651 : vector<2048x128xi1> to vector<2048x128xi32>
    %convert_element_type3A_1653 = arith.sitofp %convert_element_type3A_1652 : vector<2048x128xi32> to vector<2048x128xf32>
    %dot_general3A_1654 = arith.constant dense<0.000000e+00> : vector<128x16xf32>
    %dot_general3A_1655 = tpu.matmul %convert_element_type3A_1653, %concatenate3A_594, %dot_general3A_1654 {dimension_numbers = #tpu.dot_dimension_numbers<[0], [0], [1], [1], [0, 1, 1, 1], [], []>, transpose_lhs_hint = false} : vector<2048x128xf32>, vector<2048x16xf32>, vector<128x16xf32> -> vector<128x16xf32>
    %slice3A_1656 = vector.extract_strided_slice %dot_general3A_1655 {offsets = [0, 0], sizes = [128, 8], strides = [1, 1]} : vector<128x16xf32> to vector<128x8xf32>
    %slice3A_1657 = vector.extract_strided_slice %dot_general3A_1655 {offsets = [0, 8], sizes = [128, 8], strides = [1, 1]} : vector<128x16xf32> to vector<128x8xf32>
    %add3A_1658 = arith.addf %slice3A_1656, %slice3A_1657 : vector<128x8xf32>
    %slice3A_1659 = vector.extract_strided_slice %add3A_1658 {offsets = [0, 0], sizes = [128, 1], strides = [1, 1]} : vector<128x8xf32> to vector<128x1xf32>
    %mul3A_1660 = arith.constant 2.048000e+03 : f32
    %mul3A_1661 = arith.mulf %convert_element_type3A_591, %mul3A_1660 : f32
    %add3A_1662 = vector.broadcast %mul3A_1661 : f32 to vector<128x1xf32>
    %add3A_1663 = arith.addf %slice3A_1659, %add3A_1662 : vector<128x1xf32>
    %broadcast_in_dim3A_1664 = arith.constant 0.000000e+00 : f32
    %broadcast_in_dim3A_1665 = vector.broadcast %broadcast_in_dim3A_1664 : f32 to vector<128x7xf32>
    %concatenate3A_1666 = tpu.concatenate %add3A_1663, %broadcast_in_dim3A_1665 in 1 : vector<128x1xf32>, vector<128x7xf32> -> vector<128x8xf32>
    %convert_element_type3A_1667 = arith.fptosi %concatenate3A_1666 : vector<128x8xf32> to vector<128x8xi32>
    %swap3A_1668 = arith.constant 3840 : index
    %swap3A_1669 = arith.constant 0 : index
    %swap3A_1670 = vector.load %arg5[%swap3A_1668, %swap3A_1669] : memref<4096x8xi32, #tpu.memory_space<vmem>>, vector<128x8xi32>
    tpu.vector_store %arg5[%swap3A_1668, %swap3A_1669], %convert_element_type3A_1667 {strides = array<i32>} : memref<4096x8xi32, #tpu.memory_space<vmem>>, vector<128x8xi32>,
    %slice3A_1671 = vector.extract_strided_slice %add3A_1658 {offsets = [0, 2], sizes = [128, 1], strides = [1, 1]} : vector<128x8xf32> to vector<128x1xf32>
    %slice3A_1672 = vector.extract_strided_slice %add3A_1658 {offsets = [0, 3], sizes = [128, 1], strides = [1, 1]} : vector<128x8xf32> to vector<128x1xf32>
    %broadcast_in_dim3A_1673 = arith.constant 0.000000e+00 : f32
    %broadcast_in_dim3A_1674 = vector.broadcast %broadcast_in_dim3A_1673 : f32 to vector<128x6xf32>
    %concatenate3A_1675 = tpu.concatenate %slice3A_1671, %slice3A_1672, %broadcast_in_dim3A_1674 in 1 : vector<128x1xf32>, vector<128x1xf32>, vector<128x6xf32> -> vector<128x8xf32>
    %swap3A_1676 = arith.constant 3840 : index
    %swap3A_1677 = arith.constant 0 : index
    %swap3A_1678 = vector.load %arg7[%swap3A_1676, %swap3A_1677] : memref<4096x8xf32, #tpu.memory_space<vmem>>, vector<128x8xf32>
    tpu.vector_store %arg7[%swap3A_1676, %swap3A_1677], %concatenate3A_1675 {strides = array<i32>} : memref<4096x8xf32, #tpu.memory_space<vmem>>, vector<128x8xf32>,
    %iota3A_1679 = tpu.iota {dimensions = array<i32: 1>} : vector<2048x128xi32>
    %convert_element_type3A_1680 = arith.sitofp %iota3A_1679 : vector<2048x128xi32> to vector<2048x128xf32>
    %add3A_1681 = arith.constant 1.920000e+03 : f32
    %add3A_1682 = vector.broadcast %add3A_1681 : f32 to vector<2048x128xf32>
    %add3A_1683 = arith.addf %add3A_1682, %convert_element_type3A_1680 : vector<2048x128xf32>
    %eq3A_1684 = vector.broadcast %concatenate3A_579 : vector<2048x1xf32> to vector<2048x128xf32>
    %eq3A_1685 = arith.cmpf oeq, %eq3A_1684, %add3A_1683 : vector<2048x128xf32>
    %convert_element_type3A_1686 = arith.extui %eq3A_1685 : vector<2048x128xi1> to vector<2048x128xi32>
    %convert_element_type3A_1687 = arith.sitofp %convert_element_type3A_1686 : vector<2048x128xi32> to vector<2048x128xf32>
    %dot_general3A_1688 = arith.constant dense<0.000000e+00> : vector<128x16xf32>
    %dot_general3A_1689 = tpu.matmul %convert_element_type3A_1687, %concatenate3A_594, %dot_general3A_1688 {dimension_numbers = #tpu.dot_dimension_numbers<[0], [0], [1], [1], [0, 1, 1, 1], [], []>, transpose_lhs_hint = false} : vector<2048x128xf32>, vector<2048x16xf32>, vector<128x16xf32> -> vector<128x16xf32>
    %slice3A_1690 = vector.extract_strided_slice %dot_general3A_1689 {offsets = [0, 0], sizes = [128, 8], strides = [1, 1]} : vector<128x16xf32> to vector<128x8xf32>
    %slice3A_1691 = vector.extract_strided_slice %dot_general3A_1689 {offsets = [0, 8], sizes = [128, 8], strides = [1, 1]} : vector<128x16xf32> to vector<128x8xf32>
    %add3A_1692 = arith.addf %slice3A_1690, %slice3A_1691 : vector<128x8xf32>
    %slice3A_1693 = vector.extract_strided_slice %add3A_1692 {offsets = [0, 0], sizes = [128, 1], strides = [1, 1]} : vector<128x8xf32> to vector<128x1xf32>
    %mul3A_1694 = arith.constant 2.048000e+03 : f32
    %mul3A_1695 = arith.mulf %convert_element_type3A_591, %mul3A_1694 : f32
    %add3A_1696 = vector.broadcast %mul3A_1695 : f32 to vector<128x1xf32>
    %add3A_1697 = arith.addf %slice3A_1693, %add3A_1696 : vector<128x1xf32>
    %broadcast_in_dim3A_1698 = arith.constant 0.000000e+00 : f32
    %broadcast_in_dim3A_1699 = vector.broadcast %broadcast_in_dim3A_1698 : f32 to vector<128x7xf32>
    %concatenate3A_1700 = tpu.concatenate %add3A_1697, %broadcast_in_dim3A_1699 in 1 : vector<128x1xf32>, vector<128x7xf32> -> vector<128x8xf32>
    %convert_element_type3A_1701 = arith.fptosi %concatenate3A_1700 : vector<128x8xf32> to vector<128x8xi32>
    %swap3A_1702 = arith.constant 3968 : index
    %swap3A_1703 = arith.constant 0 : index
    %swap3A_1704 = vector.load %arg5[%swap3A_1702, %swap3A_1703] : memref<4096x8xi32, #tpu.memory_space<vmem>>, vector<128x8xi32>
    tpu.vector_store %arg5[%swap3A_1702, %swap3A_1703], %convert_element_type3A_1701 {strides = array<i32>} : memref<4096x8xi32, #tpu.memory_space<vmem>>, vector<128x8xi32>,
    %slice3A_1705 = vector.extract_strided_slice %add3A_1692 {offsets = [0, 2], sizes = [128, 1], strides = [1, 1]} : vector<128x8xf32> to vector<128x1xf32>
    %slice3A_1706 = vector.extract_strided_slice %add3A_1692 {offsets = [0, 3], sizes = [128, 1], strides = [1, 1]} : vector<128x8xf32> to vector<128x1xf32>
    %broadcast_in_dim3A_1707 = arith.constant 0.000000e+00 : f32
    %broadcast_in_dim3A_1708 = vector.broadcast %broadcast_in_dim3A_1707 : f32 to vector<128x6xf32>
    %concatenate3A_1709 = tpu.concatenate %slice3A_1705, %slice3A_1706, %broadcast_in_dim3A_1708 in 1 : vector<128x1xf32>, vector<128x1xf32>, vector<128x6xf32> -> vector<128x8xf32>
    %swap3A_1710 = arith.constant 3968 : index
    %swap3A_1711 = arith.constant 0 : index
    %swap3A_1712 = vector.load %arg7[%swap3A_1710, %swap3A_1711] : memref<4096x8xf32, #tpu.memory_space<vmem>>, vector<128x8xf32>
    tpu.vector_store %arg7[%swap3A_1710, %swap3A_1711], %concatenate3A_1709 {strides = array<i32>} : memref<4096x8xf32, #tpu.memory_space<vmem>>, vector<128x8xf32>,
    return
  }
  func.func @transform_0(%arg0: i32) -> (i32, i32) {
    %c0_i32 = arith.constant 0 : i32
    %c0_i32_0 = arith.constant 0 : i32
    return %arg0, %c0_i32 : i32, i32
  }
  func.func @transform_1(%arg0: i32) -> (i32, i32) {
    %c0_i32 = arith.constant 0 : i32
    %c0_i32_0 = arith.constant 0 : i32
    return %arg0, %c0_i32 : i32, i32
  }
  func.func @transform_2(%arg0: i32) -> (i32, i32) {
    %c0_i32 = arith.constant 0 : i32
    %c0_i32_0 = arith.constant 0 : i32
    return %arg0, %c0_i32 : i32, i32
  }
  func.func @transform_3(%arg0: i32) -> (i32, i32) {
    %c0_i32 = arith.constant 0 : i32
    %c0_i32_0 = arith.constant 0 : i32
    return %arg0, %c0_i32 : i32, i32
  }
  func.func @transform_4(%arg0: i32) -> (i32, i32) {
    %c0_i32 = arith.constant 0 : i32
    %c0_i32_0 = arith.constant 0 : i32
    return %arg0, %c0_i32 : i32, i32
  }
  func.func @transform_5(%arg0: i32) -> (i32, i32) {
    %c0_i32 = arith.constant 0 : i32
    %c0_i32_0 = arith.constant 0 : i32
    return %arg0, %c0_i32 : i32, i32
  }
  func.func @transform_6(%arg0: i32) -> (i32, i32) {
    %c0_i32 = arith.constant 0 : i32
    %c0_i32_0 = arith.constant 0 : i32
    return %arg0, %c0_i32 : i32, i32
  }
}

module attributes {stable_mosaic.version = 14 : i64} {
  func.func @_attn_body(%arg0: i32, %arg1: memref<2048x128xf32, #tpu.memory_space<vmem>>, %arg2: memref<2048x8xf32, #tpu.memory_space<vmem>>, %arg3: memref<2048x128xf32, #tpu.memory_space<vmem>>) attributes {dimension_semantics = [#tpu.dimension_semantics<arbitrary>], iteration_bounds = array<i64: 32>, scalar_prefetch = 0 : i64, scratch_operands = 0 : i64, tpu.core_type = #tpu.core_type<tc>, window_params = [{transform_indices = @transform_0, window_bounds = array<i64: 2048, 128>}, {transform_indices = @transform_1, window_bounds = array<i64: 2048, 8>}, {transform_indices = @transform_2, window_bounds = array<i64: 2048, 128>}]} {
    %get3A = arith.constant 0 : index
    %get3A_0 = arith.constant 0 : index
    %get3A_1 = vector.load %arg1[%get3A, %get3A_0] : memref<2048x128xf32, #tpu.memory_space<vmem>>, vector<2048x128xf32>
    %slice3A = vector.extract_strided_slice %get3A_1 {offsets = [0, 0], sizes = [2048, 64], strides = [1, 1]} : vector<2048x128xf32> to vector<2048x64xf32>
    %slice3A_2 = vector.extract_strided_slice %get3A_1 {offsets = [0, 64], sizes = [2048, 64], strides = [1, 1]} : vector<2048x128xf32> to vector<2048x64xf32>
    %iota3A = tpu.iota {dimensions = array<i32: 0>} : vector<128x128xi32>
    %convert_element_type3A = arith.sitofp %iota3A : vector<128x128xi32> to vector<128x128xf32>
    %iota3A_3 = tpu.iota {dimensions = array<i32: 1>} : vector<128x128xi32>
    %convert_element_type3A_4 = arith.sitofp %iota3A_3 : vector<128x128xi32> to vector<128x128xf32>
    %eq3A = arith.cmpf oeq, %convert_element_type3A, %convert_element_type3A_4 : vector<128x128xf32>
    %convert_element_type3A_5 = arith.extui %eq3A : vector<128x128xi1> to vector<128x128xi32>
    %convert_element_type3A_6 = arith.sitofp %convert_element_type3A_5 : vector<128x128xi32> to vector<128x128xf32>
    %get3A_7 = arith.constant 0 : index
    %get3A_8 = arith.constant 0 : index
    %get3A_9 = vector.load %arg2[%get3A_7, %get3A_8] : memref<2048x8xf32, #tpu.memory_space<vmem>>, vector<2048x8xf32>
    %slice3A_10 = vector.extract_strided_slice %get3A_9 {offsets = [0, 0], sizes = [128, 8], strides = [1, 1]} : vector<2048x8xf32> to vector<128x8xf32>
    %dot_general3A = arith.constant dense<0.000000e+00> : vector<8x128xf32>
    %dot_general3A_11 = tpu.matmul %slice3A_10, %convert_element_type3A_6, %dot_general3A {dimension_numbers = #tpu.dot_dimension_numbers<[0], [0], [1], [1], [0, 1, 1, 1], [], []>, precision = #tpu.contract_precision<fp32>, transpose_lhs_hint = false} : vector<128x8xf32>, vector<128x128xf32>, vector<8x128xf32> -> vector<8x128xf32>
    %slice3A_12 = vector.extract_strided_slice %get3A_9 {offsets = [128, 0], sizes = [128, 8], strides = [1, 1]} : vector<2048x8xf32> to vector<128x8xf32>
    %dot_general3A_13 = arith.constant dense<0.000000e+00> : vector<8x128xf32>
    %dot_general3A_14 = tpu.matmul %slice3A_12, %convert_element_type3A_6, %dot_general3A_13 {dimension_numbers = #tpu.dot_dimension_numbers<[0], [0], [1], [1], [0, 1, 1, 1], [], []>, precision = #tpu.contract_precision<fp32>, transpose_lhs_hint = false} : vector<128x8xf32>, vector<128x128xf32>, vector<8x128xf32> -> vector<8x128xf32>
    %slice3A_15 = vector.extract_strided_slice %get3A_9 {offsets = [256, 0], sizes = [128, 8], strides = [1, 1]} : vector<2048x8xf32> to vector<128x8xf32>
    %dot_general3A_16 = arith.constant dense<0.000000e+00> : vector<8x128xf32>
    %dot_general3A_17 = tpu.matmul %slice3A_15, %convert_element_type3A_6, %dot_general3A_16 {dimension_numbers = #tpu.dot_dimension_numbers<[0], [0], [1], [1], [0, 1, 1, 1], [], []>, precision = #tpu.contract_precision<fp32>, transpose_lhs_hint = false} : vector<128x8xf32>, vector<128x128xf32>, vector<8x128xf32> -> vector<8x128xf32>
    %slice3A_18 = vector.extract_strided_slice %get3A_9 {offsets = [384, 0], sizes = [128, 8], strides = [1, 1]} : vector<2048x8xf32> to vector<128x8xf32>
    %dot_general3A_19 = arith.constant dense<0.000000e+00> : vector<8x128xf32>
    %dot_general3A_20 = tpu.matmul %slice3A_18, %convert_element_type3A_6, %dot_general3A_19 {dimension_numbers = #tpu.dot_dimension_numbers<[0], [0], [1], [1], [0, 1, 1, 1], [], []>, precision = #tpu.contract_precision<fp32>, transpose_lhs_hint = false} : vector<128x8xf32>, vector<128x128xf32>, vector<8x128xf32> -> vector<8x128xf32>
    %slice3A_21 = vector.extract_strided_slice %get3A_9 {offsets = [512, 0], sizes = [128, 8], strides = [1, 1]} : vector<2048x8xf32> to vector<128x8xf32>
    %dot_general3A_22 = arith.constant dense<0.000000e+00> : vector<8x128xf32>
    %dot_general3A_23 = tpu.matmul %slice3A_21, %convert_element_type3A_6, %dot_general3A_22 {dimension_numbers = #tpu.dot_dimension_numbers<[0], [0], [1], [1], [0, 1, 1, 1], [], []>, precision = #tpu.contract_precision<fp32>, transpose_lhs_hint = false} : vector<128x8xf32>, vector<128x128xf32>, vector<8x128xf32> -> vector<8x128xf32>
    %slice3A_24 = vector.extract_strided_slice %get3A_9 {offsets = [640, 0], sizes = [128, 8], strides = [1, 1]} : vector<2048x8xf32> to vector<128x8xf32>
    %dot_general3A_25 = arith.constant dense<0.000000e+00> : vector<8x128xf32>
    %dot_general3A_26 = tpu.matmul %slice3A_24, %convert_element_type3A_6, %dot_general3A_25 {dimension_numbers = #tpu.dot_dimension_numbers<[0], [0], [1], [1], [0, 1, 1, 1], [], []>, precision = #tpu.contract_precision<fp32>, transpose_lhs_hint = false} : vector<128x8xf32>, vector<128x128xf32>, vector<8x128xf32> -> vector<8x128xf32>
    %slice3A_27 = vector.extract_strided_slice %get3A_9 {offsets = [768, 0], sizes = [128, 8], strides = [1, 1]} : vector<2048x8xf32> to vector<128x8xf32>
    %dot_general3A_28 = arith.constant dense<0.000000e+00> : vector<8x128xf32>
    %dot_general3A_29 = tpu.matmul %slice3A_27, %convert_element_type3A_6, %dot_general3A_28 {dimension_numbers = #tpu.dot_dimension_numbers<[0], [0], [1], [1], [0, 1, 1, 1], [], []>, precision = #tpu.contract_precision<fp32>, transpose_lhs_hint = false} : vector<128x8xf32>, vector<128x128xf32>, vector<8x128xf32> -> vector<8x128xf32>
    %slice3A_30 = vector.extract_strided_slice %get3A_9 {offsets = [896, 0], sizes = [128, 8], strides = [1, 1]} : vector<2048x8xf32> to vector<128x8xf32>
    %dot_general3A_31 = arith.constant dense<0.000000e+00> : vector<8x128xf32>
    %dot_general3A_32 = tpu.matmul %slice3A_30, %convert_element_type3A_6, %dot_general3A_31 {dimension_numbers = #tpu.dot_dimension_numbers<[0], [0], [1], [1], [0, 1, 1, 1], [], []>, precision = #tpu.contract_precision<fp32>, transpose_lhs_hint = false} : vector<128x8xf32>, vector<128x128xf32>, vector<8x128xf32> -> vector<8x128xf32>
    %slice3A_33 = vector.extract_strided_slice %get3A_9 {offsets = [1024, 0], sizes = [128, 8], strides = [1, 1]} : vector<2048x8xf32> to vector<128x8xf32>
    %dot_general3A_34 = arith.constant dense<0.000000e+00> : vector<8x128xf32>
    %dot_general3A_35 = tpu.matmul %slice3A_33, %convert_element_type3A_6, %dot_general3A_34 {dimension_numbers = #tpu.dot_dimension_numbers<[0], [0], [1], [1], [0, 1, 1, 1], [], []>, precision = #tpu.contract_precision<fp32>, transpose_lhs_hint = false} : vector<128x8xf32>, vector<128x128xf32>, vector<8x128xf32> -> vector<8x128xf32>
    %slice3A_36 = vector.extract_strided_slice %get3A_9 {offsets = [1152, 0], sizes = [128, 8], strides = [1, 1]} : vector<2048x8xf32> to vector<128x8xf32>
    %dot_general3A_37 = arith.constant dense<0.000000e+00> : vector<8x128xf32>
    %dot_general3A_38 = tpu.matmul %slice3A_36, %convert_element_type3A_6, %dot_general3A_37 {dimension_numbers = #tpu.dot_dimension_numbers<[0], [0], [1], [1], [0, 1, 1, 1], [], []>, precision = #tpu.contract_precision<fp32>, transpose_lhs_hint = false} : vector<128x8xf32>, vector<128x128xf32>, vector<8x128xf32> -> vector<8x128xf32>
    %slice3A_39 = vector.extract_strided_slice %get3A_9 {offsets = [1280, 0], sizes = [128, 8], strides = [1, 1]} : vector<2048x8xf32> to vector<128x8xf32>
    %dot_general3A_40 = arith.constant dense<0.000000e+00> : vector<8x128xf32>
    %dot_general3A_41 = tpu.matmul %slice3A_39, %convert_element_type3A_6, %dot_general3A_40 {dimension_numbers = #tpu.dot_dimension_numbers<[0], [0], [1], [1], [0, 1, 1, 1], [], []>, precision = #tpu.contract_precision<fp32>, transpose_lhs_hint = false} : vector<128x8xf32>, vector<128x128xf32>, vector<8x128xf32> -> vector<8x128xf32>
    %slice3A_42 = vector.extract_strided_slice %get3A_9 {offsets = [1408, 0], sizes = [128, 8], strides = [1, 1]} : vector<2048x8xf32> to vector<128x8xf32>
    %dot_general3A_43 = arith.constant dense<0.000000e+00> : vector<8x128xf32>
    %dot_general3A_44 = tpu.matmul %slice3A_42, %convert_element_type3A_6, %dot_general3A_43 {dimension_numbers = #tpu.dot_dimension_numbers<[0], [0], [1], [1], [0, 1, 1, 1], [], []>, precision = #tpu.contract_precision<fp32>, transpose_lhs_hint = false} : vector<128x8xf32>, vector<128x128xf32>, vector<8x128xf32> -> vector<8x128xf32>
    %slice3A_45 = vector.extract_strided_slice %get3A_9 {offsets = [1536, 0], sizes = [128, 8], strides = [1, 1]} : vector<2048x8xf32> to vector<128x8xf32>
    %dot_general3A_46 = arith.constant dense<0.000000e+00> : vector<8x128xf32>
    %dot_general3A_47 = tpu.matmul %slice3A_45, %convert_element_type3A_6, %dot_general3A_46 {dimension_numbers = #tpu.dot_dimension_numbers<[0], [0], [1], [1], [0, 1, 1, 1], [], []>, precision = #tpu.contract_precision<fp32>, transpose_lhs_hint = false} : vector<128x8xf32>, vector<128x128xf32>, vector<8x128xf32> -> vector<8x128xf32>
    %slice3A_48 = vector.extract_strided_slice %get3A_9 {offsets = [1664, 0], sizes = [128, 8], strides = [1, 1]} : vector<2048x8xf32> to vector<128x8xf32>
    %dot_general3A_49 = arith.constant dense<0.000000e+00> : vector<8x128xf32>
    %dot_general3A_50 = tpu.matmul %slice3A_48, %convert_element_type3A_6, %dot_general3A_49 {dimension_numbers = #tpu.dot_dimension_numbers<[0], [0], [1], [1], [0, 1, 1, 1], [], []>, precision = #tpu.contract_precision<fp32>, transpose_lhs_hint = false} : vector<128x8xf32>, vector<128x128xf32>, vector<8x128xf32> -> vector<8x128xf32>
    %slice3A_51 = vector.extract_strided_slice %get3A_9 {offsets = [1792, 0], sizes = [128, 8], strides = [1, 1]} : vector<2048x8xf32> to vector<128x8xf32>
    %dot_general3A_52 = arith.constant dense<0.000000e+00> : vector<8x128xf32>
    %dot_general3A_53 = tpu.matmul %slice3A_51, %convert_element_type3A_6, %dot_general3A_52 {dimension_numbers = #tpu.dot_dimension_numbers<[0], [0], [1], [1], [0, 1, 1, 1], [], []>, precision = #tpu.contract_precision<fp32>, transpose_lhs_hint = false} : vector<128x8xf32>, vector<128x128xf32>, vector<8x128xf32> -> vector<8x128xf32>
    %slice3A_54 = vector.extract_strided_slice %get3A_9 {offsets = [1920, 0], sizes = [128, 8], strides = [1, 1]} : vector<2048x8xf32> to vector<128x8xf32>
    %dot_general3A_55 = arith.constant dense<0.000000e+00> : vector<8x128xf32>
    %dot_general3A_56 = tpu.matmul %slice3A_54, %convert_element_type3A_6, %dot_general3A_55 {dimension_numbers = #tpu.dot_dimension_numbers<[0], [0], [1], [1], [0, 1, 1, 1], [], []>, precision = #tpu.contract_precision<fp32>, transpose_lhs_hint = false} : vector<128x8xf32>, vector<128x128xf32>, vector<8x128xf32> -> vector<8x128xf32>
    %iota3A_57 = tpu.iota {dimensions = array<i32: 1>} : vector<128x256xi32>
    %convert_element_type3A_58 = arith.sitofp %iota3A_57 : vector<128x256xi32> to vector<128x256xf32>
    %iota3A_59 = tpu.iota {dimensions = array<i32: 0>} : vector<128x256xi32>
    %convert_element_type3A_60 = arith.sitofp %iota3A_59 : vector<128x256xi32> to vector<128x256xf32>
    %ge3A = arith.constant 1.280000e+02 : f32
    %ge3A_61 = vector.broadcast %ge3A : f32 to vector<128x256xf32>
    %ge3A_62 = arith.cmpf oge, %convert_element_type3A_58, %ge3A_61 : vector<128x256xf32>
    %sub3A = arith.constant 1.280000e+02 : f32
    %sub3A_63 = vector.broadcast %sub3A : f32 to vector<128x256xf32>
    %sub3A_64 = arith.subf %convert_element_type3A_58, %sub3A_63 : vector<128x256xf32>
    %gt3A = arith.cmpf ogt, %sub3A_64, %convert_element_type3A_60 : vector<128x256xf32>
    %and3A = arith.andi %ge3A_62, %gt3A : vector<128x256xi1>
    %lt3A = arith.constant 1.280000e+02 : f32
    %lt3A_65 = vector.broadcast %lt3A : f32 to vector<128x256xf32>
    %lt3A_66 = arith.cmpf olt, %convert_element_type3A_58, %lt3A_65 : vector<128x256xf32>
    %or3A = arith.ori %lt3A_66, %and3A : vector<128x256xi1>
    %sub3A_67 = arith.constant 1.280000e+02 : f32
    %sub3A_68 = vector.broadcast %sub3A_67 : f32 to vector<128x256xf32>
    %sub3A_69 = arith.subf %convert_element_type3A_58, %sub3A_68 : vector<128x256xf32>
    %eq3A_70 = arith.cmpf oeq, %sub3A_69, %convert_element_type3A_60 : vector<128x256xf32>
    %slice3A_71 = vector.extract_strided_slice %slice3A {offsets = [0, 0], sizes = [128, 64], strides = [1, 1]} : vector<2048x64xf32> to vector<128x64xf32>
    %slice3A_72 = vector.extract_strided_slice %slice3A {offsets = [1920, 0], sizes = [128, 64], strides = [1, 1]} : vector<2048x64xf32> to vector<128x64xf32>
    %concatenate3A = tpu.concatenate %slice3A_72, %slice3A_71 in 0 : vector<128x64xf32>, vector<128x64xf32> -> vector<256x64xf32>
    %slice3A_73 = vector.extract_strided_slice %slice3A_2 {offsets = [1920, 0], sizes = [128, 64], strides = [1, 1]} : vector<2048x64xf32> to vector<128x64xf32>
    %slice3A_74 = vector.extract_strided_slice %slice3A_2 {offsets = [0, 0], sizes = [128, 64], strides = [1, 1]} : vector<2048x64xf32> to vector<128x64xf32>
    %concatenate3A_75 = tpu.concatenate %slice3A_73, %slice3A_74 in 0 : vector<128x64xf32>, vector<128x64xf32> -> vector<256x64xf32>
    %dot_general3A_76 = arith.constant dense<0.000000e+00> : vector<128x256xf32>
    %dot_general3A_77 = tpu.matmul %slice3A_71, %concatenate3A, %dot_general3A_76 {dimension_numbers = #tpu.dot_dimension_numbers<[1], [1], [0], [0], [0, 0, 1, 0], [], []>, transpose_lhs_hint = false} : vector<128x64xf32>, vector<256x64xf32>, vector<128x256xf32> -> vector<128x256xf32>
    %mul3A = arith.constant 1.250000e-01 : f32
    %mul3A_78 = vector.broadcast %mul3A : f32 to vector<128x256xf32>
    %mul3A_79 = arith.mulf %dot_general3A_77, %mul3A_78 : vector<128x256xf32>
    %slice3A_80 = vector.extract_strided_slice %get3A_9 {offsets = [0, 0], sizes = [128, 1], strides = [1, 1]} : vector<2048x8xf32> to vector<128x1xf32>
    %slice3A_81 = vector.extract_strided_slice %get3A_9 {offsets = [0, 1], sizes = [128, 1], strides = [1, 1]} : vector<2048x8xf32> to vector<128x1xf32>
    %concatenate3A_82 = tpu.concatenate %dot_general3A_56, %dot_general3A_11 in 1 : vector<8x128xf32>, vector<8x128xf32> -> vector<8x256xf32>
    %slice3A_83 = vector.extract_strided_slice %concatenate3A_82 {offsets = [0, 0], sizes = [1, 256], strides = [1, 1]} : vector<8x256xf32> to vector<1x256xf32>
    %slice3A_84 = vector.extract_strided_slice %concatenate3A_82 {offsets = [1, 0], sizes = [1, 256], strides = [1, 1]} : vector<8x256xf32> to vector<1x256xf32>
    %ne3A = vector.broadcast %slice3A_80 : vector<128x1xf32> to vector<128x256xf32>
    %ne3A_85 = vector.broadcast %slice3A_83 : vector<1x256xf32> to vector<128x256xf32>
    %ne3A_86 = arith.cmpf one, %ne3A, %ne3A_85 : vector<128x256xf32>
    %jit3A = arith.constant -1.000000e+09 : f32
    %broadcast_in_dim3A = vector.broadcast %jit3A : f32 to vector<128x256xf32>
    %select_n3A = arith.select %ne3A_86, %broadcast_in_dim3A, %mul3A_79 : vector<128x256xi1>, vector<128x256xf32>
    %jit3A_87 = arith.constant -1.000000e+09 : f32
    %broadcast_in_dim3A_88 = vector.broadcast %jit3A_87 : f32 to vector<128x256xf32>
    %select_n3A_89 = arith.select %or3A, %broadcast_in_dim3A_88, %select_n3A : vector<128x256xi1>, vector<128x256xf32>
    %jit3A_90 = arith.constant -1.000000e+05 : f32
    %broadcast_in_dim3A_91 = vector.broadcast %jit3A_90 : f32 to vector<128x256xf32>
    %select_n3A_92 = arith.select %eq3A_70, %broadcast_in_dim3A_91, %select_n3A_89 : vector<128x256xi1>, vector<128x256xf32>
    %sub3A_93 = arith.constant 1.000000e+00 : f32
    %sub3A_94 = vector.broadcast %sub3A_93 : f32 to vector<128x1xf32>
    %sub3A_95 = arith.subf %slice3A_81, %sub3A_94 : vector<128x1xf32>
    %lt3A_96 = arith.constant 0.000000e+00 : f32
    %lt3A_97 = vector.broadcast %lt3A_96 : f32 to vector<128x1xf32>
    %lt3A_98 = arith.cmpf olt, %sub3A_95, %lt3A_97 : vector<128x1xf32>
    %add3A = arith.constant 1.600000e+01 : f32
    %add3A_99 = vector.broadcast %add3A : f32 to vector<128x1xf32>
    %add3A_100 = arith.addf %sub3A_95, %add3A_99 : vector<128x1xf32>
    %select_n3A_101 = arith.select %lt3A_98, %add3A_100, %sub3A_95 : vector<128x1xi1>, vector<128x1xf32>
    %eq3A_102 = vector.broadcast %slice3A_84 : vector<1x256xf32> to vector<128x256xf32>
    %eq3A_103 = vector.broadcast %slice3A_81 : vector<128x1xf32> to vector<128x256xf32>
    %eq3A_104 = arith.cmpf oeq, %eq3A_102, %eq3A_103 : vector<128x256xf32>
    %eq3A_105 = vector.broadcast %slice3A_84 : vector<1x256xf32> to vector<128x256xf32>
    %eq3A_106 = vector.broadcast %select_n3A_101 : vector<128x1xf32> to vector<128x256xf32>
    %eq3A_107 = arith.cmpf oeq, %eq3A_105, %eq3A_106 : vector<128x256xf32>
    %or3A_108 = arith.ori %eq3A_104, %eq3A_107 : vector<128x256xi1>
    %sub3A_109 = arith.constant 0.693147182 : f32
    %sub3A_110 = vector.broadcast %sub3A_109 : f32 to vector<128x256xf32>
    %sub3A_111 = arith.subf %select_n3A_92, %sub3A_110 : vector<128x256xf32>
    %select_n3A_112 = arith.select %or3A_108, %sub3A_111, %select_n3A_92 : vector<128x256xi1>, vector<128x256xf32>
    %reduce_max3A = arith.constant dense<0xFF800000> : vector<128xf32>
    %reduce_max3A_113 = vector.multi_reduction <maximumf>, %select_n3A_112, %reduce_max3A [1] : vector<128x256xf32> to vector<128xf32>
    %broadcast_in_dim3A_114 = vector.shape_cast %reduce_max3A_113 : vector<128xf32> to vector<128x1xf32>
    %sub3A_115 = vector.broadcast %broadcast_in_dim3A_114 : vector<128x1xf32> to vector<128x256xf32>
    %sub3A_116 = arith.subf %select_n3A_112, %sub3A_115 : vector<128x256xf32>
    %exp3A = math.exp %sub3A_116 : vector<128x256xf32>
    %reduce_sum3A = arith.constant dense<0.000000e+00> : vector<128xf32>
    %reduce_sum3A_117 = vector.multi_reduction <add>, %exp3A, %reduce_sum3A [1] : vector<128x256xf32> to vector<128xf32>
    %broadcast_in_dim3A_118 = vector.shape_cast %reduce_sum3A_117 : vector<128xf32> to vector<128x1xf32>
    %dot_general3A_119 = arith.constant dense<0.000000e+00> : vector<128x64xf32>
    %dot_general3A_120 = tpu.matmul %exp3A, %concatenate3A_75, %dot_general3A_119 {dimension_numbers = #tpu.dot_dimension_numbers<[1], [0], [0], [1], [0, 0, 1, 1], [], []>, transpose_lhs_hint = false} : vector<128x256xf32>, vector<256x64xf32>, vector<128x64xf32> -> vector<128x64xf32>
    %broadcast_in_dim3A_121 = arith.constant 0.000000e+00 : f32
    %broadcast_in_dim3A_122 = vector.broadcast %broadcast_in_dim3A_121 : f32 to vector<128x62xf32>
    %concatenate3A_123 = tpu.concatenate %dot_general3A_120, %broadcast_in_dim3A_114, %broadcast_in_dim3A_118, %broadcast_in_dim3A_122 in 1 : vector<128x64xf32>, vector<128x1xf32>, vector<128x1xf32>, vector<128x62xf32> -> vector<128x128xf32>
    %slice3A_124 = vector.extract_strided_slice %slice3A {offsets = [128, 0], sizes = [128, 64], strides = [1, 1]} : vector<2048x64xf32> to vector<128x64xf32>
    %slice3A_125 = vector.extract_strided_slice %slice3A {offsets = [0, 0], sizes = [128, 64], strides = [1, 1]} : vector<2048x64xf32> to vector<128x64xf32>
    %concatenate3A_126 = tpu.concatenate %slice3A_125, %slice3A_124 in 0 : vector<128x64xf32>, vector<128x64xf32> -> vector<256x64xf32>
    %slice3A_127 = vector.extract_strided_slice %slice3A_2 {offsets = [0, 0], sizes = [128, 64], strides = [1, 1]} : vector<2048x64xf32> to vector<128x64xf32>
    %slice3A_128 = vector.extract_strided_slice %slice3A_2 {offsets = [128, 0], sizes = [128, 64], strides = [1, 1]} : vector<2048x64xf32> to vector<128x64xf32>
    %concatenate3A_129 = tpu.concatenate %slice3A_127, %slice3A_128 in 0 : vector<128x64xf32>, vector<128x64xf32> -> vector<256x64xf32>
    %dot_general3A_130 = arith.constant dense<0.000000e+00> : vector<128x256xf32>
    %dot_general3A_131 = tpu.matmul %slice3A_124, %concatenate3A_126, %dot_general3A_130 {dimension_numbers = #tpu.dot_dimension_numbers<[1], [1], [0], [0], [0, 0, 1, 0], [], []>, transpose_lhs_hint = false} : vector<128x64xf32>, vector<256x64xf32>, vector<128x256xf32> -> vector<128x256xf32>
    %mul3A_132 = arith.constant 1.250000e-01 : f32
    %mul3A_133 = vector.broadcast %mul3A_132 : f32 to vector<128x256xf32>
    %mul3A_134 = arith.mulf %dot_general3A_131, %mul3A_133 : vector<128x256xf32>
    %slice3A_135 = vector.extract_strided_slice %get3A_9 {offsets = [128, 0], sizes = [128, 1], strides = [1, 1]} : vector<2048x8xf32> to vector<128x1xf32>
    %slice3A_136 = vector.extract_strided_slice %get3A_9 {offsets = [128, 1], sizes = [128, 1], strides = [1, 1]} : vector<2048x8xf32> to vector<128x1xf32>
    %concatenate3A_137 = tpu.concatenate %dot_general3A_11, %dot_general3A_14 in 1 : vector<8x128xf32>, vector<8x128xf32> -> vector<8x256xf32>
    %slice3A_138 = vector.extract_strided_slice %concatenate3A_137 {offsets = [0, 0], sizes = [1, 256], strides = [1, 1]} : vector<8x256xf32> to vector<1x256xf32>
    %slice3A_139 = vector.extract_strided_slice %concatenate3A_137 {offsets = [1, 0], sizes = [1, 256], strides = [1, 1]} : vector<8x256xf32> to vector<1x256xf32>
    %ne3A_140 = vector.broadcast %slice3A_135 : vector<128x1xf32> to vector<128x256xf32>
    %ne3A_141 = vector.broadcast %slice3A_138 : vector<1x256xf32> to vector<128x256xf32>
    %ne3A_142 = arith.cmpf one, %ne3A_140, %ne3A_141 : vector<128x256xf32>
    %jit3A_143 = arith.constant -1.000000e+09 : f32
    %broadcast_in_dim3A_144 = vector.broadcast %jit3A_143 : f32 to vector<128x256xf32>
    %select_n3A_145 = arith.select %ne3A_142, %broadcast_in_dim3A_144, %mul3A_134 : vector<128x256xi1>, vector<128x256xf32>
    %jit3A_146 = arith.constant -1.000000e+09 : f32
    %broadcast_in_dim3A_147 = vector.broadcast %jit3A_146 : f32 to vector<128x256xf32>
    %select_n3A_148 = arith.select %and3A, %broadcast_in_dim3A_147, %select_n3A_145 : vector<128x256xi1>, vector<128x256xf32>
    %jit3A_149 = arith.constant -1.000000e+05 : f32
    %broadcast_in_dim3A_150 = vector.broadcast %jit3A_149 : f32 to vector<128x256xf32>
    %select_n3A_151 = arith.select %eq3A_70, %broadcast_in_dim3A_150, %select_n3A_148 : vector<128x256xi1>, vector<128x256xf32>
    %sub3A_152 = arith.constant 1.000000e+00 : f32
    %sub3A_153 = vector.broadcast %sub3A_152 : f32 to vector<128x1xf32>
    %sub3A_154 = arith.subf %slice3A_136, %sub3A_153 : vector<128x1xf32>
    %lt3A_155 = arith.constant 0.000000e+00 : f32
    %lt3A_156 = vector.broadcast %lt3A_155 : f32 to vector<128x1xf32>
    %lt3A_157 = arith.cmpf olt, %sub3A_154, %lt3A_156 : vector<128x1xf32>
    %add3A_158 = arith.constant 1.600000e+01 : f32
    %add3A_159 = vector.broadcast %add3A_158 : f32 to vector<128x1xf32>
    %add3A_160 = arith.addf %sub3A_154, %add3A_159 : vector<128x1xf32>
    %select_n3A_161 = arith.select %lt3A_157, %add3A_160, %sub3A_154 : vector<128x1xi1>, vector<128x1xf32>
    %eq3A_162 = vector.broadcast %slice3A_139 : vector<1x256xf32> to vector<128x256xf32>
    %eq3A_163 = vector.broadcast %slice3A_136 : vector<128x1xf32> to vector<128x256xf32>
    %eq3A_164 = arith.cmpf oeq, %eq3A_162, %eq3A_163 : vector<128x256xf32>
    %eq3A_165 = vector.broadcast %slice3A_139 : vector<1x256xf32> to vector<128x256xf32>
    %eq3A_166 = vector.broadcast %select_n3A_161 : vector<128x1xf32> to vector<128x256xf32>
    %eq3A_167 = arith.cmpf oeq, %eq3A_165, %eq3A_166 : vector<128x256xf32>
    %or3A_168 = arith.ori %eq3A_164, %eq3A_167 : vector<128x256xi1>
    %sub3A_169 = arith.constant 0.693147182 : f32
    %sub3A_170 = vector.broadcast %sub3A_169 : f32 to vector<128x256xf32>
    %sub3A_171 = arith.subf %select_n3A_151, %sub3A_170 : vector<128x256xf32>
    %select_n3A_172 = arith.select %or3A_168, %sub3A_171, %select_n3A_151 : vector<128x256xi1>, vector<128x256xf32>
    %reduce_max3A_173 = arith.constant dense<0xFF800000> : vector<128xf32>
    %reduce_max3A_174 = vector.multi_reduction <maximumf>, %select_n3A_172, %reduce_max3A_173 [1] : vector<128x256xf32> to vector<128xf32>
    %broadcast_in_dim3A_175 = vector.shape_cast %reduce_max3A_174 : vector<128xf32> to vector<128x1xf32>
    %sub3A_176 = vector.broadcast %broadcast_in_dim3A_175 : vector<128x1xf32> to vector<128x256xf32>
    %sub3A_177 = arith.subf %select_n3A_172, %sub3A_176 : vector<128x256xf32>
    %exp3A_178 = math.exp %sub3A_177 : vector<128x256xf32>
    %reduce_sum3A_179 = arith.constant dense<0.000000e+00> : vector<128xf32>
    %reduce_sum3A_180 = vector.multi_reduction <add>, %exp3A_178, %reduce_sum3A_179 [1] : vector<128x256xf32> to vector<128xf32>
    %broadcast_in_dim3A_181 = vector.shape_cast %reduce_sum3A_180 : vector<128xf32> to vector<128x1xf32>
    %dot_general3A_182 = arith.constant dense<0.000000e+00> : vector<128x64xf32>
    %dot_general3A_183 = tpu.matmul %exp3A_178, %concatenate3A_129, %dot_general3A_182 {dimension_numbers = #tpu.dot_dimension_numbers<[1], [0], [0], [1], [0, 0, 1, 1], [], []>, transpose_lhs_hint = false} : vector<128x256xf32>, vector<256x64xf32>, vector<128x64xf32> -> vector<128x64xf32>
    %broadcast_in_dim3A_184 = arith.constant 0.000000e+00 : f32
    %broadcast_in_dim3A_185 = vector.broadcast %broadcast_in_dim3A_184 : f32 to vector<128x62xf32>
    %concatenate3A_186 = tpu.concatenate %dot_general3A_183, %broadcast_in_dim3A_175, %broadcast_in_dim3A_181, %broadcast_in_dim3A_185 in 1 : vector<128x64xf32>, vector<128x1xf32>, vector<128x1xf32>, vector<128x62xf32> -> vector<128x128xf32>
    %slice3A_187 = vector.extract_strided_slice %slice3A {offsets = [256, 0], sizes = [128, 64], strides = [1, 1]} : vector<2048x64xf32> to vector<128x64xf32>
    %slice3A_188 = vector.extract_strided_slice %slice3A {offsets = [128, 0], sizes = [128, 64], strides = [1, 1]} : vector<2048x64xf32> to vector<128x64xf32>
    %concatenate3A_189 = tpu.concatenate %slice3A_188, %slice3A_187 in 0 : vector<128x64xf32>, vector<128x64xf32> -> vector<256x64xf32>
    %slice3A_190 = vector.extract_strided_slice %slice3A_2 {offsets = [128, 0], sizes = [128, 64], strides = [1, 1]} : vector<2048x64xf32> to vector<128x64xf32>
    %slice3A_191 = vector.extract_strided_slice %slice3A_2 {offsets = [256, 0], sizes = [128, 64], strides = [1, 1]} : vector<2048x64xf32> to vector<128x64xf32>
    %concatenate3A_192 = tpu.concatenate %slice3A_190, %slice3A_191 in 0 : vector<128x64xf32>, vector<128x64xf32> -> vector<256x64xf32>
    %dot_general3A_193 = arith.constant dense<0.000000e+00> : vector<128x256xf32>
    %dot_general3A_194 = tpu.matmul %slice3A_187, %concatenate3A_189, %dot_general3A_193 {dimension_numbers = #tpu.dot_dimension_numbers<[1], [1], [0], [0], [0, 0, 1, 0], [], []>, transpose_lhs_hint = false} : vector<128x64xf32>, vector<256x64xf32>, vector<128x256xf32> -> vector<128x256xf32>
    %mul3A_195 = arith.constant 1.250000e-01 : f32
    %mul3A_196 = vector.broadcast %mul3A_195 : f32 to vector<128x256xf32>
    %mul3A_197 = arith.mulf %dot_general3A_194, %mul3A_196 : vector<128x256xf32>
    %slice3A_198 = vector.extract_strided_slice %get3A_9 {offsets = [256, 0], sizes = [128, 1], strides = [1, 1]} : vector<2048x8xf32> to vector<128x1xf32>
    %slice3A_199 = vector.extract_strided_slice %get3A_9 {offsets = [256, 1], sizes = [128, 1], strides = [1, 1]} : vector<2048x8xf32> to vector<128x1xf32>
    %concatenate3A_200 = tpu.concatenate %dot_general3A_14, %dot_general3A_17 in 1 : vector<8x128xf32>, vector<8x128xf32> -> vector<8x256xf32>
    %slice3A_201 = vector.extract_strided_slice %concatenate3A_200 {offsets = [0, 0], sizes = [1, 256], strides = [1, 1]} : vector<8x256xf32> to vector<1x256xf32>
    %slice3A_202 = vector.extract_strided_slice %concatenate3A_200 {offsets = [1, 0], sizes = [1, 256], strides = [1, 1]} : vector<8x256xf32> to vector<1x256xf32>
    %ne3A_203 = vector.broadcast %slice3A_198 : vector<128x1xf32> to vector<128x256xf32>
    %ne3A_204 = vector.broadcast %slice3A_201 : vector<1x256xf32> to vector<128x256xf32>
    %ne3A_205 = arith.cmpf one, %ne3A_203, %ne3A_204 : vector<128x256xf32>
    %jit3A_206 = arith.constant -1.000000e+09 : f32
    %broadcast_in_dim3A_207 = vector.broadcast %jit3A_206 : f32 to vector<128x256xf32>
    %select_n3A_208 = arith.select %ne3A_205, %broadcast_in_dim3A_207, %mul3A_197 : vector<128x256xi1>, vector<128x256xf32>
    %jit3A_209 = arith.constant -1.000000e+09 : f32
    %broadcast_in_dim3A_210 = vector.broadcast %jit3A_209 : f32 to vector<128x256xf32>
    %select_n3A_211 = arith.select %and3A, %broadcast_in_dim3A_210, %select_n3A_208 : vector<128x256xi1>, vector<128x256xf32>
    %jit3A_212 = arith.constant -1.000000e+05 : f32
    %broadcast_in_dim3A_213 = vector.broadcast %jit3A_212 : f32 to vector<128x256xf32>
    %select_n3A_214 = arith.select %eq3A_70, %broadcast_in_dim3A_213, %select_n3A_211 : vector<128x256xi1>, vector<128x256xf32>
    %sub3A_215 = arith.constant 1.000000e+00 : f32
    %sub3A_216 = vector.broadcast %sub3A_215 : f32 to vector<128x1xf32>
    %sub3A_217 = arith.subf %slice3A_199, %sub3A_216 : vector<128x1xf32>
    %lt3A_218 = arith.constant 0.000000e+00 : f32
    %lt3A_219 = vector.broadcast %lt3A_218 : f32 to vector<128x1xf32>
    %lt3A_220 = arith.cmpf olt, %sub3A_217, %lt3A_219 : vector<128x1xf32>
    %add3A_221 = arith.constant 1.600000e+01 : f32
    %add3A_222 = vector.broadcast %add3A_221 : f32 to vector<128x1xf32>
    %add3A_223 = arith.addf %sub3A_217, %add3A_222 : vector<128x1xf32>
    %select_n3A_224 = arith.select %lt3A_220, %add3A_223, %sub3A_217 : vector<128x1xi1>, vector<128x1xf32>
    %eq3A_225 = vector.broadcast %slice3A_202 : vector<1x256xf32> to vector<128x256xf32>
    %eq3A_226 = vector.broadcast %slice3A_199 : vector<128x1xf32> to vector<128x256xf32>
    %eq3A_227 = arith.cmpf oeq, %eq3A_225, %eq3A_226 : vector<128x256xf32>
    %eq3A_228 = vector.broadcast %slice3A_202 : vector<1x256xf32> to vector<128x256xf32>
    %eq3A_229 = vector.broadcast %select_n3A_224 : vector<128x1xf32> to vector<128x256xf32>
    %eq3A_230 = arith.cmpf oeq, %eq3A_228, %eq3A_229 : vector<128x256xf32>
    %or3A_231 = arith.ori %eq3A_227, %eq3A_230 : vector<128x256xi1>
    %sub3A_232 = arith.constant 0.693147182 : f32
    %sub3A_233 = vector.broadcast %sub3A_232 : f32 to vector<128x256xf32>
    %sub3A_234 = arith.subf %select_n3A_214, %sub3A_233 : vector<128x256xf32>
    %select_n3A_235 = arith.select %or3A_231, %sub3A_234, %select_n3A_214 : vector<128x256xi1>, vector<128x256xf32>
    %reduce_max3A_236 = arith.constant dense<0xFF800000> : vector<128xf32>
    %reduce_max3A_237 = vector.multi_reduction <maximumf>, %select_n3A_235, %reduce_max3A_236 [1] : vector<128x256xf32> to vector<128xf32>
    %broadcast_in_dim3A_238 = vector.shape_cast %reduce_max3A_237 : vector<128xf32> to vector<128x1xf32>
    %sub3A_239 = vector.broadcast %broadcast_in_dim3A_238 : vector<128x1xf32> to vector<128x256xf32>
    %sub3A_240 = arith.subf %select_n3A_235, %sub3A_239 : vector<128x256xf32>
    %exp3A_241 = math.exp %sub3A_240 : vector<128x256xf32>
    %reduce_sum3A_242 = arith.constant dense<0.000000e+00> : vector<128xf32>
    %reduce_sum3A_243 = vector.multi_reduction <add>, %exp3A_241, %reduce_sum3A_242 [1] : vector<128x256xf32> to vector<128xf32>
    %broadcast_in_dim3A_244 = vector.shape_cast %reduce_sum3A_243 : vector<128xf32> to vector<128x1xf32>
    %dot_general3A_245 = arith.constant dense<0.000000e+00> : vector<128x64xf32>
    %dot_general3A_246 = tpu.matmul %exp3A_241, %concatenate3A_192, %dot_general3A_245 {dimension_numbers = #tpu.dot_dimension_numbers<[1], [0], [0], [1], [0, 0, 1, 1], [], []>, transpose_lhs_hint = false} : vector<128x256xf32>, vector<256x64xf32>, vector<128x64xf32> -> vector<128x64xf32>
    %broadcast_in_dim3A_247 = arith.constant 0.000000e+00 : f32
    %broadcast_in_dim3A_248 = vector.broadcast %broadcast_in_dim3A_247 : f32 to vector<128x62xf32>
    %concatenate3A_249 = tpu.concatenate %dot_general3A_246, %broadcast_in_dim3A_238, %broadcast_in_dim3A_244, %broadcast_in_dim3A_248 in 1 : vector<128x64xf32>, vector<128x1xf32>, vector<128x1xf32>, vector<128x62xf32> -> vector<128x128xf32>
    %slice3A_250 = vector.extract_strided_slice %slice3A {offsets = [384, 0], sizes = [128, 64], strides = [1, 1]} : vector<2048x64xf32> to vector<128x64xf32>
    %slice3A_251 = vector.extract_strided_slice %slice3A {offsets = [256, 0], sizes = [128, 64], strides = [1, 1]} : vector<2048x64xf32> to vector<128x64xf32>
    %concatenate3A_252 = tpu.concatenate %slice3A_251, %slice3A_250 in 0 : vector<128x64xf32>, vector<128x64xf32> -> vector<256x64xf32>
    %slice3A_253 = vector.extract_strided_slice %slice3A_2 {offsets = [256, 0], sizes = [128, 64], strides = [1, 1]} : vector<2048x64xf32> to vector<128x64xf32>
    %slice3A_254 = vector.extract_strided_slice %slice3A_2 {offsets = [384, 0], sizes = [128, 64], strides = [1, 1]} : vector<2048x64xf32> to vector<128x64xf32>
    %concatenate3A_255 = tpu.concatenate %slice3A_253, %slice3A_254 in 0 : vector<128x64xf32>, vector<128x64xf32> -> vector<256x64xf32>
    %dot_general3A_256 = arith.constant dense<0.000000e+00> : vector<128x256xf32>
    %dot_general3A_257 = tpu.matmul %slice3A_250, %concatenate3A_252, %dot_general3A_256 {dimension_numbers = #tpu.dot_dimension_numbers<[1], [1], [0], [0], [0, 0, 1, 0], [], []>, transpose_lhs_hint = false} : vector<128x64xf32>, vector<256x64xf32>, vector<128x256xf32> -> vector<128x256xf32>
    %mul3A_258 = arith.constant 1.250000e-01 : f32
    %mul3A_259 = vector.broadcast %mul3A_258 : f32 to vector<128x256xf32>
    %mul3A_260 = arith.mulf %dot_general3A_257, %mul3A_259 : vector<128x256xf32>
    %slice3A_261 = vector.extract_strided_slice %get3A_9 {offsets = [384, 0], sizes = [128, 1], strides = [1, 1]} : vector<2048x8xf32> to vector<128x1xf32>
    %slice3A_262 = vector.extract_strided_slice %get3A_9 {offsets = [384, 1], sizes = [128, 1], strides = [1, 1]} : vector<2048x8xf32> to vector<128x1xf32>
    %concatenate3A_263 = tpu.concatenate %dot_general3A_17, %dot_general3A_20 in 1 : vector<8x128xf32>, vector<8x128xf32> -> vector<8x256xf32>
    %slice3A_264 = vector.extract_strided_slice %concatenate3A_263 {offsets = [0, 0], sizes = [1, 256], strides = [1, 1]} : vector<8x256xf32> to vector<1x256xf32>
    %slice3A_265 = vector.extract_strided_slice %concatenate3A_263 {offsets = [1, 0], sizes = [1, 256], strides = [1, 1]} : vector<8x256xf32> to vector<1x256xf32>
    %ne3A_266 = vector.broadcast %slice3A_261 : vector<128x1xf32> to vector<128x256xf32>
    %ne3A_267 = vector.broadcast %slice3A_264 : vector<1x256xf32> to vector<128x256xf32>
    %ne3A_268 = arith.cmpf one, %ne3A_266, %ne3A_267 : vector<128x256xf32>
    %jit3A_269 = arith.constant -1.000000e+09 : f32
    %broadcast_in_dim3A_270 = vector.broadcast %jit3A_269 : f32 to vector<128x256xf32>
    %select_n3A_271 = arith.select %ne3A_268, %broadcast_in_dim3A_270, %mul3A_260 : vector<128x256xi1>, vector<128x256xf32>
    %jit3A_272 = arith.constant -1.000000e+09 : f32
    %broadcast_in_dim3A_273 = vector.broadcast %jit3A_272 : f32 to vector<128x256xf32>
    %select_n3A_274 = arith.select %and3A, %broadcast_in_dim3A_273, %select_n3A_271 : vector<128x256xi1>, vector<128x256xf32>
    %jit3A_275 = arith.constant -1.000000e+05 : f32
    %broadcast_in_dim3A_276 = vector.broadcast %jit3A_275 : f32 to vector<128x256xf32>
    %select_n3A_277 = arith.select %eq3A_70, %broadcast_in_dim3A_276, %select_n3A_274 : vector<128x256xi1>, vector<128x256xf32>
    %sub3A_278 = arith.constant 1.000000e+00 : f32
    %sub3A_279 = vector.broadcast %sub3A_278 : f32 to vector<128x1xf32>
    %sub3A_280 = arith.subf %slice3A_262, %sub3A_279 : vector<128x1xf32>
    %lt3A_281 = arith.constant 0.000000e+00 : f32
    %lt3A_282 = vector.broadcast %lt3A_281 : f32 to vector<128x1xf32>
    %lt3A_283 = arith.cmpf olt, %sub3A_280, %lt3A_282 : vector<128x1xf32>
    %add3A_284 = arith.constant 1.600000e+01 : f32
    %add3A_285 = vector.broadcast %add3A_284 : f32 to vector<128x1xf32>
    %add3A_286 = arith.addf %sub3A_280, %add3A_285 : vector<128x1xf32>
    %select_n3A_287 = arith.select %lt3A_283, %add3A_286, %sub3A_280 : vector<128x1xi1>, vector<128x1xf32>
    %eq3A_288 = vector.broadcast %slice3A_265 : vector<1x256xf32> to vector<128x256xf32>
    %eq3A_289 = vector.broadcast %slice3A_262 : vector<128x1xf32> to vector<128x256xf32>
    %eq3A_290 = arith.cmpf oeq, %eq3A_288, %eq3A_289 : vector<128x256xf32>
    %eq3A_291 = vector.broadcast %slice3A_265 : vector<1x256xf32> to vector<128x256xf32>
    %eq3A_292 = vector.broadcast %select_n3A_287 : vector<128x1xf32> to vector<128x256xf32>
    %eq3A_293 = arith.cmpf oeq, %eq3A_291, %eq3A_292 : vector<128x256xf32>
    %or3A_294 = arith.ori %eq3A_290, %eq3A_293 : vector<128x256xi1>
    %sub3A_295 = arith.constant 0.693147182 : f32
    %sub3A_296 = vector.broadcast %sub3A_295 : f32 to vector<128x256xf32>
    %sub3A_297 = arith.subf %select_n3A_277, %sub3A_296 : vector<128x256xf32>
    %select_n3A_298 = arith.select %or3A_294, %sub3A_297, %select_n3A_277 : vector<128x256xi1>, vector<128x256xf32>
    %reduce_max3A_299 = arith.constant dense<0xFF800000> : vector<128xf32>
    %reduce_max3A_300 = vector.multi_reduction <maximumf>, %select_n3A_298, %reduce_max3A_299 [1] : vector<128x256xf32> to vector<128xf32>
    %broadcast_in_dim3A_301 = vector.shape_cast %reduce_max3A_300 : vector<128xf32> to vector<128x1xf32>
    %sub3A_302 = vector.broadcast %broadcast_in_dim3A_301 : vector<128x1xf32> to vector<128x256xf32>
    %sub3A_303 = arith.subf %select_n3A_298, %sub3A_302 : vector<128x256xf32>
    %exp3A_304 = math.exp %sub3A_303 : vector<128x256xf32>
    %reduce_sum3A_305 = arith.constant dense<0.000000e+00> : vector<128xf32>
    %reduce_sum3A_306 = vector.multi_reduction <add>, %exp3A_304, %reduce_sum3A_305 [1] : vector<128x256xf32> to vector<128xf32>
    %broadcast_in_dim3A_307 = vector.shape_cast %reduce_sum3A_306 : vector<128xf32> to vector<128x1xf32>
    %dot_general3A_308 = arith.constant dense<0.000000e+00> : vector<128x64xf32>
    %dot_general3A_309 = tpu.matmul %exp3A_304, %concatenate3A_255, %dot_general3A_308 {dimension_numbers = #tpu.dot_dimension_numbers<[1], [0], [0], [1], [0, 0, 1, 1], [], []>, transpose_lhs_hint = false} : vector<128x256xf32>, vector<256x64xf32>, vector<128x64xf32> -> vector<128x64xf32>
    %broadcast_in_dim3A_310 = arith.constant 0.000000e+00 : f32
    %broadcast_in_dim3A_311 = vector.broadcast %broadcast_in_dim3A_310 : f32 to vector<128x62xf32>
    %concatenate3A_312 = tpu.concatenate %dot_general3A_309, %broadcast_in_dim3A_301, %broadcast_in_dim3A_307, %broadcast_in_dim3A_311 in 1 : vector<128x64xf32>, vector<128x1xf32>, vector<128x1xf32>, vector<128x62xf32> -> vector<128x128xf32>
    %slice3A_313 = vector.extract_strided_slice %slice3A {offsets = [512, 0], sizes = [128, 64], strides = [1, 1]} : vector<2048x64xf32> to vector<128x64xf32>
    %slice3A_314 = vector.extract_strided_slice %slice3A {offsets = [384, 0], sizes = [128, 64], strides = [1, 1]} : vector<2048x64xf32> to vector<128x64xf32>
    %concatenate3A_315 = tpu.concatenate %slice3A_314, %slice3A_313 in 0 : vector<128x64xf32>, vector<128x64xf32> -> vector<256x64xf32>
    %slice3A_316 = vector.extract_strided_slice %slice3A_2 {offsets = [384, 0], sizes = [128, 64], strides = [1, 1]} : vector<2048x64xf32> to vector<128x64xf32>
    %slice3A_317 = vector.extract_strided_slice %slice3A_2 {offsets = [512, 0], sizes = [128, 64], strides = [1, 1]} : vector<2048x64xf32> to vector<128x64xf32>
    %concatenate3A_318 = tpu.concatenate %slice3A_316, %slice3A_317 in 0 : vector<128x64xf32>, vector<128x64xf32> -> vector<256x64xf32>
    %dot_general3A_319 = arith.constant dense<0.000000e+00> : vector<128x256xf32>
    %dot_general3A_320 = tpu.matmul %slice3A_313, %concatenate3A_315, %dot_general3A_319 {dimension_numbers = #tpu.dot_dimension_numbers<[1], [1], [0], [0], [0, 0, 1, 0], [], []>, transpose_lhs_hint = false} : vector<128x64xf32>, vector<256x64xf32>, vector<128x256xf32> -> vector<128x256xf32>
    %mul3A_321 = arith.constant 1.250000e-01 : f32
    %mul3A_322 = vector.broadcast %mul3A_321 : f32 to vector<128x256xf32>
    %mul3A_323 = arith.mulf %dot_general3A_320, %mul3A_322 : vector<128x256xf32>
    %slice3A_324 = vector.extract_strided_slice %get3A_9 {offsets = [512, 0], sizes = [128, 1], strides = [1, 1]} : vector<2048x8xf32> to vector<128x1xf32>
    %slice3A_325 = vector.extract_strided_slice %get3A_9 {offsets = [512, 1], sizes = [128, 1], strides = [1, 1]} : vector<2048x8xf32> to vector<128x1xf32>
    %concatenate3A_326 = tpu.concatenate %dot_general3A_20, %dot_general3A_23 in 1 : vector<8x128xf32>, vector<8x128xf32> -> vector<8x256xf32>
    %slice3A_327 = vector.extract_strided_slice %concatenate3A_326 {offsets = [0, 0], sizes = [1, 256], strides = [1, 1]} : vector<8x256xf32> to vector<1x256xf32>
    %slice3A_328 = vector.extract_strided_slice %concatenate3A_326 {offsets = [1, 0], sizes = [1, 256], strides = [1, 1]} : vector<8x256xf32> to vector<1x256xf32>
    %ne3A_329 = vector.broadcast %slice3A_324 : vector<128x1xf32> to vector<128x256xf32>
    %ne3A_330 = vector.broadcast %slice3A_327 : vector<1x256xf32> to vector<128x256xf32>
    %ne3A_331 = arith.cmpf one, %ne3A_329, %ne3A_330 : vector<128x256xf32>
    %jit3A_332 = arith.constant -1.000000e+09 : f32
    %broadcast_in_dim3A_333 = vector.broadcast %jit3A_332 : f32 to vector<128x256xf32>
    %select_n3A_334 = arith.select %ne3A_331, %broadcast_in_dim3A_333, %mul3A_323 : vector<128x256xi1>, vector<128x256xf32>
    %jit3A_335 = arith.constant -1.000000e+09 : f32
    %broadcast_in_dim3A_336 = vector.broadcast %jit3A_335 : f32 to vector<128x256xf32>
    %select_n3A_337 = arith.select %and3A, %broadcast_in_dim3A_336, %select_n3A_334 : vector<128x256xi1>, vector<128x256xf32>
    %jit3A_338 = arith.constant -1.000000e+05 : f32
    %broadcast_in_dim3A_339 = vector.broadcast %jit3A_338 : f32 to vector<128x256xf32>
    %select_n3A_340 = arith.select %eq3A_70, %broadcast_in_dim3A_339, %select_n3A_337 : vector<128x256xi1>, vector<128x256xf32>
    %sub3A_341 = arith.constant 1.000000e+00 : f32
    %sub3A_342 = vector.broadcast %sub3A_341 : f32 to vector<128x1xf32>
    %sub3A_343 = arith.subf %slice3A_325, %sub3A_342 : vector<128x1xf32>
    %lt3A_344 = arith.constant 0.000000e+00 : f32
    %lt3A_345 = vector.broadcast %lt3A_344 : f32 to vector<128x1xf32>
    %lt3A_346 = arith.cmpf olt, %sub3A_343, %lt3A_345 : vector<128x1xf32>
    %add3A_347 = arith.constant 1.600000e+01 : f32
    %add3A_348 = vector.broadcast %add3A_347 : f32 to vector<128x1xf32>
    %add3A_349 = arith.addf %sub3A_343, %add3A_348 : vector<128x1xf32>
    %select_n3A_350 = arith.select %lt3A_346, %add3A_349, %sub3A_343 : vector<128x1xi1>, vector<128x1xf32>
    %eq3A_351 = vector.broadcast %slice3A_328 : vector<1x256xf32> to vector<128x256xf32>
    %eq3A_352 = vector.broadcast %slice3A_325 : vector<128x1xf32> to vector<128x256xf32>
    %eq3A_353 = arith.cmpf oeq, %eq3A_351, %eq3A_352 : vector<128x256xf32>
    %eq3A_354 = vector.broadcast %slice3A_328 : vector<1x256xf32> to vector<128x256xf32>
    %eq3A_355 = vector.broadcast %select_n3A_350 : vector<128x1xf32> to vector<128x256xf32>
    %eq3A_356 = arith.cmpf oeq, %eq3A_354, %eq3A_355 : vector<128x256xf32>
    %or3A_357 = arith.ori %eq3A_353, %eq3A_356 : vector<128x256xi1>
    %sub3A_358 = arith.constant 0.693147182 : f32
    %sub3A_359 = vector.broadcast %sub3A_358 : f32 to vector<128x256xf32>
    %sub3A_360 = arith.subf %select_n3A_340, %sub3A_359 : vector<128x256xf32>
    %select_n3A_361 = arith.select %or3A_357, %sub3A_360, %select_n3A_340 : vector<128x256xi1>, vector<128x256xf32>
    %reduce_max3A_362 = arith.constant dense<0xFF800000> : vector<128xf32>
    %reduce_max3A_363 = vector.multi_reduction <maximumf>, %select_n3A_361, %reduce_max3A_362 [1] : vector<128x256xf32> to vector<128xf32>
    %broadcast_in_dim3A_364 = vector.shape_cast %reduce_max3A_363 : vector<128xf32> to vector<128x1xf32>
    %sub3A_365 = vector.broadcast %broadcast_in_dim3A_364 : vector<128x1xf32> to vector<128x256xf32>
    %sub3A_366 = arith.subf %select_n3A_361, %sub3A_365 : vector<128x256xf32>
    %exp3A_367 = math.exp %sub3A_366 : vector<128x256xf32>
    %reduce_sum3A_368 = arith.constant dense<0.000000e+00> : vector<128xf32>
    %reduce_sum3A_369 = vector.multi_reduction <add>, %exp3A_367, %reduce_sum3A_368 [1] : vector<128x256xf32> to vector<128xf32>
    %broadcast_in_dim3A_370 = vector.shape_cast %reduce_sum3A_369 : vector<128xf32> to vector<128x1xf32>
    %dot_general3A_371 = arith.constant dense<0.000000e+00> : vector<128x64xf32>
    %dot_general3A_372 = tpu.matmul %exp3A_367, %concatenate3A_318, %dot_general3A_371 {dimension_numbers = #tpu.dot_dimension_numbers<[1], [0], [0], [1], [0, 0, 1, 1], [], []>, transpose_lhs_hint = false} : vector<128x256xf32>, vector<256x64xf32>, vector<128x64xf32> -> vector<128x64xf32>
    %broadcast_in_dim3A_373 = arith.constant 0.000000e+00 : f32
    %broadcast_in_dim3A_374 = vector.broadcast %broadcast_in_dim3A_373 : f32 to vector<128x62xf32>
    %concatenate3A_375 = tpu.concatenate %dot_general3A_372, %broadcast_in_dim3A_364, %broadcast_in_dim3A_370, %broadcast_in_dim3A_374 in 1 : vector<128x64xf32>, vector<128x1xf32>, vector<128x1xf32>, vector<128x62xf32> -> vector<128x128xf32>
    %slice3A_376 = vector.extract_strided_slice %slice3A {offsets = [640, 0], sizes = [128, 64], strides = [1, 1]} : vector<2048x64xf32> to vector<128x64xf32>
    %slice3A_377 = vector.extract_strided_slice %slice3A {offsets = [512, 0], sizes = [128, 64], strides = [1, 1]} : vector<2048x64xf32> to vector<128x64xf32>
    %concatenate3A_378 = tpu.concatenate %slice3A_377, %slice3A_376 in 0 : vector<128x64xf32>, vector<128x64xf32> -> vector<256x64xf32>
    %slice3A_379 = vector.extract_strided_slice %slice3A_2 {offsets = [512, 0], sizes = [128, 64], strides = [1, 1]} : vector<2048x64xf32> to vector<128x64xf32>
    %slice3A_380 = vector.extract_strided_slice %slice3A_2 {offsets = [640, 0], sizes = [128, 64], strides = [1, 1]} : vector<2048x64xf32> to vector<128x64xf32>
    %concatenate3A_381 = tpu.concatenate %slice3A_379, %slice3A_380 in 0 : vector<128x64xf32>, vector<128x64xf32> -> vector<256x64xf32>
    %dot_general3A_382 = arith.constant dense<0.000000e+00> : vector<128x256xf32>
    %dot_general3A_383 = tpu.matmul %slice3A_376, %concatenate3A_378, %dot_general3A_382 {dimension_numbers = #tpu.dot_dimension_numbers<[1], [1], [0], [0], [0, 0, 1, 0], [], []>, transpose_lhs_hint = false} : vector<128x64xf32>, vector<256x64xf32>, vector<128x256xf32> -> vector<128x256xf32>
    %mul3A_384 = arith.constant 1.250000e-01 : f32
    %mul3A_385 = vector.broadcast %mul3A_384 : f32 to vector<128x256xf32>
    %mul3A_386 = arith.mulf %dot_general3A_383, %mul3A_385 : vector<128x256xf32>
    %slice3A_387 = vector.extract_strided_slice %get3A_9 {offsets = [640, 0], sizes = [128, 1], strides = [1, 1]} : vector<2048x8xf32> to vector<128x1xf32>
    %slice3A_388 = vector.extract_strided_slice %get3A_9 {offsets = [640, 1], sizes = [128, 1], strides = [1, 1]} : vector<2048x8xf32> to vector<128x1xf32>
    %concatenate3A_389 = tpu.concatenate %dot_general3A_23, %dot_general3A_26 in 1 : vector<8x128xf32>, vector<8x128xf32> -> vector<8x256xf32>
    %slice3A_390 = vector.extract_strided_slice %concatenate3A_389 {offsets = [0, 0], sizes = [1, 256], strides = [1, 1]} : vector<8x256xf32> to vector<1x256xf32>
    %slice3A_391 = vector.extract_strided_slice %concatenate3A_389 {offsets = [1, 0], sizes = [1, 256], strides = [1, 1]} : vector<8x256xf32> to vector<1x256xf32>
    %ne3A_392 = vector.broadcast %slice3A_387 : vector<128x1xf32> to vector<128x256xf32>
    %ne3A_393 = vector.broadcast %slice3A_390 : vector<1x256xf32> to vector<128x256xf32>
    %ne3A_394 = arith.cmpf one, %ne3A_392, %ne3A_393 : vector<128x256xf32>
    %jit3A_395 = arith.constant -1.000000e+09 : f32
    %broadcast_in_dim3A_396 = vector.broadcast %jit3A_395 : f32 to vector<128x256xf32>
    %select_n3A_397 = arith.select %ne3A_394, %broadcast_in_dim3A_396, %mul3A_386 : vector<128x256xi1>, vector<128x256xf32>
    %jit3A_398 = arith.constant -1.000000e+09 : f32
    %broadcast_in_dim3A_399 = vector.broadcast %jit3A_398 : f32 to vector<128x256xf32>
    %select_n3A_400 = arith.select %and3A, %broadcast_in_dim3A_399, %select_n3A_397 : vector<128x256xi1>, vector<128x256xf32>
    %jit3A_401 = arith.constant -1.000000e+05 : f32
    %broadcast_in_dim3A_402 = vector.broadcast %jit3A_401 : f32 to vector<128x256xf32>
    %select_n3A_403 = arith.select %eq3A_70, %broadcast_in_dim3A_402, %select_n3A_400 : vector<128x256xi1>, vector<128x256xf32>
    %sub3A_404 = arith.constant 1.000000e+00 : f32
    %sub3A_405 = vector.broadcast %sub3A_404 : f32 to vector<128x1xf32>
    %sub3A_406 = arith.subf %slice3A_388, %sub3A_405 : vector<128x1xf32>
    %lt3A_407 = arith.constant 0.000000e+00 : f32
    %lt3A_408 = vector.broadcast %lt3A_407 : f32 to vector<128x1xf32>
    %lt3A_409 = arith.cmpf olt, %sub3A_406, %lt3A_408 : vector<128x1xf32>
    %add3A_410 = arith.constant 1.600000e+01 : f32
    %add3A_411 = vector.broadcast %add3A_410 : f32 to vector<128x1xf32>
    %add3A_412 = arith.addf %sub3A_406, %add3A_411 : vector<128x1xf32>
    %select_n3A_413 = arith.select %lt3A_409, %add3A_412, %sub3A_406 : vector<128x1xi1>, vector<128x1xf32>
    %eq3A_414 = vector.broadcast %slice3A_391 : vector<1x256xf32> to vector<128x256xf32>
    %eq3A_415 = vector.broadcast %slice3A_388 : vector<128x1xf32> to vector<128x256xf32>
    %eq3A_416 = arith.cmpf oeq, %eq3A_414, %eq3A_415 : vector<128x256xf32>
    %eq3A_417 = vector.broadcast %slice3A_391 : vector<1x256xf32> to vector<128x256xf32>
    %eq3A_418 = vector.broadcast %select_n3A_413 : vector<128x1xf32> to vector<128x256xf32>
    %eq3A_419 = arith.cmpf oeq, %eq3A_417, %eq3A_418 : vector<128x256xf32>
    %or3A_420 = arith.ori %eq3A_416, %eq3A_419 : vector<128x256xi1>
    %sub3A_421 = arith.constant 0.693147182 : f32
    %sub3A_422 = vector.broadcast %sub3A_421 : f32 to vector<128x256xf32>
    %sub3A_423 = arith.subf %select_n3A_403, %sub3A_422 : vector<128x256xf32>
    %select_n3A_424 = arith.select %or3A_420, %sub3A_423, %select_n3A_403 : vector<128x256xi1>, vector<128x256xf32>
    %reduce_max3A_425 = arith.constant dense<0xFF800000> : vector<128xf32>
    %reduce_max3A_426 = vector.multi_reduction <maximumf>, %select_n3A_424, %reduce_max3A_425 [1] : vector<128x256xf32> to vector<128xf32>
    %broadcast_in_dim3A_427 = vector.shape_cast %reduce_max3A_426 : vector<128xf32> to vector<128x1xf32>
    %sub3A_428 = vector.broadcast %broadcast_in_dim3A_427 : vector<128x1xf32> to vector<128x256xf32>
    %sub3A_429 = arith.subf %select_n3A_424, %sub3A_428 : vector<128x256xf32>
    %exp3A_430 = math.exp %sub3A_429 : vector<128x256xf32>
    %reduce_sum3A_431 = arith.constant dense<0.000000e+00> : vector<128xf32>
    %reduce_sum3A_432 = vector.multi_reduction <add>, %exp3A_430, %reduce_sum3A_431 [1] : vector<128x256xf32> to vector<128xf32>
    %broadcast_in_dim3A_433 = vector.shape_cast %reduce_sum3A_432 : vector<128xf32> to vector<128x1xf32>
    %dot_general3A_434 = arith.constant dense<0.000000e+00> : vector<128x64xf32>
    %dot_general3A_435 = tpu.matmul %exp3A_430, %concatenate3A_381, %dot_general3A_434 {dimension_numbers = #tpu.dot_dimension_numbers<[1], [0], [0], [1], [0, 0, 1, 1], [], []>, transpose_lhs_hint = false} : vector<128x256xf32>, vector<256x64xf32>, vector<128x64xf32> -> vector<128x64xf32>
    %broadcast_in_dim3A_436 = arith.constant 0.000000e+00 : f32
    %broadcast_in_dim3A_437 = vector.broadcast %broadcast_in_dim3A_436 : f32 to vector<128x62xf32>
    %concatenate3A_438 = tpu.concatenate %dot_general3A_435, %broadcast_in_dim3A_427, %broadcast_in_dim3A_433, %broadcast_in_dim3A_437 in 1 : vector<128x64xf32>, vector<128x1xf32>, vector<128x1xf32>, vector<128x62xf32> -> vector<128x128xf32>
    %slice3A_439 = vector.extract_strided_slice %slice3A {offsets = [768, 0], sizes = [128, 64], strides = [1, 1]} : vector<2048x64xf32> to vector<128x64xf32>
    %slice3A_440 = vector.extract_strided_slice %slice3A {offsets = [640, 0], sizes = [128, 64], strides = [1, 1]} : vector<2048x64xf32> to vector<128x64xf32>
    %concatenate3A_441 = tpu.concatenate %slice3A_440, %slice3A_439 in 0 : vector<128x64xf32>, vector<128x64xf32> -> vector<256x64xf32>
    %slice3A_442 = vector.extract_strided_slice %slice3A_2 {offsets = [640, 0], sizes = [128, 64], strides = [1, 1]} : vector<2048x64xf32> to vector<128x64xf32>
    %slice3A_443 = vector.extract_strided_slice %slice3A_2 {offsets = [768, 0], sizes = [128, 64], strides = [1, 1]} : vector<2048x64xf32> to vector<128x64xf32>
    %concatenate3A_444 = tpu.concatenate %slice3A_442, %slice3A_443 in 0 : vector<128x64xf32>, vector<128x64xf32> -> vector<256x64xf32>
    %dot_general3A_445 = arith.constant dense<0.000000e+00> : vector<128x256xf32>
    %dot_general3A_446 = tpu.matmul %slice3A_439, %concatenate3A_441, %dot_general3A_445 {dimension_numbers = #tpu.dot_dimension_numbers<[1], [1], [0], [0], [0, 0, 1, 0], [], []>, transpose_lhs_hint = false} : vector<128x64xf32>, vector<256x64xf32>, vector<128x256xf32> -> vector<128x256xf32>
    %mul3A_447 = arith.constant 1.250000e-01 : f32
    %mul3A_448 = vector.broadcast %mul3A_447 : f32 to vector<128x256xf32>
    %mul3A_449 = arith.mulf %dot_general3A_446, %mul3A_448 : vector<128x256xf32>
    %slice3A_450 = vector.extract_strided_slice %get3A_9 {offsets = [768, 0], sizes = [128, 1], strides = [1, 1]} : vector<2048x8xf32> to vector<128x1xf32>
    %slice3A_451 = vector.extract_strided_slice %get3A_9 {offsets = [768, 1], sizes = [128, 1], strides = [1, 1]} : vector<2048x8xf32> to vector<128x1xf32>
    %concatenate3A_452 = tpu.concatenate %dot_general3A_26, %dot_general3A_29 in 1 : vector<8x128xf32>, vector<8x128xf32> -> vector<8x256xf32>
    %slice3A_453 = vector.extract_strided_slice %concatenate3A_452 {offsets = [0, 0], sizes = [1, 256], strides = [1, 1]} : vector<8x256xf32> to vector<1x256xf32>
    %slice3A_454 = vector.extract_strided_slice %concatenate3A_452 {offsets = [1, 0], sizes = [1, 256], strides = [1, 1]} : vector<8x256xf32> to vector<1x256xf32>
    %ne3A_455 = vector.broadcast %slice3A_450 : vector<128x1xf32> to vector<128x256xf32>
    %ne3A_456 = vector.broadcast %slice3A_453 : vector<1x256xf32> to vector<128x256xf32>
    %ne3A_457 = arith.cmpf one, %ne3A_455, %ne3A_456 : vector<128x256xf32>
    %jit3A_458 = arith.constant -1.000000e+09 : f32
    %broadcast_in_dim3A_459 = vector.broadcast %jit3A_458 : f32 to vector<128x256xf32>
    %select_n3A_460 = arith.select %ne3A_457, %broadcast_in_dim3A_459, %mul3A_449 : vector<128x256xi1>, vector<128x256xf32>
    %jit3A_461 = arith.constant -1.000000e+09 : f32
    %broadcast_in_dim3A_462 = vector.broadcast %jit3A_461 : f32 to vector<128x256xf32>
    %select_n3A_463 = arith.select %and3A, %broadcast_in_dim3A_462, %select_n3A_460 : vector<128x256xi1>, vector<128x256xf32>
    %jit3A_464 = arith.constant -1.000000e+05 : f32
    %broadcast_in_dim3A_465 = vector.broadcast %jit3A_464 : f32 to vector<128x256xf32>
    %select_n3A_466 = arith.select %eq3A_70, %broadcast_in_dim3A_465, %select_n3A_463 : vector<128x256xi1>, vector<128x256xf32>
    %sub3A_467 = arith.constant 1.000000e+00 : f32
    %sub3A_468 = vector.broadcast %sub3A_467 : f32 to vector<128x1xf32>
    %sub3A_469 = arith.subf %slice3A_451, %sub3A_468 : vector<128x1xf32>
    %lt3A_470 = arith.constant 0.000000e+00 : f32
    %lt3A_471 = vector.broadcast %lt3A_470 : f32 to vector<128x1xf32>
    %lt3A_472 = arith.cmpf olt, %sub3A_469, %lt3A_471 : vector<128x1xf32>
    %add3A_473 = arith.constant 1.600000e+01 : f32
    %add3A_474 = vector.broadcast %add3A_473 : f32 to vector<128x1xf32>
    %add3A_475 = arith.addf %sub3A_469, %add3A_474 : vector<128x1xf32>
    %select_n3A_476 = arith.select %lt3A_472, %add3A_475, %sub3A_469 : vector<128x1xi1>, vector<128x1xf32>
    %eq3A_477 = vector.broadcast %slice3A_454 : vector<1x256xf32> to vector<128x256xf32>
    %eq3A_478 = vector.broadcast %slice3A_451 : vector<128x1xf32> to vector<128x256xf32>
    %eq3A_479 = arith.cmpf oeq, %eq3A_477, %eq3A_478 : vector<128x256xf32>
    %eq3A_480 = vector.broadcast %slice3A_454 : vector<1x256xf32> to vector<128x256xf32>
    %eq3A_481 = vector.broadcast %select_n3A_476 : vector<128x1xf32> to vector<128x256xf32>
    %eq3A_482 = arith.cmpf oeq, %eq3A_480, %eq3A_481 : vector<128x256xf32>
    %or3A_483 = arith.ori %eq3A_479, %eq3A_482 : vector<128x256xi1>
    %sub3A_484 = arith.constant 0.693147182 : f32
    %sub3A_485 = vector.broadcast %sub3A_484 : f32 to vector<128x256xf32>
    %sub3A_486 = arith.subf %select_n3A_466, %sub3A_485 : vector<128x256xf32>
    %select_n3A_487 = arith.select %or3A_483, %sub3A_486, %select_n3A_466 : vector<128x256xi1>, vector<128x256xf32>
    %reduce_max3A_488 = arith.constant dense<0xFF800000> : vector<128xf32>
    %reduce_max3A_489 = vector.multi_reduction <maximumf>, %select_n3A_487, %reduce_max3A_488 [1] : vector<128x256xf32> to vector<128xf32>
    %broadcast_in_dim3A_490 = vector.shape_cast %reduce_max3A_489 : vector<128xf32> to vector<128x1xf32>
    %sub3A_491 = vector.broadcast %broadcast_in_dim3A_490 : vector<128x1xf32> to vector<128x256xf32>
    %sub3A_492 = arith.subf %select_n3A_487, %sub3A_491 : vector<128x256xf32>
    %exp3A_493 = math.exp %sub3A_492 : vector<128x256xf32>
    %reduce_sum3A_494 = arith.constant dense<0.000000e+00> : vector<128xf32>
    %reduce_sum3A_495 = vector.multi_reduction <add>, %exp3A_493, %reduce_sum3A_494 [1] : vector<128x256xf32> to vector<128xf32>
    %broadcast_in_dim3A_496 = vector.shape_cast %reduce_sum3A_495 : vector<128xf32> to vector<128x1xf32>
    %dot_general3A_497 = arith.constant dense<0.000000e+00> : vector<128x64xf32>
    %dot_general3A_498 = tpu.matmul %exp3A_493, %concatenate3A_444, %dot_general3A_497 {dimension_numbers = #tpu.dot_dimension_numbers<[1], [0], [0], [1], [0, 0, 1, 1], [], []>, transpose_lhs_hint = false} : vector<128x256xf32>, vector<256x64xf32>, vector<128x64xf32> -> vector<128x64xf32>
    %broadcast_in_dim3A_499 = arith.constant 0.000000e+00 : f32
    %broadcast_in_dim3A_500 = vector.broadcast %broadcast_in_dim3A_499 : f32 to vector<128x62xf32>
    %concatenate3A_501 = tpu.concatenate %dot_general3A_498, %broadcast_in_dim3A_490, %broadcast_in_dim3A_496, %broadcast_in_dim3A_500 in 1 : vector<128x64xf32>, vector<128x1xf32>, vector<128x1xf32>, vector<128x62xf32> -> vector<128x128xf32>
    %slice3A_502 = vector.extract_strided_slice %slice3A {offsets = [896, 0], sizes = [128, 64], strides = [1, 1]} : vector<2048x64xf32> to vector<128x64xf32>
    %slice3A_503 = vector.extract_strided_slice %slice3A {offsets = [768, 0], sizes = [128, 64], strides = [1, 1]} : vector<2048x64xf32> to vector<128x64xf32>
    %concatenate3A_504 = tpu.concatenate %slice3A_503, %slice3A_502 in 0 : vector<128x64xf32>, vector<128x64xf32> -> vector<256x64xf32>
    %slice3A_505 = vector.extract_strided_slice %slice3A_2 {offsets = [768, 0], sizes = [128, 64], strides = [1, 1]} : vector<2048x64xf32> to vector<128x64xf32>
    %slice3A_506 = vector.extract_strided_slice %slice3A_2 {offsets = [896, 0], sizes = [128, 64], strides = [1, 1]} : vector<2048x64xf32> to vector<128x64xf32>
    %concatenate3A_507 = tpu.concatenate %slice3A_505, %slice3A_506 in 0 : vector<128x64xf32>, vector<128x64xf32> -> vector<256x64xf32>
    %dot_general3A_508 = arith.constant dense<0.000000e+00> : vector<128x256xf32>
    %dot_general3A_509 = tpu.matmul %slice3A_502, %concatenate3A_504, %dot_general3A_508 {dimension_numbers = #tpu.dot_dimension_numbers<[1], [1], [0], [0], [0, 0, 1, 0], [], []>, transpose_lhs_hint = false} : vector<128x64xf32>, vector<256x64xf32>, vector<128x256xf32> -> vector<128x256xf32>
    %mul3A_510 = arith.constant 1.250000e-01 : f32
    %mul3A_511 = vector.broadcast %mul3A_510 : f32 to vector<128x256xf32>
    %mul3A_512 = arith.mulf %dot_general3A_509, %mul3A_511 : vector<128x256xf32>
    %slice3A_513 = vector.extract_strided_slice %get3A_9 {offsets = [896, 0], sizes = [128, 1], strides = [1, 1]} : vector<2048x8xf32> to vector<128x1xf32>
    %slice3A_514 = vector.extract_strided_slice %get3A_9 {offsets = [896, 1], sizes = [128, 1], strides = [1, 1]} : vector<2048x8xf32> to vector<128x1xf32>
    %concatenate3A_515 = tpu.concatenate %dot_general3A_29, %dot_general3A_32 in 1 : vector<8x128xf32>, vector<8x128xf32> -> vector<8x256xf32>
    %slice3A_516 = vector.extract_strided_slice %concatenate3A_515 {offsets = [0, 0], sizes = [1, 256], strides = [1, 1]} : vector<8x256xf32> to vector<1x256xf32>
    %slice3A_517 = vector.extract_strided_slice %concatenate3A_515 {offsets = [1, 0], sizes = [1, 256], strides = [1, 1]} : vector<8x256xf32> to vector<1x256xf32>
    %ne3A_518 = vector.broadcast %slice3A_513 : vector<128x1xf32> to vector<128x256xf32>
    %ne3A_519 = vector.broadcast %slice3A_516 : vector<1x256xf32> to vector<128x256xf32>
    %ne3A_520 = arith.cmpf one, %ne3A_518, %ne3A_519 : vector<128x256xf32>
    %jit3A_521 = arith.constant -1.000000e+09 : f32
    %broadcast_in_dim3A_522 = vector.broadcast %jit3A_521 : f32 to vector<128x256xf32>
    %select_n3A_523 = arith.select %ne3A_520, %broadcast_in_dim3A_522, %mul3A_512 : vector<128x256xi1>, vector<128x256xf32>
    %jit3A_524 = arith.constant -1.000000e+09 : f32
    %broadcast_in_dim3A_525 = vector.broadcast %jit3A_524 : f32 to vector<128x256xf32>
    %select_n3A_526 = arith.select %and3A, %broadcast_in_dim3A_525, %select_n3A_523 : vector<128x256xi1>, vector<128x256xf32>
    %jit3A_527 = arith.constant -1.000000e+05 : f32
    %broadcast_in_dim3A_528 = vector.broadcast %jit3A_527 : f32 to vector<128x256xf32>
    %select_n3A_529 = arith.select %eq3A_70, %broadcast_in_dim3A_528, %select_n3A_526 : vector<128x256xi1>, vector<128x256xf32>
    %sub3A_530 = arith.constant 1.000000e+00 : f32
    %sub3A_531 = vector.broadcast %sub3A_530 : f32 to vector<128x1xf32>
    %sub3A_532 = arith.subf %slice3A_514, %sub3A_531 : vector<128x1xf32>
    %lt3A_533 = arith.constant 0.000000e+00 : f32
    %lt3A_534 = vector.broadcast %lt3A_533 : f32 to vector<128x1xf32>
    %lt3A_535 = arith.cmpf olt, %sub3A_532, %lt3A_534 : vector<128x1xf32>
    %add3A_536 = arith.constant 1.600000e+01 : f32
    %add3A_537 = vector.broadcast %add3A_536 : f32 to vector<128x1xf32>
    %add3A_538 = arith.addf %sub3A_532, %add3A_537 : vector<128x1xf32>
    %select_n3A_539 = arith.select %lt3A_535, %add3A_538, %sub3A_532 : vector<128x1xi1>, vector<128x1xf32>
    %eq3A_540 = vector.broadcast %slice3A_517 : vector<1x256xf32> to vector<128x256xf32>
    %eq3A_541 = vector.broadcast %slice3A_514 : vector<128x1xf32> to vector<128x256xf32>
    %eq3A_542 = arith.cmpf oeq, %eq3A_540, %eq3A_541 : vector<128x256xf32>
    %eq3A_543 = vector.broadcast %slice3A_517 : vector<1x256xf32> to vector<128x256xf32>
    %eq3A_544 = vector.broadcast %select_n3A_539 : vector<128x1xf32> to vector<128x256xf32>
    %eq3A_545 = arith.cmpf oeq, %eq3A_543, %eq3A_544 : vector<128x256xf32>
    %or3A_546 = arith.ori %eq3A_542, %eq3A_545 : vector<128x256xi1>
    %sub3A_547 = arith.constant 0.693147182 : f32
    %sub3A_548 = vector.broadcast %sub3A_547 : f32 to vector<128x256xf32>
    %sub3A_549 = arith.subf %select_n3A_529, %sub3A_548 : vector<128x256xf32>
    %select_n3A_550 = arith.select %or3A_546, %sub3A_549, %select_n3A_529 : vector<128x256xi1>, vector<128x256xf32>
    %reduce_max3A_551 = arith.constant dense<0xFF800000> : vector<128xf32>
    %reduce_max3A_552 = vector.multi_reduction <maximumf>, %select_n3A_550, %reduce_max3A_551 [1] : vector<128x256xf32> to vector<128xf32>
    %broadcast_in_dim3A_553 = vector.shape_cast %reduce_max3A_552 : vector<128xf32> to vector<128x1xf32>
    %sub3A_554 = vector.broadcast %broadcast_in_dim3A_553 : vector<128x1xf32> to vector<128x256xf32>
    %sub3A_555 = arith.subf %select_n3A_550, %sub3A_554 : vector<128x256xf32>
    %exp3A_556 = math.exp %sub3A_555 : vector<128x256xf32>
    %reduce_sum3A_557 = arith.constant dense<0.000000e+00> : vector<128xf32>
    %reduce_sum3A_558 = vector.multi_reduction <add>, %exp3A_556, %reduce_sum3A_557 [1] : vector<128x256xf32> to vector<128xf32>
    %broadcast_in_dim3A_559 = vector.shape_cast %reduce_sum3A_558 : vector<128xf32> to vector<128x1xf32>
    %dot_general3A_560 = arith.constant dense<0.000000e+00> : vector<128x64xf32>
    %dot_general3A_561 = tpu.matmul %exp3A_556, %concatenate3A_507, %dot_general3A_560 {dimension_numbers = #tpu.dot_dimension_numbers<[1], [0], [0], [1], [0, 0, 1, 1], [], []>, transpose_lhs_hint = false} : vector<128x256xf32>, vector<256x64xf32>, vector<128x64xf32> -> vector<128x64xf32>
    %broadcast_in_dim3A_562 = arith.constant 0.000000e+00 : f32
    %broadcast_in_dim3A_563 = vector.broadcast %broadcast_in_dim3A_562 : f32 to vector<128x62xf32>
    %concatenate3A_564 = tpu.concatenate %dot_general3A_561, %broadcast_in_dim3A_553, %broadcast_in_dim3A_559, %broadcast_in_dim3A_563 in 1 : vector<128x64xf32>, vector<128x1xf32>, vector<128x1xf32>, vector<128x62xf32> -> vector<128x128xf32>
    %slice3A_565 = vector.extract_strided_slice %slice3A {offsets = [1024, 0], sizes = [128, 64], strides = [1, 1]} : vector<2048x64xf32> to vector<128x64xf32>
    %slice3A_566 = vector.extract_strided_slice %slice3A {offsets = [896, 0], sizes = [128, 64], strides = [1, 1]} : vector<2048x64xf32> to vector<128x64xf32>
    %concatenate3A_567 = tpu.concatenate %slice3A_566, %slice3A_565 in 0 : vector<128x64xf32>, vector<128x64xf32> -> vector<256x64xf32>
    %slice3A_568 = vector.extract_strided_slice %slice3A_2 {offsets = [896, 0], sizes = [128, 64], strides = [1, 1]} : vector<2048x64xf32> to vector<128x64xf32>
    %slice3A_569 = vector.extract_strided_slice %slice3A_2 {offsets = [1024, 0], sizes = [128, 64], strides = [1, 1]} : vector<2048x64xf32> to vector<128x64xf32>
    %concatenate3A_570 = tpu.concatenate %slice3A_568, %slice3A_569 in 0 : vector<128x64xf32>, vector<128x64xf32> -> vector<256x64xf32>
    %dot_general3A_571 = arith.constant dense<0.000000e+00> : vector<128x256xf32>
    %dot_general3A_572 = tpu.matmul %slice3A_565, %concatenate3A_567, %dot_general3A_571 {dimension_numbers = #tpu.dot_dimension_numbers<[1], [1], [0], [0], [0, 0, 1, 0], [], []>, transpose_lhs_hint = false} : vector<128x64xf32>, vector<256x64xf32>, vector<128x256xf32> -> vector<128x256xf32>
    %mul3A_573 = arith.constant 1.250000e-01 : f32
    %mul3A_574 = vector.broadcast %mul3A_573 : f32 to vector<128x256xf32>
    %mul3A_575 = arith.mulf %dot_general3A_572, %mul3A_574 : vector<128x256xf32>
    %slice3A_576 = vector.extract_strided_slice %get3A_9 {offsets = [1024, 0], sizes = [128, 1], strides = [1, 1]} : vector<2048x8xf32> to vector<128x1xf32>
    %slice3A_577 = vector.extract_strided_slice %get3A_9 {offsets = [1024, 1], sizes = [128, 1], strides = [1, 1]} : vector<2048x8xf32> to vector<128x1xf32>
    %concatenate3A_578 = tpu.concatenate %dot_general3A_32, %dot_general3A_35 in 1 : vector<8x128xf32>, vector<8x128xf32> -> vector<8x256xf32>
    %slice3A_579 = vector.extract_strided_slice %concatenate3A_578 {offsets = [0, 0], sizes = [1, 256], strides = [1, 1]} : vector<8x256xf32> to vector<1x256xf32>
    %slice3A_580 = vector.extract_strided_slice %concatenate3A_578 {offsets = [1, 0], sizes = [1, 256], strides = [1, 1]} : vector<8x256xf32> to vector<1x256xf32>
    %ne3A_581 = vector.broadcast %slice3A_576 : vector<128x1xf32> to vector<128x256xf32>
    %ne3A_582 = vector.broadcast %slice3A_579 : vector<1x256xf32> to vector<128x256xf32>
    %ne3A_583 = arith.cmpf one, %ne3A_581, %ne3A_582 : vector<128x256xf32>
    %jit3A_584 = arith.constant -1.000000e+09 : f32
    %broadcast_in_dim3A_585 = vector.broadcast %jit3A_584 : f32 to vector<128x256xf32>
    %select_n3A_586 = arith.select %ne3A_583, %broadcast_in_dim3A_585, %mul3A_575 : vector<128x256xi1>, vector<128x256xf32>
    %jit3A_587 = arith.constant -1.000000e+09 : f32
    %broadcast_in_dim3A_588 = vector.broadcast %jit3A_587 : f32 to vector<128x256xf32>
    %select_n3A_589 = arith.select %and3A, %broadcast_in_dim3A_588, %select_n3A_586 : vector<128x256xi1>, vector<128x256xf32>
    %jit3A_590 = arith.constant -1.000000e+05 : f32
    %broadcast_in_dim3A_591 = vector.broadcast %jit3A_590 : f32 to vector<128x256xf32>
    %select_n3A_592 = arith.select %eq3A_70, %broadcast_in_dim3A_591, %select_n3A_589 : vector<128x256xi1>, vector<128x256xf32>
    %sub3A_593 = arith.constant 1.000000e+00 : f32
    %sub3A_594 = vector.broadcast %sub3A_593 : f32 to vector<128x1xf32>
    %sub3A_595 = arith.subf %slice3A_577, %sub3A_594 : vector<128x1xf32>
    %lt3A_596 = arith.constant 0.000000e+00 : f32
    %lt3A_597 = vector.broadcast %lt3A_596 : f32 to vector<128x1xf32>
    %lt3A_598 = arith.cmpf olt, %sub3A_595, %lt3A_597 : vector<128x1xf32>
    %add3A_599 = arith.constant 1.600000e+01 : f32
    %add3A_600 = vector.broadcast %add3A_599 : f32 to vector<128x1xf32>
    %add3A_601 = arith.addf %sub3A_595, %add3A_600 : vector<128x1xf32>
    %select_n3A_602 = arith.select %lt3A_598, %add3A_601, %sub3A_595 : vector<128x1xi1>, vector<128x1xf32>
    %eq3A_603 = vector.broadcast %slice3A_580 : vector<1x256xf32> to vector<128x256xf32>
    %eq3A_604 = vector.broadcast %slice3A_577 : vector<128x1xf32> to vector<128x256xf32>
    %eq3A_605 = arith.cmpf oeq, %eq3A_603, %eq3A_604 : vector<128x256xf32>
    %eq3A_606 = vector.broadcast %slice3A_580 : vector<1x256xf32> to vector<128x256xf32>
    %eq3A_607 = vector.broadcast %select_n3A_602 : vector<128x1xf32> to vector<128x256xf32>
    %eq3A_608 = arith.cmpf oeq, %eq3A_606, %eq3A_607 : vector<128x256xf32>
    %or3A_609 = arith.ori %eq3A_605, %eq3A_608 : vector<128x256xi1>
    %sub3A_610 = arith.constant 0.693147182 : f32
    %sub3A_611 = vector.broadcast %sub3A_610 : f32 to vector<128x256xf32>
    %sub3A_612 = arith.subf %select_n3A_592, %sub3A_611 : vector<128x256xf32>
    %select_n3A_613 = arith.select %or3A_609, %sub3A_612, %select_n3A_592 : vector<128x256xi1>, vector<128x256xf32>
    %reduce_max3A_614 = arith.constant dense<0xFF800000> : vector<128xf32>
    %reduce_max3A_615 = vector.multi_reduction <maximumf>, %select_n3A_613, %reduce_max3A_614 [1] : vector<128x256xf32> to vector<128xf32>
    %broadcast_in_dim3A_616 = vector.shape_cast %reduce_max3A_615 : vector<128xf32> to vector<128x1xf32>
    %sub3A_617 = vector.broadcast %broadcast_in_dim3A_616 : vector<128x1xf32> to vector<128x256xf32>
    %sub3A_618 = arith.subf %select_n3A_613, %sub3A_617 : vector<128x256xf32>
    %exp3A_619 = math.exp %sub3A_618 : vector<128x256xf32>
    %reduce_sum3A_620 = arith.constant dense<0.000000e+00> : vector<128xf32>
    %reduce_sum3A_621 = vector.multi_reduction <add>, %exp3A_619, %reduce_sum3A_620 [1] : vector<128x256xf32> to vector<128xf32>
    %broadcast_in_dim3A_622 = vector.shape_cast %reduce_sum3A_621 : vector<128xf32> to vector<128x1xf32>
    %dot_general3A_623 = arith.constant dense<0.000000e+00> : vector<128x64xf32>
    %dot_general3A_624 = tpu.matmul %exp3A_619, %concatenate3A_570, %dot_general3A_623 {dimension_numbers = #tpu.dot_dimension_numbers<[1], [0], [0], [1], [0, 0, 1, 1], [], []>, transpose_lhs_hint = false} : vector<128x256xf32>, vector<256x64xf32>, vector<128x64xf32> -> vector<128x64xf32>
    %broadcast_in_dim3A_625 = arith.constant 0.000000e+00 : f32
    %broadcast_in_dim3A_626 = vector.broadcast %broadcast_in_dim3A_625 : f32 to vector<128x62xf32>
    %concatenate3A_627 = tpu.concatenate %dot_general3A_624, %broadcast_in_dim3A_616, %broadcast_in_dim3A_622, %broadcast_in_dim3A_626 in 1 : vector<128x64xf32>, vector<128x1xf32>, vector<128x1xf32>, vector<128x62xf32> -> vector<128x128xf32>
    %slice3A_628 = vector.extract_strided_slice %slice3A {offsets = [1152, 0], sizes = [128, 64], strides = [1, 1]} : vector<2048x64xf32> to vector<128x64xf32>
    %slice3A_629 = vector.extract_strided_slice %slice3A {offsets = [1024, 0], sizes = [128, 64], strides = [1, 1]} : vector<2048x64xf32> to vector<128x64xf32>
    %concatenate3A_630 = tpu.concatenate %slice3A_629, %slice3A_628 in 0 : vector<128x64xf32>, vector<128x64xf32> -> vector<256x64xf32>
    %slice3A_631 = vector.extract_strided_slice %slice3A_2 {offsets = [1024, 0], sizes = [128, 64], strides = [1, 1]} : vector<2048x64xf32> to vector<128x64xf32>
    %slice3A_632 = vector.extract_strided_slice %slice3A_2 {offsets = [1152, 0], sizes = [128, 64], strides = [1, 1]} : vector<2048x64xf32> to vector<128x64xf32>
    %concatenate3A_633 = tpu.concatenate %slice3A_631, %slice3A_632 in 0 : vector<128x64xf32>, vector<128x64xf32> -> vector<256x64xf32>
    %dot_general3A_634 = arith.constant dense<0.000000e+00> : vector<128x256xf32>
    %dot_general3A_635 = tpu.matmul %slice3A_628, %concatenate3A_630, %dot_general3A_634 {dimension_numbers = #tpu.dot_dimension_numbers<[1], [1], [0], [0], [0, 0, 1, 0], [], []>, transpose_lhs_hint = false} : vector<128x64xf32>, vector<256x64xf32>, vector<128x256xf32> -> vector<128x256xf32>
    %mul3A_636 = arith.constant 1.250000e-01 : f32
    %mul3A_637 = vector.broadcast %mul3A_636 : f32 to vector<128x256xf32>
    %mul3A_638 = arith.mulf %dot_general3A_635, %mul3A_637 : vector<128x256xf32>
    %slice3A_639 = vector.extract_strided_slice %get3A_9 {offsets = [1152, 0], sizes = [128, 1], strides = [1, 1]} : vector<2048x8xf32> to vector<128x1xf32>
    %slice3A_640 = vector.extract_strided_slice %get3A_9 {offsets = [1152, 1], sizes = [128, 1], strides = [1, 1]} : vector<2048x8xf32> to vector<128x1xf32>
    %concatenate3A_641 = tpu.concatenate %dot_general3A_35, %dot_general3A_38 in 1 : vector<8x128xf32>, vector<8x128xf32> -> vector<8x256xf32>
    %slice3A_642 = vector.extract_strided_slice %concatenate3A_641 {offsets = [0, 0], sizes = [1, 256], strides = [1, 1]} : vector<8x256xf32> to vector<1x256xf32>
    %slice3A_643 = vector.extract_strided_slice %concatenate3A_641 {offsets = [1, 0], sizes = [1, 256], strides = [1, 1]} : vector<8x256xf32> to vector<1x256xf32>
    %ne3A_644 = vector.broadcast %slice3A_639 : vector<128x1xf32> to vector<128x256xf32>
    %ne3A_645 = vector.broadcast %slice3A_642 : vector<1x256xf32> to vector<128x256xf32>
    %ne3A_646 = arith.cmpf one, %ne3A_644, %ne3A_645 : vector<128x256xf32>
    %jit3A_647 = arith.constant -1.000000e+09 : f32
    %broadcast_in_dim3A_648 = vector.broadcast %jit3A_647 : f32 to vector<128x256xf32>
    %select_n3A_649 = arith.select %ne3A_646, %broadcast_in_dim3A_648, %mul3A_638 : vector<128x256xi1>, vector<128x256xf32>
    %jit3A_650 = arith.constant -1.000000e+09 : f32
    %broadcast_in_dim3A_651 = vector.broadcast %jit3A_650 : f32 to vector<128x256xf32>
    %select_n3A_652 = arith.select %and3A, %broadcast_in_dim3A_651, %select_n3A_649 : vector<128x256xi1>, vector<128x256xf32>
    %jit3A_653 = arith.constant -1.000000e+05 : f32
    %broadcast_in_dim3A_654 = vector.broadcast %jit3A_653 : f32 to vector<128x256xf32>
    %select_n3A_655 = arith.select %eq3A_70, %broadcast_in_dim3A_654, %select_n3A_652 : vector<128x256xi1>, vector<128x256xf32>
    %sub3A_656 = arith.constant 1.000000e+00 : f32
    %sub3A_657 = vector.broadcast %sub3A_656 : f32 to vector<128x1xf32>
    %sub3A_658 = arith.subf %slice3A_640, %sub3A_657 : vector<128x1xf32>
    %lt3A_659 = arith.constant 0.000000e+00 : f32
    %lt3A_660 = vector.broadcast %lt3A_659 : f32 to vector<128x1xf32>
    %lt3A_661 = arith.cmpf olt, %sub3A_658, %lt3A_660 : vector<128x1xf32>
    %add3A_662 = arith.constant 1.600000e+01 : f32
    %add3A_663 = vector.broadcast %add3A_662 : f32 to vector<128x1xf32>
    %add3A_664 = arith.addf %sub3A_658, %add3A_663 : vector<128x1xf32>
    %select_n3A_665 = arith.select %lt3A_661, %add3A_664, %sub3A_658 : vector<128x1xi1>, vector<128x1xf32>
    %eq3A_666 = vector.broadcast %slice3A_643 : vector<1x256xf32> to vector<128x256xf32>
    %eq3A_667 = vector.broadcast %slice3A_640 : vector<128x1xf32> to vector<128x256xf32>
    %eq3A_668 = arith.cmpf oeq, %eq3A_666, %eq3A_667 : vector<128x256xf32>
    %eq3A_669 = vector.broadcast %slice3A_643 : vector<1x256xf32> to vector<128x256xf32>
    %eq3A_670 = vector.broadcast %select_n3A_665 : vector<128x1xf32> to vector<128x256xf32>
    %eq3A_671 = arith.cmpf oeq, %eq3A_669, %eq3A_670 : vector<128x256xf32>
    %or3A_672 = arith.ori %eq3A_668, %eq3A_671 : vector<128x256xi1>
    %sub3A_673 = arith.constant 0.693147182 : f32
    %sub3A_674 = vector.broadcast %sub3A_673 : f32 to vector<128x256xf32>
    %sub3A_675 = arith.subf %select_n3A_655, %sub3A_674 : vector<128x256xf32>
    %select_n3A_676 = arith.select %or3A_672, %sub3A_675, %select_n3A_655 : vector<128x256xi1>, vector<128x256xf32>
    %reduce_max3A_677 = arith.constant dense<0xFF800000> : vector<128xf32>
    %reduce_max3A_678 = vector.multi_reduction <maximumf>, %select_n3A_676, %reduce_max3A_677 [1] : vector<128x256xf32> to vector<128xf32>
    %broadcast_in_dim3A_679 = vector.shape_cast %reduce_max3A_678 : vector<128xf32> to vector<128x1xf32>
    %sub3A_680 = vector.broadcast %broadcast_in_dim3A_679 : vector<128x1xf32> to vector<128x256xf32>
    %sub3A_681 = arith.subf %select_n3A_676, %sub3A_680 : vector<128x256xf32>
    %exp3A_682 = math.exp %sub3A_681 : vector<128x256xf32>
    %reduce_sum3A_683 = arith.constant dense<0.000000e+00> : vector<128xf32>
    %reduce_sum3A_684 = vector.multi_reduction <add>, %exp3A_682, %reduce_sum3A_683 [1] : vector<128x256xf32> to vector<128xf32>
    %broadcast_in_dim3A_685 = vector.shape_cast %reduce_sum3A_684 : vector<128xf32> to vector<128x1xf32>
    %dot_general3A_686 = arith.constant dense<0.000000e+00> : vector<128x64xf32>
    %dot_general3A_687 = tpu.matmul %exp3A_682, %concatenate3A_633, %dot_general3A_686 {dimension_numbers = #tpu.dot_dimension_numbers<[1], [0], [0], [1], [0, 0, 1, 1], [], []>, transpose_lhs_hint = false} : vector<128x256xf32>, vector<256x64xf32>, vector<128x64xf32> -> vector<128x64xf32>
    %broadcast_in_dim3A_688 = arith.constant 0.000000e+00 : f32
    %broadcast_in_dim3A_689 = vector.broadcast %broadcast_in_dim3A_688 : f32 to vector<128x62xf32>
    %concatenate3A_690 = tpu.concatenate %dot_general3A_687, %broadcast_in_dim3A_679, %broadcast_in_dim3A_685, %broadcast_in_dim3A_689 in 1 : vector<128x64xf32>, vector<128x1xf32>, vector<128x1xf32>, vector<128x62xf32> -> vector<128x128xf32>
    %slice3A_691 = vector.extract_strided_slice %slice3A {offsets = [1280, 0], sizes = [128, 64], strides = [1, 1]} : vector<2048x64xf32> to vector<128x64xf32>
    %slice3A_692 = vector.extract_strided_slice %slice3A {offsets = [1152, 0], sizes = [128, 64], strides = [1, 1]} : vector<2048x64xf32> to vector<128x64xf32>
    %concatenate3A_693 = tpu.concatenate %slice3A_692, %slice3A_691 in 0 : vector<128x64xf32>, vector<128x64xf32> -> vector<256x64xf32>
    %slice3A_694 = vector.extract_strided_slice %slice3A_2 {offsets = [1152, 0], sizes = [128, 64], strides = [1, 1]} : vector<2048x64xf32> to vector<128x64xf32>
    %slice3A_695 = vector.extract_strided_slice %slice3A_2 {offsets = [1280, 0], sizes = [128, 64], strides = [1, 1]} : vector<2048x64xf32> to vector<128x64xf32>
    %concatenate3A_696 = tpu.concatenate %slice3A_694, %slice3A_695 in 0 : vector<128x64xf32>, vector<128x64xf32> -> vector<256x64xf32>
    %dot_general3A_697 = arith.constant dense<0.000000e+00> : vector<128x256xf32>
    %dot_general3A_698 = tpu.matmul %slice3A_691, %concatenate3A_693, %dot_general3A_697 {dimension_numbers = #tpu.dot_dimension_numbers<[1], [1], [0], [0], [0, 0, 1, 0], [], []>, transpose_lhs_hint = false} : vector<128x64xf32>, vector<256x64xf32>, vector<128x256xf32> -> vector<128x256xf32>
    %mul3A_699 = arith.constant 1.250000e-01 : f32
    %mul3A_700 = vector.broadcast %mul3A_699 : f32 to vector<128x256xf32>
    %mul3A_701 = arith.mulf %dot_general3A_698, %mul3A_700 : vector<128x256xf32>
    %slice3A_702 = vector.extract_strided_slice %get3A_9 {offsets = [1280, 0], sizes = [128, 1], strides = [1, 1]} : vector<2048x8xf32> to vector<128x1xf32>
    %slice3A_703 = vector.extract_strided_slice %get3A_9 {offsets = [1280, 1], sizes = [128, 1], strides = [1, 1]} : vector<2048x8xf32> to vector<128x1xf32>
    %concatenate3A_704 = tpu.concatenate %dot_general3A_38, %dot_general3A_41 in 1 : vector<8x128xf32>, vector<8x128xf32> -> vector<8x256xf32>
    %slice3A_705 = vector.extract_strided_slice %concatenate3A_704 {offsets = [0, 0], sizes = [1, 256], strides = [1, 1]} : vector<8x256xf32> to vector<1x256xf32>
    %slice3A_706 = vector.extract_strided_slice %concatenate3A_704 {offsets = [1, 0], sizes = [1, 256], strides = [1, 1]} : vector<8x256xf32> to vector<1x256xf32>
    %ne3A_707 = vector.broadcast %slice3A_702 : vector<128x1xf32> to vector<128x256xf32>
    %ne3A_708 = vector.broadcast %slice3A_705 : vector<1x256xf32> to vector<128x256xf32>
    %ne3A_709 = arith.cmpf one, %ne3A_707, %ne3A_708 : vector<128x256xf32>
    %jit3A_710 = arith.constant -1.000000e+09 : f32
    %broadcast_in_dim3A_711 = vector.broadcast %jit3A_710 : f32 to vector<128x256xf32>
    %select_n3A_712 = arith.select %ne3A_709, %broadcast_in_dim3A_711, %mul3A_701 : vector<128x256xi1>, vector<128x256xf32>
    %jit3A_713 = arith.constant -1.000000e+09 : f32
    %broadcast_in_dim3A_714 = vector.broadcast %jit3A_713 : f32 to vector<128x256xf32>
    %select_n3A_715 = arith.select %and3A, %broadcast_in_dim3A_714, %select_n3A_712 : vector<128x256xi1>, vector<128x256xf32>
    %jit3A_716 = arith.constant -1.000000e+05 : f32
    %broadcast_in_dim3A_717 = vector.broadcast %jit3A_716 : f32 to vector<128x256xf32>
    %select_n3A_718 = arith.select %eq3A_70, %broadcast_in_dim3A_717, %select_n3A_715 : vector<128x256xi1>, vector<128x256xf32>
    %sub3A_719 = arith.constant 1.000000e+00 : f32
    %sub3A_720 = vector.broadcast %sub3A_719 : f32 to vector<128x1xf32>
    %sub3A_721 = arith.subf %slice3A_703, %sub3A_720 : vector<128x1xf32>
    %lt3A_722 = arith.constant 0.000000e+00 : f32
    %lt3A_723 = vector.broadcast %lt3A_722 : f32 to vector<128x1xf32>
    %lt3A_724 = arith.cmpf olt, %sub3A_721, %lt3A_723 : vector<128x1xf32>
    %add3A_725 = arith.constant 1.600000e+01 : f32
    %add3A_726 = vector.broadcast %add3A_725 : f32 to vector<128x1xf32>
    %add3A_727 = arith.addf %sub3A_721, %add3A_726 : vector<128x1xf32>
    %select_n3A_728 = arith.select %lt3A_724, %add3A_727, %sub3A_721 : vector<128x1xi1>, vector<128x1xf32>
    %eq3A_729 = vector.broadcast %slice3A_706 : vector<1x256xf32> to vector<128x256xf32>
    %eq3A_730 = vector.broadcast %slice3A_703 : vector<128x1xf32> to vector<128x256xf32>
    %eq3A_731 = arith.cmpf oeq, %eq3A_729, %eq3A_730 : vector<128x256xf32>
    %eq3A_732 = vector.broadcast %slice3A_706 : vector<1x256xf32> to vector<128x256xf32>
    %eq3A_733 = vector.broadcast %select_n3A_728 : vector<128x1xf32> to vector<128x256xf32>
    %eq3A_734 = arith.cmpf oeq, %eq3A_732, %eq3A_733 : vector<128x256xf32>
    %or3A_735 = arith.ori %eq3A_731, %eq3A_734 : vector<128x256xi1>
    %sub3A_736 = arith.constant 0.693147182 : f32
    %sub3A_737 = vector.broadcast %sub3A_736 : f32 to vector<128x256xf32>
    %sub3A_738 = arith.subf %select_n3A_718, %sub3A_737 : vector<128x256xf32>
    %select_n3A_739 = arith.select %or3A_735, %sub3A_738, %select_n3A_718 : vector<128x256xi1>, vector<128x256xf32>
    %reduce_max3A_740 = arith.constant dense<0xFF800000> : vector<128xf32>
    %reduce_max3A_741 = vector.multi_reduction <maximumf>, %select_n3A_739, %reduce_max3A_740 [1] : vector<128x256xf32> to vector<128xf32>
    %broadcast_in_dim3A_742 = vector.shape_cast %reduce_max3A_741 : vector<128xf32> to vector<128x1xf32>
    %sub3A_743 = vector.broadcast %broadcast_in_dim3A_742 : vector<128x1xf32> to vector<128x256xf32>
    %sub3A_744 = arith.subf %select_n3A_739, %sub3A_743 : vector<128x256xf32>
    %exp3A_745 = math.exp %sub3A_744 : vector<128x256xf32>
    %reduce_sum3A_746 = arith.constant dense<0.000000e+00> : vector<128xf32>
    %reduce_sum3A_747 = vector.multi_reduction <add>, %exp3A_745, %reduce_sum3A_746 [1] : vector<128x256xf32> to vector<128xf32>
    %broadcast_in_dim3A_748 = vector.shape_cast %reduce_sum3A_747 : vector<128xf32> to vector<128x1xf32>
    %dot_general3A_749 = arith.constant dense<0.000000e+00> : vector<128x64xf32>
    %dot_general3A_750 = tpu.matmul %exp3A_745, %concatenate3A_696, %dot_general3A_749 {dimension_numbers = #tpu.dot_dimension_numbers<[1], [0], [0], [1], [0, 0, 1, 1], [], []>, transpose_lhs_hint = false} : vector<128x256xf32>, vector<256x64xf32>, vector<128x64xf32> -> vector<128x64xf32>
    %broadcast_in_dim3A_751 = arith.constant 0.000000e+00 : f32
    %broadcast_in_dim3A_752 = vector.broadcast %broadcast_in_dim3A_751 : f32 to vector<128x62xf32>
    %concatenate3A_753 = tpu.concatenate %dot_general3A_750, %broadcast_in_dim3A_742, %broadcast_in_dim3A_748, %broadcast_in_dim3A_752 in 1 : vector<128x64xf32>, vector<128x1xf32>, vector<128x1xf32>, vector<128x62xf32> -> vector<128x128xf32>
    %slice3A_754 = vector.extract_strided_slice %slice3A {offsets = [1408, 0], sizes = [128, 64], strides = [1, 1]} : vector<2048x64xf32> to vector<128x64xf32>
    %slice3A_755 = vector.extract_strided_slice %slice3A {offsets = [1280, 0], sizes = [128, 64], strides = [1, 1]} : vector<2048x64xf32> to vector<128x64xf32>
    %concatenate3A_756 = tpu.concatenate %slice3A_755, %slice3A_754 in 0 : vector<128x64xf32>, vector<128x64xf32> -> vector<256x64xf32>
    %slice3A_757 = vector.extract_strided_slice %slice3A_2 {offsets = [1280, 0], sizes = [128, 64], strides = [1, 1]} : vector<2048x64xf32> to vector<128x64xf32>
    %slice3A_758 = vector.extract_strided_slice %slice3A_2 {offsets = [1408, 0], sizes = [128, 64], strides = [1, 1]} : vector<2048x64xf32> to vector<128x64xf32>
    %concatenate3A_759 = tpu.concatenate %slice3A_757, %slice3A_758 in 0 : vector<128x64xf32>, vector<128x64xf32> -> vector<256x64xf32>
    %dot_general3A_760 = arith.constant dense<0.000000e+00> : vector<128x256xf32>
    %dot_general3A_761 = tpu.matmul %slice3A_754, %concatenate3A_756, %dot_general3A_760 {dimension_numbers = #tpu.dot_dimension_numbers<[1], [1], [0], [0], [0, 0, 1, 0], [], []>, transpose_lhs_hint = false} : vector<128x64xf32>, vector<256x64xf32>, vector<128x256xf32> -> vector<128x256xf32>
    %mul3A_762 = arith.constant 1.250000e-01 : f32
    %mul3A_763 = vector.broadcast %mul3A_762 : f32 to vector<128x256xf32>
    %mul3A_764 = arith.mulf %dot_general3A_761, %mul3A_763 : vector<128x256xf32>
    %slice3A_765 = vector.extract_strided_slice %get3A_9 {offsets = [1408, 0], sizes = [128, 1], strides = [1, 1]} : vector<2048x8xf32> to vector<128x1xf32>
    %slice3A_766 = vector.extract_strided_slice %get3A_9 {offsets = [1408, 1], sizes = [128, 1], strides = [1, 1]} : vector<2048x8xf32> to vector<128x1xf32>
    %concatenate3A_767 = tpu.concatenate %dot_general3A_41, %dot_general3A_44 in 1 : vector<8x128xf32>, vector<8x128xf32> -> vector<8x256xf32>
    %slice3A_768 = vector.extract_strided_slice %concatenate3A_767 {offsets = [0, 0], sizes = [1, 256], strides = [1, 1]} : vector<8x256xf32> to vector<1x256xf32>
    %slice3A_769 = vector.extract_strided_slice %concatenate3A_767 {offsets = [1, 0], sizes = [1, 256], strides = [1, 1]} : vector<8x256xf32> to vector<1x256xf32>
    %ne3A_770 = vector.broadcast %slice3A_765 : vector<128x1xf32> to vector<128x256xf32>
    %ne3A_771 = vector.broadcast %slice3A_768 : vector<1x256xf32> to vector<128x256xf32>
    %ne3A_772 = arith.cmpf one, %ne3A_770, %ne3A_771 : vector<128x256xf32>
    %jit3A_773 = arith.constant -1.000000e+09 : f32
    %broadcast_in_dim3A_774 = vector.broadcast %jit3A_773 : f32 to vector<128x256xf32>
    %select_n3A_775 = arith.select %ne3A_772, %broadcast_in_dim3A_774, %mul3A_764 : vector<128x256xi1>, vector<128x256xf32>
    %jit3A_776 = arith.constant -1.000000e+09 : f32
    %broadcast_in_dim3A_777 = vector.broadcast %jit3A_776 : f32 to vector<128x256xf32>
    %select_n3A_778 = arith.select %and3A, %broadcast_in_dim3A_777, %select_n3A_775 : vector<128x256xi1>, vector<128x256xf32>
    %jit3A_779 = arith.constant -1.000000e+05 : f32
    %broadcast_in_dim3A_780 = vector.broadcast %jit3A_779 : f32 to vector<128x256xf32>
    %select_n3A_781 = arith.select %eq3A_70, %broadcast_in_dim3A_780, %select_n3A_778 : vector<128x256xi1>, vector<128x256xf32>
    %sub3A_782 = arith.constant 1.000000e+00 : f32
    %sub3A_783 = vector.broadcast %sub3A_782 : f32 to vector<128x1xf32>
    %sub3A_784 = arith.subf %slice3A_766, %sub3A_783 : vector<128x1xf32>
    %lt3A_785 = arith.constant 0.000000e+00 : f32
    %lt3A_786 = vector.broadcast %lt3A_785 : f32 to vector<128x1xf32>
    %lt3A_787 = arith.cmpf olt, %sub3A_784, %lt3A_786 : vector<128x1xf32>
    %add3A_788 = arith.constant 1.600000e+01 : f32
    %add3A_789 = vector.broadcast %add3A_788 : f32 to vector<128x1xf32>
    %add3A_790 = arith.addf %sub3A_784, %add3A_789 : vector<128x1xf32>
    %select_n3A_791 = arith.select %lt3A_787, %add3A_790, %sub3A_784 : vector<128x1xi1>, vector<128x1xf32>
    %eq3A_792 = vector.broadcast %slice3A_769 : vector<1x256xf32> to vector<128x256xf32>
    %eq3A_793 = vector.broadcast %slice3A_766 : vector<128x1xf32> to vector<128x256xf32>
    %eq3A_794 = arith.cmpf oeq, %eq3A_792, %eq3A_793 : vector<128x256xf32>
    %eq3A_795 = vector.broadcast %slice3A_769 : vector<1x256xf32> to vector<128x256xf32>
    %eq3A_796 = vector.broadcast %select_n3A_791 : vector<128x1xf32> to vector<128x256xf32>
    %eq3A_797 = arith.cmpf oeq, %eq3A_795, %eq3A_796 : vector<128x256xf32>
    %or3A_798 = arith.ori %eq3A_794, %eq3A_797 : vector<128x256xi1>
    %sub3A_799 = arith.constant 0.693147182 : f32
    %sub3A_800 = vector.broadcast %sub3A_799 : f32 to vector<128x256xf32>
    %sub3A_801 = arith.subf %select_n3A_781, %sub3A_800 : vector<128x256xf32>
    %select_n3A_802 = arith.select %or3A_798, %sub3A_801, %select_n3A_781 : vector<128x256xi1>, vector<128x256xf32>
    %reduce_max3A_803 = arith.constant dense<0xFF800000> : vector<128xf32>
    %reduce_max3A_804 = vector.multi_reduction <maximumf>, %select_n3A_802, %reduce_max3A_803 [1] : vector<128x256xf32> to vector<128xf32>
    %broadcast_in_dim3A_805 = vector.shape_cast %reduce_max3A_804 : vector<128xf32> to vector<128x1xf32>
    %sub3A_806 = vector.broadcast %broadcast_in_dim3A_805 : vector<128x1xf32> to vector<128x256xf32>
    %sub3A_807 = arith.subf %select_n3A_802, %sub3A_806 : vector<128x256xf32>
    %exp3A_808 = math.exp %sub3A_807 : vector<128x256xf32>
    %reduce_sum3A_809 = arith.constant dense<0.000000e+00> : vector<128xf32>
    %reduce_sum3A_810 = vector.multi_reduction <add>, %exp3A_808, %reduce_sum3A_809 [1] : vector<128x256xf32> to vector<128xf32>
    %broadcast_in_dim3A_811 = vector.shape_cast %reduce_sum3A_810 : vector<128xf32> to vector<128x1xf32>
    %dot_general3A_812 = arith.constant dense<0.000000e+00> : vector<128x64xf32>
    %dot_general3A_813 = tpu.matmul %exp3A_808, %concatenate3A_759, %dot_general3A_812 {dimension_numbers = #tpu.dot_dimension_numbers<[1], [0], [0], [1], [0, 0, 1, 1], [], []>, transpose_lhs_hint = false} : vector<128x256xf32>, vector<256x64xf32>, vector<128x64xf32> -> vector<128x64xf32>
    %broadcast_in_dim3A_814 = arith.constant 0.000000e+00 : f32
    %broadcast_in_dim3A_815 = vector.broadcast %broadcast_in_dim3A_814 : f32 to vector<128x62xf32>
    %concatenate3A_816 = tpu.concatenate %dot_general3A_813, %broadcast_in_dim3A_805, %broadcast_in_dim3A_811, %broadcast_in_dim3A_815 in 1 : vector<128x64xf32>, vector<128x1xf32>, vector<128x1xf32>, vector<128x62xf32> -> vector<128x128xf32>
    %slice3A_817 = vector.extract_strided_slice %slice3A {offsets = [1536, 0], sizes = [128, 64], strides = [1, 1]} : vector<2048x64xf32> to vector<128x64xf32>
    %slice3A_818 = vector.extract_strided_slice %slice3A {offsets = [1408, 0], sizes = [128, 64], strides = [1, 1]} : vector<2048x64xf32> to vector<128x64xf32>
    %concatenate3A_819 = tpu.concatenate %slice3A_818, %slice3A_817 in 0 : vector<128x64xf32>, vector<128x64xf32> -> vector<256x64xf32>
    %slice3A_820 = vector.extract_strided_slice %slice3A_2 {offsets = [1408, 0], sizes = [128, 64], strides = [1, 1]} : vector<2048x64xf32> to vector<128x64xf32>
    %slice3A_821 = vector.extract_strided_slice %slice3A_2 {offsets = [1536, 0], sizes = [128, 64], strides = [1, 1]} : vector<2048x64xf32> to vector<128x64xf32>
    %concatenate3A_822 = tpu.concatenate %slice3A_820, %slice3A_821 in 0 : vector<128x64xf32>, vector<128x64xf32> -> vector<256x64xf32>
    %dot_general3A_823 = arith.constant dense<0.000000e+00> : vector<128x256xf32>
    %dot_general3A_824 = tpu.matmul %slice3A_817, %concatenate3A_819, %dot_general3A_823 {dimension_numbers = #tpu.dot_dimension_numbers<[1], [1], [0], [0], [0, 0, 1, 0], [], []>, transpose_lhs_hint = false} : vector<128x64xf32>, vector<256x64xf32>, vector<128x256xf32> -> vector<128x256xf32>
    %mul3A_825 = arith.constant 1.250000e-01 : f32
    %mul3A_826 = vector.broadcast %mul3A_825 : f32 to vector<128x256xf32>
    %mul3A_827 = arith.mulf %dot_general3A_824, %mul3A_826 : vector<128x256xf32>
    %slice3A_828 = vector.extract_strided_slice %get3A_9 {offsets = [1536, 0], sizes = [128, 1], strides = [1, 1]} : vector<2048x8xf32> to vector<128x1xf32>
    %slice3A_829 = vector.extract_strided_slice %get3A_9 {offsets = [1536, 1], sizes = [128, 1], strides = [1, 1]} : vector<2048x8xf32> to vector<128x1xf32>
    %concatenate3A_830 = tpu.concatenate %dot_general3A_44, %dot_general3A_47 in 1 : vector<8x128xf32>, vector<8x128xf32> -> vector<8x256xf32>
    %slice3A_831 = vector.extract_strided_slice %concatenate3A_830 {offsets = [0, 0], sizes = [1, 256], strides = [1, 1]} : vector<8x256xf32> to vector<1x256xf32>
    %slice3A_832 = vector.extract_strided_slice %concatenate3A_830 {offsets = [1, 0], sizes = [1, 256], strides = [1, 1]} : vector<8x256xf32> to vector<1x256xf32>
    %ne3A_833 = vector.broadcast %slice3A_828 : vector<128x1xf32> to vector<128x256xf32>
    %ne3A_834 = vector.broadcast %slice3A_831 : vector<1x256xf32> to vector<128x256xf32>
    %ne3A_835 = arith.cmpf one, %ne3A_833, %ne3A_834 : vector<128x256xf32>
    %jit3A_836 = arith.constant -1.000000e+09 : f32
    %broadcast_in_dim3A_837 = vector.broadcast %jit3A_836 : f32 to vector<128x256xf32>
    %select_n3A_838 = arith.select %ne3A_835, %broadcast_in_dim3A_837, %mul3A_827 : vector<128x256xi1>, vector<128x256xf32>
    %jit3A_839 = arith.constant -1.000000e+09 : f32
    %broadcast_in_dim3A_840 = vector.broadcast %jit3A_839 : f32 to vector<128x256xf32>
    %select_n3A_841 = arith.select %and3A, %broadcast_in_dim3A_840, %select_n3A_838 : vector<128x256xi1>, vector<128x256xf32>
    %jit3A_842 = arith.constant -1.000000e+05 : f32
    %broadcast_in_dim3A_843 = vector.broadcast %jit3A_842 : f32 to vector<128x256xf32>
    %select_n3A_844 = arith.select %eq3A_70, %broadcast_in_dim3A_843, %select_n3A_841 : vector<128x256xi1>, vector<128x256xf32>
    %sub3A_845 = arith.constant 1.000000e+00 : f32
    %sub3A_846 = vector.broadcast %sub3A_845 : f32 to vector<128x1xf32>
    %sub3A_847 = arith.subf %slice3A_829, %sub3A_846 : vector<128x1xf32>
    %lt3A_848 = arith.constant 0.000000e+00 : f32
    %lt3A_849 = vector.broadcast %lt3A_848 : f32 to vector<128x1xf32>
    %lt3A_850 = arith.cmpf olt, %sub3A_847, %lt3A_849 : vector<128x1xf32>
    %add3A_851 = arith.constant 1.600000e+01 : f32
    %add3A_852 = vector.broadcast %add3A_851 : f32 to vector<128x1xf32>
    %add3A_853 = arith.addf %sub3A_847, %add3A_852 : vector<128x1xf32>
    %select_n3A_854 = arith.select %lt3A_850, %add3A_853, %sub3A_847 : vector<128x1xi1>, vector<128x1xf32>
    %eq3A_855 = vector.broadcast %slice3A_832 : vector<1x256xf32> to vector<128x256xf32>
    %eq3A_856 = vector.broadcast %slice3A_829 : vector<128x1xf32> to vector<128x256xf32>
    %eq3A_857 = arith.cmpf oeq, %eq3A_855, %eq3A_856 : vector<128x256xf32>
    %eq3A_858 = vector.broadcast %slice3A_832 : vector<1x256xf32> to vector<128x256xf32>
    %eq3A_859 = vector.broadcast %select_n3A_854 : vector<128x1xf32> to vector<128x256xf32>
    %eq3A_860 = arith.cmpf oeq, %eq3A_858, %eq3A_859 : vector<128x256xf32>
    %or3A_861 = arith.ori %eq3A_857, %eq3A_860 : vector<128x256xi1>
    %sub3A_862 = arith.constant 0.693147182 : f32
    %sub3A_863 = vector.broadcast %sub3A_862 : f32 to vector<128x256xf32>
    %sub3A_864 = arith.subf %select_n3A_844, %sub3A_863 : vector<128x256xf32>
    %select_n3A_865 = arith.select %or3A_861, %sub3A_864, %select_n3A_844 : vector<128x256xi1>, vector<128x256xf32>
    %reduce_max3A_866 = arith.constant dense<0xFF800000> : vector<128xf32>
    %reduce_max3A_867 = vector.multi_reduction <maximumf>, %select_n3A_865, %reduce_max3A_866 [1] : vector<128x256xf32> to vector<128xf32>
    %broadcast_in_dim3A_868 = vector.shape_cast %reduce_max3A_867 : vector<128xf32> to vector<128x1xf32>
    %sub3A_869 = vector.broadcast %broadcast_in_dim3A_868 : vector<128x1xf32> to vector<128x256xf32>
    %sub3A_870 = arith.subf %select_n3A_865, %sub3A_869 : vector<128x256xf32>
    %exp3A_871 = math.exp %sub3A_870 : vector<128x256xf32>
    %reduce_sum3A_872 = arith.constant dense<0.000000e+00> : vector<128xf32>
    %reduce_sum3A_873 = vector.multi_reduction <add>, %exp3A_871, %reduce_sum3A_872 [1] : vector<128x256xf32> to vector<128xf32>
    %broadcast_in_dim3A_874 = vector.shape_cast %reduce_sum3A_873 : vector<128xf32> to vector<128x1xf32>
    %dot_general3A_875 = arith.constant dense<0.000000e+00> : vector<128x64xf32>
    %dot_general3A_876 = tpu.matmul %exp3A_871, %concatenate3A_822, %dot_general3A_875 {dimension_numbers = #tpu.dot_dimension_numbers<[1], [0], [0], [1], [0, 0, 1, 1], [], []>, transpose_lhs_hint = false} : vector<128x256xf32>, vector<256x64xf32>, vector<128x64xf32> -> vector<128x64xf32>
    %broadcast_in_dim3A_877 = arith.constant 0.000000e+00 : f32
    %broadcast_in_dim3A_878 = vector.broadcast %broadcast_in_dim3A_877 : f32 to vector<128x62xf32>
    %concatenate3A_879 = tpu.concatenate %dot_general3A_876, %broadcast_in_dim3A_868, %broadcast_in_dim3A_874, %broadcast_in_dim3A_878 in 1 : vector<128x64xf32>, vector<128x1xf32>, vector<128x1xf32>, vector<128x62xf32> -> vector<128x128xf32>
    %slice3A_880 = vector.extract_strided_slice %slice3A {offsets = [1664, 0], sizes = [128, 64], strides = [1, 1]} : vector<2048x64xf32> to vector<128x64xf32>
    %slice3A_881 = vector.extract_strided_slice %slice3A {offsets = [1536, 0], sizes = [128, 64], strides = [1, 1]} : vector<2048x64xf32> to vector<128x64xf32>
    %concatenate3A_882 = tpu.concatenate %slice3A_881, %slice3A_880 in 0 : vector<128x64xf32>, vector<128x64xf32> -> vector<256x64xf32>
    %slice3A_883 = vector.extract_strided_slice %slice3A_2 {offsets = [1536, 0], sizes = [128, 64], strides = [1, 1]} : vector<2048x64xf32> to vector<128x64xf32>
    %slice3A_884 = vector.extract_strided_slice %slice3A_2 {offsets = [1664, 0], sizes = [128, 64], strides = [1, 1]} : vector<2048x64xf32> to vector<128x64xf32>
    %concatenate3A_885 = tpu.concatenate %slice3A_883, %slice3A_884 in 0 : vector<128x64xf32>, vector<128x64xf32> -> vector<256x64xf32>
    %dot_general3A_886 = arith.constant dense<0.000000e+00> : vector<128x256xf32>
    %dot_general3A_887 = tpu.matmul %slice3A_880, %concatenate3A_882, %dot_general3A_886 {dimension_numbers = #tpu.dot_dimension_numbers<[1], [1], [0], [0], [0, 0, 1, 0], [], []>, transpose_lhs_hint = false} : vector<128x64xf32>, vector<256x64xf32>, vector<128x256xf32> -> vector<128x256xf32>
    %mul3A_888 = arith.constant 1.250000e-01 : f32
    %mul3A_889 = vector.broadcast %mul3A_888 : f32 to vector<128x256xf32>
    %mul3A_890 = arith.mulf %dot_general3A_887, %mul3A_889 : vector<128x256xf32>
    %slice3A_891 = vector.extract_strided_slice %get3A_9 {offsets = [1664, 0], sizes = [128, 1], strides = [1, 1]} : vector<2048x8xf32> to vector<128x1xf32>
    %slice3A_892 = vector.extract_strided_slice %get3A_9 {offsets = [1664, 1], sizes = [128, 1], strides = [1, 1]} : vector<2048x8xf32> to vector<128x1xf32>
    %concatenate3A_893 = tpu.concatenate %dot_general3A_47, %dot_general3A_50 in 1 : vector<8x128xf32>, vector<8x128xf32> -> vector<8x256xf32>
    %slice3A_894 = vector.extract_strided_slice %concatenate3A_893 {offsets = [0, 0], sizes = [1, 256], strides = [1, 1]} : vector<8x256xf32> to vector<1x256xf32>
    %slice3A_895 = vector.extract_strided_slice %concatenate3A_893 {offsets = [1, 0], sizes = [1, 256], strides = [1, 1]} : vector<8x256xf32> to vector<1x256xf32>
    %ne3A_896 = vector.broadcast %slice3A_891 : vector<128x1xf32> to vector<128x256xf32>
    %ne3A_897 = vector.broadcast %slice3A_894 : vector<1x256xf32> to vector<128x256xf32>
    %ne3A_898 = arith.cmpf one, %ne3A_896, %ne3A_897 : vector<128x256xf32>
    %jit3A_899 = arith.constant -1.000000e+09 : f32
    %broadcast_in_dim3A_900 = vector.broadcast %jit3A_899 : f32 to vector<128x256xf32>
    %select_n3A_901 = arith.select %ne3A_898, %broadcast_in_dim3A_900, %mul3A_890 : vector<128x256xi1>, vector<128x256xf32>
    %jit3A_902 = arith.constant -1.000000e+09 : f32
    %broadcast_in_dim3A_903 = vector.broadcast %jit3A_902 : f32 to vector<128x256xf32>
    %select_n3A_904 = arith.select %and3A, %broadcast_in_dim3A_903, %select_n3A_901 : vector<128x256xi1>, vector<128x256xf32>
    %jit3A_905 = arith.constant -1.000000e+05 : f32
    %broadcast_in_dim3A_906 = vector.broadcast %jit3A_905 : f32 to vector<128x256xf32>
    %select_n3A_907 = arith.select %eq3A_70, %broadcast_in_dim3A_906, %select_n3A_904 : vector<128x256xi1>, vector<128x256xf32>
    %sub3A_908 = arith.constant 1.000000e+00 : f32
    %sub3A_909 = vector.broadcast %sub3A_908 : f32 to vector<128x1xf32>
    %sub3A_910 = arith.subf %slice3A_892, %sub3A_909 : vector<128x1xf32>
    %lt3A_911 = arith.constant 0.000000e+00 : f32
    %lt3A_912 = vector.broadcast %lt3A_911 : f32 to vector<128x1xf32>
    %lt3A_913 = arith.cmpf olt, %sub3A_910, %lt3A_912 : vector<128x1xf32>
    %add3A_914 = arith.constant 1.600000e+01 : f32
    %add3A_915 = vector.broadcast %add3A_914 : f32 to vector<128x1xf32>
    %add3A_916 = arith.addf %sub3A_910, %add3A_915 : vector<128x1xf32>
    %select_n3A_917 = arith.select %lt3A_913, %add3A_916, %sub3A_910 : vector<128x1xi1>, vector<128x1xf32>
    %eq3A_918 = vector.broadcast %slice3A_895 : vector<1x256xf32> to vector<128x256xf32>
    %eq3A_919 = vector.broadcast %slice3A_892 : vector<128x1xf32> to vector<128x256xf32>
    %eq3A_920 = arith.cmpf oeq, %eq3A_918, %eq3A_919 : vector<128x256xf32>
    %eq3A_921 = vector.broadcast %slice3A_895 : vector<1x256xf32> to vector<128x256xf32>
    %eq3A_922 = vector.broadcast %select_n3A_917 : vector<128x1xf32> to vector<128x256xf32>
    %eq3A_923 = arith.cmpf oeq, %eq3A_921, %eq3A_922 : vector<128x256xf32>
    %or3A_924 = arith.ori %eq3A_920, %eq3A_923 : vector<128x256xi1>
    %sub3A_925 = arith.constant 0.693147182 : f32
    %sub3A_926 = vector.broadcast %sub3A_925 : f32 to vector<128x256xf32>
    %sub3A_927 = arith.subf %select_n3A_907, %sub3A_926 : vector<128x256xf32>
    %select_n3A_928 = arith.select %or3A_924, %sub3A_927, %select_n3A_907 : vector<128x256xi1>, vector<128x256xf32>
    %reduce_max3A_929 = arith.constant dense<0xFF800000> : vector<128xf32>
    %reduce_max3A_930 = vector.multi_reduction <maximumf>, %select_n3A_928, %reduce_max3A_929 [1] : vector<128x256xf32> to vector<128xf32>
    %broadcast_in_dim3A_931 = vector.shape_cast %reduce_max3A_930 : vector<128xf32> to vector<128x1xf32>
    %sub3A_932 = vector.broadcast %broadcast_in_dim3A_931 : vector<128x1xf32> to vector<128x256xf32>
    %sub3A_933 = arith.subf %select_n3A_928, %sub3A_932 : vector<128x256xf32>
    %exp3A_934 = math.exp %sub3A_933 : vector<128x256xf32>
    %reduce_sum3A_935 = arith.constant dense<0.000000e+00> : vector<128xf32>
    %reduce_sum3A_936 = vector.multi_reduction <add>, %exp3A_934, %reduce_sum3A_935 [1] : vector<128x256xf32> to vector<128xf32>
    %broadcast_in_dim3A_937 = vector.shape_cast %reduce_sum3A_936 : vector<128xf32> to vector<128x1xf32>
    %dot_general3A_938 = arith.constant dense<0.000000e+00> : vector<128x64xf32>
    %dot_general3A_939 = tpu.matmul %exp3A_934, %concatenate3A_885, %dot_general3A_938 {dimension_numbers = #tpu.dot_dimension_numbers<[1], [0], [0], [1], [0, 0, 1, 1], [], []>, transpose_lhs_hint = false} : vector<128x256xf32>, vector<256x64xf32>, vector<128x64xf32> -> vector<128x64xf32>
    %broadcast_in_dim3A_940 = arith.constant 0.000000e+00 : f32
    %broadcast_in_dim3A_941 = vector.broadcast %broadcast_in_dim3A_940 : f32 to vector<128x62xf32>
    %concatenate3A_942 = tpu.concatenate %dot_general3A_939, %broadcast_in_dim3A_931, %broadcast_in_dim3A_937, %broadcast_in_dim3A_941 in 1 : vector<128x64xf32>, vector<128x1xf32>, vector<128x1xf32>, vector<128x62xf32> -> vector<128x128xf32>
    %slice3A_943 = vector.extract_strided_slice %slice3A {offsets = [1792, 0], sizes = [128, 64], strides = [1, 1]} : vector<2048x64xf32> to vector<128x64xf32>
    %slice3A_944 = vector.extract_strided_slice %slice3A {offsets = [1664, 0], sizes = [128, 64], strides = [1, 1]} : vector<2048x64xf32> to vector<128x64xf32>
    %concatenate3A_945 = tpu.concatenate %slice3A_944, %slice3A_943 in 0 : vector<128x64xf32>, vector<128x64xf32> -> vector<256x64xf32>
    %slice3A_946 = vector.extract_strided_slice %slice3A_2 {offsets = [1664, 0], sizes = [128, 64], strides = [1, 1]} : vector<2048x64xf32> to vector<128x64xf32>
    %slice3A_947 = vector.extract_strided_slice %slice3A_2 {offsets = [1792, 0], sizes = [128, 64], strides = [1, 1]} : vector<2048x64xf32> to vector<128x64xf32>
    %concatenate3A_948 = tpu.concatenate %slice3A_946, %slice3A_947 in 0 : vector<128x64xf32>, vector<128x64xf32> -> vector<256x64xf32>
    %dot_general3A_949 = arith.constant dense<0.000000e+00> : vector<128x256xf32>
    %dot_general3A_950 = tpu.matmul %slice3A_943, %concatenate3A_945, %dot_general3A_949 {dimension_numbers = #tpu.dot_dimension_numbers<[1], [1], [0], [0], [0, 0, 1, 0], [], []>, transpose_lhs_hint = false} : vector<128x64xf32>, vector<256x64xf32>, vector<128x256xf32> -> vector<128x256xf32>
    %mul3A_951 = arith.constant 1.250000e-01 : f32
    %mul3A_952 = vector.broadcast %mul3A_951 : f32 to vector<128x256xf32>
    %mul3A_953 = arith.mulf %dot_general3A_950, %mul3A_952 : vector<128x256xf32>
    %slice3A_954 = vector.extract_strided_slice %get3A_9 {offsets = [1792, 0], sizes = [128, 1], strides = [1, 1]} : vector<2048x8xf32> to vector<128x1xf32>
    %slice3A_955 = vector.extract_strided_slice %get3A_9 {offsets = [1792, 1], sizes = [128, 1], strides = [1, 1]} : vector<2048x8xf32> to vector<128x1xf32>
    %concatenate3A_956 = tpu.concatenate %dot_general3A_50, %dot_general3A_53 in 1 : vector<8x128xf32>, vector<8x128xf32> -> vector<8x256xf32>
    %slice3A_957 = vector.extract_strided_slice %concatenate3A_956 {offsets = [0, 0], sizes = [1, 256], strides = [1, 1]} : vector<8x256xf32> to vector<1x256xf32>
    %slice3A_958 = vector.extract_strided_slice %concatenate3A_956 {offsets = [1, 0], sizes = [1, 256], strides = [1, 1]} : vector<8x256xf32> to vector<1x256xf32>
    %ne3A_959 = vector.broadcast %slice3A_954 : vector<128x1xf32> to vector<128x256xf32>
    %ne3A_960 = vector.broadcast %slice3A_957 : vector<1x256xf32> to vector<128x256xf32>
    %ne3A_961 = arith.cmpf one, %ne3A_959, %ne3A_960 : vector<128x256xf32>
    %jit3A_962 = arith.constant -1.000000e+09 : f32
    %broadcast_in_dim3A_963 = vector.broadcast %jit3A_962 : f32 to vector<128x256xf32>
    %select_n3A_964 = arith.select %ne3A_961, %broadcast_in_dim3A_963, %mul3A_953 : vector<128x256xi1>, vector<128x256xf32>
    %jit3A_965 = arith.constant -1.000000e+09 : f32
    %broadcast_in_dim3A_966 = vector.broadcast %jit3A_965 : f32 to vector<128x256xf32>
    %select_n3A_967 = arith.select %and3A, %broadcast_in_dim3A_966, %select_n3A_964 : vector<128x256xi1>, vector<128x256xf32>
    %jit3A_968 = arith.constant -1.000000e+05 : f32
    %broadcast_in_dim3A_969 = vector.broadcast %jit3A_968 : f32 to vector<128x256xf32>
    %select_n3A_970 = arith.select %eq3A_70, %broadcast_in_dim3A_969, %select_n3A_967 : vector<128x256xi1>, vector<128x256xf32>
    %sub3A_971 = arith.constant 1.000000e+00 : f32
    %sub3A_972 = vector.broadcast %sub3A_971 : f32 to vector<128x1xf32>
    %sub3A_973 = arith.subf %slice3A_955, %sub3A_972 : vector<128x1xf32>
    %lt3A_974 = arith.constant 0.000000e+00 : f32
    %lt3A_975 = vector.broadcast %lt3A_974 : f32 to vector<128x1xf32>
    %lt3A_976 = arith.cmpf olt, %sub3A_973, %lt3A_975 : vector<128x1xf32>
    %add3A_977 = arith.constant 1.600000e+01 : f32
    %add3A_978 = vector.broadcast %add3A_977 : f32 to vector<128x1xf32>
    %add3A_979 = arith.addf %sub3A_973, %add3A_978 : vector<128x1xf32>
    %select_n3A_980 = arith.select %lt3A_976, %add3A_979, %sub3A_973 : vector<128x1xi1>, vector<128x1xf32>
    %eq3A_981 = vector.broadcast %slice3A_958 : vector<1x256xf32> to vector<128x256xf32>
    %eq3A_982 = vector.broadcast %slice3A_955 : vector<128x1xf32> to vector<128x256xf32>
    %eq3A_983 = arith.cmpf oeq, %eq3A_981, %eq3A_982 : vector<128x256xf32>
    %eq3A_984 = vector.broadcast %slice3A_958 : vector<1x256xf32> to vector<128x256xf32>
    %eq3A_985 = vector.broadcast %select_n3A_980 : vector<128x1xf32> to vector<128x256xf32>
    %eq3A_986 = arith.cmpf oeq, %eq3A_984, %eq3A_985 : vector<128x256xf32>
    %or3A_987 = arith.ori %eq3A_983, %eq3A_986 : vector<128x256xi1>
    %sub3A_988 = arith.constant 0.693147182 : f32
    %sub3A_989 = vector.broadcast %sub3A_988 : f32 to vector<128x256xf32>
    %sub3A_990 = arith.subf %select_n3A_970, %sub3A_989 : vector<128x256xf32>
    %select_n3A_991 = arith.select %or3A_987, %sub3A_990, %select_n3A_970 : vector<128x256xi1>, vector<128x256xf32>
    %reduce_max3A_992 = arith.constant dense<0xFF800000> : vector<128xf32>
    %reduce_max3A_993 = vector.multi_reduction <maximumf>, %select_n3A_991, %reduce_max3A_992 [1] : vector<128x256xf32> to vector<128xf32>
    %broadcast_in_dim3A_994 = vector.shape_cast %reduce_max3A_993 : vector<128xf32> to vector<128x1xf32>
    %sub3A_995 = vector.broadcast %broadcast_in_dim3A_994 : vector<128x1xf32> to vector<128x256xf32>
    %sub3A_996 = arith.subf %select_n3A_991, %sub3A_995 : vector<128x256xf32>
    %exp3A_997 = math.exp %sub3A_996 : vector<128x256xf32>
    %reduce_sum3A_998 = arith.constant dense<0.000000e+00> : vector<128xf32>
    %reduce_sum3A_999 = vector.multi_reduction <add>, %exp3A_997, %reduce_sum3A_998 [1] : vector<128x256xf32> to vector<128xf32>
    %broadcast_in_dim3A_1000 = vector.shape_cast %reduce_sum3A_999 : vector<128xf32> to vector<128x1xf32>
    %dot_general3A_1001 = arith.constant dense<0.000000e+00> : vector<128x64xf32>
    %dot_general3A_1002 = tpu.matmul %exp3A_997, %concatenate3A_948, %dot_general3A_1001 {dimension_numbers = #tpu.dot_dimension_numbers<[1], [0], [0], [1], [0, 0, 1, 1], [], []>, transpose_lhs_hint = false} : vector<128x256xf32>, vector<256x64xf32>, vector<128x64xf32> -> vector<128x64xf32>
    %broadcast_in_dim3A_1003 = arith.constant 0.000000e+00 : f32
    %broadcast_in_dim3A_1004 = vector.broadcast %broadcast_in_dim3A_1003 : f32 to vector<128x62xf32>
    %concatenate3A_1005 = tpu.concatenate %dot_general3A_1002, %broadcast_in_dim3A_994, %broadcast_in_dim3A_1000, %broadcast_in_dim3A_1004 in 1 : vector<128x64xf32>, vector<128x1xf32>, vector<128x1xf32>, vector<128x62xf32> -> vector<128x128xf32>
    %slice3A_1006 = vector.extract_strided_slice %slice3A {offsets = [1920, 0], sizes = [128, 64], strides = [1, 1]} : vector<2048x64xf32> to vector<128x64xf32>
    %slice3A_1007 = vector.extract_strided_slice %slice3A {offsets = [1792, 0], sizes = [128, 64], strides = [1, 1]} : vector<2048x64xf32> to vector<128x64xf32>
    %concatenate3A_1008 = tpu.concatenate %slice3A_1007, %slice3A_1006 in 0 : vector<128x64xf32>, vector<128x64xf32> -> vector<256x64xf32>
    %slice3A_1009 = vector.extract_strided_slice %slice3A_2 {offsets = [1792, 0], sizes = [128, 64], strides = [1, 1]} : vector<2048x64xf32> to vector<128x64xf32>
    %slice3A_1010 = vector.extract_strided_slice %slice3A_2 {offsets = [1920, 0], sizes = [128, 64], strides = [1, 1]} : vector<2048x64xf32> to vector<128x64xf32>
    %concatenate3A_1011 = tpu.concatenate %slice3A_1009, %slice3A_1010 in 0 : vector<128x64xf32>, vector<128x64xf32> -> vector<256x64xf32>
    %dot_general3A_1012 = arith.constant dense<0.000000e+00> : vector<128x256xf32>
    %dot_general3A_1013 = tpu.matmul %slice3A_1006, %concatenate3A_1008, %dot_general3A_1012 {dimension_numbers = #tpu.dot_dimension_numbers<[1], [1], [0], [0], [0, 0, 1, 0], [], []>, transpose_lhs_hint = false} : vector<128x64xf32>, vector<256x64xf32>, vector<128x256xf32> -> vector<128x256xf32>
    %mul3A_1014 = arith.constant 1.250000e-01 : f32
    %mul3A_1015 = vector.broadcast %mul3A_1014 : f32 to vector<128x256xf32>
    %mul3A_1016 = arith.mulf %dot_general3A_1013, %mul3A_1015 : vector<128x256xf32>
    %slice3A_1017 = vector.extract_strided_slice %get3A_9 {offsets = [1920, 0], sizes = [128, 1], strides = [1, 1]} : vector<2048x8xf32> to vector<128x1xf32>
    %slice3A_1018 = vector.extract_strided_slice %get3A_9 {offsets = [1920, 1], sizes = [128, 1], strides = [1, 1]} : vector<2048x8xf32> to vector<128x1xf32>
    %concatenate3A_1019 = tpu.concatenate %dot_general3A_53, %dot_general3A_56 in 1 : vector<8x128xf32>, vector<8x128xf32> -> vector<8x256xf32>
    %slice3A_1020 = vector.extract_strided_slice %concatenate3A_1019 {offsets = [0, 0], sizes = [1, 256], strides = [1, 1]} : vector<8x256xf32> to vector<1x256xf32>
    %slice3A_1021 = vector.extract_strided_slice %concatenate3A_1019 {offsets = [1, 0], sizes = [1, 256], strides = [1, 1]} : vector<8x256xf32> to vector<1x256xf32>
    %ne3A_1022 = vector.broadcast %slice3A_1017 : vector<128x1xf32> to vector<128x256xf32>
    %ne3A_1023 = vector.broadcast %slice3A_1020 : vector<1x256xf32> to vector<128x256xf32>
    %ne3A_1024 = arith.cmpf one, %ne3A_1022, %ne3A_1023 : vector<128x256xf32>
    %jit3A_1025 = arith.constant -1.000000e+09 : f32
    %broadcast_in_dim3A_1026 = vector.broadcast %jit3A_1025 : f32 to vector<128x256xf32>
    %select_n3A_1027 = arith.select %ne3A_1024, %broadcast_in_dim3A_1026, %mul3A_1016 : vector<128x256xi1>, vector<128x256xf32>
    %jit3A_1028 = arith.constant -1.000000e+09 : f32
    %broadcast_in_dim3A_1029 = vector.broadcast %jit3A_1028 : f32 to vector<128x256xf32>
    %select_n3A_1030 = arith.select %and3A, %broadcast_in_dim3A_1029, %select_n3A_1027 : vector<128x256xi1>, vector<128x256xf32>
    %jit3A_1031 = arith.constant -1.000000e+05 : f32
    %broadcast_in_dim3A_1032 = vector.broadcast %jit3A_1031 : f32 to vector<128x256xf32>
    %select_n3A_1033 = arith.select %eq3A_70, %broadcast_in_dim3A_1032, %select_n3A_1030 : vector<128x256xi1>, vector<128x256xf32>
    %sub3A_1034 = arith.constant 1.000000e+00 : f32
    %sub3A_1035 = vector.broadcast %sub3A_1034 : f32 to vector<128x1xf32>
    %sub3A_1036 = arith.subf %slice3A_1018, %sub3A_1035 : vector<128x1xf32>
    %lt3A_1037 = arith.constant 0.000000e+00 : f32
    %lt3A_1038 = vector.broadcast %lt3A_1037 : f32 to vector<128x1xf32>
    %lt3A_1039 = arith.cmpf olt, %sub3A_1036, %lt3A_1038 : vector<128x1xf32>
    %add3A_1040 = arith.constant 1.600000e+01 : f32
    %add3A_1041 = vector.broadcast %add3A_1040 : f32 to vector<128x1xf32>
    %add3A_1042 = arith.addf %sub3A_1036, %add3A_1041 : vector<128x1xf32>
    %select_n3A_1043 = arith.select %lt3A_1039, %add3A_1042, %sub3A_1036 : vector<128x1xi1>, vector<128x1xf32>
    %eq3A_1044 = vector.broadcast %slice3A_1021 : vector<1x256xf32> to vector<128x256xf32>
    %eq3A_1045 = vector.broadcast %slice3A_1018 : vector<128x1xf32> to vector<128x256xf32>
    %eq3A_1046 = arith.cmpf oeq, %eq3A_1044, %eq3A_1045 : vector<128x256xf32>
    %eq3A_1047 = vector.broadcast %slice3A_1021 : vector<1x256xf32> to vector<128x256xf32>
    %eq3A_1048 = vector.broadcast %select_n3A_1043 : vector<128x1xf32> to vector<128x256xf32>
    %eq3A_1049 = arith.cmpf oeq, %eq3A_1047, %eq3A_1048 : vector<128x256xf32>
    %or3A_1050 = arith.ori %eq3A_1046, %eq3A_1049 : vector<128x256xi1>
    %sub3A_1051 = arith.constant 0.693147182 : f32
    %sub3A_1052 = vector.broadcast %sub3A_1051 : f32 to vector<128x256xf32>
    %sub3A_1053 = arith.subf %select_n3A_1033, %sub3A_1052 : vector<128x256xf32>
    %select_n3A_1054 = arith.select %or3A_1050, %sub3A_1053, %select_n3A_1033 : vector<128x256xi1>, vector<128x256xf32>
    %reduce_max3A_1055 = arith.constant dense<0xFF800000> : vector<128xf32>
    %reduce_max3A_1056 = vector.multi_reduction <maximumf>, %select_n3A_1054, %reduce_max3A_1055 [1] : vector<128x256xf32> to vector<128xf32>
    %broadcast_in_dim3A_1057 = vector.shape_cast %reduce_max3A_1056 : vector<128xf32> to vector<128x1xf32>
    %sub3A_1058 = vector.broadcast %broadcast_in_dim3A_1057 : vector<128x1xf32> to vector<128x256xf32>
    %sub3A_1059 = arith.subf %select_n3A_1054, %sub3A_1058 : vector<128x256xf32>
    %exp3A_1060 = math.exp %sub3A_1059 : vector<128x256xf32>
    %reduce_sum3A_1061 = arith.constant dense<0.000000e+00> : vector<128xf32>
    %reduce_sum3A_1062 = vector.multi_reduction <add>, %exp3A_1060, %reduce_sum3A_1061 [1] : vector<128x256xf32> to vector<128xf32>
    %broadcast_in_dim3A_1063 = vector.shape_cast %reduce_sum3A_1062 : vector<128xf32> to vector<128x1xf32>
    %dot_general3A_1064 = arith.constant dense<0.000000e+00> : vector<128x64xf32>
    %dot_general3A_1065 = tpu.matmul %exp3A_1060, %concatenate3A_1011, %dot_general3A_1064 {dimension_numbers = #tpu.dot_dimension_numbers<[1], [0], [0], [1], [0, 0, 1, 1], [], []>, transpose_lhs_hint = false} : vector<128x256xf32>, vector<256x64xf32>, vector<128x64xf32> -> vector<128x64xf32>
    %broadcast_in_dim3A_1066 = arith.constant 0.000000e+00 : f32
    %broadcast_in_dim3A_1067 = vector.broadcast %broadcast_in_dim3A_1066 : f32 to vector<128x62xf32>
    %concatenate3A_1068 = tpu.concatenate %dot_general3A_1065, %broadcast_in_dim3A_1057, %broadcast_in_dim3A_1063, %broadcast_in_dim3A_1067 in 1 : vector<128x64xf32>, vector<128x1xf32>, vector<128x1xf32>, vector<128x62xf32> -> vector<128x128xf32>
    %concatenate3A_1069 = tpu.concatenate %concatenate3A_123, %concatenate3A_186, %concatenate3A_249, %concatenate3A_312, %concatenate3A_375, %concatenate3A_438, %concatenate3A_501, %concatenate3A_564, %concatenate3A_627, %concatenate3A_690, %concatenate3A_753, %concatenate3A_816, %concatenate3A_879, %concatenate3A_942, %concatenate3A_1005, %concatenate3A_1068 in 0 : vector<128x128xf32>, vector<128x128xf32>, vector<128x128xf32>, vector<128x128xf32>, vector<128x128xf32>, vector<128x128xf32>, vector<128x128xf32>, vector<128x128xf32>, vector<128x128xf32>, vector<128x128xf32>, vector<128x128xf32>, vector<128x128xf32>, vector<128x128xf32>, vector<128x128xf32>, vector<128x128xf32>, vector<128x128xf32> -> vector<2048x128xf32>
    %swap3A = arith.constant 0 : index
    %swap3A_1070 = arith.constant 0 : index
    %swap3A_1071 = vector.load %arg3[%swap3A, %swap3A_1070] : memref<2048x128xf32, #tpu.memory_space<vmem>>, vector<2048x128xf32>
    tpu.vector_store %arg3[%swap3A, %swap3A_1070], %concatenate3A_1069 {strides = array<i32>} : memref<2048x128xf32, #tpu.memory_space<vmem>>, vector<2048x128xf32>,
    return
  }
  func.func @transform_0(%arg0: i32) -> (i32, i32) {
    %c0_i32 = arith.constant 0 : i32
    %c0_i32_0 = arith.constant 0 : i32
    return %arg0, %c0_i32 : i32, i32
  }
  func.func @transform_1(%arg0: i32) -> (i32, i32) {
    %c0_i32 = arith.constant 0 : i32
    %c0_i32_0 = arith.constant 0 : i32
    return %arg0, %c0_i32 : i32, i32
  }
  func.func @transform_2(%arg0: i32) -> (i32, i32) {
    %c0_i32 = arith.constant 0 : i32
    %c0_i32_0 = arith.constant 0 : i32
    return %arg0, %c0_i32 : i32, i32
  }
}

module attributes {stable_mosaic.version = 14 : i64} {
  func.func @_combine_body(%arg0: i32, %arg1: memref<4096x128xf32, #tpu.memory_space<vmem>>, %arg2: memref<2048x64xf32, #tpu.memory_space<vmem>>) attributes {dimension_semantics = [#tpu.dimension_semantics<arbitrary>], iteration_bounds = array<i64: 16>, scalar_prefetch = 0 : i64, scratch_operands = 0 : i64, tpu.core_type = #tpu.core_type<tc>, window_params = [{transform_indices = @transform_0, window_bounds = array<i64: 4096, 128>}, {transform_indices = @transform_1, window_bounds = array<i64: 2048, 64>}]} {
    %get3A = arith.constant 0 : index
    %get3A_0 = arith.constant 0 : index
    %get3A_1 = vector.load %arg1[%get3A, %get3A_0] : memref<4096x128xf32, #tpu.memory_space<vmem>>, vector<4096x128xf32>
    %slice3A = vector.extract_strided_slice %get3A_1 {offsets = [0, 0], sizes = [2048, 128], strides = [1, 1]} : vector<4096x128xf32> to vector<2048x128xf32>
    %slice3A_2 = vector.extract_strided_slice %get3A_1 {offsets = [2048, 0], sizes = [2048, 128], strides = [1, 1]} : vector<4096x128xf32> to vector<2048x128xf32>
    %slice3A_3 = vector.extract_strided_slice %slice3A {offsets = [0, 0], sizes = [2048, 64], strides = [1, 1]} : vector<2048x128xf32> to vector<2048x64xf32>
    %slice3A_4 = vector.extract_strided_slice %slice3A {offsets = [0, 64], sizes = [2048, 1], strides = [1, 1]} : vector<2048x128xf32> to vector<2048x1xf32>
    %slice3A_5 = vector.extract_strided_slice %slice3A {offsets = [0, 65], sizes = [2048, 1], strides = [1, 1]} : vector<2048x128xf32> to vector<2048x1xf32>
    %slice3A_6 = vector.extract_strided_slice %slice3A_2 {offsets = [0, 0], sizes = [2048, 64], strides = [1, 1]} : vector<2048x128xf32> to vector<2048x64xf32>
    %slice3A_7 = vector.extract_strided_slice %slice3A_2 {offsets = [0, 64], sizes = [2048, 1], strides = [1, 1]} : vector<2048x128xf32> to vector<2048x1xf32>
    %slice3A_8 = vector.extract_strided_slice %slice3A_2 {offsets = [0, 65], sizes = [2048, 1], strides = [1, 1]} : vector<2048x128xf32> to vector<2048x1xf32>
    %max3A = arith.maximumf %slice3A_4, %slice3A_7 : vector<2048x1xf32>
    %sub3A = arith.subf %slice3A_4, %max3A : vector<2048x1xf32>
    %exp3A = math.exp %sub3A : vector<2048x1xf32>
    %sub3A_9 = arith.subf %slice3A_7, %max3A : vector<2048x1xf32>
    %exp3A_10 = math.exp %sub3A_9 : vector<2048x1xf32>
    %mul3A = arith.mulf %slice3A_5, %exp3A : vector<2048x1xf32>
    %mul3A_11 = arith.mulf %slice3A_8, %exp3A_10 : vector<2048x1xf32>
    %add3A = arith.addf %mul3A, %mul3A_11 : vector<2048x1xf32>
    %mul3A_12 = vector.broadcast %exp3A : vector<2048x1xf32> to vector<2048x64xf32>
    %mul3A_13 = arith.mulf %slice3A_3, %mul3A_12 : vector<2048x64xf32>
    %mul3A_14 = vector.broadcast %exp3A_10 : vector<2048x1xf32> to vector<2048x64xf32>
    %mul3A_15 = arith.mulf %slice3A_6, %mul3A_14 : vector<2048x64xf32>
    %add3A_16 = arith.addf %mul3A_13, %mul3A_15 : vector<2048x64xf32>
    %div3A = vector.broadcast %add3A : vector<2048x1xf32> to vector<2048x64xf32>
    %div3A_17 = arith.divf %add3A_16, %div3A : vector<2048x64xf32>
    %swap3A = arith.constant 0 : index
    %swap3A_18 = arith.constant 0 : index
    %swap3A_19 = vector.load %arg2[%swap3A, %swap3A_18] : memref<2048x64xf32, #tpu.memory_space<vmem>>, vector<2048x64xf32>
    tpu.vector_store %arg2[%swap3A, %swap3A_18], %div3A_17 {strides = array<i32>} : memref<2048x64xf32, #tpu.memory_space<vmem>>, vector<2048x64xf32>,
    return
  }
  func.func @transform_0(%arg0: i32) -> (i32, i32) {
    %c0_i32 = arith.constant 0 : i32
    %c0_i32_0 = arith.constant 0 : i32
    return %arg0, %c0_i32 : i32, i32
  }
  func.func @transform_1(%arg0: i32) -> (i32, i32) {
    %c0_i32 = arith.constant 0 : i32
    %c0_i32_0 = arith.constant 0 : i32
    return %arg0, %c0_i32 : i32, i32
  }
}

</mosaic_0001>

<sc_bundles>
// kernel: kernel.10.cloned.1.call-start
scs
__scs_entry_jumppad:
0x0: {  	(pc) =	sbr.rel $0x88, $3  }
0x1: {  	(tag) =	ssettag $0x0;
	lr =	simm.s32 $0x1  }
0x2: {  	[smem:$0x3F9E] =	sst lr;
	_ =	strace $0xD0000000  }
0x3: {  	_ = 	snop  }
0x4: {  	_ = 	snop  }
0x5: {  	_ = 	snop  }
0x6: {  	_ = 	snop  }
0x7: {  	_ = 	snop  }
__scs_overlays_trampoline_lowered:
0x8: {  	[smem:$0x3FAD] =	sst s0  }
0x9: {  	[smem:$0x3FAE] =	sst s1  }
0xa: {  	[smem:$0x3FAF] =	sst s2  }
0xb: {  	[smem:$0x3FB0] =	sst s3  }
0xc: {  	[smem:$0x3FB1] =	sst s4  }
0xd: {  	[smem:$0x3FB2] =	sst s5  }
0xe: {  	[smem:$0x3FB3] =	sst s6  }
0xf: {  	[smem:$0x3FB4] =	sst s7  }
0x10: {  	[smem:$0x3FB5] =	sst s8  }
0x11: {  	[smem:$0x3FB6] =	sst s9;
	s0 =	simm.s32 @!p0 $0x0  }
0x12: {  	s1 =	sld [smem:$0x3F9C];
	s0 =	simm.s32 @p0 $0x1  }
0x13: {  	[smem:$0x3FB7] =	sst s0;
	s0 =	simm.s32 @!p1 $0x0  }
0x14: {  	s2 =	sld [smem:$0x3F9B];
	s0 =	simm.s32 @p1 $0x1  }
0x15: {  	[smem:$0x3FB8] =	sst s0;
	s0 =	simm.s32 @!p2 $0x0  }
0x16: {  	s3 =	sld [smem:$0x3FDB];
	s0 =	simm.s32 @p2 $0x1  }
0x17: {  	s4 =	simm.s32 $0x1BF5;
	[smem:$0x3FBA] =	sst s0  }
0x18: {  	s0 =	sld [smem:$0x3F9D];
	_ =	swait.ge [sflag:s4], $0x0  }
0x19: {  	s7 =	sld [smem:$0x3F9E]  }
0x1a: {  	s8 =	sadd.s32 $0xFFFFE003, lr  }
0x1b: {  	s9 =	sadd.s32 $0xFFFFFEF7, lr;
	s5 =	simm.s32 $0xFFFFFFFF;
	p2 =	slt.u32 s8, $0xFFFFF086  }
0x1c: {  	p1 =	slt.u32 s9, $0xF7A;
	s5 =	simm.s32 @!p2 $0x0  }
0x1d: {  	s5 =	simm.s32 @p1 $0x1;
	p0 =	seq.s32 s7, s2  }
0x1e: {  	s7 =	smul.u32 @!p0 $0xF7A, s2;
	p2 =	seq.s32 @!p0 s5, $0x0  }
0x1f: {  	s9 =	smul.u32 $0xF7A, s1;
	s8 =	simm.s32 @!p0 $0x1BF5;
	p2 =	por !p2, p0  }
0x20: {  	[sflag:s8] =	ssyncset.s32 @!p0 $0xFFFFF086;
	s6 =	sadd.s32 @!p0 s3, s7;
	s7 =	simm.s32 @!p0 $0x108  }
0x21: {  	s3 =	sadd.s32 s3, s9;
	s6 =	sadd.s32 @!p0 $0x88, s6;
	s7 =	simm.s32 @p2 $0x1082  }
0x22: {  	[simem:s7], [sflag:s8] =	dma.local @!p0 [hbm:s6], $0xF7A  }
0x23: {  	s9 =	sor.u32 $0xD0000000, s2;
	s6 =	simm.s32 $0x108;
	_ =	swait.ge @!p0 [sflag:s8], $0x0  }
0x24: {  	s3 =	sadd.s32 $0x88, s3;
	s6 =	simm.s32 @!p1 $0x1082;
	[sflag:s4] =	ssyncset.s32 $0xFFFFF086  }
0x25: {  	[simem:s6], [sflag:s4] =	dma.local [hbm:s3], $0xF7A  }
0x26: {  	[smem:$0x3F9E] =	sst s1;
	(tag) =	ssettag s2;
	_ =	strace s9  }
0x27: {  	s1 =	sld [smem:$0x3FAE]  }
0x28: {  	s2 =	sld [smem:$0x3FAF]  }
0x29: {  	s4 =	sld [smem:$0x3FB1]  }
0x2a: {  	p0 =	seq.s32 s5, $0x0;
	s5 =	sld [smem:$0x3FB2]  }
0x2b: {  	s6 =	sld [smem:$0x3FB3]  }
0x2c: {  	s7 =	sld [smem:$0x3FB4]  }
0x2d: {  	s3 =	simm.s32 $0x108;
	s8 =	sld [smem:$0x3FB5]  }
0x2e: {  	s3 =	simm.s32 @!p0 $0x1082;
	s9 =	sld [smem:$0x3FB6]  }
0x2f: {  	lr =	sadd.s32 s0, s3;
	s0 =	sld [smem:$0x3FAD]  }
0x30: {  	s3 =	sld [smem:$0x3FB0]  }
0x31: {  	[smem:$0x3FB9] =	sst s10  }
0x32: {  	s10 =	sld [smem:$0x3FB7];
	_ =	sdelay $0x3  }
0x33: {  	p0 =	seq.s32 s10, $0x1;
	s10 =	sld [smem:$0x3FB9];
	_ =	sdelay $0x3  }
0x34: {  	[smem:$0x3FB9] =	sst s10  }
0x35: {  	s10 =	sld [smem:$0x3FB8];
	_ =	sdelay $0x3  }
0x36: {  	p1 =	seq.s32 s10, $0x1;
	s10 =	sld [smem:$0x3FB9];
	_ =	sdelay $0x3  }
0x37: {  	[smem:$0x3FB9] =	sst s10  }
0x38: {  	s10 =	sld [smem:$0x3FBA]  }
0x39: {  	_ = 	snop;
	(pc) =	sbr.ind lr, $3  }
0x3a: {  	_ = 	snop  }
0x3b: {  	_ = 	snop  }
0x3c: {  	p2 =	seq.s32 s10, $0x1;
	s10 =	sld [smem:$0x3FB9]  }
0x3d: {  	_ =	shalt  }
0x3e: {  	_ =	shalt  }
0x3f: {  	_ =	shalt  }
0x40: {  	_ =	shalt  }
0x41: {  	_ =	shalt  }
0x42: {  	_ =	shalt  }
0x43: {  	_ =	shalt  }
0x44: {  	_ =	shalt  }
0x45: {  	_ =	shalt  }
0x46: {  	_ =	shalt  }
0x47: {  	_ =	shalt  }
0x48: {  	_ =	shalt  }
0x49: {  	_ =	shalt  }
0x4a: {  	_ =	shalt  }
0x4b: {  	_ =	shalt  }
0x4c: {  	_ =	shalt  }
0x4d: {  	_ =	shalt  }
0x4e: {  	_ =	shalt  }
0x4f: {  	_ =	shalt  }
0x50: {  	_ =	shalt  }
0x51: {  	_ =	shalt  }
0x52: {  	_ =	shalt  }
0x53: {  	_ =	shalt  }
0x54: {  	_ =	shalt  }
0x55: {  	_ =	shalt  }
0x56: {  	_ =	shalt  }
0x57: {  	_ =	shalt  }
0x58: {  	_ =	shalt  }
0x59: {  	_ =	shalt  }
0x5a: {  	_ =	shalt  }
0x5b: {  	_ =	shalt  }
0x5c: {  	_ =	shalt  }
0x5d: {  	_ =	shalt  }
0x5e: {  	_ =	shalt  }
0x5f: {  	_ =	shalt  }
0x60: {  	_ =	shalt  }
0x61: {  	_ =	shalt  }
0x62: {  	_ =	shalt  }
0x63: {  	_ =	shalt  }
0x64: {  	_ =	shalt  }
0x65: {  	_ =	shalt  }
0x66: {  	_ =	shalt  }
0x67: {  	_ =	shalt  }
0x68: {  	_ =	shalt  }
0x69: {  	_ =	shalt  }
0x6a: {  	_ =	shalt  }
0x6b: {  	_ =	shalt  }
0x6c: {  	_ =	shalt  }
0x6d: {  	_ =	shalt  }
0x6e: {  	_ =	shalt  }
0x6f: {  	_ =	shalt  }
0x70: {  	_ =	shalt  }
0x71: {  	_ =	shalt  }
0x72: {  	_ =	shalt  }
0x73: {  	_ =	shalt  }
0x74: {  	_ =	shalt  }
0x75: {  	_ =	shalt  }
0x76: {  	_ =	shalt  }
0x77: {  	_ =	shalt  }
0x78: {  	_ =	shalt  }
0x79: {  	_ =	shalt  }
0x7a: {  	_ =	shalt  }
0x7b: {  	_ =	shalt  }
0x7c: {  	_ =	shalt  }
0x7d: {  	_ =	shalt  }
0x7e: {  	_ =	shalt  }
0x7f: {  	_ =	shalt  }
0x80: {  	_ =	shalt  }
0x81: {  	_ =	shalt  }
0x82: {  	_ =	shalt  }
0x83: {  	_ =	shalt  }
0x84: {  	_ =	shalt  }
0x85: {  	_ =	shalt  }
0x86: {  	_ =	shalt  }
0x87: {  	_ =	shalt  }
.Lfunc_end0:
.L_simem_size_0:
called_computation.1_lowered:
.L_overlay_start_0:
0x88: {  	s2 =	sld [smem:$0x3FD9]  }
0x89: {  	s3 =	sld [smem:$0x3FFE];
	_ =	sdelay $0x1  }
0x8a: {  	s1 =	srdreg.scid  }
0x8b: {  	s0 =	sand.u32 $0x1, s1  }
0x8c: {  	s17 =	sshll.u32 s0, $0xA;
	s2 =	sadd.s32 s3, s2  }
0x8d: {  	s2 =	sadd.s32 s2, s17  }
0x8e: {  	[smem:$0x3FC5] =	sst s2  }
0x8f: {  	_ = 	snop  }
0x90: {  	s2 =	sld [smem:$0x3FD0];
	(tm) =	ssettm $0x1  }
0x91: {  	s18 =	sld [smem:$0x3FFB];
	_ =	sdelay $0x3  }
0x92: {  	_ =	strace s18  }
0x93: {  	s3 =	sld [smem:$0x3FFC];
	_ =	sdelay $0x3  }
0x94: {  	_ =	strace s3  }
0x95: {  	s3 =	sld [smem:$0x3FFD];
	_ =	sdelay $0x3  }
0x96: {  	_ =	strace s3  }
0x97: {  	_ =	strace $0x8FFFFFFF  }
0x98: {  	s19 =	sld [smem:$0x3FDB];
	_ =	sdelay $0x1  }
0x99: {  	s4 =	simm.s32 $_scs_section_size  }
0x9a: {  	s5 =	simm.s32 $_size__tile_overlayer_lowered;
	s6 =	simm.s32 $_tile_overlayer_lowered  }
0x9b: {  	s22 =	simm.s32 $0x1BFF;
	s21 =	sshll.u32 s6, $0x1;
	s3 =	sadd.s32 s4, s19  }
0x9c: {  	s7 =	simm.s32 $0x0;
	s20 =	sshll.u32 s5, $0x1;
	s5 =	sadd.s32 s21, s3  }
0x9d: {  	[timem:s7], [sflag:s22] =	dma.local [hbm:s5], s20  }
0x9e: {  	_ =	swait.ge [sflag:s22], s20  }
0x9f: {  	s4 =	ssub.s32 $0x0, s20;
	[sflag:s22] =	ssyncset.done $0x0  }
0xa0: {  	[sflag:s22] =	ssyncadd.s32 s4;
	_ =	sdelay $0x1  }
0xa1: {  	s23 =	simm.s32 $0x1B8B  }
0xa2: {  	_ =	swait.ge [sflag:s23], $0x1  }
0xa3: {  	[sflag:s23] =	ssyncset.done $0x0  }
0xa4: {  	s25 =	simm.s32 $0x1B8E;
	s24 =	sld [smem:$0x3FFE];
	[sflag:s23] =	ssyncadd.s32 $0xFFFFFFFF  }
0xa5: {  	s26 =	simm.s32 $execute0_lowered;
	[smem:$0x3FD2] =	sst s25  }
0xa6: {  	s5 =	sshll.u32 s26, $0x1;
	_ =	strace $0x80000049;
	[dreg:$0x1] =	wrdreg $0xFFFFFFFF  }
0xa7: {  	s28 =	simm.s32 $_size_execute0_lowered;
	s3 =	sadd.s32 s3, s5;
	[dreg:$0x0] =	wrdreg $0x0  }
0xa8: {  	s5 =	sshll.u32 s28, $0x1;
	[dreg:$0x2] =	wrdreg s3  }
0xa9: {  	[dreg:$0x3] =	wrdreg s5  }
0xaa: {  	[dreg:$0x4] =	wrdreg $0xC0  }
0xab: {  	_ =	task [dreg:s7], $0x5FFFF  }
0xac: {  	[dreg:$0x1] =	wrdreg $0xFFFFFFFF  }
0xad: {  	[dreg:$0x0] =	wrdreg $0x60  }
0xae: {  	[dreg:$0x2] =	wrdreg s24  }
0xaf: {  	[dreg:$0x3] =	wrdreg s2  }
0xb0: {  	[dreg:$0x4] =	wrdreg $0x9  }
0xb1: {  	_ =	task.clear_ibuf [dreg:s7], $0x5FFFF;
	_ =	strace $0x90000049  }
0xb2: {  	s29 =	simm.s32 $0x9;
	_ =	strace $0x8000004B  }
0xb3: {  	_ =	swait.ge [sflag:s29], $0x1  }
0xb4: {  	[sflag:s29] =	ssyncadd.s32 $0xFFFFFFFF  }
0xb5: {  	_ =	strace $0x9000004B  }
0xb6: {  	_ =	sfence  }
0xb7: {  	s30 =	sld [smem:$0x0];
	_ =	sdelay $0x2  }
0xb8: {  	s31 =	sshll.u32 s1, $0xD;
	s1 =	sshrl.u32 s1, $0x2  }
0xb9: {  	s3 =	sand.u32 $0x4000, s31;
	s1 =	sadd.s32 s1, s30  }
0xba: {  	s0 =	sor.u32 s3, s0;
	s1 =	sshll.u32 s1, $0x11  }
0xbb: {  	s0 =	sor.u32 s1, s0  }
0xbc: {  	s0 =	sadd.s32 $0x8F2B, s0  }
0xbd: {  	[sflag:s0] =	ssyncadd.remote.s32 $0x1  }
0xbe: {  	_ =	sfence.sel $0xFFFF  }
0xbf: {  	[dreg:$0x0] =	wrdreg $0xFFFFFFFF;
	(pc) =	sbr.abs _section_cstart, $3  }
0xc0: {  	[dreg:$0x1] =	wrdreg $0xFFFFFFFF  }
0xc1: {  	_ =	task.clear_ibuf [dreg:s7], $0x2FFFF;
	_ =	strace $0x9FFFFFFF  }
0xc2: {  	(tm) =	ssettm $0x7FFFFFFF  }
0xc3: {  	_ =	shalt  }
tec
execute0_lowered:
.L_overlay_start_1:
0x0: {  	(tag) =	ssettag $0x1  }
0x1: {  	s1 =	srdreg.scid  }
0x2: {  	s0 =	stileid.u32;
	s1 =	sand.u32 $0x1, s1  }
0x3: {  	s4 =	rddreg [dreg:$0x0];
	s5 =	sshll.u32 s0, $0xC;
	s6 =	sshll.u32 s1, $0xB  }
0x4: {  	s3 =	rddreg [dreg:$0x1];
	s5 =	sor.u32 s6, s5  }
0x5: {  	s2 =	simm.s32 $0x0;
	s6 =	sshll.u32 s5, $0x4;
	s5 =	sshrl.u32 s5, $0x3  }
0x6: {  	[smem:$0x7FF] =	sst s2;
	s31 =	sadd.s32 s6, s4;
	s3 =	sadd.s32 s3, s5  }
0x7: {  	_ =	strace $0x8000004A;
	[dreg:$0x3] =	wrdreg s3;
	s18 =	sadd.s32 $0x400, s31  }
0x8: {  	s19 =	sadd.s32 $0xC00, s31;
	[dreg:$0x4] =	wrdreg s18  }
0x9: {  	s20 =	sadd.s32 $0x1400, s31;
	[dreg:$0x5] =	wrdreg s19  }
0xa: {  	s21 =	sadd.s32 $0x1C00, s31;
	[dreg:$0x6] =	wrdreg s20  }
0xb: {  	s22 =	sadd.s32 $0x2400, s31;
	[dreg:$0x7] =	wrdreg s21  }
0xc: {  	[dreg:$0x8] =	wrdreg s22  }
0xd: {  	s23 =	sadd.s32 $0x2C00, s31;
	s24 =	rddreg [dreg:$0x3]  }
0xe: {  	s25 =	sadd.s32 $0x3400, s31;
	[dreg:$0x9] =	wrdreg s23  }
0xf: {  	s3 =	simm.s32 $0x2;
	[dreg:$0xa] =	wrdreg s25  }
0x10: {  	[tilespmem:s2], [sflag:$0x2] =	stream.linear.gather [hbm4b:s24+s2], $0x800, $0x38;
	[tilespmem:$0x4800] =	vst v63  }
0x11: {  	_ =	swait.ge [sflag:s3], $0x800  }
0x12: {  	s7 =	simm.s32 $0x1;
	s4 =	sadd.s32 $0x182400, s4;
	[sflag:s3] =	ssyncset.done $0x0  }
0x13: {  	s5 =	simm.s32 $0x80;
	s6 =	simm.s32 $0x800;
	[sflag:s3] =	ssyncadd.s32 $0xFFFFF800  }
0x14: {  	[tilespmem:s6], [sflag:$0x1] =	stream.indirect.gather [hbm4b:s4+s5], $0x80, s2, s5, $0xb8;
	[tilespmem:$0x4800] =	vst v63  }
0x15: {  	_ =	swait.ge [sflag:s7], $0x4000  }
0x16: {  	[sflag:s7] =	ssyncset.done $0x0  }
0x17: {  	s8 =	rddreg [dreg:$0x4];
	[sflag:s7] =	ssyncadd.s32 $0xFFFFC000  }
0x18: {  	[hbm4b:s8+s2] =	stream.linear.scatter [tilespmem:s6], [sflag:$0x2], $0x4000, $0x38;
	[tilespmem:$0x4800] =	vst v63  }
0x19: {  	_ =	swait.ge [sflag:s3], $0x4000  }
0x1a: {  	[sflag:s3] =	ssyncset.done $0x0  }
0x1b: {  	[sflag:s3] =	ssyncadd.s32 $0xFFFFC000  }
0x1c: {  	[tilespmem:s6], [sflag:$0x1] =	stream.indirect.gather [hbm4b:s4+s5], $0x80, s5, s5, $0xb8;
	[tilespmem:$0x4800] =	vst v63  }
0x1d: {  	_ =	swait.ge [sflag:s7], $0x4000  }
0x1e: {  	[sflag:s7] =	ssyncset.done $0x0  }
0x1f: {  	s26 =	rddreg [dreg:$0x5];
	[sflag:s7] =	ssyncadd.s32 $0xFFFFC000  }
0x20: {  	[hbm4b:s26+s2] =	stream.linear.scatter [tilespmem:s6], [sflag:$0x2], $0x4000, $0x38;
	[tilespmem:$0x4800] =	vst v63  }
0x21: {  	_ =	swait.ge [sflag:s3], $0x4000  }
0x22: {  	[sflag:s3] =	ssyncset.done $0x0  }
0x23: {  	s8 =	simm.s32 $0x100;
	[sflag:s3] =	ssyncadd.s32 $0xFFFFC000  }
0x24: {  	[tilespmem:s6], [sflag:$0x1] =	stream.indirect.gather [hbm4b:s4+s5], $0x80, s8, s5, $0xb8;
	[tilespmem:$0x4800] =	vst v63  }
0x25: {  	_ =	swait.ge [sflag:s7], $0x4000  }
0x26: {  	[sflag:s7] =	ssyncset.done $0x0  }
0x27: {  	s9 =	rddreg [dreg:$0x6];
	[sflag:s7] =	ssyncadd.s32 $0xFFFFC000  }
0x28: {  	[hbm4b:s9+s2] =	stream.linear.scatter [tilespmem:s6], [sflag:$0x2], $0x4000, $0x38;
	[tilespmem:$0x4800] =	vst v63  }
0x29: {  	_ =	swait.ge [sflag:s3], $0x4000  }
0x2a: {  	[sflag:s3] =	ssyncset.done $0x0  }
0x2b: {  	s9 =	simm.s32 $0x180;
	[sflag:s3] =	ssyncadd.s32 $0xFFFFC000  }
0x2c: {  	[tilespmem:s6], [sflag:$0x1] =	stream.indirect.gather [hbm4b:s4+s5], $0x80, s9, s5, $0xb8;
	[tilespmem:$0x4800] =	vst v63  }
0x2d: {  	_ =	swait.ge [sflag:s7], $0x4000  }
0x2e: {  	[sflag:s7] =	ssyncset.done $0x0  }
0x2f: {  	s10 =	rddreg [dreg:$0x7];
	[sflag:s7] =	ssyncadd.s32 $0xFFFFC000  }
0x30: {  	[hbm4b:s10+s2] =	stream.linear.scatter [tilespmem:s6], [sflag:$0x2], $0x4000, $0x38;
	[tilespmem:$0x4800] =	vst v63  }
0x31: {  	_ =	swait.ge [sflag:s3], $0x4000  }
0x32: {  	[sflag:s3] =	ssyncset.done $0x0  }
0x33: {  	s10 =	simm.s32 $0x200;
	[sflag:s3] =	ssyncadd.s32 $0xFFFFC000  }
0x34: {  	[tilespmem:s6], [sflag:$0x1] =	stream.indirect.gather [hbm4b:s4+s5], $0x80, s10, s5, $0xb8;
	[tilespmem:$0x4800] =	vst v63  }
0x35: {  	_ =	swait.ge [sflag:s7], $0x4000  }
0x36: {  	[sflag:s7] =	ssyncset.done $0x0  }
0x37: {  	s11 =	rddreg [dreg:$0x8];
	[sflag:s7] =	ssyncadd.s32 $0xFFFFC000  }
0x38: {  	[hbm4b:s11+s2] =	stream.linear.scatter [tilespmem:s6], [sflag:$0x2], $0x4000, $0x38;
	[tilespmem:$0x4800] =	vst v63  }
0x39: {  	_ =	swait.ge [sflag:s3], $0x4000  }
0x3a: {  	[sflag:s3] =	ssyncset.done $0x0  }
0x3b: {  	s11 =	simm.s32 $0x280;
	[sflag:s3] =	ssyncadd.s32 $0xFFFFC000  }
0x3c: {  	[tilespmem:s6], [sflag:$0x1] =	stream.indirect.gather [hbm4b:s4+s5], $0x80, s11, s5, $0xb8;
	[tilespmem:$0x4800] =	vst v63  }
0x3d: {  	_ =	swait.ge [sflag:s7], $0x4000  }
0x3e: {  	[sflag:s7] =	ssyncset.done $0x0  }
0x3f: {  	s12 =	rddreg [dreg:$0x9];
	[sflag:s7] =	ssyncadd.s32 $0xFFFFC000  }
0x40: {  	[hbm4b:s12+s2] =	stream.linear.scatter [tilespmem:s6], [sflag:$0x2], $0x4000, $0x38;
	[tilespmem:$0x4800] =	vst v63  }
0x41: {  	_ =	swait.ge [sflag:s3], $0x4000  }
0x42: {  	[sflag:s3] =	ssyncset.done $0x0  }
0x43: {  	s12 =	simm.s32 $0x300;
	[sflag:s3] =	ssyncadd.s32 $0xFFFFC000  }
0x44: {  	[tilespmem:s6], [sflag:$0x1] =	stream.indirect.gather [hbm4b:s4+s5], $0x80, s12, s5, $0xb8;
	[tilespmem:$0x4800] =	vst v63  }
0x45: {  	_ =	swait.ge [sflag:s7], $0x4000  }
0x46: {  	[sflag:s7] =	ssyncset.done $0x0  }
0x47: {  	s13 =	rddreg [dreg:$0xa];
	[sflag:s7] =	ssyncadd.s32 $0xFFFFC000  }
0x48: {  	[hbm4b:s13+s2] =	stream.linear.scatter [tilespmem:s6], [sflag:$0x2], $0x4000, $0x38;
	[tilespmem:$0x4800] =	vst v63  }
0x49: {  	_ =	swait.ge [sflag:s3], $0x4000  }
0x4a: {  	[sflag:s3] =	ssyncset.done $0x0  }
0x4b: {  	s13 =	simm.s32 $0x380;
	[sflag:s3] =	ssyncadd.s32 $0xFFFFC000  }
0x4c: {  	[tilespmem:s6], [sflag:$0x1] =	stream.indirect.gather [hbm4b:s4+s5], $0x80, s13, s5, $0xb8;
	[tilespmem:$0x4800] =	vst v63  }
0x4d: {  	_ =	swait.ge [sflag:s7], $0x4000  }
0x4e: {  	[sflag:s7] =	ssyncset.done $0x0  }
0x4f: {  	s14 =	sadd.s32 $0x3C00, s31;
	[sflag:s7] =	ssyncadd.s32 $0xFFFFC000  }
0x50: {  	[hbm4b:s14+s2] =	stream.linear.scatter [tilespmem:s6], [sflag:$0x2], $0x4000, $0x38;
	[tilespmem:$0x4800] =	vst v63  }
0x51: {  	_ =	swait.ge [sflag:s3], $0x4000  }
0x52: {  	[sflag:s3] =	ssyncset.done $0x0  }
0x53: {  	s15 =	simm.s32 $0x400;
	[sflag:s3] =	ssyncadd.s32 $0xFFFFC000  }
0x54: {  	[tilespmem:s6], [sflag:$0x1] =	stream.indirect.gather [hbm4b:s4+s5], $0x80, s15, s5, $0xb8;
	[tilespmem:$0x4800] =	vst v63  }
0x55: {  	_ =	swait.ge [sflag:s7], $0x4000  }
0x56: {  	[sflag:s7] =	ssyncset.done $0x0  }
0x57: {  	s16 =	sadd.s32 $0x4400, s31;
	[sflag:s7] =	ssyncadd.s32 $0xFFFFC000  }
0x58: {  	[hbm4b:s16+s2] =	stream.linear.scatter [tilespmem:s6], [sflag:$0x2], $0x4000, $0x38;
	[tilespmem:$0x4800] =	vst v63  }
0x59: {  	_ =	swait.ge [sflag:s3], $0x4000  }
0x5a: {  	[sflag:s3] =	ssyncset.done $0x0  }
0x5b: {  	s17 =	simm.s32 $0x480;
	[sflag:s3] =	ssyncadd.s32 $0xFFFFC000  }
0x5c: {  	[tilespmem:s6], [sflag:$0x1] =	stream.indirect.gather [hbm4b:s4+s5], $0x80, s17, s5, $0xb8;
	[tilespmem:$0x4800] =	vst v63  }
0x5d: {  	_ =	swait.ge [sflag:s7], $0x4000  }
0x5e: {  	[sflag:s7] =	ssyncset.done $0x0  }
0x5f: {  	s18 =	sadd.s32 $0x4C00, s31;
	[sflag:s7] =	ssyncadd.s32 $0xFFFFC000  }
0x60: {  	[hbm4b:s18+s2] =	stream.linear.scatter [tilespmem:s6], [sflag:$0x2], $0x4000, $0x38;
	[tilespmem:$0x4800] =	vst v63  }
0x61: {  	_ =	swait.ge [sflag:s3], $0x4000  }
0x62: {  	[sflag:s3] =	ssyncset.done $0x0  }
0x63: {  	s19 =	simm.s32 $0x500;
	[sflag:s3] =	ssyncadd.s32 $0xFFFFC000  }
0x64: {  	[tilespmem:s6], [sflag:$0x1] =	stream.indirect.gather [hbm4b:s4+s5], $0x80, s19, s5, $0xb8;
	[tilespmem:$0x4800] =	vst v63  }
0x65: {  	_ =	swait.ge [sflag:s7], $0x4000  }
0x66: {  	[sflag:s7] =	ssyncset.done $0x0  }
0x67: {  	s20 =	sadd.s32 $0x5400, s31;
	[sflag:s7] =	ssyncadd.s32 $0xFFFFC000  }
0x68: {  	[hbm4b:s20+s2] =	stream.linear.scatter [tilespmem:s6], [sflag:$0x2], $0x4000, $0x38;
	[tilespmem:$0x4800] =	vst v63  }
0x69: {  	_ =	swait.ge [sflag:s3], $0x4000  }
0x6a: {  	[sflag:s3] =	ssyncset.done $0x0  }
0x6b: {  	s21 =	simm.s32 $0x580;
	[sflag:s3] =	ssyncadd.s32 $0xFFFFC000  }
0x6c: {  	[tilespmem:s6], [sflag:$0x1] =	stream.indirect.gather [hbm4b:s4+s5], $0x80, s21, s5, $0xb8;
	[tilespmem:$0x4800] =	vst v63  }
0x6d: {  	_ =	swait.ge [sflag:s7], $0x4000  }
0x6e: {  	[sflag:s7] =	ssyncset.done $0x0  }
0x6f: {  	s22 =	sadd.s32 $0x5C00, s31;
	[sflag:s7] =	ssyncadd.s32 $0xFFFFC000  }
0x70: {  	[hbm4b:s22+s2] =	stream.linear.scatter [tilespmem:s6], [sflag:$0x2], $0x4000, $0x38;
	[tilespmem:$0x4800] =	vst v63  }
0x71: {  	_ =	swait.ge [sflag:s3], $0x4000  }
0x72: {  	[sflag:s3] =	ssyncset.done $0x0  }
0x73: {  	s23 =	simm.s32 $0x600;
	[sflag:s3] =	ssyncadd.s32 $0xFFFFC000  }
0x74: {  	[tilespmem:s6], [sflag:$0x1] =	stream.indirect.gather [hbm4b:s4+s5], $0x80, s23, s5, $0xb8;
	[tilespmem:$0x4800] =	vst v63  }
0x75: {  	_ =	swait.ge [sflag:s7], $0x4000  }
0x76: {  	[sflag:s7] =	ssyncset.done $0x0  }
0x77: {  	s24 =	sadd.s32 $0x6400, s31;
	[sflag:s7] =	ssyncadd.s32 $0xFFFFC000  }
0x78: {  	[hbm4b:s24+s2] =	stream.linear.scatter [tilespmem:s6], [sflag:$0x2], $0x4000, $0x38;
	[tilespmem:$0x4800] =	vst v63  }
0x79: {  	_ =	swait.ge [sflag:s3], $0x4000  }
0x7a: {  	[sflag:s3] =	ssyncset.done $0x0  }
0x7b: {  	s25 =	simm.s32 $0x680;
	[sflag:s3] =	ssyncadd.s32 $0xFFFFC000  }
0x7c: {  	[tilespmem:s6], [sflag:$0x1] =	stream.indirect.gather [hbm4b:s4+s5], $0x80, s25, s5, $0xb8;
	[tilespmem:$0x4800] =	vst v63  }
0x7d: {  	_ =	swait.ge [sflag:s7], $0x4000  }
0x7e: {  	[sflag:s7] =	ssyncset.done $0x0  }
0x7f: {  	s26 =	sadd.s32 $0x6C00, s31;
	[sflag:s7] =	ssyncadd.s32 $0xFFFFC000  }
0x80: {  	[hbm4b:s26+s2] =	stream.linear.scatter [tilespmem:s6], [sflag:$0x2], $0x4000, $0x38;
	[tilespmem:$0x4800] =	vst v63  }
0x81: {  	_ =	swait.ge [sflag:s3], $0x4000  }
0x82: {  	[sflag:s3] =	ssyncset.done $0x0  }
0x83: {  	s28 =	simm.s32 $0x700;
	[sflag:s3] =	ssyncadd.s32 $0xFFFFC000  }
0x84: {  	[tilespmem:s6], [sflag:$0x1] =	stream.indirect.gather [hbm4b:s4+s5], $0x80, s28, s5, $0xb8;
	[tilespmem:$0x4800] =	vst v63  }
0x85: {  	_ =	swait.ge [sflag:s7], $0x4000  }
0x86: {  	s1 =	ssub.s32 $0x2, s1;
	[sflag:s7] =	ssyncset.done $0x0  }
0x87: {  	s0 =	sshrl.u32 s1, $0x1;
	s29 =	sadd.s32 $0x7400, s31;
	[sflag:s7] =	ssyncadd.s32 $0xFFFFC000  }
0x88: {  	[hbm4b:s29+s2] =	stream.linear.scatter [tilespmem:s6], [sflag:$0x2], $0x4000, $0x38;
	[tilespmem:$0x4800] =	vst v63  }
0x89: {  	s0 =	ssub.s32 s1, s0;
	_ =	swait.ge [sflag:s3], $0x4000  }
0x8a: {  	s0 =	smax.u32 s0, $0x1;
	[sflag:s3] =	ssyncset.done $0x0  }
0x8b: {  	s30 =	simm.s32 $0x780;
	p0 =	sne.s32 s0, $0x1;
	[sflag:s3] =	ssyncadd.s32 $0xFFFFC000  }
0x8c: {  	[tilespmem:s6], [sflag:$0x1] =	stream.indirect.gather [hbm4b:s4+s5], $0x80, s30, s5, $0xb8;
	[tilespmem:$0x4800] =	vst v63  }
.Ltmp0:
0x8d: {  	_ =	swait.ge [sflag:s7], $0x4000;
	(pc) =	sbr.rel @!p0 .LBB2_2-.Ltmp0, $4  }
0x8e: {  	[sflag:s7] =	ssyncset.done $0x0  }
0x8f: {  	s31 =	sadd.s32 $0x7C00, s31;
	[sflag:s7] =	ssyncadd.s32 $0xFFFFC000  }
0x90: {  	[hbm4b:s31+s2] =	stream.linear.scatter [tilespmem:s6], [sflag:$0x2], $0x4000, $0x38;
	[tilespmem:$0x4800] =	vst v63  }
0x91: {  	s1 =	sadd.s32 $0xFFFFFFFF, s0;
	_ =	swait.ge [sflag:s3], $0x4000  }
.LBB2_1:
0x92: {  	[sflag:s3] =	ssyncset.done $0x0  }
0x93: {  	s0 =	rddreg [dreg:$0x3];
	[sflag:s3] =	ssyncadd.s32 $0xFFFFC000  }
0x94: {  	[tilespmem:s2], [sflag:$0x2] =	stream.linear.gather [hbm4b:s0+s2], $0x800, $0x38;
	[tilespmem:$0x4800] =	vst v63  }
0x95: {  	_ =	swait.ge [sflag:s3], $0x800  }
0x96: {  	[sflag:s3] =	ssyncset.done $0x0  }
0x97: {  	[sflag:s3] =	ssyncadd.s32 $0xFFFFF800  }
0x98: {  	[tilespmem:s6], [sflag:$0x1] =	stream.indirect.gather [hbm4b:s4+s5], $0x80, s2, s5, $0xb8;
	[tilespmem:$0x4800] =	vst v63  }
0x99: {  	_ =	swait.ge [sflag:s7], $0x4000  }
0x9a: {  	[sflag:s7] =	ssyncset.done $0x0  }
0x9b: {  	s0 =	rddreg [dreg:$0x4];
	[sflag:s7] =	ssyncadd.s32 $0xFFFFC000  }
0x9c: {  	[hbm4b:s0+s2] =	stream.linear.scatter [tilespmem:s6], [sflag:$0x2], $0x4000, $0x38;
	[tilespmem:$0x4800] =	vst v63  }
0x9d: {  	_ =	swait.ge [sflag:s3], $0x4000  }
0x9e: {  	[sflag:s3] =	ssyncset.done $0x0  }
0x9f: {  	[sflag:s3] =	ssyncadd.s32 $0xFFFFC000  }
0xa0: {  	[tilespmem:s6], [sflag:$0x1] =	stream.indirect.gather [hbm4b:s4+s5], $0x80, s5, s5, $0xb8;
	[tilespmem:$0x4800] =	vst v63  }
0xa1: {  	_ =	swait.ge [sflag:s7], $0x4000  }
0xa2: {  	[sflag:s7] =	ssyncset.done $0x0  }
0xa3: {  	s0 =	rddreg [dreg:$0x5];
	[sflag:s7] =	ssyncadd.s32 $0xFFFFC000  }
0xa4: {  	[hbm4b:s0+s2] =	stream.linear.scatter [tilespmem:s6], [sflag:$0x2], $0x4000, $0x38;
	[tilespmem:$0x4800] =	vst v63  }
0xa5: {  	_ =	swait.ge [sflag:s3], $0x4000  }
0xa6: {  	[sflag:s3] =	ssyncset.done $0x0  }
0xa7: {  	[sflag:s3] =	ssyncadd.s32 $0xFFFFC000  }
0xa8: {  	[tilespmem:s6], [sflag:$0x1] =	stream.indirect.gather [hbm4b:s4+s5], $0x80, s8, s5, $0xb8;
	[tilespmem:$0x4800] =	vst v63  }
0xa9: {  	_ =	swait.ge [sflag:s7], $0x4000  }
0xaa: {  	[sflag:s7] =	ssyncset.done $0x0  }
0xab: {  	s0 =	rddreg [dreg:$0x6];
	[sflag:s7] =	ssyncadd.s32 $0xFFFFC000  }
0xac: {  	[hbm4b:s0+s2] =	stream.linear.scatter [tilespmem:s6], [sflag:$0x2], $0x4000, $0x38;
	[tilespmem:$0x4800] =	vst v63  }
0xad: {  	_ =	swait.ge [sflag:s3], $0x4000  }
0xae: {  	[sflag:s3] =	ssyncset.done $0x0  }
0xaf: {  	[sflag:s3] =	ssyncadd.s32 $0xFFFFC000  }
0xb0: {  	[tilespmem:s6], [sflag:$0x1] =	stream.indirect.gather [hbm4b:s4+s5], $0x80, s9, s5, $0xb8;
	[tilespmem:$0x4800] =	vst v63  }
0xb1: {  	_ =	swait.ge [sflag:s7], $0x4000  }
0xb2: {  	[sflag:s7] =	ssyncset.done $0x0  }
0xb3: {  	s0 =	rddreg [dreg:$0x7];
	[sflag:s7] =	ssyncadd.s32 $0xFFFFC000  }
0xb4: {  	[hbm4b:s0+s2] =	stream.linear.scatter [tilespmem:s6], [sflag:$0x2], $0x4000, $0x38;
	[tilespmem:$0x4800] =	vst v63  }
0xb5: {  	_ =	swait.ge [sflag:s3], $0x4000  }
0xb6: {  	[sflag:s3] =	ssyncset.done $0x0  }
0xb7: {  	[sflag:s3] =	ssyncadd.s32 $0xFFFFC000  }
0xb8: {  	[tilespmem:s6], [sflag:$0x1] =	stream.indirect.gather [hbm4b:s4+s5], $0x80, s10, s5, $0xb8;
	[tilespmem:$0x4800] =	vst v63  }
0xb9: {  	_ =	swait.ge [sflag:s7], $0x4000  }
0xba: {  	[sflag:s7] =	ssyncset.done $0x0  }
0xbb: {  	s0 =	rddreg [dreg:$0x8];
	[sflag:s7] =	ssyncadd.s32 $0xFFFFC000  }
0xbc: {  	[hbm4b:s0+s2] =	stream.linear.scatter [tilespmem:s6], [sflag:$0x2], $0x4000, $0x38;
	[tilespmem:$0x4800] =	vst v63  }
0xbd: {  	_ =	swait.ge [sflag:s3], $0x4000  }
0xbe: {  	[sflag:s3] =	ssyncset.done $0x0  }
0xbf: {  	[sflag:s3] =	ssyncadd.s32 $0xFFFFC000  }
0xc0: {  	[tilespmem:s6], [sflag:$0x1] =	stream.indirect.gather [hbm4b:s4+s5], $0x80, s11, s5, $0xb8;
	[tilespmem:$0x4800] =	vst v63  }
0xc1: {  	_ =	swait.ge [sflag:s7], $0x4000  }
0xc2: {  	[sflag:s7] =	ssyncset.done $0x0  }
0xc3: {  	s0 =	rddreg [dreg:$0x9];
	[sflag:s7] =	ssyncadd.s32 $0xFFFFC000  }
0xc4: {  	[hbm4b:s0+s2] =	stream.linear.scatter [tilespmem:s6], [sflag:$0x2], $0x4000, $0x38;
	[tilespmem:$0x4800] =	vst v63  }
0xc5: {  	_ =	swait.ge [sflag:s3], $0x4000  }
0xc6: {  	[sflag:s3] =	ssyncset.done $0x0  }
0xc7: {  	[sflag:s3] =	ssyncadd.s32 $0xFFFFC000  }
0xc8: {  	[tilespmem:s6], [sflag:$0x1] =	stream.indirect.gather [hbm4b:s4+s5], $0x80, s12, s5, $0xb8;
	[tilespmem:$0x4800] =	vst v63  }
0xc9: {  	_ =	swait.ge [sflag:s7], $0x4000  }
0xca: {  	[sflag:s7] =	ssyncset.done $0x0  }
0xcb: {  	s0 =	rddreg [dreg:$0xa];
	[sflag:s7] =	ssyncadd.s32 $0xFFFFC000  }
0xcc: {  	[hbm4b:s0+s2] =	stream.linear.scatter [tilespmem:s6], [sflag:$0x2], $0x4000, $0x38;
	[tilespmem:$0x4800] =	vst v63  }
0xcd: {  	_ =	swait.ge [sflag:s3], $0x4000  }
0xce: {  	[sflag:s3] =	ssyncset.done $0x0  }
0xcf: {  	[sflag:s3] =	ssyncadd.s32 $0xFFFFC000  }
0xd0: {  	[tilespmem:s6], [sflag:$0x1] =	stream.indirect.gather [hbm4b:s4+s5], $0x80, s13, s5, $0xb8;
	[tilespmem:$0x4800] =	vst v63  }
0xd1: {  	_ =	swait.ge [sflag:s7], $0x4000  }
0xd2: {  	[sflag:s7] =	ssyncset.done $0x0  }
0xd3: {  	[sflag:s7] =	ssyncadd.s32 $0xFFFFC000  }
0xd4: {  	[hbm4b:s14+s2] =	stream.linear.scatter [tilespmem:s6], [sflag:$0x2], $0x4000, $0x38;
	[tilespmem:$0x4800] =	vst v63  }
0xd5: {  	_ =	swait.ge [sflag:s3], $0x4000  }
0xd6: {  	[sflag:s3] =	ssyncset.done $0x0  }
0xd7: {  	[sflag:s3] =	ssyncadd.s32 $0xFFFFC000  }
0xd8: {  	[tilespmem:s6], [sflag:$0x1] =	stream.indirect.gather [hbm4b:s4+s5], $0x80, s15, s5, $0xb8;
	[tilespmem:$0x4800] =	vst v63  }
0xd9: {  	_ =	swait.ge [sflag:s7], $0x4000  }
0xda: {  	[sflag:s7] =	ssyncset.done $0x0  }
0xdb: {  	[sflag:s7] =	ssyncadd.s32 $0xFFFFC000  }
0xdc: {  	[hbm4b:s16+s2] =	stream.linear.scatter [tilespmem:s6], [sflag:$0x2], $0x4000, $0x38;
	[tilespmem:$0x4800] =	vst v63  }
0xdd: {  	_ =	swait.ge [sflag:s3], $0x4000  }
0xde: {  	[sflag:s3] =	ssyncset.done $0x0  }
0xdf: {  	[sflag:s3] =	ssyncadd.s32 $0xFFFFC000  }
0xe0: {  	[tilespmem:s6], [sflag:$0x1] =	stream.indirect.gather [hbm4b:s4+s5], $0x80, s17, s5, $0xb8;
	[tilespmem:$0x4800] =	vst v63  }
0xe1: {  	_ =	swait.ge [sflag:s7], $0x4000  }
0xe2: {  	[sflag:s7] =	ssyncset.done $0x0  }
0xe3: {  	[sflag:s7] =	ssyncadd.s32 $0xFFFFC000  }
0xe4: {  	[hbm4b:s18+s2] =	stream.linear.scatter [tilespmem:s6], [sflag:$0x2], $0x4000, $0x38;
	[tilespmem:$0x4800] =	vst v63  }
0xe5: {  	_ =	swait.ge [sflag:s3], $0x4000  }
0xe6: {  	[sflag:s3] =	ssyncset.done $0x0  }
0xe7: {  	[sflag:s3] =	ssyncadd.s32 $0xFFFFC000  }
0xe8: {  	[tilespmem:s6], [sflag:$0x1] =	stream.indirect.gather [hbm4b:s4+s5], $0x80, s19, s5, $0xb8;
	[tilespmem:$0x4800] =	vst v63  }
0xe9: {  	_ =	swait.ge [sflag:s7], $0x4000  }
0xea: {  	[sflag:s7] =	ssyncset.done $0x0  }
0xeb: {  	[sflag:s7] =	ssyncadd.s32 $0xFFFFC000  }
0xec: {  	[hbm4b:s20+s2] =	stream.linear.scatter [tilespmem:s6], [sflag:$0x2], $0x4000, $0x38;
	[tilespmem:$0x4800] =	vst v63  }
0xed: {  	_ =	swait.ge [sflag:s3], $0x4000  }
0xee: {  	[sflag:s3] =	ssyncset.done $0x0  }
0xef: {  	[sflag:s3] =	ssyncadd.s32 $0xFFFFC000  }
0xf0: {  	[tilespmem:s6], [sflag:$0x1] =	stream.indirect.gather [hbm4b:s4+s5], $0x80, s21, s5, $0xb8;
	[tilespmem:$0x4800] =	vst v63  }
0xf1: {  	_ =	swait.ge [sflag:s7], $0x4000  }
0xf2: {  	[sflag:s7] =	ssyncset.done $0x0  }
0xf3: {  	[sflag:s7] =	ssyncadd.s32 $0xFFFFC000  }
0xf4: {  	[hbm4b:s22+s2] =	stream.linear.scatter [tilespmem:s6], [sflag:$0x2], $0x4000, $0x38;
	[tilespmem:$0x4800] =	vst v63  }
0xf5: {  	_ =	swait.ge [sflag:s3], $0x4000  }
0xf6: {  	[sflag:s3] =	ssyncset.done $0x0  }
0xf7: {  	[sflag:s3] =	ssyncadd.s32 $0xFFFFC000  }
0xf8: {  	[tilespmem:s6], [sflag:$0x1] =	stream.indirect.gather [hbm4b:s4+s5], $0x80, s23, s5, $0xb8;
	[tilespmem:$0x4800] =	vst v63  }
0xf9: {  	_ =	swait.ge [sflag:s7], $0x4000  }
0xfa: {  	[sflag:s7] =	ssyncset.done $0x0  }
0xfb: {  	[sflag:s7] =	ssyncadd.s32 $0xFFFFC000  }
0xfc: {  	[hbm4b:s24+s2] =	stream.linear.scatter [tilespmem:s6], [sflag:$0x2], $0x4000, $0x38;
	[tilespmem:$0x4800] =	vst v63  }
0xfd: {  	_ =	swait.ge [sflag:s3], $0x4000  }
0xfe: {  	[sflag:s3] =	ssyncset.done $0x0  }
0xff: {  	[sflag:s3] =	ssyncadd.s32 $0xFFFFC000  }
0x100: {  	[tilespmem:s6], [sflag:$0x1] =	stream.indirect.gather [hbm4b:s4+s5], $0x80, s25, s5, $0xb8;
	[tilespmem:$0x4800] =	vst v63  }
0x101: {  	_ =	swait.ge [sflag:s7], $0x4000  }
0x102: {  	[sflag:s7] =	ssyncset.done $0x0  }
0x103: {  	[sflag:s7] =	ssyncadd.s32 $0xFFFFC000  }
0x104: {  	[hbm4b:s26+s2] =	stream.linear.scatter [tilespmem:s6], [sflag:$0x2], $0x4000, $0x38;
	[tilespmem:$0x4800] =	vst v63  }
0x105: {  	_ =	swait.ge [sflag:s3], $0x4000  }
0x106: {  	[sflag:s3] =	ssyncset.done $0x0  }
0x107: {  	[sflag:s3] =	ssyncadd.s32 $0xFFFFC000  }
0x108: {  	[tilespmem:s6], [sflag:$0x1] =	stream.indirect.gather [hbm4b:s4+s5], $0x80, s28, s5, $0xb8;
	[tilespmem:$0x4800] =	vst v63  }
0x109: {  	_ =	swait.ge [sflag:s7], $0x4000  }
0x10a: {  	[sflag:s7] =	ssyncset.done $0x0  }
0x10b: {  	[sflag:s7] =	ssyncadd.s32 $0xFFFFC000  }
0x10c: {  	[hbm4b:s29+s2] =	stream.linear.scatter [tilespmem:s6], [sflag:$0x2], $0x4000, $0x38;
	[tilespmem:$0x4800] =	vst v63  }
0x10d: {  	_ =	swait.ge [sflag:s3], $0x4000  }
0x10e: {  	[sflag:s3] =	ssyncset.done $0x0  }
0x10f: {  	p0 =	sne.s32 s1, $0x1;
	[sflag:s3] =	ssyncadd.s32 $0xFFFFC000  }
0x110: {  	[tilespmem:s6], [sflag:$0x1] =	stream.indirect.gather [hbm4b:s4+s5], $0x80, s30, s5, $0xb8;
	[tilespmem:$0x4800] =	vst v63  }
.Ltmp1:
0x111: {  	_ =	swait.ge [sflag:s7], $0x4000;
	(pc) =	sbr.rel @p0 .LBB2_1-.Ltmp1, $4  }
0x112: {  	[sflag:s7] =	ssyncset.done $0x0  }
0x113: {  	[sflag:s7] =	ssyncadd.s32 $0xFFFFC000  }
0x114: {  	[hbm4b:s31+s2] =	stream.linear.scatter [tilespmem:s6], [sflag:$0x2], $0x4000, $0x38;
	[tilespmem:$0x4800] =	vst v63  }
0x115: {  	s1 =	sadd.s32 $0xFFFFFFFF, s1;
	_ =	swait.ge [sflag:s3], $0x4000  }
.LBB2_2:
0x116: {  	[sflag:s3] =	ssyncset.done $0x0  }
0x117: {  	[sflag:s3] =	ssyncadd.s32 $0xFFFFC000  }
0x118: {  	_ =	sfence.sel $0x180000  }
0x119: {  	[bflag:$0x0] =	sbarrier.arrive $0xFFFF  }
0x11a: {  	_ =	strace $0x9000004A  }
0x11b: {  	s0 =	stileid.u32;
	[bflag:$0x2] =	sbarrier.arrive $0xFFFF  }
0x11c: {  	p0 =	sne.s32 s0, $0x0;
	s0 =	rddreg [dreg:$0x2]  }
0x11d: {  	s0 =	sadd.s32 @!p0 $0x100000, s0  }
0x11e: {  	[sflag:s0] =	ssyncadd.tile.s32 @!p0 $0x1;
	_ =	shalt  }
.Lfunc_end2:
_tile_overlayer_lowered:
.L_overlay_start_2:
0x11f: {  	(tag) =	ssettag $0x2  }
0x120: {  	s0 =	rddreg [dreg:$0x0];
	s2 =	stileid.u32  }
0x121: {  	s1 =	rddreg [dreg:$0x1];
	p0 =	sne.s32 s2, $0x0  }
0x122: {  	s3 =	rddreg [dreg:$0x2];
	[bflag:$0x3] =	sbarrier.arrive $0xFFFF;
	s2 =	simm.s32 @!p0 $0x1C02  }
0x123: {  	[timem:s3], [sflag:s2] =	dma.local @!p0 [hbm:s0], s1  }
0x124: {  	s0 =	simm.s32 @!p0 $0x2  }
0x125: {  	_ =	swait.ge @!p0 [sflag:s0], s1  }
0x126: {  	s1 =	ssub.s32 @!p0 $0x0, s1;
	[sflag:s0] =	ssyncset.done @!p0 $0x0  }
0x127: {  	[sflag:s0] =	ssyncadd.s32 @!p0 s1  }
0x128: {  	[bflag:$0x3] =	sbarrier.arrive $0xFFFF  }
0x129: {  	_ =	shalt  }

// kernel: kernel.7.cloned.1.call-start
scs
__scs_entry_jumppad:
0x0: {  	(pc) =	sbr.rel $0x88, $3  }
0x1: {  	(tag) =	ssettag $0x0;
	lr =	simm.s32 $0x1  }
0x2: {  	[smem:$0x3F9E] =	sst lr;
	_ =	strace $0xD0000000  }
0x3: {  	_ = 	snop  }
0x4: {  	_ = 	snop  }
0x5: {  	_ = 	snop  }
0x6: {  	_ = 	snop  }
0x7: {  	_ = 	snop  }
__scs_overlays_trampoline_lowered:
0x8: {  	[smem:$0x3FAD] =	sst s0  }
0x9: {  	[smem:$0x3FAE] =	sst s1  }
0xa: {  	[smem:$0x3FAF] =	sst s2  }
0xb: {  	[smem:$0x3FB0] =	sst s3  }
0xc: {  	[smem:$0x3FB1] =	sst s4  }
0xd: {  	[smem:$0x3FB2] =	sst s5  }
0xe: {  	[smem:$0x3FB3] =	sst s6  }
0xf: {  	[smem:$0x3FB4] =	sst s7  }
0x10: {  	[smem:$0x3FB5] =	sst s8  }
0x11: {  	[smem:$0x3FB6] =	sst s9;
	s0 =	simm.s32 @!p0 $0x0  }
0x12: {  	s1 =	sld [smem:$0x3F9C];
	s0 =	simm.s32 @p0 $0x1  }
0x13: {  	[smem:$0x3FB7] =	sst s0;
	s0 =	simm.s32 @!p1 $0x0  }
0x14: {  	s2 =	sld [smem:$0x3F9B];
	s0 =	simm.s32 @p1 $0x1  }
0x15: {  	[smem:$0x3FB8] =	sst s0;
	s0 =	simm.s32 @!p2 $0x0  }
0x16: {  	s3 =	sld [smem:$0x3FDB];
	s0 =	simm.s32 @p2 $0x1  }
0x17: {  	s4 =	simm.s32 $0x1BF5;
	[smem:$0x3FBA] =	sst s0  }
0x18: {  	s0 =	sld [smem:$0x3F9D];
	_ =	swait.ge [sflag:s4], $0x0  }
0x19: {  	s7 =	sld [smem:$0x3F9E]  }
0x1a: {  	s8 =	sadd.s32 $0xFFFFE003, lr  }
0x1b: {  	s9 =	sadd.s32 $0xFFFFFEF7, lr;
	s5 =	simm.s32 $0xFFFFFFFF;
	p2 =	slt.u32 s8, $0xFFFFF086  }
0x1c: {  	p1 =	slt.u32 s9, $0xF7A;
	s5 =	simm.s32 @!p2 $0x0  }
0x1d: {  	s5 =	simm.s32 @p1 $0x1;
	p0 =	seq.s32 s7, s2  }
0x1e: {  	s7 =	smul.u32 @!p0 $0xF7A, s2;
	p2 =	seq.s32 @!p0 s5, $0x0  }
0x1f: {  	s9 =	smul.u32 $0xF7A, s1;
	s8 =	simm.s32 @!p0 $0x1BF5;
	p2 =	por !p2, p0  }
0x20: {  	[sflag:s8] =	ssyncset.s32 @!p0 $0xFFFFF086;
	s6 =	sadd.s32 @!p0 s3, s7;
	s7 =	simm.s32 @!p0 $0x108  }
0x21: {  	s3 =	sadd.s32 s3, s9;
	s6 =	sadd.s32 @!p0 $0x88, s6;
	s7 =	simm.s32 @p2 $0x1082  }
0x22: {  	[simem:s7], [sflag:s8] =	dma.local @!p0 [hbm:s6], $0xF7A  }
0x23: {  	s9 =	sor.u32 $0xD0000000, s2;
	s6 =	simm.s32 $0x108;
	_ =	swait.ge @!p0 [sflag:s8], $0x0  }
0x24: {  	s3 =	sadd.s32 $0x88, s3;
	s6 =	simm.s32 @!p1 $0x1082;
	[sflag:s4] =	ssyncset.s32 $0xFFFFF086  }
0x25: {  	[simem:s6], [sflag:s4] =	dma.local [hbm:s3], $0xF7A  }
0x26: {  	[smem:$0x3F9E] =	sst s1;
	(tag) =	ssettag s2;
	_ =	strace s9  }
0x27: {  	s1 =	sld [smem:$0x3FAE]  }
0x28: {  	s2 =	sld [smem:$0x3FAF]  }
0x29: {  	s4 =	sld [smem:$0x3FB1]  }
0x2a: {  	p0 =	seq.s32 s5, $0x0;
	s5 =	sld [smem:$0x3FB2]  }
0x2b: {  	s6 =	sld [smem:$0x3FB3]  }
0x2c: {  	s7 =	sld [smem:$0x3FB4]  }
0x2d: {  	s3 =	simm.s32 $0x108;
	s8 =	sld [smem:$0x3FB5]  }
0x2e: {  	s3 =	simm.s32 @!p0 $0x1082;
	s9 =	sld [smem:$0x3FB6]  }
0x2f: {  	lr =	sadd.s32 s0, s3;
	s0 =	sld [smem:$0x3FAD]  }
0x30: {  	s3 =	sld [smem:$0x3FB0]  }
0x31: {  	[smem:$0x3FB9] =	sst s10  }
0x32: {  	s10 =	sld [smem:$0x3FB7];
	_ =	sdelay $0x3  }
0x33: {  	p0 =	seq.s32 s10, $0x1;
	s10 =	sld [smem:$0x3FB9];
	_ =	sdelay $0x3  }
0x34: {  	[smem:$0x3FB9] =	sst s10  }
0x35: {  	s10 =	sld [smem:$0x3FB8];
	_ =	sdelay $0x3  }
0x36: {  	p1 =	seq.s32 s10, $0x1;
	s10 =	sld [smem:$0x3FB9];
	_ =	sdelay $0x3  }
0x37: {  	[smem:$0x3FB9] =	sst s10  }
0x38: {  	s10 =	sld [smem:$0x3FBA]  }
0x39: {  	_ = 	snop;
	(pc) =	sbr.ind lr, $3  }
0x3a: {  	_ = 	snop  }
0x3b: {  	_ = 	snop  }
0x3c: {  	p2 =	seq.s32 s10, $0x1;
	s10 =	sld [smem:$0x3FB9]  }
0x3d: {  	_ =	shalt  }
0x3e: {  	_ =	shalt  }
0x3f: {  	_ =	shalt  }
0x40: {  	_ =	shalt  }
0x41: {  	_ =	shalt  }
0x42: {  	_ =	shalt  }
0x43: {  	_ =	shalt  }
0x44: {  	_ =	shalt  }
0x45: {  	_ =	shalt  }
0x46: {  	_ =	shalt  }
0x47: {  	_ =	shalt  }
0x48: {  	_ =	shalt  }
0x49: {  	_ =	shalt  }
0x4a: {  	_ =	shalt  }
0x4b: {  	_ =	shalt  }
0x4c: {  	_ =	shalt  }
0x4d: {  	_ =	shalt  }
0x4e: {  	_ =	shalt  }
0x4f: {  	_ =	shalt  }
0x50: {  	_ =	shalt  }
0x51: {  	_ =	shalt  }
0x52: {  	_ =	shalt  }
0x53: {  	_ =	shalt  }
0x54: {  	_ =	shalt  }
0x55: {  	_ =	shalt  }
0x56: {  	_ =	shalt  }
0x57: {  	_ =	shalt  }
0x58: {  	_ =	shalt  }
0x59: {  	_ =	shalt  }
0x5a: {  	_ =	shalt  }
0x5b: {  	_ =	shalt  }
0x5c: {  	_ =	shalt  }
0x5d: {  	_ =	shalt  }
0x5e: {  	_ =	shalt  }
0x5f: {  	_ =	shalt  }
0x60: {  	_ =	shalt  }
0x61: {  	_ =	shalt  }
0x62: {  	_ =	shalt  }
0x63: {  	_ =	shalt  }
0x64: {  	_ =	shalt  }
0x65: {  	_ =	shalt  }
0x66: {  	_ =	shalt  }
0x67: {  	_ =	shalt  }
0x68: {  	_ =	shalt  }
0x69: {  	_ =	shalt  }
0x6a: {  	_ =	shalt  }
0x6b: {  	_ =	shalt  }
0x6c: {  	_ =	shalt  }
0x6d: {  	_ =	shalt  }
0x6e: {  	_ =	shalt  }
0x6f: {  	_ =	shalt  }
0x70: {  	_ =	shalt  }
0x71: {  	_ =	shalt  }
0x72: {  	_ =	shalt  }
0x73: {  	_ =	shalt  }
0x74: {  	_ =	shalt  }
0x75: {  	_ =	shalt  }
0x76: {  	_ =	shalt  }
0x77: {  	_ =	shalt  }
0x78: {  	_ =	shalt  }
0x79: {  	_ =	shalt  }
0x7a: {  	_ =	shalt  }
0x7b: {  	_ =	shalt  }
0x7c: {  	_ =	shalt  }
0x7d: {  	_ =	shalt  }
0x7e: {  	_ =	shalt  }
0x7f: {  	_ =	shalt  }
0x80: {  	_ =	shalt  }
0x81: {  	_ =	shalt  }
0x82: {  	_ =	shalt  }
0x83: {  	_ =	shalt  }
0x84: {  	_ =	shalt  }
0x85: {  	_ =	shalt  }
0x86: {  	_ =	shalt  }
0x87: {  	_ =	shalt  }
.Lfunc_end0:
.L_simem_size_0:
called_computation_lowered:
.L_overlay_start_0:
0x88: {  	s2 =	sld [smem:$0x3FD9]  }
0x89: {  	s3 =	sld [smem:$0x3FFE];
	_ =	sdelay $0x1  }
0x8a: {  	s1 =	srdreg.scid  }
0x8b: {  	s0 =	sand.u32 $0x1, s1  }
0x8c: {  	s16 =	sshll.u32 s0, $0xA;
	s2 =	sadd.s32 s3, s2  }
0x8d: {  	s2 =	sadd.s32 s2, s16  }
0x8e: {  	[smem:$0x3FC5] =	sst s2  }
0x8f: {  	_ = 	snop  }
0x90: {  	(tm) =	ssettm $0x1  }
0x91: {  	s17 =	sld [smem:$0x3FFB];
	_ =	sdelay $0x3  }
0x92: {  	_ =	strace s17  }
0x93: {  	s2 =	sld [smem:$0x3FFC];
	_ =	sdelay $0x3  }
0x94: {  	_ =	strace s2  }
0x95: {  	s2 =	sld [smem:$0x3FFD];
	_ =	sdelay $0x3  }
0x96: {  	_ =	strace s2  }
0x97: {  	_ =	strace $0x8FFFFFFF  }
0x98: {  	s18 =	sld [smem:$0x3FDB];
	_ =	sdelay $0x1  }
0x99: {  	s19 =	simm.s32 $_scs_section_size  }
0x9a: {  	s4 =	simm.s32 $_size__tile_overlayer_lowered;
	s5 =	simm.s32 $_tile_overlayer_lowered  }
0x9b: {  	s22 =	simm.s32 $0x1BFF;
	s21 =	sshll.u32 s5, $0x1;
	s2 =	sadd.s32 s19, s18  }
0x9c: {  	s6 =	simm.s32 $0x0;
	s20 =	sshll.u32 s4, $0x1;
	s4 =	sadd.s32 s21, s2  }
0x9d: {  	[timem:s6], [sflag:s22] =	dma.local [hbm:s4], s20  }
0x9e: {  	_ =	swait.ge [sflag:s22], s20  }
0x9f: {  	s3 =	ssub.s32 $0x0, s20;
	[sflag:s22] =	ssyncset.done $0x0  }
0xa0: {  	[sflag:s22] =	ssyncadd.s32 s3;
	_ =	sdelay $0x1  }
0xa1: {  	s23 =	simm.s32 $0x1B8B  }
0xa2: {  	_ =	swait.ge [sflag:s23], $0x1  }
0xa3: {  	[sflag:s23] =	ssyncset.done $0x0  }
0xa4: {  	s25 =	simm.s32 $0x1B8E;
	s24 =	sld [smem:$0x3FFE];
	[sflag:s23] =	ssyncadd.s32 $0xFFFFFFFF  }
0xa5: {  	s26 =	simm.s32 $execute0_lowered;
	[smem:$0x3FD2] =	sst s25  }
0xa6: {  	s4 =	sshll.u32 s26, $0x1;
	_ =	strace $0x80000046;
	[dreg:$0x1] =	wrdreg $0xFFFFFFFF  }
0xa7: {  	s28 =	simm.s32 $_size_execute0_lowered;
	s2 =	sadd.s32 s2, s4;
	[dreg:$0x0] =	wrdreg $0x0  }
0xa8: {  	s4 =	sshll.u32 s28, $0x1;
	[dreg:$0x2] =	wrdreg s2  }
0xa9: {  	[dreg:$0x3] =	wrdreg s4  }
0xaa: {  	[dreg:$0x4] =	wrdreg $0xC0  }
0xab: {  	_ =	task [dreg:s6], $0x5FFFF  }
0xac: {  	[dreg:$0x1] =	wrdreg $0xFFFFFFFF  }
0xad: {  	[dreg:$0x0] =	wrdreg $0x60  }
0xae: {  	[dreg:$0x2] =	wrdreg s24  }
0xaf: {  	[dreg:$0x3] =	wrdreg $0x9  }
0xb0: {  	_ =	task.clear_ibuf [dreg:s6], $0x4FFFF;
	_ =	strace $0x90000046  }
0xb1: {  	s29 =	simm.s32 $0x9;
	_ =	strace $0x80000048  }
0xb2: {  	_ =	swait.ge [sflag:s29], $0x1  }
0xb3: {  	[sflag:s29] =	ssyncadd.s32 $0xFFFFFFFF  }
0xb4: {  	_ =	strace $0x90000048  }
0xb5: {  	_ =	sfence  }
0xb6: {  	s30 =	sld [smem:$0x0];
	_ =	sdelay $0x2  }
0xb7: {  	s31 =	sshll.u32 s1, $0xD;
	s1 =	sshrl.u32 s1, $0x2  }
0xb8: {  	s3 =	sand.u32 $0x4000, s31;
	s1 =	sadd.s32 s1, s30  }
0xb9: {  	s0 =	sor.u32 s3, s0;
	s1 =	sshll.u32 s1, $0x11  }
0xba: {  	s0 =	sor.u32 s1, s0  }
0xbb: {  	s0 =	sadd.s32 $0x8F2B, s0  }
0xbc: {  	[sflag:s0] =	ssyncadd.remote.s32 $0x1  }
0xbd: {  	_ =	sfence.sel $0xFFFF  }
0xbe: {  	[dreg:$0x0] =	wrdreg $0xFFFFFFFF;
	(pc) =	sbr.abs _section_cstart, $3  }
0xbf: {  	[dreg:$0x1] =	wrdreg $0xFFFFFFFF  }
0xc0: {  	_ =	task.clear_ibuf [dreg:s6], $0x2FFFF;
	_ =	strace $0x9FFFFFFF  }
0xc1: {  	(tm) =	ssettm $0x7FFFFFFF  }
tec
execute0_lowered:
.L_overlay_start_1:
0x0: {  	(tag) =	ssettag $0x1  }
0x1: {  	s1 =	srdreg.scid  }
0x2: {  	s0 =	stileid.u32;
	s1 =	sand.u32 $0x1, s1  }
0x3: {  	s2 =	sshll.u32 s0, $0xC;
	s3 =	sshll.u32 s1, $0xB  }
0x4: {  	s3 =	sor.u32 s3, s2  }
0x5: {  	s4 =	rddreg [dreg:$0x0];
	s5 =	sshrl.u32 s3, $0x3  }
0x6: {  	s2 =	simm.s32 $0x0;
	s3 =	sshll.u32 s3, $0x4;
	s5 =	sadd.s32 s5, s4  }
0x7: {  	[smem:$0x7FF] =	sst s2;
	s31 =	sadd.s32 s3, s4;
	s17 =	sadd.s32 $0x80400, s5  }
0x8: {  	_ =	strace $0x80000047;
	s18 =	sadd.s32 $0x82400, s31;
	[dreg:$0x2] =	wrdreg s17  }
0x9: {  	s19 =	sadd.s32 $0x82C00, s31;
	[dreg:$0x3] =	wrdreg s18  }
0xa: {  	s20 =	sadd.s32 $0x83400, s31;
	[dreg:$0x4] =	wrdreg s19  }
0xb: {  	s21 =	sadd.s32 $0x83C00, s31;
	[dreg:$0x5] =	wrdreg s20  }
0xc: {  	s22 =	sadd.s32 $0x84400, s31;
	[dreg:$0x6] =	wrdreg s21  }
0xd: {  	s23 =	sadd.s32 $0x84C00, s31;
	[dreg:$0x7] =	wrdreg s22  }
0xe: {  	s25 =	sadd.s32 $0x85400, s31;
	[dreg:$0x8] =	wrdreg s23  }
0xf: {  	[dreg:$0x9] =	wrdreg s25  }
0x10: {  	s3 =	simm.s32 $0x2;
	s24 =	rddreg [dreg:$0x2]  }
0x11: {  	[tilespmem:s2], [sflag:$0x2] =	stream.linear.gather [hbm4b:s24+s2], $0x800, $0x38;
	[tilespmem:$0x4800] =	vst v63  }
0x12: {  	_ =	swait.ge [sflag:s3], $0x800  }
0x13: {  	s6 =	simm.s32 $0x800;
	s7 =	simm.s32 $0x1;
	[sflag:s3] =	ssyncset.done $0x0  }
0x14: {  	s4 =	sadd.s32 $0x400, s4;
	s5 =	simm.s32 $0x80;
	[sflag:s3] =	ssyncadd.s32 $0xFFFFF800  }
0x15: {  	[tilespmem:s6], [sflag:$0x1] =	stream.indirect.gather [hbm4b:s4+s5], $0x80, s2, s5, $0xb8;
	[tilespmem:$0x4800] =	vst v63  }
0x16: {  	_ =	swait.ge [sflag:s7], $0x4000  }
0x17: {  	[sflag:s7] =	ssyncset.done $0x0  }
0x18: {  	s8 =	rddreg [dreg:$0x3];
	[sflag:s7] =	ssyncadd.s32 $0xFFFFC000  }
0x19: {  	[hbm4b:s8+s2] =	stream.linear.scatter [tilespmem:s6], [sflag:$0x2], $0x4000, $0x38;
	[tilespmem:$0x4800] =	vst v63  }
0x1a: {  	_ =	swait.ge [sflag:s3], $0x4000  }
0x1b: {  	[sflag:s3] =	ssyncset.done $0x0  }
0x1c: {  	[sflag:s3] =	ssyncadd.s32 $0xFFFFC000  }
0x1d: {  	[tilespmem:s6], [sflag:$0x1] =	stream.indirect.gather [hbm4b:s4+s5], $0x80, s5, s5, $0xb8;
	[tilespmem:$0x4800] =	vst v63  }
0x1e: {  	_ =	swait.ge [sflag:s7], $0x4000  }
0x1f: {  	[sflag:s7] =	ssyncset.done $0x0  }
0x20: {  	s26 =	rddreg [dreg:$0x4];
	[sflag:s7] =	ssyncadd.s32 $0xFFFFC000  }
0x21: {  	[hbm4b:s26+s2] =	stream.linear.scatter [tilespmem:s6], [sflag:$0x2], $0x4000, $0x38;
	[tilespmem:$0x4800] =	vst v63  }
0x22: {  	_ =	swait.ge [sflag:s3], $0x4000  }
0x23: {  	[sflag:s3] =	ssyncset.done $0x0  }
0x24: {  	s8 =	simm.s32 $0x100;
	[sflag:s3] =	ssyncadd.s32 $0xFFFFC000  }
0x25: {  	[tilespmem:s6], [sflag:$0x1] =	stream.indirect.gather [hbm4b:s4+s5], $0x80, s8, s5, $0xb8;
	[tilespmem:$0x4800] =	vst v63  }
0x26: {  	_ =	swait.ge [sflag:s7], $0x4000  }
0x27: {  	[sflag:s7] =	ssyncset.done $0x0  }
0x28: {  	s9 =	rddreg [dreg:$0x5];
	[sflag:s7] =	ssyncadd.s32 $0xFFFFC000  }
0x29: {  	[hbm4b:s9+s2] =	stream.linear.scatter [tilespmem:s6], [sflag:$0x2], $0x4000, $0x38;
	[tilespmem:$0x4800] =	vst v63  }
0x2a: {  	_ =	swait.ge [sflag:s3], $0x4000  }
0x2b: {  	[sflag:s3] =	ssyncset.done $0x0  }
0x2c: {  	s9 =	simm.s32 $0x180;
	[sflag:s3] =	ssyncadd.s32 $0xFFFFC000  }
0x2d: {  	[tilespmem:s6], [sflag:$0x1] =	stream.indirect.gather [hbm4b:s4+s5], $0x80, s9, s5, $0xb8;
	[tilespmem:$0x4800] =	vst v63  }
0x2e: {  	_ =	swait.ge [sflag:s7], $0x4000  }
0x2f: {  	[sflag:s7] =	ssyncset.done $0x0  }
0x30: {  	s10 =	rddreg [dreg:$0x6];
	[sflag:s7] =	ssyncadd.s32 $0xFFFFC000  }
0x31: {  	[hbm4b:s10+s2] =	stream.linear.scatter [tilespmem:s6], [sflag:$0x2], $0x4000, $0x38;
	[tilespmem:$0x4800] =	vst v63  }
0x32: {  	_ =	swait.ge [sflag:s3], $0x4000  }
0x33: {  	[sflag:s3] =	ssyncset.done $0x0  }
0x34: {  	s10 =	simm.s32 $0x200;
	[sflag:s3] =	ssyncadd.s32 $0xFFFFC000  }
0x35: {  	[tilespmem:s6], [sflag:$0x1] =	stream.indirect.gather [hbm4b:s4+s5], $0x80, s10, s5, $0xb8;
	[tilespmem:$0x4800] =	vst v63  }
0x36: {  	_ =	swait.ge [sflag:s7], $0x4000  }
0x37: {  	[sflag:s7] =	ssyncset.done $0x0  }
0x38: {  	s11 =	rddreg [dreg:$0x7];
	[sflag:s7] =	ssyncadd.s32 $0xFFFFC000  }
0x39: {  	[hbm4b:s11+s2] =	stream.linear.scatter [tilespmem:s6], [sflag:$0x2], $0x4000, $0x38;
	[tilespmem:$0x4800] =	vst v63  }
0x3a: {  	_ =	swait.ge [sflag:s3], $0x4000  }
0x3b: {  	[sflag:s3] =	ssyncset.done $0x0  }
0x3c: {  	s11 =	simm.s32 $0x280;
	[sflag:s3] =	ssyncadd.s32 $0xFFFFC000  }
0x3d: {  	[tilespmem:s6], [sflag:$0x1] =	stream.indirect.gather [hbm4b:s4+s5], $0x80, s11, s5, $0xb8;
	[tilespmem:$0x4800] =	vst v63  }
0x3e: {  	_ =	swait.ge [sflag:s7], $0x4000  }
0x3f: {  	[sflag:s7] =	ssyncset.done $0x0  }
0x40: {  	s12 =	rddreg [dreg:$0x8];
	[sflag:s7] =	ssyncadd.s32 $0xFFFFC000  }
0x41: {  	[hbm4b:s12+s2] =	stream.linear.scatter [tilespmem:s6], [sflag:$0x2], $0x4000, $0x38;
	[tilespmem:$0x4800] =	vst v63  }
0x42: {  	_ =	swait.ge [sflag:s3], $0x4000  }
0x43: {  	[sflag:s3] =	ssyncset.done $0x0  }
0x44: {  	s12 =	simm.s32 $0x300;
	[sflag:s3] =	ssyncadd.s32 $0xFFFFC000  }
0x45: {  	[tilespmem:s6], [sflag:$0x1] =	stream.indirect.gather [hbm4b:s4+s5], $0x80, s12, s5, $0xb8;
	[tilespmem:$0x4800] =	vst v63  }
0x46: {  	_ =	swait.ge [sflag:s7], $0x4000  }
0x47: {  	[sflag:s7] =	ssyncset.done $0x0  }
0x48: {  	s13 =	rddreg [dreg:$0x9];
	[sflag:s7] =	ssyncadd.s32 $0xFFFFC000  }
0x49: {  	[hbm4b:s13+s2] =	stream.linear.scatter [tilespmem:s6], [sflag:$0x2], $0x4000, $0x38;
	[tilespmem:$0x4800] =	vst v63  }
0x4a: {  	_ =	swait.ge [sflag:s3], $0x4000  }
0x4b: {  	[sflag:s3] =	ssyncset.done $0x0  }
0x4c: {  	s13 =	simm.s32 $0x380;
	[sflag:s3] =	ssyncadd.s32 $0xFFFFC000  }
0x4d: {  	[tilespmem:s6], [sflag:$0x1] =	stream.indirect.gather [hbm4b:s4+s5], $0x80, s13, s5, $0xb8;
	[tilespmem:$0x4800] =	vst v63  }
0x4e: {  	_ =	swait.ge [sflag:s7], $0x4000  }
0x4f: {  	[sflag:s7] =	ssyncset.done $0x0  }
0x50: {  	s14 =	sadd.s32 $0x85C00, s31;
	[sflag:s7] =	ssyncadd.s32 $0xFFFFC000  }
0x51: {  	[hbm4b:s14+s2] =	stream.linear.scatter [tilespmem:s6], [sflag:$0x2], $0x4000, $0x38;
	[tilespmem:$0x4800] =	vst v63  }
0x52: {  	_ =	swait.ge [sflag:s3], $0x4000  }
0x53: {  	[sflag:s3] =	ssyncset.done $0x0  }
0x54: {  	s15 =	simm.s32 $0x400;
	[sflag:s3] =	ssyncadd.s32 $0xFFFFC000  }
0x55: {  	[tilespmem:s6], [sflag:$0x1] =	stream.indirect.gather [hbm4b:s4+s5], $0x80, s15, s5, $0xb8;
	[tilespmem:$0x4800] =	vst v63  }
0x56: {  	_ =	swait.ge [sflag:s7], $0x4000  }
0x57: {  	[sflag:s7] =	ssyncset.done $0x0  }
0x58: {  	s16 =	sadd.s32 $0x86400, s31;
	[sflag:s7] =	ssyncadd.s32 $0xFFFFC000  }
0x59: {  	[hbm4b:s16+s2] =	stream.linear.scatter [tilespmem:s6], [sflag:$0x2], $0x4000, $0x38;
	[tilespmem:$0x4800] =	vst v63  }
0x5a: {  	_ =	swait.ge [sflag:s3], $0x4000  }
0x5b: {  	[sflag:s3] =	ssyncset.done $0x0  }
0x5c: {  	s17 =	simm.s32 $0x480;
	[sflag:s3] =	ssyncadd.s32 $0xFFFFC000  }
0x5d: {  	[tilespmem:s6], [sflag:$0x1] =	stream.indirect.gather [hbm4b:s4+s5], $0x80, s17, s5, $0xb8;
	[tilespmem:$0x4800] =	vst v63  }
0x5e: {  	_ =	swait.ge [sflag:s7], $0x4000  }
0x5f: {  	[sflag:s7] =	ssyncset.done $0x0  }
0x60: {  	s18 =	sadd.s32 $0x86C00, s31;
	[sflag:s7] =	ssyncadd.s32 $0xFFFFC000  }
0x61: {  	[hbm4b:s18+s2] =	stream.linear.scatter [tilespmem:s6], [sflag:$0x2], $0x4000, $0x38;
	[tilespmem:$0x4800] =	vst v63  }
0x62: {  	_ =	swait.ge [sflag:s3], $0x4000  }
0x63: {  	[sflag:s3] =	ssyncset.done $0x0  }
0x64: {  	s19 =	simm.s32 $0x500;
	[sflag:s3] =	ssyncadd.s32 $0xFFFFC000  }
0x65: {  	[tilespmem:s6], [sflag:$0x1] =	stream.indirect.gather [hbm4b:s4+s5], $0x80, s19, s5, $0xb8;
	[tilespmem:$0x4800] =	vst v63  }
0x66: {  	_ =	swait.ge [sflag:s7], $0x4000  }
0x67: {  	[sflag:s7] =	ssyncset.done $0x0  }
0x68: {  	s20 =	sadd.s32 $0x87400, s31;
	[sflag:s7] =	ssyncadd.s32 $0xFFFFC000  }
0x69: {  	[hbm4b:s20+s2] =	stream.linear.scatter [tilespmem:s6], [sflag:$0x2], $0x4000, $0x38;
	[tilespmem:$0x4800] =	vst v63  }
0x6a: {  	_ =	swait.ge [sflag:s3], $0x4000  }
0x6b: {  	[sflag:s3] =	ssyncset.done $0x0  }
0x6c: {  	s21 =	simm.s32 $0x580;
	[sflag:s3] =	ssyncadd.s32 $0xFFFFC000  }
0x6d: {  	[tilespmem:s6], [sflag:$0x1] =	stream.indirect.gather [hbm4b:s4+s5], $0x80, s21, s5, $0xb8;
	[tilespmem:$0x4800] =	vst v63  }
0x6e: {  	_ =	swait.ge [sflag:s7], $0x4000  }
0x6f: {  	[sflag:s7] =	ssyncset.done $0x0  }
0x70: {  	s22 =	sadd.s32 $0x87C00, s31;
	[sflag:s7] =	ssyncadd.s32 $0xFFFFC000  }
0x71: {  	[hbm4b:s22+s2] =	stream.linear.scatter [tilespmem:s6], [sflag:$0x2], $0x4000, $0x38;
	[tilespmem:$0x4800] =	vst v63  }
0x72: {  	_ =	swait.ge [sflag:s3], $0x4000  }
0x73: {  	[sflag:s3] =	ssyncset.done $0x0  }
0x74: {  	s23 =	simm.s32 $0x600;
	[sflag:s3] =	ssyncadd.s32 $0xFFFFC000  }
0x75: {  	[tilespmem:s6], [sflag:$0x1] =	stream.indirect.gather [hbm4b:s4+s5], $0x80, s23, s5, $0xb8;
	[tilespmem:$0x4800] =	vst v63  }
0x76: {  	_ =	swait.ge [sflag:s7], $0x4000  }
0x77: {  	[sflag:s7] =	ssyncset.done $0x0  }
0x78: {  	s24 =	sadd.s32 $0x88400, s31;
	[sflag:s7] =	ssyncadd.s32 $0xFFFFC000  }
0x79: {  	[hbm4b:s24+s2] =	stream.linear.scatter [tilespmem:s6], [sflag:$0x2], $0x4000, $0x38;
	[tilespmem:$0x4800] =	vst v63  }
0x7a: {  	_ =	swait.ge [sflag:s3], $0x4000  }
0x7b: {  	[sflag:s3] =	ssyncset.done $0x0  }
0x7c: {  	s25 =	simm.s32 $0x680;
	[sflag:s3] =	ssyncadd.s32 $0xFFFFC000  }
0x7d: {  	[tilespmem:s6], [sflag:$0x1] =	stream.indirect.gather [hbm4b:s4+s5], $0x80, s25, s5, $0xb8;
	[tilespmem:$0x4800] =	vst v63  }
0x7e: {  	_ =	swait.ge [sflag:s7], $0x4000  }
0x7f: {  	[sflag:s7] =	ssyncset.done $0x0  }
0x80: {  	s26 =	sadd.s32 $0x88C00, s31;
	[sflag:s7] =	ssyncadd.s32 $0xFFFFC000  }
0x81: {  	[hbm4b:s26+s2] =	stream.linear.scatter [tilespmem:s6], [sflag:$0x2], $0x4000, $0x38;
	[tilespmem:$0x4800] =	vst v63  }
0x82: {  	_ =	swait.ge [sflag:s3], $0x4000  }
0x83: {  	[sflag:s3] =	ssyncset.done $0x0  }
0x84: {  	s28 =	simm.s32 $0x700;
	[sflag:s3] =	ssyncadd.s32 $0xFFFFC000  }
0x85: {  	[tilespmem:s6], [sflag:$0x1] =	stream.indirect.gather [hbm4b:s4+s5], $0x80, s28, s5, $0xb8;
	[tilespmem:$0x4800] =	vst v63  }
0x86: {  	_ =	swait.ge [sflag:s7], $0x4000  }
0x87: {  	s1 =	ssub.s32 $0x2, s1;
	[sflag:s7] =	ssyncset.done $0x0  }
0x88: {  	s0 =	sshrl.u32 s1, $0x1;
	s29 =	sadd.s32 $0x89400, s31;
	[sflag:s7] =	ssyncadd.s32 $0xFFFFC000  }
0x89: {  	[hbm4b:s29+s2] =	stream.linear.scatter [tilespmem:s6], [sflag:$0x2], $0x4000, $0x38;
	[tilespmem:$0x4800] =	vst v63  }
0x8a: {  	s0 =	ssub.s32 s1, s0;
	_ =	swait.ge [sflag:s3], $0x4000  }
0x8b: {  	s0 =	smax.u32 s0, $0x1;
	[sflag:s3] =	ssyncset.done $0x0  }
0x8c: {  	s30 =	simm.s32 $0x780;
	p0 =	sne.s32 s0, $0x1;
	[sflag:s3] =	ssyncadd.s32 $0xFFFFC000  }
0x8d: {  	[tilespmem:s6], [sflag:$0x1] =	stream.indirect.gather [hbm4b:s4+s5], $0x80, s30, s5, $0xb8;
	[tilespmem:$0x4800] =	vst v63  }
.Ltmp0:
0x8e: {  	_ =	swait.ge [sflag:s7], $0x4000;
	(pc) =	sbr.rel @!p0 .LBB2_2-.Ltmp0, $4  }
0x8f: {  	[sflag:s7] =	ssyncset.done $0x0  }
0x90: {  	s31 =	sadd.s32 $0x89C00, s31;
	[sflag:s7] =	ssyncadd.s32 $0xFFFFC000  }
0x91: {  	[hbm4b:s31+s2] =	stream.linear.scatter [tilespmem:s6], [sflag:$0x2], $0x4000, $0x38;
	[tilespmem:$0x4800] =	vst v63  }
0x92: {  	s1 =	sadd.s32 $0xFFFFFFFF, s0;
	_ =	swait.ge [sflag:s3], $0x4000  }
.LBB2_1:
0x93: {  	[sflag:s3] =	ssyncset.done $0x0  }
0x94: {  	s0 =	rddreg [dreg:$0x2];
	[sflag:s3] =	ssyncadd.s32 $0xFFFFC000  }
0x95: {  	[tilespmem:s2], [sflag:$0x2] =	stream.linear.gather [hbm4b:s0+s2], $0x800, $0x38;
	[tilespmem:$0x4800] =	vst v63  }
0x96: {  	_ =	swait.ge [sflag:s3], $0x800  }
0x97: {  	[sflag:s3] =	ssyncset.done $0x0  }
0x98: {  	[sflag:s3] =	ssyncadd.s32 $0xFFFFF800  }
0x99: {  	[tilespmem:s6], [sflag:$0x1] =	stream.indirect.gather [hbm4b:s4+s5], $0x80, s2, s5, $0xb8;
	[tilespmem:$0x4800] =	vst v63  }
0x9a: {  	_ =	swait.ge [sflag:s7], $0x4000  }
0x9b: {  	[sflag:s7] =	ssyncset.done $0x0  }
0x9c: {  	s0 =	rddreg [dreg:$0x3];
	[sflag:s7] =	ssyncadd.s32 $0xFFFFC000  }
0x9d: {  	[hbm4b:s0+s2] =	stream.linear.scatter [tilespmem:s6], [sflag:$0x2], $0x4000, $0x38;
	[tilespmem:$0x4800] =	vst v63  }
0x9e: {  	_ =	swait.ge [sflag:s3], $0x4000  }
0x9f: {  	[sflag:s3] =	ssyncset.done $0x0  }
0xa0: {  	[sflag:s3] =	ssyncadd.s32 $0xFFFFC000  }
0xa1: {  	[tilespmem:s6], [sflag:$0x1] =	stream.indirect.gather [hbm4b:s4+s5], $0x80, s5, s5, $0xb8;
	[tilespmem:$0x4800] =	vst v63  }
0xa2: {  	_ =	swait.ge [sflag:s7], $0x4000  }
0xa3: {  	[sflag:s7] =	ssyncset.done $0x0  }
0xa4: {  	s0 =	rddreg [dreg:$0x4];
	[sflag:s7] =	ssyncadd.s32 $0xFFFFC000  }
0xa5: {  	[hbm4b:s0+s2] =	stream.linear.scatter [tilespmem:s6], [sflag:$0x2], $0x4000, $0x38;
	[tilespmem:$0x4800] =	vst v63  }
0xa6: {  	_ =	swait.ge [sflag:s3], $0x4000  }
0xa7: {  	[sflag:s3] =	ssyncset.done $0x0  }
0xa8: {  	[sflag:s3] =	ssyncadd.s32 $0xFFFFC000  }
0xa9: {  	[tilespmem:s6], [sflag:$0x1] =	stream.indirect.gather [hbm4b:s4+s5], $0x80, s8, s5, $0xb8;
	[tilespmem:$0x4800] =	vst v63  }
0xaa: {  	_ =	swait.ge [sflag:s7], $0x4000  }
0xab: {  	[sflag:s7] =	ssyncset.done $0x0  }
0xac: {  	s0 =	rddreg [dreg:$0x5];
	[sflag:s7] =	ssyncadd.s32 $0xFFFFC000  }
0xad: {  	[hbm4b:s0+s2] =	stream.linear.scatter [tilespmem:s6], [sflag:$0x2], $0x4000, $0x38;
	[tilespmem:$0x4800] =	vst v63  }
0xae: {  	_ =	swait.ge [sflag:s3], $0x4000  }
0xaf: {  	[sflag:s3] =	ssyncset.done $0x0  }
0xb0: {  	[sflag:s3] =	ssyncadd.s32 $0xFFFFC000  }
0xb1: {  	[tilespmem:s6], [sflag:$0x1] =	stream.indirect.gather [hbm4b:s4+s5], $0x80, s9, s5, $0xb8;
	[tilespmem:$0x4800] =	vst v63  }
0xb2: {  	_ =	swait.ge [sflag:s7], $0x4000  }
0xb3: {  	[sflag:s7] =	ssyncset.done $0x0  }
0xb4: {  	s0 =	rddreg [dreg:$0x6];
	[sflag:s7] =	ssyncadd.s32 $0xFFFFC000  }
0xb5: {  	[hbm4b:s0+s2] =	stream.linear.scatter [tilespmem:s6], [sflag:$0x2], $0x4000, $0x38;
	[tilespmem:$0x4800] =	vst v63  }
0xb6: {  	_ =	swait.ge [sflag:s3], $0x4000  }
0xb7: {  	[sflag:s3] =	ssyncset.done $0x0  }
0xb8: {  	[sflag:s3] =	ssyncadd.s32 $0xFFFFC000  }
0xb9: {  	[tilespmem:s6], [sflag:$0x1] =	stream.indirect.gather [hbm4b:s4+s5], $0x80, s10, s5, $0xb8;
	[tilespmem:$0x4800] =	vst v63  }
0xba: {  	_ =	swait.ge [sflag:s7], $0x4000  }
0xbb: {  	[sflag:s7] =	ssyncset.done $0x0  }
0xbc: {  	s0 =	rddreg [dreg:$0x7];
	[sflag:s7] =	ssyncadd.s32 $0xFFFFC000  }
0xbd: {  	[hbm4b:s0+s2] =	stream.linear.scatter [tilespmem:s6], [sflag:$0x2], $0x4000, $0x38;
	[tilespmem:$0x4800] =	vst v63  }
0xbe: {  	_ =	swait.ge [sflag:s3], $0x4000  }
0xbf: {  	[sflag:s3] =	ssyncset.done $0x0  }
0xc0: {  	[sflag:s3] =	ssyncadd.s32 $0xFFFFC000  }
0xc1: {  	[tilespmem:s6], [sflag:$0x1] =	stream.indirect.gather [hbm4b:s4+s5], $0x80, s11, s5, $0xb8;
	[tilespmem:$0x4800] =	vst v63  }
0xc2: {  	_ =	swait.ge [sflag:s7], $0x4000  }
0xc3: {  	[sflag:s7] =	ssyncset.done $0x0  }
0xc4: {  	s0 =	rddreg [dreg:$0x8];
	[sflag:s7] =	ssyncadd.s32 $0xFFFFC000  }
0xc5: {  	[hbm4b:s0+s2] =	stream.linear.scatter [tilespmem:s6], [sflag:$0x2], $0x4000, $0x38;
	[tilespmem:$0x4800] =	vst v63  }
0xc6: {  	_ =	swait.ge [sflag:s3], $0x4000  }
0xc7: {  	[sflag:s3] =	ssyncset.done $0x0  }
0xc8: {  	[sflag:s3] =	ssyncadd.s32 $0xFFFFC000  }
0xc9: {  	[tilespmem:s6], [sflag:$0x1] =	stream.indirect.gather [hbm4b:s4+s5], $0x80, s12, s5, $0xb8;
	[tilespmem:$0x4800] =	vst v63  }
0xca: {  	_ =	swait.ge [sflag:s7], $0x4000  }
0xcb: {  	[sflag:s7] =	ssyncset.done $0x0  }
0xcc: {  	s0 =	rddreg [dreg:$0x9];
	[sflag:s7] =	ssyncadd.s32 $0xFFFFC000  }
0xcd: {  	[hbm4b:s0+s2] =	stream.linear.scatter [tilespmem:s6], [sflag:$0x2], $0x4000, $0x38;
	[tilespmem:$0x4800] =	vst v63  }
0xce: {  	_ =	swait.ge [sflag:s3], $0x4000  }
0xcf: {  	[sflag:s3] =	ssyncset.done $0x0  }
0xd0: {  	[sflag:s3] =	ssyncadd.s32 $0xFFFFC000  }
0xd1: {  	[tilespmem:s6], [sflag:$0x1] =	stream.indirect.gather [hbm4b:s4+s5], $0x80, s13, s5, $0xb8;
	[tilespmem:$0x4800] =	vst v63  }
0xd2: {  	_ =	swait.ge [sflag:s7], $0x4000  }
0xd3: {  	[sflag:s7] =	ssyncset.done $0x0  }
0xd4: {  	[sflag:s7] =	ssyncadd.s32 $0xFFFFC000  }
0xd5: {  	[hbm4b:s14+s2] =	stream.linear.scatter [tilespmem:s6], [sflag:$0x2], $0x4000, $0x38;
	[tilespmem:$0x4800] =	vst v63  }
0xd6: {  	_ =	swait.ge [sflag:s3], $0x4000  }
0xd7: {  	[sflag:s3] =	ssyncset.done $0x0  }
0xd8: {  	[sflag:s3] =	ssyncadd.s32 $0xFFFFC000  }
0xd9: {  	[tilespmem:s6], [sflag:$0x1] =	stream.indirect.gather [hbm4b:s4+s5], $0x80, s15, s5, $0xb8;
	[tilespmem:$0x4800] =	vst v63  }
0xda: {  	_ =	swait.ge [sflag:s7], $0x4000  }
0xdb: {  	[sflag:s7] =	ssyncset.done $0x0  }
0xdc: {  	[sflag:s7] =	ssyncadd.s32 $0xFFFFC000  }
0xdd: {  	[hbm4b:s16+s2] =	stream.linear.scatter [tilespmem:s6], [sflag:$0x2], $0x4000, $0x38;
	[tilespmem:$0x4800] =	vst v63  }
0xde: {  	_ =	swait.ge [sflag:s3], $0x4000  }
0xdf: {  	[sflag:s3] =	ssyncset.done $0x0  }
0xe0: {  	[sflag:s3] =	ssyncadd.s32 $0xFFFFC000  }
0xe1: {  	[tilespmem:s6], [sflag:$0x1] =	stream.indirect.gather [hbm4b:s4+s5], $0x80, s17, s5, $0xb8;
	[tilespmem:$0x4800] =	vst v63  }
0xe2: {  	_ =	swait.ge [sflag:s7], $0x4000  }
0xe3: {  	[sflag:s7] =	ssyncset.done $0x0  }
0xe4: {  	[sflag:s7] =	ssyncadd.s32 $0xFFFFC000  }
0xe5: {  	[hbm4b:s18+s2] =	stream.linear.scatter [tilespmem:s6], [sflag:$0x2], $0x4000, $0x38;
	[tilespmem:$0x4800] =	vst v63  }
0xe6: {  	_ =	swait.ge [sflag:s3], $0x4000  }
0xe7: {  	[sflag:s3] =	ssyncset.done $0x0  }
0xe8: {  	[sflag:s3] =	ssyncadd.s32 $0xFFFFC000  }
0xe9: {  	[tilespmem:s6], [sflag:$0x1] =	stream.indirect.gather [hbm4b:s4+s5], $0x80, s19, s5, $0xb8;
	[tilespmem:$0x4800] =	vst v63  }
0xea: {  	_ =	swait.ge [sflag:s7], $0x4000  }
0xeb: {  	[sflag:s7] =	ssyncset.done $0x0  }
0xec: {  	[sflag:s7] =	ssyncadd.s32 $0xFFFFC000  }
0xed: {  	[hbm4b:s20+s2] =	stream.linear.scatter [tilespmem:s6], [sflag:$0x2], $0x4000, $0x38;
	[tilespmem:$0x4800] =	vst v63  }
0xee: {  	_ =	swait.ge [sflag:s3], $0x4000  }
0xef: {  	[sflag:s3] =	ssyncset.done $0x0  }
0xf0: {  	[sflag:s3] =	ssyncadd.s32 $0xFFFFC000  }
0xf1: {  	[tilespmem:s6], [sflag:$0x1] =	stream.indirect.gather [hbm4b:s4+s5], $0x80, s21, s5, $0xb8;
	[tilespmem:$0x4800] =	vst v63  }
0xf2: {  	_ =	swait.ge [sflag:s7], $0x4000  }
0xf3: {  	[sflag:s7] =	ssyncset.done $0x0  }
0xf4: {  	[sflag:s7] =	ssyncadd.s32 $0xFFFFC000  }
0xf5: {  	[hbm4b:s22+s2] =	stream.linear.scatter [tilespmem:s6], [sflag:$0x2], $0x4000, $0x38;
	[tilespmem:$0x4800] =	vst v63  }
0xf6: {  	_ =	swait.ge [sflag:s3], $0x4000  }
0xf7: {  	[sflag:s3] =	ssyncset.done $0x0  }
0xf8: {  	[sflag:s3] =	ssyncadd.s32 $0xFFFFC000  }
0xf9: {  	[tilespmem:s6], [sflag:$0x1] =	stream.indirect.gather [hbm4b:s4+s5], $0x80, s23, s5, $0xb8;
	[tilespmem:$0x4800] =	vst v63  }
0xfa: {  	_ =	swait.ge [sflag:s7], $0x4000  }
0xfb: {  	[sflag:s7] =	ssyncset.done $0x0  }
0xfc: {  	[sflag:s7] =	ssyncadd.s32 $0xFFFFC000  }
0xfd: {  	[hbm4b:s24+s2] =	stream.linear.scatter [tilespmem:s6], [sflag:$0x2], $0x4000, $0x38;
	[tilespmem:$0x4800] =	vst v63  }
0xfe: {  	_ =	swait.ge [sflag:s3], $0x4000  }
0xff: {  	[sflag:s3] =	ssyncset.done $0x0  }
0x100: {  	[sflag:s3] =	ssyncadd.s32 $0xFFFFC000  }
0x101: {  	[tilespmem:s6], [sflag:$0x1] =	stream.indirect.gather [hbm4b:s4+s5], $0x80, s25, s5, $0xb8;
	[tilespmem:$0x4800] =	vst v63  }
0x102: {  	_ =	swait.ge [sflag:s7], $0x4000  }
0x103: {  	[sflag:s7] =	ssyncset.done $0x0  }
0x104: {  	[sflag:s7] =	ssyncadd.s32 $0xFFFFC000  }
0x105: {  	[hbm4b:s26+s2] =	stream.linear.scatter [tilespmem:s6], [sflag:$0x2], $0x4000, $0x38;
	[tilespmem:$0x4800] =	vst v63  }
0x106: {  	_ =	swait.ge [sflag:s3], $0x4000  }
0x107: {  	[sflag:s3] =	ssyncset.done $0x0  }
0x108: {  	[sflag:s3] =	ssyncadd.s32 $0xFFFFC000  }
0x109: {  	[tilespmem:s6], [sflag:$0x1] =	stream.indirect.gather [hbm4b:s4+s5], $0x80, s28, s5, $0xb8;
	[tilespmem:$0x4800] =	vst v63  }
0x10a: {  	_ =	swait.ge [sflag:s7], $0x4000  }
0x10b: {  	[sflag:s7] =	ssyncset.done $0x0  }
0x10c: {  	[sflag:s7] =	ssyncadd.s32 $0xFFFFC000  }
0x10d: {  	[hbm4b:s29+s2] =	stream.linear.scatter [tilespmem:s6], [sflag:$0x2], $0x4000, $0x38;
	[tilespmem:$0x4800] =	vst v63  }
0x10e: {  	_ =	swait.ge [sflag:s3], $0x4000  }
0x10f: {  	[sflag:s3] =	ssyncset.done $0x0  }
0x110: {  	p0 =	sne.s32 s1, $0x1;
	[sflag:s3] =	ssyncadd.s32 $0xFFFFC000  }
0x111: {  	[tilespmem:s6], [sflag:$0x1] =	stream.indirect.gather [hbm4b:s4+s5], $0x80, s30, s5, $0xb8;
	[tilespmem:$0x4800] =	vst v63  }
.Ltmp1:
0x112: {  	_ =	swait.ge [sflag:s7], $0x4000;
	(pc) =	sbr.rel @p0 .LBB2_1-.Ltmp1, $4  }
0x113: {  	[sflag:s7] =	ssyncset.done $0x0  }
0x114: {  	[sflag:s7] =	ssyncadd.s32 $0xFFFFC000  }
0x115: {  	[hbm4b:s31+s2] =	stream.linear.scatter [tilespmem:s6], [sflag:$0x2], $0x4000, $0x38;
	[tilespmem:$0x4800] =	vst v63  }
0x116: {  	s1 =	sadd.s32 $0xFFFFFFFF, s1;
	_ =	swait.ge [sflag:s3], $0x4000  }
.LBB2_2:
0x117: {  	[sflag:s3] =	ssyncset.done $0x0  }
0x118: {  	[sflag:s3] =	ssyncadd.s32 $0xFFFFC000  }
0x119: {  	_ =	sfence.sel $0x180000  }
0x11a: {  	[bflag:$0x0] =	sbarrier.arrive $0xFFFF  }
0x11b: {  	_ =	strace $0x90000047  }
0x11c: {  	s0 =	stileid.u32;
	[bflag:$0x2] =	sbarrier.arrive $0xFFFF  }
0x11d: {  	p0 =	sne.s32 s0, $0x0;
	s0 =	rddreg [dreg:$0x1]  }
0x11e: {  	s0 =	sadd.s32 @!p0 $0x100000, s0  }
0x11f: {  	[sflag:s0] =	ssyncadd.tile.s32 @!p0 $0x1;
	_ =	shalt  }
.Lfunc_end2:
_tile_overlayer_lowered:
.L_overlay_start_2:
0x120: {  	(tag) =	ssettag $0x2  }
0x121: {  	s0 =	rddreg [dreg:$0x0];
	s2 =	stileid.u32  }
0x122: {  	s1 =	rddreg [dreg:$0x1];
	p0 =	sne.s32 s2, $0x0  }
0x123: {  	s3 =	rddreg [dreg:$0x2];
	[bflag:$0x3] =	sbarrier.arrive $0xFFFF;
	s2 =	simm.s32 @!p0 $0x1C02  }
0x124: {  	[timem:s3], [sflag:s2] =	dma.local @!p0 [hbm:s0], s1  }
0x125: {  	s0 =	simm.s32 @!p0 $0x2  }
0x126: {  	_ =	swait.ge @!p0 [sflag:s0], s1  }
0x127: {  	s1 =	ssub.s32 @!p0 $0x0, s1;
	[sflag:s0] =	ssyncset.done @!p0 $0x0  }
0x128: {  	[sflag:s0] =	ssyncadd.s32 @!p0 s1  }
0x129: {  	[bflag:$0x3] =	sbarrier.arrive $0xFFFF  }
0x12a: {  	_ =	shalt  }

</sc_bundles>
